<compile_context>
chip_gen: v7x
topology: tpu7x:2x2x1
jax: 0.10.2.dev20260603
libtpu: 0.0.44.dev20260713+nightly
codegen_flags: <defaults>
</compile_context>

<pallas_src>
import functools
import math

import jax
import jax.numpy as jnp
import numpy as np
from jax import lax
from jax.experimental import pallas as pl
from jax.experimental.pallas import tpu as pltpu
from jax.experimental.pallas import tpu_sc as plsc


def _pe_packed_words(seq_len: int, d_model: int) -> np.ndarray:
    position = np.arange(seq_len, dtype=np.float32)[:, None]
    div_term = np.exp(
        np.arange(0, d_model, 2, dtype=np.float32) * -(math.log(10000.0) / d_model)
    )
    pe = np.zeros((seq_len, d_model), dtype=np.float32)
    pe[:, 0::2] = np.sin(position * div_term)
    pe[:, 1::2] = np.cos(position * div_term)
    bits = pe.view(np.uint32)
    bf16 = ((bits + 0x7FFF + ((bits >> 16) & 1)) >> 16).astype(np.uint32)
    grouped = bf16.reshape(seq_len, d_model // 32, 2, 16)
    words = grouped[:, :, 0, :] | (grouped[:, :, 1, :] << 16)
    return words.reshape(seq_len // 2, d_model).astype(np.uint32).view(np.int32)


@functools.lru_cache(maxsize=None)
def _build(B: int, S: int, V: int, D: int):
    info = plsc.get_sparse_core_info()
    NC, NS, L = info.num_cores, info.num_subcores, info.num_lanes
    NW = NC * NS
    N = B * S
    assert N % NW == 0
    rows_per_w = N // NW
    CHUNK = 128
    n_chunks = rows_per_w // CHUNK
    assert rows_per_w % CHUNK == 0 and D % (2 * L) == 0
    assert S % rows_per_w == 0
    slabs_per_batch = S // rows_per_w
    packed_per_w = rows_per_w // 2
    packed_per_chunk = CHUNK // 2

    sqrt_d = np.float32(math.sqrt(D))
    mesh = plsc.VectorSubcoreMesh(core_axis_name="c", subcore_axis_name="s")

    @functools.partial(
        pl.kernel,
        mesh=mesh,
        out_type=jax.ShapeDtypeStruct((B, S, D), jnp.float32),
        scratch_types=[
            pltpu.VMEM((rows_per_w,), jnp.int32),
            pltpu.VMEM((rows_per_w, D), jnp.float32),
            pltpu.VMEM((packed_per_w, D), jnp.int32),
            pltpu.SemaphoreType.DMA((n_chunks,)),
            pltpu.SemaphoreType.DMA((n_chunks,)),
            pltpu.SemaphoreType.DMA((n_chunks,)),
        ],
    )
    def k(x_hbm, pe_hbm, table_hbm, out_hbm, idx_v, buf, peb, sem_pe, sem_g, sem_o):
        wid = lax.axis_index("s") * NC + lax.axis_index("c")
        b = wid // slabs_per_batch
        off = lax.rem(wid, slabs_per_batch) * rows_per_w
        pltpu.sync_copy(x_hbm.at[b, pl.ds(off, rows_per_w)], idx_v)
        g_cps = [
            pltpu.async_copy(
                table_hbm.at[idx_v.at[pl.ds(c * CHUNK, CHUNK)]],
                buf.at[pl.ds(c * CHUNK, CHUNK)],
                sem_g.at[c],
            )
            for c in range(n_chunks)
        ]
        poff = pl.multiple_of(off // 2, packed_per_w)
        pe_cps = [
            pltpu.async_copy(
                pe_hbm.at[pl.ds(poff + c * packed_per_chunk, packed_per_chunk)],
                peb.at[pl.ds(c * packed_per_chunk, packed_per_chunk)],
                sem_pe.at[c],
            )
            for c in range(n_chunks)
        ]

        hi_mask = jnp.int32(-65536)

        def run_chunk(c):
            @plsc.parallel_loop(
                c * packed_per_chunk, (c + 1) * packed_per_chunk, unroll=2
            )
            def _(pr):
                for half in range(2):
                    r = 2 * pr + half
                    for v in range(D // (2 * L)):
                        w = peb[pr, pl.ds(half * (D // 2) + v * L, L)]
                        pe_lo = lax.bitcast_convert_type(w << 16, jnp.float32)
                        pe_hi = lax.bitcast_convert_type(w & hi_mask, jnp.float32)
                        lo = pl.ds(2 * v * L, L)
                        hi = pl.ds((2 * v + 1) * L, L)
                        buf[r, lo] = buf[r, lo] * sqrt_d + pe_lo
                        buf[r, hi] = buf[r, hi] * sqrt_d + pe_hi

        o_cps = []
        for c in range(n_chunks):
            g_cps[c].wait()
            pe_cps[c].wait()
            run_chunk(c)
            o_cps.append(
                pltpu.async_copy(
                    buf.at[pl.ds(c * CHUNK, CHUNK)],
                    out_hbm.at[b, pl.ds(off + c * CHUNK, CHUNK)],
                    sem_o.at[c],
                )
            )
        for cp in o_cps:
            cp.wait()

    return k


def kernel(x, table):
    B, S = x.shape
    V, D = table.shape
    k = _build(B, S, V, D)
    pe_words = jnp.asarray(_pe_packed_words(S, D))
    return k(x.astype(jnp.int32), pe_words, table)

# --- scband reference (transcript-rebuilt; emitter-appended) ---
"""Pipeline reference for scband-transformer-embedding-31971736551669 (READ-ONLY COPY).

The authoritative reference and input builder live on the scoring server;
editing this copy changes nothing except your own understanding.
"""

import math
import jax, jax.numpy as jnp
import numpy as np

VOCAB = 1000000
D_MODEL = 128
BATCH = 4
SEQ_LEN = 4096


def _pos_embedding(seq_len, d_model):
    position = np.arange(seq_len, dtype=np.float32)[:, None]
    div_term = np.exp(np.arange(0, d_model, 2, dtype=np.float32) * -(math.log(10000.0) / d_model))
    pe = np.zeros((seq_len, d_model), dtype=np.float32)
    pe[:, 0::2] = np.sin(position * div_term)
    pe[:, 1::2] = np.cos(position * div_term)
    return jnp.asarray(pe)


def setup_inputs(seed: int = 0) -> dict:
    key = jax.random.key(seed)
    k1, k2 = jax.random.split(key)
    x = jax.random.randint(k1, (BATCH, SEQ_LEN), 0, VOCAB)
    table = jax.random.normal(k2, (VOCAB, D_MODEL), dtype=jnp.float32) * 0.02
    return {"x": x, "table": table}


def reference(x, table):
    d_model = table.shape[1]
    # TokenEmbedding: gather + scale by sqrt(d_model)
    tok_emb = jnp.take(table, x, axis=0) * math.sqrt(d_model)
    # PositionEmbedding: fixed sinusoidal, added broadcast over batch
    pe = _pos_embedding(x.shape[1], d_model)
    out = tok_emb + pe[None, :, :]
    # Dropout with p=0.0 is identity
    return out

if __name__ == "__main__":
    import jax
    _d = setup_inputs()
    print(jax.jit(kernel)(*tuple(_d.values())))

</pallas_src>

<mosaic_0001>
#map = affine_map<(d0, d1) -> (0, 0)>
#map1 = affine_map<(d0, d1) -> (0, 0, 0)>
module attributes {stable_mosaic.version = 14 : i64} {
  func.func @k(%arg0: i32, %arg1: i32, %arg2: memref<4x4096xi32, #tpu.memory_space<hbm>>, %arg3: memref<2048x128xi32, #tpu.memory_space<hbm>>, %arg4: memref<1000000x128xf32, #tpu.memory_space<hbm>>, %arg5: memref<4x4096x128xf32, #tpu.memory_space<hbm>>, %arg6: memref<512xi32, #tpu.memory_space<vmem>>, %arg7: memref<512x128xf32, #tpu.memory_space<vmem>>, %arg8: memref<256x128xi32, #tpu.memory_space<vmem>>, %arg9: memref<4x!tpu.dma_semaphore, #tpu.memory_space<semaphore_mem>>, %arg10: memref<4x!tpu.dma_semaphore, #tpu.memory_space<semaphore_mem>>, %arg11: memref<4x!tpu.dma_semaphore, #tpu.memory_space<semaphore_mem>>) attributes {dimension_semantics = [#tpu.dimension_semantics<core_parallel>, #tpu.dimension_semantics<subcore_parallel>], iteration_bounds = array<i64: 2, 16>, scalar_prefetch = 0 : i64, scratch_operands = 6 : i64, tpu.core_type = #tpu.core_type<sc_vector_subcore>, window_params = [{transform_indices = #map}, {transform_indices = #map}, {transform_indices = #map}, {transform_indices = #map1}]} {
    %mul3A = arith.constant 2 : i32
    %mul3A_0 = arith.muli %arg1, %mul3A : i32
    %add3A = arith.addi %mul3A_0, %arg0 : i32
    %jit3A = arith.constant 8 : i32
    %div3A = arith.divsi %add3A, %jit3A : i32
    %sign3A = arith.constant 0 : i32
    %sign3A_1 = arith.cmpi sgt, %add3A, %sign3A : i32
    %sign3A_2 = arith.extui %sign3A_1 : i1 to i32
    %sign3A_3 = arith.constant 0 : i32
    %sign3A_4 = arith.cmpi slt, %add3A, %sign3A_3 : i32
    %sign3A_5 = arith.extui %sign3A_4 : i1 to i32
    %sign3A_6 = arith.subi %sign3A_2, %sign3A_5 : i32
    %sign3A_7 = arith.constant 0 : i32
    %sign3A_8 = arith.cmpi sgt, %jit3A, %sign3A_7 : i32
    %sign3A_9 = arith.extui %sign3A_8 : i1 to i32
    %sign3A_10 = arith.constant 0 : i32
    %sign3A_11 = arith.cmpi slt, %jit3A, %sign3A_10 : i32
    %sign3A_12 = arith.extui %sign3A_11 : i1 to i32
    %sign3A_13 = arith.subi %sign3A_9, %sign3A_12 : i32
    %ne3A = arith.cmpi ne, %sign3A_6, %sign3A_13 : i32
    %rem3A = arith.remsi %add3A, %jit3A : i32
    %ne3A_14 = arith.constant 0 : i32
    %ne3A_15 = arith.cmpi ne, %rem3A, %ne3A_14 : i32
    %and3A = arith.andi %ne3A, %ne3A_15 : i1
    %sub3A = arith.constant 1 : i32
    %sub3A_16 = arith.subi %div3A, %sub3A : i32
    %select_n3A = arith.select %and3A, %sub3A_16, %div3A : i32
    %rem3A_17 = arith.constant 8 : i32
    %rem3A_18 = arith.remsi %add3A, %rem3A_17 : i32
    %mul3A_19 = arith.constant 512 : i32
    %mul3A_20 = arith.muli %rem3A_18, %mul3A_19 : i32
    "tpu.region"() ({
      %run_scoped3A = tpu.sem_alloc : memref<!tpu.dma_semaphore, #tpu.memory_space<semaphore_mem>>
      %dma_start3A_386 = tpu.memref_slice %arg2[%select_n3A, %mul3A_20] : memref<4x4096xi32, #tpu.memory_space<hbm>> -> memref<1x512xi32, #tpu.memory_space<hbm>>
      %dma_start3A_387 = tpu.memref_squeeze %dma_start3A_386 : memref<1x512xi32, #tpu.memory_space<hbm>> -> memref<512xi32, #tpu.memory_space<hbm>>
      %dma_start3A_388 = tpu.memref_slice %arg2[%select_n3A, %mul3A_20] : memref<4x4096xi32, #tpu.memory_space<hbm>> -> memref<1x512xi32, #tpu.memory_space<hbm>>
      %dma_start3A_389 = tpu.memref_squeeze %dma_start3A_388 : memref<1x512xi32, #tpu.memory_space<hbm>> -> memref<512xi32, #tpu.memory_space<hbm>>
      tpu.enqueue_dma source(%dma_start3A_389 : memref<512xi32, #tpu.memory_space<hbm>>) target(%arg6 : memref<512xi32, #tpu.memory_space<vmem>>) target_semaphore(%run_scoped3A : memref<!tpu.dma_semaphore, #tpu.memory_space<semaphore_mem>>)
      %dma_wait3A_390 = tpu.memref_slice %arg2[%select_n3A, %mul3A_20] : memref<4x4096xi32, #tpu.memory_space<hbm>> -> memref<1x512xi32, #tpu.memory_space<hbm>>
      %dma_wait3A_391 = tpu.memref_squeeze %dma_wait3A_390 : memref<1x512xi32, #tpu.memory_space<hbm>> -> memref<512xi32, #tpu.memory_space<hbm>>
      %dma_wait3A_392 = tpu.memref_slice %arg2[%select_n3A, %mul3A_20] : memref<4x4096xi32, #tpu.memory_space<hbm>> -> memref<1x512xi32, #tpu.memory_space<hbm>>
      %dma_wait3A_393 = tpu.memref_squeeze %dma_wait3A_392 : memref<1x512xi32, #tpu.memory_space<hbm>> -> memref<512xi32, #tpu.memory_space<hbm>>
      tpu.wait_dma2 semaphore(%run_scoped3A : memref<!tpu.dma_semaphore, #tpu.memory_space<semaphore_mem>>) src(%dma_wait3A_393 : memref<512xi32, #tpu.memory_space<hbm>>) dst(%arg6 : memref<512xi32, #tpu.memory_space<vmem>>)
      tpu.yield
    }) : () -> ()
    %dma_start3A = arith.constant 0 : i32
    %dma_start3A_21 = arith.constant 0 : i32
    %dma_start3A_22 = arith.constant 0 : i32
    %dma_start3A_23 = tpu.memref_slice %arg7[%dma_start3A_21, %dma_start3A_22] : memref<512x128xf32, #tpu.memory_space<vmem>> -> memref<128x128xf32, #tpu.memory_space<vmem>>
    %dma_start3A_24 = arith.constant 0 : i32
    %dma_start3A_25 = tpu.memref_slice %arg6[%dma_start3A_24] : memref<512xi32, #tpu.memory_space<vmem>> -> memref<128xi32, #tpu.memory_space<vmem>>
    %dma_start3A_26 = arith.constant 0 : i32
    %dma_start3A_27 = arith.constant 0 : i32
    %dma_start3A_28 = tpu.memref_slice %arg4[%dma_start3A_26, %dma_start3A_27] : memref<1000000x128xf32, #tpu.memory_space<hbm>> -> memref<1000000x128xf32, #tpu.memory_space<hbm>>
    %dma_start3A_29 = tpu.memref_slice %arg10[%dma_start3A] : memref<4x!tpu.dma_semaphore, #tpu.memory_space<semaphore_mem>> -> memref<1x!tpu.dma_semaphore, #tpu.memory_space<semaphore_mem>>
    %dma_start3A_30 = tpu.memref_squeeze %dma_start3A_29 : memref<1x!tpu.dma_semaphore, #tpu.memory_space<semaphore_mem>> -> memref<!tpu.dma_semaphore, #tpu.memory_space<semaphore_mem>>
    tpu.enqueue_indirect_dma source(%dma_start3A_28 : memref<1000000x128xf32, #tpu.memory_space<hbm>>) target(%dma_start3A_23 : memref<128x128xf32, #tpu.memory_space<vmem>>) offsets(%dma_start3A_25 : memref<128xi32, #tpu.memory_space<vmem>>) semaphore(%dma_start3A_30 : memref<!tpu.dma_semaphore, #tpu.memory_space<semaphore_mem>>)
    %dma_start3A_31 = arith.constant 1 : i32
    %dma_start3A_32 = arith.constant 128 : i32
    %dma_start3A_33 = arith.constant 0 : i32
    %dma_start3A_34 = tpu.memref_slice %arg7[%dma_start3A_32, %dma_start3A_33] : memref<512x128xf32, #tpu.memory_space<vmem>> -> memref<128x128xf32, #tpu.memory_space<vmem>>
    %dma_start3A_35 = arith.constant 128 : i32
    %dma_start3A_36 = tpu.memref_slice %arg6[%dma_start3A_35] : memref<512xi32, #tpu.memory_space<vmem>> -> memref<128xi32, #tpu.memory_space<vmem>>
    %dma_start3A_37 = arith.constant 0 : i32
    %dma_start3A_38 = arith.constant 0 : i32
    %dma_start3A_39 = tpu.memref_slice %arg4[%dma_start3A_37, %dma_start3A_38] : memref<1000000x128xf32, #tpu.memory_space<hbm>> -> memref<1000000x128xf32, #tpu.memory_space<hbm>>
    %dma_start3A_40 = tpu.memref_slice %arg10[%dma_start3A_31] : memref<4x!tpu.dma_semaphore, #tpu.memory_space<semaphore_mem>> -> memref<1x!tpu.dma_semaphore, #tpu.memory_space<semaphore_mem>>
    %dma_start3A_41 = tpu.memref_squeeze %dma_start3A_40 : memref<1x!tpu.dma_semaphore, #tpu.memory_space<semaphore_mem>> -> memref<!tpu.dma_semaphore, #tpu.memory_space<semaphore_mem>>
    tpu.enqueue_indirect_dma source(%dma_start3A_39 : memref<1000000x128xf32, #tpu.memory_space<hbm>>) target(%dma_start3A_34 : memref<128x128xf32, #tpu.memory_space<vmem>>) offsets(%dma_start3A_36 : memref<128xi32, #tpu.memory_space<vmem>>) semaphore(%dma_start3A_41 : memref<!tpu.dma_semaphore, #tpu.memory_space<semaphore_mem>>)
    %dma_start3A_42 = arith.constant 2 : i32
    %dma_start3A_43 = arith.constant 256 : i32
    %dma_start3A_44 = arith.constant 0 : i32
    %dma_start3A_45 = tpu.memref_slice %arg7[%dma_start3A_43, %dma_start3A_44] : memref<512x128xf32, #tpu.memory_space<vmem>> -> memref<128x128xf32, #tpu.memory_space<vmem>>
    %dma_start3A_46 = arith.constant 256 : i32
    %dma_start3A_47 = tpu.memref_slice %arg6[%dma_start3A_46] : memref<512xi32, #tpu.memory_space<vmem>> -> memref<128xi32, #tpu.memory_space<vmem>>
    %dma_start3A_48 = arith.constant 0 : i32
    %dma_start3A_49 = arith.constant 0 : i32
    %dma_start3A_50 = tpu.memref_slice %arg4[%dma_start3A_48, %dma_start3A_49] : memref<1000000x128xf32, #tpu.memory_space<hbm>> -> memref<1000000x128xf32, #tpu.memory_space<hbm>>
    %dma_start3A_51 = tpu.memref_slice %arg10[%dma_start3A_42] : memref<4x!tpu.dma_semaphore, #tpu.memory_space<semaphore_mem>> -> memref<1x!tpu.dma_semaphore, #tpu.memory_space<semaphore_mem>>
    %dma_start3A_52 = tpu.memref_squeeze %dma_start3A_51 : memref<1x!tpu.dma_semaphore, #tpu.memory_space<semaphore_mem>> -> memref<!tpu.dma_semaphore, #tpu.memory_space<semaphore_mem>>
    tpu.enqueue_indirect_dma source(%dma_start3A_50 : memref<1000000x128xf32, #tpu.memory_space<hbm>>) target(%dma_start3A_45 : memref<128x128xf32, #tpu.memory_space<vmem>>) offsets(%dma_start3A_47 : memref<128xi32, #tpu.memory_space<vmem>>) semaphore(%dma_start3A_52 : memref<!tpu.dma_semaphore, #tpu.memory_space<semaphore_mem>>)
    %dma_start3A_53 = arith.constant 3 : i32
    %dma_start3A_54 = arith.constant 384 : i32
    %dma_start3A_55 = arith.constant 0 : i32
    %dma_start3A_56 = tpu.memref_slice %arg7[%dma_start3A_54, %dma_start3A_55] : memref<512x128xf32, #tpu.memory_space<vmem>> -> memref<128x128xf32, #tpu.memory_space<vmem>>
    %dma_start3A_57 = arith.constant 384 : i32
    %dma_start3A_58 = tpu.memref_slice %arg6[%dma_start3A_57] : memref<512xi32, #tpu.memory_space<vmem>> -> memref<128xi32, #tpu.memory_space<vmem>>
    %dma_start3A_59 = arith.constant 0 : i32
    %dma_start3A_60 = arith.constant 0 : i32
    %dma_start3A_61 = tpu.memref_slice %arg4[%dma_start3A_59, %dma_start3A_60] : memref<1000000x128xf32, #tpu.memory_space<hbm>> -> memref<1000000x128xf32, #tpu.memory_space<hbm>>
    %dma_start3A_62 = tpu.memref_slice %arg10[%dma_start3A_53] : memref<4x!tpu.dma_semaphore, #tpu.memory_space<semaphore_mem>> -> memref<1x!tpu.dma_semaphore, #tpu.memory_space<semaphore_mem>>
    %dma_start3A_63 = tpu.memref_squeeze %dma_start3A_62 : memref<1x!tpu.dma_semaphore, #tpu.memory_space<semaphore_mem>> -> memref<!tpu.dma_semaphore, #tpu.memory_space<semaphore_mem>>
    tpu.enqueue_indirect_dma source(%dma_start3A_61 : memref<1000000x128xf32, #tpu.memory_space<hbm>>) target(%dma_start3A_56 : memref<128x128xf32, #tpu.memory_space<vmem>>) offsets(%dma_start3A_58 : memref<128xi32, #tpu.memory_space<vmem>>) semaphore(%dma_start3A_63 : memref<!tpu.dma_semaphore, #tpu.memory_space<semaphore_mem>>)
    %jit3A_64 = arith.constant 2 : i32
    %div3A_65 = arith.divsi %mul3A_20, %jit3A_64 : i32
    %sign3A_66 = arith.constant 0 : i32
    %sign3A_67 = arith.cmpi sgt, %mul3A_20, %sign3A_66 : i32
    %sign3A_68 = arith.extui %sign3A_67 : i1 to i32
    %sign3A_69 = arith.constant 0 : i32
    %sign3A_70 = arith.cmpi slt, %mul3A_20, %sign3A_69 : i32
    %sign3A_71 = arith.extui %sign3A_70 : i1 to i32
    %sign3A_72 = arith.subi %sign3A_68, %sign3A_71 : i32
    %sign3A_73 = arith.constant 0 : i32
    %sign3A_74 = arith.cmpi sgt, %jit3A_64, %sign3A_73 : i32
    %sign3A_75 = arith.extui %sign3A_74 : i1 to i32
    %sign3A_76 = arith.constant 0 : i32
    %sign3A_77 = arith.cmpi slt, %jit3A_64, %sign3A_76 : i32
    %sign3A_78 = arith.extui %sign3A_77 : i1 to i32
    %sign3A_79 = arith.subi %sign3A_75, %sign3A_78 : i32
    %ne3A_80 = arith.cmpi ne, %sign3A_72, %sign3A_79 : i32
    %rem3A_81 = arith.remsi %mul3A_20, %jit3A_64 : i32
    %ne3A_82 = arith.constant 0 : i32
    %ne3A_83 = arith.cmpi ne, %rem3A_81, %ne3A_82 : i32
    %and3A_84 = arith.andi %ne3A_80, %ne3A_83 : i1
    %sub3A_85 = arith.constant 1 : i32
    %sub3A_86 = arith.subi %div3A_65, %sub3A_85 : i32
    %select_n3A_87 = arith.select %and3A_84, %sub3A_86, %div3A_65 : i32
    %multiple_of3A = tpu.assume_multiple %select_n3A_87, 256 : i32
    %add3A_88 = arith.constant 0 : i32
    %add3A_89 = arith.addi %multiple_of3A, %add3A_88 : i32
    %dma_start3A_90 = arith.constant 0 : i32
    %dma_start3A_91 = arith.constant 0 : i32
    %dma_start3A_92 = arith.constant 0 : i32
    %dma_start3A_93 = tpu.memref_slice %arg8[%dma_start3A_91, %dma_start3A_92] : memref<256x128xi32, #tpu.memory_space<vmem>> -> memref<64x128xi32, #tpu.memory_space<vmem>>
    %dma_start3A_94 = arith.constant 0 : i32
    %dma_start3A_95 = tpu.memref_slice %arg3[%add3A_89, %dma_start3A_94] : memref<2048x128xi32, #tpu.memory_space<hbm>> -> memref<64x128xi32, #tpu.memory_space<hbm>>
    %dma_start3A_96 = tpu.memref_slice %arg9[%dma_start3A_90] : memref<4x!tpu.dma_semaphore, #tpu.memory_space<semaphore_mem>> -> memref<1x!tpu.dma_semaphore, #tpu.memory_space<semaphore_mem>>
    %dma_start3A_97 = tpu.memref_squeeze %dma_start3A_96 : memref<1x!tpu.dma_semaphore, #tpu.memory_space<semaphore_mem>> -> memref<!tpu.dma_semaphore, #tpu.memory_space<semaphore_mem>>
    %dma_start3A_98 = arith.constant 0 : i32
    %dma_start3A_99 = arith.constant 0 : i32
    %dma_start3A_100 = tpu.memref_slice %arg8[%dma_start3A_98, %dma_start3A_99] : memref<256x128xi32, #tpu.memory_space<vmem>> -> memref<64x128xi32, #tpu.memory_space<vmem>>
    %dma_start3A_101 = arith.constant 0 : i32
    %dma_start3A_102 = tpu.memref_slice %arg3[%add3A_89, %dma_start3A_101] : memref<2048x128xi32, #tpu.memory_space<hbm>> -> memref<64x128xi32, #tpu.memory_space<hbm>>
    tpu.enqueue_dma source(%dma_start3A_102 : memref<64x128xi32, #tpu.memory_space<hbm>>) target(%dma_start3A_100 : memref<64x128xi32, #tpu.memory_space<vmem>>) target_semaphore(%dma_start3A_97 : memref<!tpu.dma_semaphore, #tpu.memory_space<semaphore_mem>>)
    %add3A_103 = arith.constant 64 : i32
    %add3A_104 = arith.addi %multiple_of3A, %add3A_103 : i32
    %dma_start3A_105 = arith.constant 1 : i32
    %dma_start3A_106 = arith.constant 64 : i32
    %dma_start3A_107 = arith.constant 0 : i32
    %dma_start3A_108 = tpu.memref_slice %arg8[%dma_start3A_106, %dma_start3A_107] : memref<256x128xi32, #tpu.memory_space<vmem>> -> memref<64x128xi32, #tpu.memory_space<vmem>>
    %dma_start3A_109 = arith.constant 0 : i32
    %dma_start3A_110 = tpu.memref_slice %arg3[%add3A_104, %dma_start3A_109] : memref<2048x128xi32, #tpu.memory_space<hbm>> -> memref<64x128xi32, #tpu.memory_space<hbm>>
    %dma_start3A_111 = tpu.memref_slice %arg9[%dma_start3A_105] : memref<4x!tpu.dma_semaphore, #tpu.memory_space<semaphore_mem>> -> memref<1x!tpu.dma_semaphore, #tpu.memory_space<semaphore_mem>>
    %dma_start3A_112 = tpu.memref_squeeze %dma_start3A_111 : memref<1x!tpu.dma_semaphore, #tpu.memory_space<semaphore_mem>> -> memref<!tpu.dma_semaphore, #tpu.memory_space<semaphore_mem>>
    %dma_start3A_113 = arith.constant 64 : i32
    %dma_start3A_114 = arith.constant 0 : i32
    %dma_start3A_115 = tpu.memref_slice %arg8[%dma_start3A_113, %dma_start3A_114] : memref<256x128xi32, #tpu.memory_space<vmem>> -> memref<64x128xi32, #tpu.memory_space<vmem>>
    %dma_start3A_116 = arith.constant 0 : i32
    %dma_start3A_117 = tpu.memref_slice %arg3[%add3A_104, %dma_start3A_116] : memref<2048x128xi32, #tpu.memory_space<hbm>> -> memref<64x128xi32, #tpu.memory_space<hbm>>
    tpu.enqueue_dma source(%dma_start3A_117 : memref<64x128xi32, #tpu.memory_space<hbm>>) target(%dma_start3A_115 : memref<64x128xi32, #tpu.memory_space<vmem>>) target_semaphore(%dma_start3A_112 : memref<!tpu.dma_semaphore, #tpu.memory_space<semaphore_mem>>)
    %add3A_118 = arith.constant 128 : i32
    %add3A_119 = arith.addi %multiple_of3A, %add3A_118 : i32
    %dma_start3A_120 = arith.constant 2 : i32
    %dma_start3A_121 = arith.constant 128 : i32
    %dma_start3A_122 = arith.constant 0 : i32
    %dma_start3A_123 = tpu.memref_slice %arg8[%dma_start3A_121, %dma_start3A_122] : memref<256x128xi32, #tpu.memory_space<vmem>> -> memref<64x128xi32, #tpu.memory_space<vmem>>
    %dma_start3A_124 = arith.constant 0 : i32
    %dma_start3A_125 = tpu.memref_slice %arg3[%add3A_119, %dma_start3A_124] : memref<2048x128xi32, #tpu.memory_space<hbm>> -> memref<64x128xi32, #tpu.memory_space<hbm>>
    %dma_start3A_126 = tpu.memref_slice %arg9[%dma_start3A_120] : memref<4x!tpu.dma_semaphore, #tpu.memory_space<semaphore_mem>> -> memref<1x!tpu.dma_semaphore, #tpu.memory_space<semaphore_mem>>
    %dma_start3A_127 = tpu.memref_squeeze %dma_start3A_126 : memref<1x!tpu.dma_semaphore, #tpu.memory_space<semaphore_mem>> -> memref<!tpu.dma_semaphore, #tpu.memory_space<semaphore_mem>>
    %dma_start3A_128 = arith.constant 128 : i32
    %dma_start3A_129 = arith.constant 0 : i32
    %dma_start3A_130 = tpu.memref_slice %arg8[%dma_start3A_128, %dma_start3A_129] : memref<256x128xi32, #tpu.memory_space<vmem>> -> memref<64x128xi32, #tpu.memory_space<vmem>>
    %dma_start3A_131 = arith.constant 0 : i32
    %dma_start3A_132 = tpu.memref_slice %arg3[%add3A_119, %dma_start3A_131] : memref<2048x128xi32, #tpu.memory_space<hbm>> -> memref<64x128xi32, #tpu.memory_space<hbm>>
    tpu.enqueue_dma source(%dma_start3A_132 : memref<64x128xi32, #tpu.memory_space<hbm>>) target(%dma_start3A_130 : memref<64x128xi32, #tpu.memory_space<vmem>>) target_semaphore(%dma_start3A_127 : memref<!tpu.dma_semaphore, #tpu.memory_space<semaphore_mem>>)
    %add3A_133 = arith.constant 192 : i32
    %add3A_134 = arith.addi %multiple_of3A, %add3A_133 : i32
    %dma_start3A_135 = arith.constant 3 : i32
    %dma_start3A_136 = arith.constant 192 : i32
    %dma_start3A_137 = arith.constant 0 : i32
    %dma_start3A_138 = tpu.memref_slice %arg8[%dma_start3A_136, %dma_start3A_137] : memref<256x128xi32, #tpu.memory_space<vmem>> -> memref<64x128xi32, #tpu.memory_space<vmem>>
    %dma_start3A_139 = arith.constant 0 : i32
    %dma_start3A_140 = tpu.memref_slice %arg3[%add3A_134, %dma_start3A_139] : memref<2048x128xi32, #tpu.memory_space<hbm>> -> memref<64x128xi32, #tpu.memory_space<hbm>>
    %dma_start3A_141 = tpu.memref_slice %arg9[%dma_start3A_135] : memref<4x!tpu.dma_semaphore, #tpu.memory_space<semaphore_mem>> -> memref<1x!tpu.dma_semaphore, #tpu.memory_space<semaphore_mem>>
    %dma_start3A_142 = tpu.memref_squeeze %dma_start3A_141 : memref<1x!tpu.dma_semaphore, #tpu.memory_space<semaphore_mem>> -> memref<!tpu.dma_semaphore, #tpu.memory_space<semaphore_mem>>
    %dma_start3A_143 = arith.constant 192 : i32
    %dma_start3A_144 = arith.constant 0 : i32
    %dma_start3A_145 = tpu.memref_slice %arg8[%dma_start3A_143, %dma_start3A_144] : memref<256x128xi32, #tpu.memory_space<vmem>> -> memref<64x128xi32, #tpu.memory_space<vmem>>
    %dma_start3A_146 = arith.constant 0 : i32
    %dma_start3A_147 = tpu.memref_slice %arg3[%add3A_134, %dma_start3A_146] : memref<2048x128xi32, #tpu.memory_space<hbm>> -> memref<64x128xi32, #tpu.memory_space<hbm>>
    tpu.enqueue_dma source(%dma_start3A_147 : memref<64x128xi32, #tpu.memory_space<hbm>>) target(%dma_start3A_145 : memref<64x128xi32, #tpu.memory_space<vmem>>) target_semaphore(%dma_start3A_142 : memref<!tpu.dma_semaphore, #tpu.memory_space<semaphore_mem>>)
    %dma_wait3A = arith.constant 0 : i32
    %dma_wait3A_148 = arith.constant 0 : i32
    %dma_wait3A_149 = arith.constant 0 : i32
    %dma_wait3A_150 = tpu.memref_slice %arg7[%dma_wait3A_148, %dma_wait3A_149] : memref<512x128xf32, #tpu.memory_space<vmem>> -> memref<128x128xf32, #tpu.memory_space<vmem>>
    %dma_wait3A_151 = arith.constant 0 : i32
    %dma_wait3A_152 = tpu.memref_slice %arg6[%dma_wait3A_151] : memref<512xi32, #tpu.memory_space<vmem>> -> memref<128xi32, #tpu.memory_space<vmem>>
    %dma_wait3A_153 = arith.constant 0 : i32
    %dma_wait3A_154 = arith.constant 0 : i32
    %dma_wait3A_155 = tpu.memref_slice %arg4[%dma_wait3A_153, %dma_wait3A_154] : memref<1000000x128xf32, #tpu.memory_space<hbm>> -> memref<1000000x128xf32, #tpu.memory_space<hbm>>
    %dma_wait3A_156 = tpu.memref_slice %arg10[%dma_wait3A] : memref<4x!tpu.dma_semaphore, #tpu.memory_space<semaphore_mem>> -> memref<1x!tpu.dma_semaphore, #tpu.memory_space<semaphore_mem>>
    %dma_wait3A_157 = tpu.memref_squeeze %dma_wait3A_156 : memref<1x!tpu.dma_semaphore, #tpu.memory_space<semaphore_mem>> -> memref<!tpu.dma_semaphore, #tpu.memory_space<semaphore_mem>>
    tpu.wait_indirect_dma semaphore(%dma_wait3A_157 : memref<!tpu.dma_semaphore, #tpu.memory_space<semaphore_mem>>) src(%dma_wait3A_155 : memref<1000000x128xf32, #tpu.memory_space<hbm>>) dst(%dma_wait3A_150 : memref<128x128xf32, #tpu.memory_space<vmem>>)
    %dma_wait3A_158 = arith.constant 0 : i32
    %dma_wait3A_159 = arith.constant 0 : i32
    %dma_wait3A_160 = arith.constant 0 : i32
    %dma_wait3A_161 = tpu.memref_slice %arg8[%dma_wait3A_159, %dma_wait3A_160] : memref<256x128xi32, #tpu.memory_space<vmem>> -> memref<64x128xi32, #tpu.memory_space<vmem>>
    %dma_wait3A_162 = arith.constant 0 : i32
    %dma_wait3A_163 = tpu.memref_slice %arg3[%add3A_89, %dma_wait3A_162] : memref<2048x128xi32, #tpu.memory_space<hbm>> -> memref<64x128xi32, #tpu.memory_space<hbm>>
    %dma_wait3A_164 = tpu.memref_slice %arg9[%dma_wait3A_158] : memref<4x!tpu.dma_semaphore, #tpu.memory_space<semaphore_mem>> -> memref<1x!tpu.dma_semaphore, #tpu.memory_space<semaphore_mem>>
    %dma_wait3A_165 = tpu.memref_squeeze %dma_wait3A_164 : memref<1x!tpu.dma_semaphore, #tpu.memory_space<semaphore_mem>> -> memref<!tpu.dma_semaphore, #tpu.memory_space<semaphore_mem>>
    %dma_wait3A_166 = arith.constant 0 : i32
    %dma_wait3A_167 = arith.constant 0 : i32
    %dma_wait3A_168 = tpu.memref_slice %arg8[%dma_wait3A_166, %dma_wait3A_167] : memref<256x128xi32, #tpu.memory_space<vmem>> -> memref<64x128xi32, #tpu.memory_space<vmem>>
    %dma_wait3A_169 = arith.constant 0 : i32
    %dma_wait3A_170 = tpu.memref_slice %arg3[%add3A_89, %dma_wait3A_169] : memref<2048x128xi32, #tpu.memory_space<hbm>> -> memref<64x128xi32, #tpu.memory_space<hbm>>
    tpu.wait_dma2 semaphore(%dma_wait3A_165 : memref<!tpu.dma_semaphore, #tpu.memory_space<semaphore_mem>>) src(%dma_wait3A_170 : memref<64x128xi32, #tpu.memory_space<hbm>>) dst(%dma_wait3A_168 : memref<64x128xi32, #tpu.memory_space<vmem>>)
    %parallel_loop3A = arith.constant 0 : i32
    %parallel_loop3A_171 = arith.constant 64 : i32
    %parallel_loop3A_172 = arith.constant 1 : i32
    %parallel_loop3A_173 = arith.constant -65536 : i32
    scf.for %parallel_loop3A_386 = %parallel_loop3A to %parallel_loop3A_171 step %parallel_loop3A_172  : i32 {
      %parallel_loop3A_387 = arith.constant 2 : i32
      %parallel_loop3A_388 = arith.muli %parallel_loop3A_387, %parallel_loop3A_386 : i32
      %parallel_loop3A_389 = arith.constant 0 : i32
      %parallel_loop3A_390 = arith.addi %parallel_loop3A_388, %parallel_loop3A_389 : i32
      %parallel_loop3A_391 = arith.index_cast %parallel_loop3A_386 : i32 to index
      %parallel_loop3A_392 = arith.constant 0 : index
      %parallel_loop3A_393 = tpu.vector_load %arg8[%parallel_loop3A_391, %parallel_loop3A_392] {strides = array<i32>} : memref<256x128xi32, #tpu.memory_space<vmem>>, vector<1x16xi32>,
      %parallel_loop3A_394 = vector.shape_cast %parallel_loop3A_393 : vector<1x16xi32> to vector<16xi32>
      %parallel_loop3A_395 = arith.constant 16 : i32
      %parallel_loop3A_396 = vector.broadcast %parallel_loop3A_395 : i32 to vector<16xi32>
      %parallel_loop3A_397 = arith.shli %parallel_loop3A_394, %parallel_loop3A_396 : vector<16xi32>
      %parallel_loop3A_398 = tpu.bitcast %parallel_loop3A_397 : vector<16xi32> -> vector<16xf32>
      %parallel_loop3A_399 = vector.broadcast %parallel_loop3A_173 : i32 to vector<16xi32>
      %parallel_loop3A_400 = arith.andi %parallel_loop3A_394, %parallel_loop3A_399 : vector<16xi32>
      %parallel_loop3A_401 = tpu.bitcast %parallel_loop3A_400 : vector<16xi32> -> vector<16xf32>
      %parallel_loop3A_402 = arith.index_cast %parallel_loop3A_390 : i32 to index
      %parallel_loop3A_403 = arith.constant 0 : index
      %parallel_loop3A_404 = tpu.vector_load %arg7[%parallel_loop3A_402, %parallel_loop3A_403] {strides = array<i32>} : memref<512x128xf32, #tpu.memory_space<vmem>>, vector<1x16xf32>,
      %parallel_loop3A_405 = vector.shape_cast %parallel_loop3A_404 : vector<1x16xf32> to vector<16xf32>
      %parallel_loop3A_406 = arith.constant 11.3137083 : f32
      %parallel_loop3A_407 = vector.broadcast %parallel_loop3A_406 : f32 to vector<16xf32>
      %parallel_loop3A_408 = arith.mulf %parallel_loop3A_405, %parallel_loop3A_407 : vector<16xf32>
      %parallel_loop3A_409 = arith.addf %parallel_loop3A_408, %parallel_loop3A_398 : vector<16xf32>
      %parallel_loop3A_410 = arith.index_cast %parallel_loop3A_390 : i32 to index
      %parallel_loop3A_411 = arith.constant 0 : index
      %parallel_loop3A_412 = tpu.vector_load %arg7[%parallel_loop3A_410, %parallel_loop3A_411] {strides = array<i32>} : memref<512x128xf32, #tpu.memory_space<vmem>>, vector<1x16xf32>,
      %parallel_loop3A_413 = vector.shape_cast %parallel_loop3A_412 : vector<1x16xf32> to vector<16xf32>
      %parallel_loop3A_414 = vector.shape_cast %parallel_loop3A_409 : vector<16xf32> to vector<1x16xf32>
      tpu.vector_store %arg7[%parallel_loop3A_410, %parallel_loop3A_411], %parallel_loop3A_414 {strides = array<i32>} : memref<512x128xf32, #tpu.memory_space<vmem>>, vector<1x16xf32>,
      %parallel_loop3A_415 = arith.index_cast %parallel_loop3A_390 : i32 to index
      %parallel_loop3A_416 = arith.constant 16 : index
      %parallel_loop3A_417 = tpu.vector_load %arg7[%parallel_loop3A_415, %parallel_loop3A_416] {strides = array<i32>} : memref<512x128xf32, #tpu.memory_space<vmem>>, vector<1x16xf32>,
      %parallel_loop3A_418 = vector.shape_cast %parallel_loop3A_417 : vector<1x16xf32> to vector<16xf32>
      %parallel_loop3A_419 = arith.constant 11.3137083 : f32
      %parallel_loop3A_420 = vector.broadcast %parallel_loop3A_419 : f32 to vector<16xf32>
      %parallel_loop3A_421 = arith.mulf %parallel_loop3A_418, %parallel_loop3A_420 : vector<16xf32>
      %parallel_loop3A_422 = arith.addf %parallel_loop3A_421, %parallel_loop3A_401 : vector<16xf32>
      %parallel_loop3A_423 = arith.index_cast %parallel_loop3A_390 : i32 to index
      %parallel_loop3A_424 = arith.constant 16 : index
      %parallel_loop3A_425 = tpu.vector_load %arg7[%parallel_loop3A_423, %parallel_loop3A_424] {strides = array<i32>} : memref<512x128xf32, #tpu.memory_space<vmem>>, vector<1x16xf32>,
      %parallel_loop3A_426 = vector.shape_cast %parallel_loop3A_425 : vector<1x16xf32> to vector<16xf32>
      %parallel_loop3A_427 = vector.shape_cast %parallel_loop3A_422 : vector<16xf32> to vector<1x16xf32>
      tpu.vector_store %arg7[%parallel_loop3A_423, %parallel_loop3A_424], %parallel_loop3A_427 {strides = array<i32>} : memref<512x128xf32, #tpu.memory_space<vmem>>, vector<1x16xf32>,
      %parallel_loop3A_428 = arith.index_cast %parallel_loop3A_386 : i32 to index
      %parallel_loop3A_429 = arith.constant 16 : index
      %parallel_loop3A_430 = tpu.vector_load %arg8[%parallel_loop3A_428, %parallel_loop3A_429] {strides = array<i32>} : memref<256x128xi32, #tpu.memory_space<vmem>>, vector<1x16xi32>,
      %parallel_loop3A_431 = vector.shape_cast %parallel_loop3A_430 : vector<1x16xi32> to vector<16xi32>
      %parallel_loop3A_432 = arith.constant 16 : i32
      %parallel_loop3A_433 = vector.broadcast %parallel_loop3A_432 : i32 to vector<16xi32>
      %parallel_loop3A_434 = arith.shli %parallel_loop3A_431, %parallel_loop3A_433 : vector<16xi32>
      %parallel_loop3A_435 = tpu.bitcast %parallel_loop3A_434 : vector<16xi32> -> vector<16xf32>
      %parallel_loop3A_436 = vector.broadcast %parallel_loop3A_173 : i32 to vector<16xi32>
      %parallel_loop3A_437 = arith.andi %parallel_loop3A_431, %parallel_loop3A_436 : vector<16xi32>
      %parallel_loop3A_438 = tpu.bitcast %parallel_loop3A_437 : vector<16xi32> -> vector<16xf32>
      %parallel_loop3A_439 = arith.index_cast %parallel_loop3A_390 : i32 to index
      %parallel_loop3A_440 = arith.constant 32 : index
      %parallel_loop3A_441 = tpu.vector_load %arg7[%parallel_loop3A_439, %parallel_loop3A_440] {strides = array<i32>} : memref<512x128xf32, #tpu.memory_space<vmem>>, vector<1x16xf32>,
      %parallel_loop3A_442 = vector.shape_cast %parallel_loop3A_441 : vector<1x16xf32> to vector<16xf32>
      %parallel_loop3A_443 = arith.constant 11.3137083 : f32
      %parallel_loop3A_444 = vector.broadcast %parallel_loop3A_443 : f32 to vector<16xf32>
      %parallel_loop3A_445 = arith.mulf %parallel_loop3A_442, %parallel_loop3A_444 : vector<16xf32>
      %parallel_loop3A_446 = arith.addf %parallel_loop3A_445, %parallel_loop3A_435 : vector<16xf32>
      %parallel_loop3A_447 = arith.index_cast %parallel_loop3A_390 : i32 to index
      %parallel_loop3A_448 = arith.constant 32 : index
      %parallel_loop3A_449 = tpu.vector_load %arg7[%parallel_loop3A_447, %parallel_loop3A_448] {strides = array<i32>} : memref<512x128xf32, #tpu.memory_space<vmem>>, vector<1x16xf32>,
      %parallel_loop3A_450 = vector.shape_cast %parallel_loop3A_449 : vector<1x16xf32> to vector<16xf32>
      %parallel_loop3A_451 = vector.shape_cast %parallel_loop3A_446 : vector<16xf32> to vector<1x16xf32>
      tpu.vector_store %arg7[%parallel_loop3A_447, %parallel_loop3A_448], %parallel_loop3A_451 {strides = array<i32>} : memref<512x128xf32, #tpu.memory_space<vmem>>, vector<1x16xf32>,
      %parallel_loop3A_452 = arith.index_cast %parallel_loop3A_390 : i32 to index
      %parallel_loop3A_453 = arith.constant 48 : index
      %parallel_loop3A_454 = tpu.vector_load %arg7[%parallel_loop3A_452, %parallel_loop3A_453] {strides = array<i32>} : memref<512x128xf32, #tpu.memory_space<vmem>>, vector<1x16xf32>,
      %parallel_loop3A_455 = vector.shape_cast %parallel_loop3A_454 : vector<1x16xf32> to vector<16xf32>
      %parallel_loop3A_456 = arith.constant 11.3137083 : f32
      %parallel_loop3A_457 = vector.broadcast %parallel_loop3A_456 : f32 to vector<16xf32>
      %parallel_loop3A_458 = arith.mulf %parallel_loop3A_455, %parallel_loop3A_457 : vector<16xf32>
      %parallel_loop3A_459 = arith.addf %parallel_loop3A_458, %parallel_loop3A_438 : vector<16xf32>
      %parallel_loop3A_460 = arith.index_cast %parallel_loop3A_390 : i32 to index
      %parallel_loop3A_461 = arith.constant 48 : index
      %parallel_loop3A_462 = tpu.vector_load %arg7[%parallel_loop3A_460, %parallel_loop3A_461] {strides = array<i32>} : memref<512x128xf32, #tpu.memory_space<vmem>>, vector<1x16xf32>,
      %parallel_loop3A_463 = vector.shape_cast %parallel_loop3A_462 : vector<1x16xf32> to vector<16xf32>
      %parallel_loop3A_464 = vector.shape_cast %parallel_loop3A_459 : vector<16xf32> to vector<1x16xf32>
      tpu.vector_store %arg7[%parallel_loop3A_460, %parallel_loop3A_461], %parallel_loop3A_464 {strides = array<i32>} : memref<512x128xf32, #tpu.memory_space<vmem>>, vector<1x16xf32>,
      %parallel_loop3A_465 = arith.index_cast %parallel_loop3A_386 : i32 to index
      %parallel_loop3A_466 = arith.constant 32 : index
      %parallel_loop3A_467 = tpu.vector_load %arg8[%parallel_loop3A_465, %parallel_loop3A_466] {strides = array<i32>} : memref<256x128xi32, #tpu.memory_space<vmem>>, vector<1x16xi32>,
      %parallel_loop3A_468 = vector.shape_cast %parallel_loop3A_467 : vector<1x16xi32> to vector<16xi32>
      %parallel_loop3A_469 = arith.constant 16 : i32
      %parallel_loop3A_470 = vector.broadcast %parallel_loop3A_469 : i32 to vector<16xi32>
      %parallel_loop3A_471 = arith.shli %parallel_loop3A_468, %parallel_loop3A_470 : vector<16xi32>
      %parallel_loop3A_472 = tpu.bitcast %parallel_loop3A_471 : vector<16xi32> -> vector<16xf32>
      %parallel_loop3A_473 = vector.broadcast %parallel_loop3A_173 : i32 to vector<16xi32>
      %parallel_loop3A_474 = arith.andi %parallel_loop3A_468, %parallel_loop3A_473 : vector<16xi32>
      %parallel_loop3A_475 = tpu.bitcast %parallel_loop3A_474 : vector<16xi32> -> vector<16xf32>
      %parallel_loop3A_476 = arith.index_cast %parallel_loop3A_390 : i32 to index
      %parallel_loop3A_477 = arith.constant 64 : index
      %parallel_loop3A_478 = tpu.vector_load %arg7[%parallel_loop3A_476, %parallel_loop3A_477] {strides = array<i32>} : memref<512x128xf32, #tpu.memory_space<vmem>>, vector<1x16xf32>,
      %parallel_loop3A_479 = vector.shape_cast %parallel_loop3A_478 : vector<1x16xf32> to vector<16xf32>
      %parallel_loop3A_480 = arith.constant 11.3137083 : f32
      %parallel_loop3A_481 = vector.broadcast %parallel_loop3A_480 : f32 to vector<16xf32>
      %parallel_loop3A_482 = arith.mulf %parallel_loop3A_479, %parallel_loop3A_481 : vector<16xf32>
      %parallel_loop3A_483 = arith.addf %parallel_loop3A_482, %parallel_loop3A_472 : vector<16xf32>
      %parallel_loop3A_484 = arith.index_cast %parallel_loop3A_390 : i32 to index
      %parallel_loop3A_485 = arith.constant 64 : index
      %parallel_loop3A_486 = tpu.vector_load %arg7[%parallel_loop3A_484, %parallel_loop3A_485] {strides = array<i32>} : memref<512x128xf32, #tpu.memory_space<vmem>>, vector<1x16xf32>,
      %parallel_loop3A_487 = vector.shape_cast %parallel_loop3A_486 : vector<1x16xf32> to vector<16xf32>
      %parallel_loop3A_488 = vector.shape_cast %parallel_loop3A_483 : vector<16xf32> to vector<1x16xf32>
      tpu.vector_store %arg7[%parallel_loop3A_484, %parallel_loop3A_485], %parallel_loop3A_488 {strides = array<i32>} : memref<512x128xf32, #tpu.memory_space<vmem>>, vector<1x16xf32>,
      %parallel_loop3A_489 = arith.index_cast %parallel_loop3A_390 : i32 to index
      %parallel_loop3A_490 = arith.constant 80 : index
      %parallel_loop3A_491 = tpu.vector_load %arg7[%parallel_loop3A_489, %parallel_loop3A_490] {strides = array<i32>} : memref<512x128xf32, #tpu.memory_space<vmem>>, vector<1x16xf32>,
      %parallel_loop3A_492 = vector.shape_cast %parallel_loop3A_491 : vector<1x16xf32> to vector<16xf32>
      %parallel_loop3A_493 = arith.constant 11.3137083 : f32
      %parallel_loop3A_494 = vector.broadcast %parallel_loop3A_493 : f32 to vector<16xf32>
      %parallel_loop3A_495 = arith.mulf %parallel_loop3A_492, %parallel_loop3A_494 : vector<16xf32>
      %parallel_loop3A_496 = arith.addf %parallel_loop3A_495, %parallel_loop3A_475 : vector<16xf32>
      %parallel_loop3A_497 = arith.index_cast %parallel_loop3A_390 : i32 to index
      %parallel_loop3A_498 = arith.constant 80 : index
      %parallel_loop3A_499 = tpu.vector_load %arg7[%parallel_loop3A_497, %parallel_loop3A_498] {strides = array<i32>} : memref<512x128xf32, #tpu.memory_space<vmem>>, vector<1x16xf32>,
      %parallel_loop3A_500 = vector.shape_cast %parallel_loop3A_499 : vector<1x16xf32> to vector<16xf32>
      %parallel_loop3A_501 = vector.shape_cast %parallel_loop3A_496 : vector<16xf32> to vector<1x16xf32>
      tpu.vector_store %arg7[%parallel_loop3A_497, %parallel_loop3A_498], %parallel_loop3A_501 {strides = array<i32>} : memref<512x128xf32, #tpu.memory_space<vmem>>, vector<1x16xf32>,
      %parallel_loop3A_502 = arith.index_cast %parallel_loop3A_386 : i32 to index
      %parallel_loop3A_503 = arith.constant 48 : index
      %parallel_loop3A_504 = tpu.vector_load %arg8[%parallel_loop3A_502, %parallel_loop3A_503] {strides = array<i32>} : memref<256x128xi32, #tpu.memory_space<vmem>>, vector<1x16xi32>,
      %parallel_loop3A_505 = vector.shape_cast %parallel_loop3A_504 : vector<1x16xi32> to vector<16xi32>
      %parallel_loop3A_506 = arith.constant 16 : i32
      %parallel_loop3A_507 = vector.broadcast %parallel_loop3A_506 : i32 to vector<16xi32>
      %parallel_loop3A_508 = arith.shli %parallel_loop3A_505, %parallel_loop3A_507 : vector<16xi32>
      %parallel_loop3A_509 = tpu.bitcast %parallel_loop3A_508 : vector<16xi32> -> vector<16xf32>
      %parallel_loop3A_510 = vector.broadcast %parallel_loop3A_173 : i32 to vector<16xi32>
      %parallel_loop3A_511 = arith.andi %parallel_loop3A_505, %parallel_loop3A_510 : vector<16xi32>
      %parallel_loop3A_512 = tpu.bitcast %parallel_loop3A_511 : vector<16xi32> -> vector<16xf32>
      %parallel_loop3A_513 = arith.index_cast %parallel_loop3A_390 : i32 to index
      %parallel_loop3A_514 = arith.constant 96 : index
      %parallel_loop3A_515 = tpu.vector_load %arg7[%parallel_loop3A_513, %parallel_loop3A_514] {strides = array<i32>} : memref<512x128xf32, #tpu.memory_space<vmem>>, vector<1x16xf32>,
      %parallel_loop3A_516 = vector.shape_cast %parallel_loop3A_515 : vector<1x16xf32> to vector<16xf32>
      %parallel_loop3A_517 = arith.constant 11.3137083 : f32
      %parallel_loop3A_518 = vector.broadcast %parallel_loop3A_517 : f32 to vector<16xf32>
      %parallel_loop3A_519 = arith.mulf %parallel_loop3A_516, %parallel_loop3A_518 : vector<16xf32>
      %parallel_loop3A_520 = arith.addf %parallel_loop3A_519, %parallel_loop3A_509 : vector<16xf32>
      %parallel_loop3A_521 = arith.index_cast %parallel_loop3A_390 : i32 to index
      %parallel_loop3A_522 = arith.constant 96 : index
      %parallel_loop3A_523 = tpu.vector_load %arg7[%parallel_loop3A_521, %parallel_loop3A_522] {strides = array<i32>} : memref<512x128xf32, #tpu.memory_space<vmem>>, vector<1x16xf32>,
      %parallel_loop3A_524 = vector.shape_cast %parallel_loop3A_523 : vector<1x16xf32> to vector<16xf32>
      %parallel_loop3A_525 = vector.shape_cast %parallel_loop3A_520 : vector<16xf32> to vector<1x16xf32>
      tpu.vector_store %arg7[%parallel_loop3A_521, %parallel_loop3A_522], %parallel_loop3A_525 {strides = array<i32>} : memref<512x128xf32, #tpu.memory_space<vmem>>, vector<1x16xf32>,
      %parallel_loop3A_526 = arith.index_cast %parallel_loop3A_390 : i32 to index
      %parallel_loop3A_527 = arith.constant 112 : index
      %parallel_loop3A_528 = tpu.vector_load %arg7[%parallel_loop3A_526, %parallel_loop3A_527] {strides = array<i32>} : memref<512x128xf32, #tpu.memory_space<vmem>>, vector<1x16xf32>,
      %parallel_loop3A_529 = vector.shape_cast %parallel_loop3A_528 : vector<1x16xf32> to vector<16xf32>
      %parallel_loop3A_530 = arith.constant 11.3137083 : f32
      %parallel_loop3A_531 = vector.broadcast %parallel_loop3A_530 : f32 to vector<16xf32>
      %parallel_loop3A_532 = arith.mulf %parallel_loop3A_529, %parallel_loop3A_531 : vector<16xf32>
      %parallel_loop3A_533 = arith.addf %parallel_loop3A_532, %parallel_loop3A_512 : vector<16xf32>
      %parallel_loop3A_534 = arith.index_cast %parallel_loop3A_390 : i32 to index
      %parallel_loop3A_535 = arith.constant 112 : index
      %parallel_loop3A_536 = tpu.vector_load %arg7[%parallel_loop3A_534, %parallel_loop3A_535] {strides = array<i32>} : memref<512x128xf32, #tpu.memory_space<vmem>>, vector<1x16xf32>,
      %parallel_loop3A_537 = vector.shape_cast %parallel_loop3A_536 : vector<1x16xf32> to vector<16xf32>
      %parallel_loop3A_538 = vector.shape_cast %parallel_loop3A_533 : vector<16xf32> to vector<1x16xf32>
      tpu.vector_store %arg7[%parallel_loop3A_534, %parallel_loop3A_535], %parallel_loop3A_538 {strides = array<i32>} : memref<512x128xf32, #tpu.memory_space<vmem>>, vector<1x16xf32>,
      %parallel_loop3A_539 = arith.constant 2 : i32
      %parallel_loop3A_540 = arith.muli %parallel_loop3A_539, %parallel_loop3A_386 : i32
      %parallel_loop3A_541 = arith.constant 1 : i32
      %parallel_loop3A_542 = arith.addi %parallel_loop3A_540, %parallel_loop3A_541 : i32
      %parallel_loop3A_543 = arith.index_cast %parallel_loop3A_386 : i32 to index
      %parallel_loop3A_544 = arith.constant 64 : index
      %parallel_loop3A_545 = tpu.vector_load %arg8[%parallel_loop3A_543, %parallel_loop3A_544] {strides = array<i32>} : memref<256x128xi32, #tpu.memory_space<vmem>>, vector<1x16xi32>,
      %parallel_loop3A_546 = vector.shape_cast %parallel_loop3A_545 : vector<1x16xi32> to vector<16xi32>
      %parallel_loop3A_547 = arith.constant 16 : i32
      %parallel_loop3A_548 = vector.broadcast %parallel_loop3A_547 : i32 to vector<16xi32>
      %parallel_loop3A_549 = arith.shli %parallel_loop3A_546, %parallel_loop3A_548 : vector<16xi32>
      %parallel_loop3A_550 = tpu.bitcast %parallel_loop3A_549 : vector<16xi32> -> vector<16xf32>
      %parallel_loop3A_551 = vector.broadcast %parallel_loop3A_173 : i32 to vector<16xi32>
      %parallel_loop3A_552 = arith.andi %parallel_loop3A_546, %parallel_loop3A_551 : vector<16xi32>
      %parallel_loop3A_553 = tpu.bitcast %parallel_loop3A_552 : vector<16xi32> -> vector<16xf32>
      %parallel_loop3A_554 = arith.index_cast %parallel_loop3A_542 : i32 to index
      %parallel_loop3A_555 = arith.constant 0 : index
      %parallel_loop3A_556 = tpu.vector_load %arg7[%parallel_loop3A_554, %parallel_loop3A_555] {strides = array<i32>} : memref<512x128xf32, #tpu.memory_space<vmem>>, vector<1x16xf32>,
      %parallel_loop3A_557 = vector.shape_cast %parallel_loop3A_556 : vector<1x16xf32> to vector<16xf32>
      %parallel_loop3A_558 = arith.constant 11.3137083 : f32
      %parallel_loop3A_559 = vector.broadcast %parallel_loop3A_558 : f32 to vector<16xf32>
      %parallel_loop3A_560 = arith.mulf %parallel_loop3A_557, %parallel_loop3A_559 : vector<16xf32>
      %parallel_loop3A_561 = arith.addf %parallel_loop3A_560, %parallel_loop3A_550 : vector<16xf32>
      %parallel_loop3A_562 = arith.index_cast %parallel_loop3A_542 : i32 to index
      %parallel_loop3A_563 = arith.constant 0 : index
      %parallel_loop3A_564 = tpu.vector_load %arg7[%parallel_loop3A_562, %parallel_loop3A_563] {strides = array<i32>} : memref<512x128xf32, #tpu.memory_space<vmem>>, vector<1x16xf32>,
      %parallel_loop3A_565 = vector.shape_cast %parallel_loop3A_564 : vector<1x16xf32> to vector<16xf32>
      %parallel_loop3A_566 = vector.shape_cast %parallel_loop3A_561 : vector<16xf32> to vector<1x16xf32>
      tpu.vector_store %arg7[%parallel_loop3A_562, %parallel_loop3A_563], %parallel_loop3A_566 {strides = array<i32>} : memref<512x128xf32, #tpu.memory_space<vmem>>, vector<1x16xf32>,
      %parallel_loop3A_567 = arith.index_cast %parallel_loop3A_542 : i32 to index
      %parallel_loop3A_568 = arith.constant 16 : index
      %parallel_loop3A_569 = tpu.vector_load %arg7[%parallel_loop3A_567, %parallel_loop3A_568] {strides = array<i32>} : memref<512x128xf32, #tpu.memory_space<vmem>>, vector<1x16xf32>,
      %parallel_loop3A_570 = vector.shape_cast %parallel_loop3A_569 : vector<1x16xf32> to vector<16xf32>
      %parallel_loop3A_571 = arith.constant 11.3137083 : f32
      %parallel_loop3A_572 = vector.broadcast %parallel_loop3A_571 : f32 to vector<16xf32>
      %parallel_loop3A_573 = arith.mulf %parallel_loop3A_570, %parallel_loop3A_572 : vector<16xf32>
      %parallel_loop3A_574 = arith.addf %parallel_loop3A_573, %parallel_loop3A_553 : vector<16xf32>
      %parallel_loop3A_575 = arith.index_cast %parallel_loop3A_542 : i32 to index
      %parallel_loop3A_576 = arith.constant 16 : index
      %parallel_loop3A_577 = tpu.vector_load %arg7[%parallel_loop3A_575, %parallel_loop3A_576] {strides = array<i32>} : memref<512x128xf32, #tpu.memory_space<vmem>>, vector<1x16xf32>,
      %parallel_loop3A_578 = vector.shape_cast %parallel_loop3A_577 : vector<1x16xf32> to vector<16xf32>
      %parallel_loop3A_579 = vector.shape_cast %parallel_loop3A_574 : vector<16xf32> to vector<1x16xf32>
      tpu.vector_store %arg7[%parallel_loop3A_575, %parallel_loop3A_576], %parallel_loop3A_579 {strides = array<i32>} : memref<512x128xf32, #tpu.memory_space<vmem>>, vector<1x16xf32>,
      %parallel_loop3A_580 = arith.index_cast %parallel_loop3A_386 : i32 to index
      %parallel_loop3A_581 = arith.constant 80 : index
      %parallel_loop3A_582 = tpu.vector_load %arg8[%parallel_loop3A_580, %parallel_loop3A_581] {strides = array<i32>} : memref<256x128xi32, #tpu.memory_space<vmem>>, vector<1x16xi32>,
      %parallel_loop3A_583 = vector.shape_cast %parallel_loop3A_582 : vector<1x16xi32> to vector<16xi32>
      %parallel_loop3A_584 = arith.constant 16 : i32
      %parallel_loop3A_585 = vector.broadcast %parallel_loop3A_584 : i32 to vector<16xi32>
      %parallel_loop3A_586 = arith.shli %parallel_loop3A_583, %parallel_loop3A_585 : vector<16xi32>
      %parallel_loop3A_587 = tpu.bitcast %parallel_loop3A_586 : vector<16xi32> -> vector<16xf32>
      %parallel_loop3A_588 = vector.broadcast %parallel_loop3A_173 : i32 to vector<16xi32>
      %parallel_loop3A_589 = arith.andi %parallel_loop3A_583, %parallel_loop3A_588 : vector<16xi32>
      %parallel_loop3A_590 = tpu.bitcast %parallel_loop3A_589 : vector<16xi32> -> vector<16xf32>
      %parallel_loop3A_591 = arith.index_cast %parallel_loop3A_542 : i32 to index
      %parallel_loop3A_592 = arith.constant 32 : index
      %parallel_loop3A_593 = tpu.vector_load %arg7[%parallel_loop3A_591, %parallel_loop3A_592] {strides = array<i32>} : memref<512x128xf32, #tpu.memory_space<vmem>>, vector<1x16xf32>,
      %parallel_loop3A_594 = vector.shape_cast %parallel_loop3A_593 : vector<1x16xf32> to vector<16xf32>
      %parallel_loop3A_595 = arith.constant 11.3137083 : f32
      %parallel_loop3A_596 = vector.broadcast %parallel_loop3A_595 : f32 to vector<16xf32>
      %parallel_loop3A_597 = arith.mulf %parallel_loop3A_594, %parallel_loop3A_596 : vector<16xf32>
      %parallel_loop3A_598 = arith.addf %parallel_loop3A_597, %parallel_loop3A_587 : vector<16xf32>
      %parallel_loop3A_599 = arith.index_cast %parallel_loop3A_542 : i32 to index
      %parallel_loop3A_600 = arith.constant 32 : index
      %parallel_loop3A_601 = tpu.vector_load %arg7[%parallel_loop3A_599, %parallel_loop3A_600] {strides = array<i32>} : memref<512x128xf32, #tpu.memory_space<vmem>>, vector<1x16xf32>,
      %parallel_loop3A_602 = vector.shape_cast %parallel_loop3A_601 : vector<1x16xf32> to vector<16xf32>
      %parallel_loop3A_603 = vector.shape_cast %parallel_loop3A_598 : vector<16xf32> to vector<1x16xf32>
      tpu.vector_store %arg7[%parallel_loop3A_599, %parallel_loop3A_600], %parallel_loop3A_603 {strides = array<i32>} : memref<512x128xf32, #tpu.memory_space<vmem>>, vector<1x16xf32>,
      %parallel_loop3A_604 = arith.index_cast %parallel_loop3A_542 : i32 to index
      %parallel_loop3A_605 = arith.constant 48 : index
      %parallel_loop3A_606 = tpu.vector_load %arg7[%parallel_loop3A_604, %parallel_loop3A_605] {strides = array<i32>} : memref<512x128xf32, #tpu.memory_space<vmem>>, vector<1x16xf32>,
      %parallel_loop3A_607 = vector.shape_cast %parallel_loop3A_606 : vector<1x16xf32> to vector<16xf32>
      %parallel_loop3A_608 = arith.constant 11.3137083 : f32
      %parallel_loop3A_609 = vector.broadcast %parallel_loop3A_608 : f32 to vector<16xf32>
      %parallel_loop3A_610 = arith.mulf %parallel_loop3A_607, %parallel_loop3A_609 : vector<16xf32>
      %parallel_loop3A_611 = arith.addf %parallel_loop3A_610, %parallel_loop3A_590 : vector<16xf32>
      %parallel_loop3A_612 = arith.index_cast %parallel_loop3A_542 : i32 to index
      %parallel_loop3A_613 = arith.constant 48 : index
      %parallel_loop3A_614 = tpu.vector_load %arg7[%parallel_loop3A_612, %parallel_loop3A_613] {strides = array<i32>} : memref<512x128xf32, #tpu.memory_space<vmem>>, vector<1x16xf32>,
      %parallel_loop3A_615 = vector.shape_cast %parallel_loop3A_614 : vector<1x16xf32> to vector<16xf32>
      %parallel_loop3A_616 = vector.shape_cast %parallel_loop3A_611 : vector<16xf32> to vector<1x16xf32>
      tpu.vector_store %arg7[%parallel_loop3A_612, %parallel_loop3A_613], %parallel_loop3A_616 {strides = array<i32>} : memref<512x128xf32, #tpu.memory_space<vmem>>, vector<1x16xf32>,
      %parallel_loop3A_617 = arith.index_cast %parallel_loop3A_386 : i32 to index
      %parallel_loop3A_618 = arith.constant 96 : index
      %parallel_loop3A_619 = tpu.vector_load %arg8[%parallel_loop3A_617, %parallel_loop3A_618] {strides = array<i32>} : memref<256x128xi32, #tpu.memory_space<vmem>>, vector<1x16xi32>,
      %parallel_loop3A_620 = vector.shape_cast %parallel_loop3A_619 : vector<1x16xi32> to vector<16xi32>
      %parallel_loop3A_621 = arith.constant 16 : i32
      %parallel_loop3A_622 = vector.broadcast %parallel_loop3A_621 : i32 to vector<16xi32>
      %parallel_loop3A_623 = arith.shli %parallel_loop3A_620, %parallel_loop3A_622 : vector<16xi32>
      %parallel_loop3A_624 = tpu.bitcast %parallel_loop3A_623 : vector<16xi32> -> vector<16xf32>
      %parallel_loop3A_625 = vector.broadcast %parallel_loop3A_173 : i32 to vector<16xi32>
      %parallel_loop3A_626 = arith.andi %parallel_loop3A_620, %parallel_loop3A_625 : vector<16xi32>
      %parallel_loop3A_627 = tpu.bitcast %parallel_loop3A_626 : vector<16xi32> -> vector<16xf32>
      %parallel_loop3A_628 = arith.index_cast %parallel_loop3A_542 : i32 to index
      %parallel_loop3A_629 = arith.constant 64 : index
      %parallel_loop3A_630 = tpu.vector_load %arg7[%parallel_loop3A_628, %parallel_loop3A_629] {strides = array<i32>} : memref<512x128xf32, #tpu.memory_space<vmem>>, vector<1x16xf32>,
      %parallel_loop3A_631 = vector.shape_cast %parallel_loop3A_630 : vector<1x16xf32> to vector<16xf32>
      %parallel_loop3A_632 = arith.constant 11.3137083 : f32
      %parallel_loop3A_633 = vector.broadcast %parallel_loop3A_632 : f32 to vector<16xf32>
      %parallel_loop3A_634 = arith.mulf %parallel_loop3A_631, %parallel_loop3A_633 : vector<16xf32>
      %parallel_loop3A_635 = arith.addf %parallel_loop3A_634, %parallel_loop3A_624 : vector<16xf32>
      %parallel_loop3A_636 = arith.index_cast %parallel_loop3A_542 : i32 to index
      %parallel_loop3A_637 = arith.constant 64 : index
      %parallel_loop3A_638 = tpu.vector_load %arg7[%parallel_loop3A_636, %parallel_loop3A_637] {strides = array<i32>} : memref<512x128xf32, #tpu.memory_space<vmem>>, vector<1x16xf32>,
      %parallel_loop3A_639 = vector.shape_cast %parallel_loop3A_638 : vector<1x16xf32> to vector<16xf32>
      %parallel_loop3A_640 = vector.shape_cast %parallel_loop3A_635 : vector<16xf32> to vector<1x16xf32>
      tpu.vector_store %arg7[%parallel_loop3A_636, %parallel_loop3A_637], %parallel_loop3A_640 {strides = array<i32>} : memref<512x128xf32, #tpu.memory_space<vmem>>, vector<1x16xf32>,
      %parallel_loop3A_641 = arith.index_cast %parallel_loop3A_542 : i32 to index
      %parallel_loop3A_642 = arith.constant 80 : index
      %parallel_loop3A_643 = tpu.vector_load %arg7[%parallel_loop3A_641, %parallel_loop3A_642] {strides = array<i32>} : memref<512x128xf32, #tpu.memory_space<vmem>>, vector<1x16xf32>,
      %parallel_loop3A_644 = vector.shape_cast %parallel_loop3A_643 : vector<1x16xf32> to vector<16xf32>
      %parallel_loop3A_645 = arith.constant 11.3137083 : f32
      %parallel_loop3A_646 = vector.broadcast %parallel_loop3A_645 : f32 to vector<16xf32>
      %parallel_loop3A_647 = arith.mulf %parallel_loop3A_644, %parallel_loop3A_646 : vector<16xf32>
      %parallel_loop3A_648 = arith.addf %parallel_loop3A_647, %parallel_loop3A_627 : vector<16xf32>
      %parallel_loop3A_649 = arith.index_cast %parallel_loop3A_542 : i32 to index
      %parallel_loop3A_650 = arith.constant 80 : index
      %parallel_loop3A_651 = tpu.vector_load %arg7[%parallel_loop3A_649, %parallel_loop3A_650] {strides = array<i32>} : memref<512x128xf32, #tpu.memory_space<vmem>>, vector<1x16xf32>,
      %parallel_loop3A_652 = vector.shape_cast %parallel_loop3A_651 : vector<1x16xf32> to vector<16xf32>
      %parallel_loop3A_653 = vector.shape_cast %parallel_loop3A_648 : vector<16xf32> to vector<1x16xf32>
      tpu.vector_store %arg7[%parallel_loop3A_649, %parallel_loop3A_650], %parallel_loop3A_653 {strides = array<i32>} : memref<512x128xf32, #tpu.memory_space<vmem>>, vector<1x16xf32>,
      %parallel_loop3A_654 = arith.index_cast %parallel_loop3A_386 : i32 to index
      %parallel_loop3A_655 = arith.constant 112 : index
      %parallel_loop3A_656 = tpu.vector_load %arg8[%parallel_loop3A_654, %parallel_loop3A_655] {strides = array<i32>} : memref<256x128xi32, #tpu.memory_space<vmem>>, vector<1x16xi32>,
      %parallel_loop3A_657 = vector.shape_cast %parallel_loop3A_656 : vector<1x16xi32> to vector<16xi32>
      %parallel_loop3A_658 = arith.constant 16 : i32
      %parallel_loop3A_659 = vector.broadcast %parallel_loop3A_658 : i32 to vector<16xi32>
      %parallel_loop3A_660 = arith.shli %parallel_loop3A_657, %parallel_loop3A_659 : vector<16xi32>
      %parallel_loop3A_661 = tpu.bitcast %parallel_loop3A_660 : vector<16xi32> -> vector<16xf32>
      %parallel_loop3A_662 = vector.broadcast %parallel_loop3A_173 : i32 to vector<16xi32>
      %parallel_loop3A_663 = arith.andi %parallel_loop3A_657, %parallel_loop3A_662 : vector<16xi32>
      %parallel_loop3A_664 = tpu.bitcast %parallel_loop3A_663 : vector<16xi32> -> vector<16xf32>
      %parallel_loop3A_665 = arith.index_cast %parallel_loop3A_542 : i32 to index
      %parallel_loop3A_666 = arith.constant 96 : index
      %parallel_loop3A_667 = tpu.vector_load %arg7[%parallel_loop3A_665, %parallel_loop3A_666] {strides = array<i32>} : memref<512x128xf32, #tpu.memory_space<vmem>>, vector<1x16xf32>,
      %parallel_loop3A_668 = vector.shape_cast %parallel_loop3A_667 : vector<1x16xf32> to vector<16xf32>
      %parallel_loop3A_669 = arith.constant 11.3137083 : f32
      %parallel_loop3A_670 = vector.broadcast %parallel_loop3A_669 : f32 to vector<16xf32>
      %parallel_loop3A_671 = arith.mulf %parallel_loop3A_668, %parallel_loop3A_670 : vector<16xf32>
      %parallel_loop3A_672 = arith.addf %parallel_loop3A_671, %parallel_loop3A_661 : vector<16xf32>
      %parallel_loop3A_673 = arith.index_cast %parallel_loop3A_542 : i32 to index
      %parallel_loop3A_674 = arith.constant 96 : index
      %parallel_loop3A_675 = tpu.vector_load %arg7[%parallel_loop3A_673, %parallel_loop3A_674] {strides = array<i32>} : memref<512x128xf32, #tpu.memory_space<vmem>>, vector<1x16xf32>,
      %parallel_loop3A_676 = vector.shape_cast %parallel_loop3A_675 : vector<1x16xf32> to vector<16xf32>
      %parallel_loop3A_677 = vector.shape_cast %parallel_loop3A_672 : vector<16xf32> to vector<1x16xf32>
      tpu.vector_store %arg7[%parallel_loop3A_673, %parallel_loop3A_674], %parallel_loop3A_677 {strides = array<i32>} : memref<512x128xf32, #tpu.memory_space<vmem>>, vector<1x16xf32>,
      %parallel_loop3A_678 = arith.index_cast %parallel_loop3A_542 : i32 to index
      %parallel_loop3A_679 = arith.constant 112 : index
      %parallel_loop3A_680 = tpu.vector_load %arg7[%parallel_loop3A_678, %parallel_loop3A_679] {strides = array<i32>} : memref<512x128xf32, #tpu.memory_space<vmem>>, vector<1x16xf32>,
      %parallel_loop3A_681 = vector.shape_cast %parallel_loop3A_680 : vector<1x16xf32> to vector<16xf32>
      %parallel_loop3A_682 = arith.constant 11.3137083 : f32
      %parallel_loop3A_683 = vector.broadcast %parallel_loop3A_682 : f32 to vector<16xf32>
      %parallel_loop3A_684 = arith.mulf %parallel_loop3A_681, %parallel_loop3A_683 : vector<16xf32>
      %parallel_loop3A_685 = arith.addf %parallel_loop3A_684, %parallel_loop3A_664 : vector<16xf32>
      %parallel_loop3A_686 = arith.index_cast %parallel_loop3A_542 : i32 to index
      %parallel_loop3A_687 = arith.constant 112 : index
      %parallel_loop3A_688 = tpu.vector_load %arg7[%parallel_loop3A_686, %parallel_loop3A_687] {strides = array<i32>} : memref<512x128xf32, #tpu.memory_space<vmem>>, vector<1x16xf32>,
      %parallel_loop3A_689 = vector.shape_cast %parallel_loop3A_688 : vector<1x16xf32> to vector<16xf32>
      %parallel_loop3A_690 = vector.shape_cast %parallel_loop3A_685 : vector<16xf32> to vector<1x16xf32>
      tpu.vector_store %arg7[%parallel_loop3A_686, %parallel_loop3A_687], %parallel_loop3A_690 {strides = array<i32>} : memref<512x128xf32, #tpu.memory_space<vmem>>, vector<1x16xf32>,
    } {sc.loop_unroll_factor = 2 : i64, sc.parallel_access}
    %add3A_174 = arith.constant 0 : i32
    %add3A_175 = arith.addi %mul3A_20, %add3A_174 : i32
    %dma_start3A_176 = arith.constant 0 : i32
    %dma_start3A_177 = arith.constant 0 : i32
    %dma_start3A_178 = arith.constant 0 : i32
    %dma_start3A_179 = tpu.memref_slice %arg7[%dma_start3A_177, %dma_start3A_178] : memref<512x128xf32, #tpu.memory_space<vmem>> -> memref<128x128xf32, #tpu.memory_space<vmem>>
    %dma_start3A_180 = arith.constant 0 : i32
    %dma_start3A_181 = tpu.memref_slice %arg5[%select_n3A, %add3A_175, %dma_start3A_180] : memref<4x4096x128xf32, #tpu.memory_space<hbm>> -> memref<1x128x128xf32, #tpu.memory_space<hbm>>
    %dma_start3A_182 = tpu.memref_squeeze %dma_start3A_181 : memref<1x128x128xf32, #tpu.memory_space<hbm>> -> memref<128x128xf32, #tpu.memory_space<hbm>>
    %dma_start3A_183 = tpu.memref_slice %arg11[%dma_start3A_176] : memref<4x!tpu.dma_semaphore, #tpu.memory_space<semaphore_mem>> -> memref<1x!tpu.dma_semaphore, #tpu.memory_space<semaphore_mem>>
    %dma_start3A_184 = tpu.memref_squeeze %dma_start3A_183 : memref<1x!tpu.dma_semaphore, #tpu.memory_space<semaphore_mem>> -> memref<!tpu.dma_semaphore, #tpu.memory_space<semaphore_mem>>
    %dma_start3A_185 = arith.constant 0 : i32
    %dma_start3A_186 = tpu.memref_slice %arg5[%select_n3A, %add3A_175, %dma_start3A_185] : memref<4x4096x128xf32, #tpu.memory_space<hbm>> -> memref<1x128x128xf32, #tpu.memory_space<hbm>>
    %dma_start3A_187 = tpu.memref_squeeze %dma_start3A_186 : memref<1x128x128xf32, #tpu.memory_space<hbm>> -> memref<128x128xf32, #tpu.memory_space<hbm>>
    %dma_start3A_188 = arith.constant 0 : i32
    %dma_start3A_189 = arith.constant 0 : i32
    %dma_start3A_190 = tpu.memref_slice %arg7[%dma_start3A_188, %dma_start3A_189] : memref<512x128xf32, #tpu.memory_space<vmem>> -> memref<128x128xf32, #tpu.memory_space<vmem>>
    tpu.enqueue_dma source(%dma_start3A_190 : memref<128x128xf32, #tpu.memory_space<vmem>>) target(%dma_start3A_187 : memref<128x128xf32, #tpu.memory_space<hbm>>) target_semaphore(%dma_start3A_184 : memref<!tpu.dma_semaphore, #tpu.memory_space<semaphore_mem>>)
    %dma_wait3A_191 = arith.constant 1 : i32
    %dma_wait3A_192 = arith.constant 128 : i32
    %dma_wait3A_193 = arith.constant 0 : i32
    %dma_wait3A_194 = tpu.memref_slice %arg7[%dma_wait3A_192, %dma_wait3A_193] : memref<512x128xf32, #tpu.memory_space<vmem>> -> memref<128x128xf32, #tpu.memory_space<vmem>>
    %dma_wait3A_195 = arith.constant 128 : i32
    %dma_wait3A_196 = tpu.memref_slice %arg6[%dma_wait3A_195] : memref<512xi32, #tpu.memory_space<vmem>> -> memref<128xi32, #tpu.memory_space<vmem>>
    %dma_wait3A_197 = arith.constant 0 : i32
    %dma_wait3A_198 = arith.constant 0 : i32
    %dma_wait3A_199 = tpu.memref_slice %arg4[%dma_wait3A_197, %dma_wait3A_198] : memref<1000000x128xf32, #tpu.memory_space<hbm>> -> memref<1000000x128xf32, #tpu.memory_space<hbm>>
    %dma_wait3A_200 = tpu.memref_slice %arg10[%dma_wait3A_191] : memref<4x!tpu.dma_semaphore, #tpu.memory_space<semaphore_mem>> -> memref<1x!tpu.dma_semaphore, #tpu.memory_space<semaphore_mem>>
    %dma_wait3A_201 = tpu.memref_squeeze %dma_wait3A_200 : memref<1x!tpu.dma_semaphore, #tpu.memory_space<semaphore_mem>> -> memref<!tpu.dma_semaphore, #tpu.memory_space<semaphore_mem>>
    tpu.wait_indirect_dma semaphore(%dma_wait3A_201 : memref<!tpu.dma_semaphore, #tpu.memory_space<semaphore_mem>>) src(%dma_wait3A_199 : memref<1000000x128xf32, #tpu.memory_space<hbm>>) dst(%dma_wait3A_194 : memref<128x128xf32, #tpu.memory_space<vmem>>)
    %dma_wait3A_202 = arith.constant 1 : i32
    %dma_wait3A_203 = arith.constant 64 : i32
    %dma_wait3A_204 = arith.constant 0 : i32
    %dma_wait3A_205 = tpu.memref_slice %arg8[%dma_wait3A_203, %dma_wait3A_204] : memref<256x128xi32, #tpu.memory_space<vmem>> -> memref<64x128xi32, #tpu.memory_space<vmem>>
    %dma_wait3A_206 = arith.constant 0 : i32
    %dma_wait3A_207 = tpu.memref_slice %arg3[%add3A_104, %dma_wait3A_206] : memref<2048x128xi32, #tpu.memory_space<hbm>> -> memref<64x128xi32, #tpu.memory_space<hbm>>
    %dma_wait3A_208 = tpu.memref_slice %arg9[%dma_wait3A_202] : memref<4x!tpu.dma_semaphore, #tpu.memory_space<semaphore_mem>> -> memref<1x!tpu.dma_semaphore, #tpu.memory_space<semaphore_mem>>
    %dma_wait3A_209 = tpu.memref_squeeze %dma_wait3A_208 : memref<1x!tpu.dma_semaphore, #tpu.memory_space<semaphore_mem>> -> memref<!tpu.dma_semaphore, #tpu.memory_space<semaphore_mem>>
    %dma_wait3A_210 = arith.constant 64 : i32
    %dma_wait3A_211 = arith.constant 0 : i32
    %dma_wait3A_212 = tpu.memref_slice %arg8[%dma_wait3A_210, %dma_wait3A_211] : memref<256x128xi32, #tpu.memory_space<vmem>> -> memref<64x128xi32, #tpu.memory_space<vmem>>
    %dma_wait3A_213 = arith.constant 0 : i32
    %dma_wait3A_214 = tpu.memref_slice %arg3[%add3A_104, %dma_wait3A_213] : memref<2048x128xi32, #tpu.memory_space<hbm>> -> memref<64x128xi32, #tpu.memory_space<hbm>>
    tpu.wait_dma2 semaphore(%dma_wait3A_209 : memref<!tpu.dma_semaphore, #tpu.memory_space<semaphore_mem>>) src(%dma_wait3A_214 : memref<64x128xi32, #tpu.memory_space<hbm>>) dst(%dma_wait3A_212 : memref<64x128xi32, #tpu.memory_space<vmem>>)
    %parallel_loop3A_215 = arith.constant 64 : i32
    %parallel_loop3A_216 = arith.constant 128 : i32
    %parallel_loop3A_217 = arith.constant 1 : i32
    %parallel_loop3A_218 = arith.constant -65536 : i32
    scf.for %parallel_loop3A_386 = %parallel_loop3A_215 to %parallel_loop3A_216 step %parallel_loop3A_217  : i32 {
      %parallel_loop3A_387 = arith.constant 2 : i32
      %parallel_loop3A_388 = arith.muli %parallel_loop3A_387, %parallel_loop3A_386 : i32
      %parallel_loop3A_389 = arith.constant 0 : i32
      %parallel_loop3A_390 = arith.addi %parallel_loop3A_388, %parallel_loop3A_389 : i32
      %parallel_loop3A_391 = arith.index_cast %parallel_loop3A_386 : i32 to index
      %parallel_loop3A_392 = arith.constant 0 : index
      %parallel_loop3A_393 = tpu.vector_load %arg8[%parallel_loop3A_391, %parallel_loop3A_392] {strides = array<i32>} : memref<256x128xi32, #tpu.memory_space<vmem>>, vector<1x16xi32>,
      %parallel_loop3A_394 = vector.shape_cast %parallel_loop3A_393 : vector<1x16xi32> to vector<16xi32>
      %parallel_loop3A_395 = arith.constant 16 : i32
      %parallel_loop3A_396 = vector.broadcast %parallel_loop3A_395 : i32 to vector<16xi32>
      %parallel_loop3A_397 = arith.shli %parallel_loop3A_394, %parallel_loop3A_396 : vector<16xi32>
      %parallel_loop3A_398 = tpu.bitcast %parallel_loop3A_397 : vector<16xi32> -> vector<16xf32>
      %parallel_loop3A_399 = vector.broadcast %parallel_loop3A_218 : i32 to vector<16xi32>
      %parallel_loop3A_400 = arith.andi %parallel_loop3A_394, %parallel_loop3A_399 : vector<16xi32>
      %parallel_loop3A_401 = tpu.bitcast %parallel_loop3A_400 : vector<16xi32> -> vector<16xf32>
      %parallel_loop3A_402 = arith.index_cast %parallel_loop3A_390 : i32 to index
      %parallel_loop3A_403 = arith.constant 0 : index
      %parallel_loop3A_404 = tpu.vector_load %arg7[%parallel_loop3A_402, %parallel_loop3A_403] {strides = array<i32>} : memref<512x128xf32, #tpu.memory_space<vmem>>, vector<1x16xf32>,
      %parallel_loop3A_405 = vector.shape_cast %parallel_loop3A_404 : vector<1x16xf32> to vector<16xf32>
      %parallel_loop3A_406 = arith.constant 11.3137083 : f32
      %parallel_loop3A_407 = vector.broadcast %parallel_loop3A_406 : f32 to vector<16xf32>
      %parallel_loop3A_408 = arith.mulf %parallel_loop3A_405, %parallel_loop3A_407 : vector<16xf32>
      %parallel_loop3A_409 = arith.addf %parallel_loop3A_408, %parallel_loop3A_398 : vector<16xf32>
      %parallel_loop3A_410 = arith.index_cast %parallel_loop3A_390 : i32 to index
      %parallel_loop3A_411 = arith.constant 0 : index
      %parallel_loop3A_412 = tpu.vector_load %arg7[%parallel_loop3A_410, %parallel_loop3A_411] {strides = array<i32>} : memref<512x128xf32, #tpu.memory_space<vmem>>, vector<1x16xf32>,
      %parallel_loop3A_413 = vector.shape_cast %parallel_loop3A_412 : vector<1x16xf32> to vector<16xf32>
      %parallel_loop3A_414 = vector.shape_cast %parallel_loop3A_409 : vector<16xf32> to vector<1x16xf32>
      tpu.vector_store %arg7[%parallel_loop3A_410, %parallel_loop3A_411], %parallel_loop3A_414 {strides = array<i32>} : memref<512x128xf32, #tpu.memory_space<vmem>>, vector<1x16xf32>,
      %parallel_loop3A_415 = arith.index_cast %parallel_loop3A_390 : i32 to index
      %parallel_loop3A_416 = arith.constant 16 : index
      %parallel_loop3A_417 = tpu.vector_load %arg7[%parallel_loop3A_415, %parallel_loop3A_416] {strides = array<i32>} : memref<512x128xf32, #tpu.memory_space<vmem>>, vector<1x16xf32>,
      %parallel_loop3A_418 = vector.shape_cast %parallel_loop3A_417 : vector<1x16xf32> to vector<16xf32>
      %parallel_loop3A_419 = arith.constant 11.3137083 : f32
      %parallel_loop3A_420 = vector.broadcast %parallel_loop3A_419 : f32 to vector<16xf32>
      %parallel_loop3A_421 = arith.mulf %parallel_loop3A_418, %parallel_loop3A_420 : vector<16xf32>
      %parallel_loop3A_422 = arith.addf %parallel_loop3A_421, %parallel_loop3A_401 : vector<16xf32>
      %parallel_loop3A_423 = arith.index_cast %parallel_loop3A_390 : i32 to index
      %parallel_loop3A_424 = arith.constant 16 : index
      %parallel_loop3A_425 = tpu.vector_load %arg7[%parallel_loop3A_423, %parallel_loop3A_424] {strides = array<i32>} : memref<512x128xf32, #tpu.memory_space<vmem>>, vector<1x16xf32>,
      %parallel_loop3A_426 = vector.shape_cast %parallel_loop3A_425 : vector<1x16xf32> to vector<16xf32>
      %parallel_loop3A_427 = vector.shape_cast %parallel_loop3A_422 : vector<16xf32> to vector<1x16xf32>
      tpu.vector_store %arg7[%parallel_loop3A_423, %parallel_loop3A_424], %parallel_loop3A_427 {strides = array<i32>} : memref<512x128xf32, #tpu.memory_space<vmem>>, vector<1x16xf32>,
      %parallel_loop3A_428 = arith.index_cast %parallel_loop3A_386 : i32 to index
      %parallel_loop3A_429 = arith.constant 16 : index
      %parallel_loop3A_430 = tpu.vector_load %arg8[%parallel_loop3A_428, %parallel_loop3A_429] {strides = array<i32>} : memref<256x128xi32, #tpu.memory_space<vmem>>, vector<1x16xi32>,
      %parallel_loop3A_431 = vector.shape_cast %parallel_loop3A_430 : vector<1x16xi32> to vector<16xi32>
      %parallel_loop3A_432 = arith.constant 16 : i32
      %parallel_loop3A_433 = vector.broadcast %parallel_loop3A_432 : i32 to vector<16xi32>
      %parallel_loop3A_434 = arith.shli %parallel_loop3A_431, %parallel_loop3A_433 : vector<16xi32>
      %parallel_loop3A_435 = tpu.bitcast %parallel_loop3A_434 : vector<16xi32> -> vector<16xf32>
      %parallel_loop3A_436 = vector.broadcast %parallel_loop3A_218 : i32 to vector<16xi32>
      %parallel_loop3A_437 = arith.andi %parallel_loop3A_431, %parallel_loop3A_436 : vector<16xi32>
      %parallel_loop3A_438 = tpu.bitcast %parallel_loop3A_437 : vector<16xi32> -> vector<16xf32>
      %parallel_loop3A_439 = arith.index_cast %parallel_loop3A_390 : i32 to index
      %parallel_loop3A_440 = arith.constant 32 : index
      %parallel_loop3A_441 = tpu.vector_load %arg7[%parallel_loop3A_439, %parallel_loop3A_440] {strides = array<i32>} : memref<512x128xf32, #tpu.memory_space<vmem>>, vector<1x16xf32>,
      %parallel_loop3A_442 = vector.shape_cast %parallel_loop3A_441 : vector<1x16xf32> to vector<16xf32>
      %parallel_loop3A_443 = arith.constant 11.3137083 : f32
      %parallel_loop3A_444 = vector.broadcast %parallel_loop3A_443 : f32 to vector<16xf32>
      %parallel_loop3A_445 = arith.mulf %parallel_loop3A_442, %parallel_loop3A_444 : vector<16xf32>
      %parallel_loop3A_446 = arith.addf %parallel_loop3A_445, %parallel_loop3A_435 : vector<16xf32>
      %parallel_loop3A_447 = arith.index_cast %parallel_loop3A_390 : i32 to index
      %parallel_loop3A_448 = arith.constant 32 : index
      %parallel_loop3A_449 = tpu.vector_load %arg7[%parallel_loop3A_447, %parallel_loop3A_448] {strides = array<i32>} : memref<512x128xf32, #tpu.memory_space<vmem>>, vector<1x16xf32>,
      %parallel_loop3A_450 = vector.shape_cast %parallel_loop3A_449 : vector<1x16xf32> to vector<16xf32>
      %parallel_loop3A_451 = vector.shape_cast %parallel_loop3A_446 : vector<16xf32> to vector<1x16xf32>
      tpu.vector_store %arg7[%parallel_loop3A_447, %parallel_loop3A_448], %parallel_loop3A_451 {strides = array<i32>} : memref<512x128xf32, #tpu.memory_space<vmem>>, vector<1x16xf32>,
      %parallel_loop3A_452 = arith.index_cast %parallel_loop3A_390 : i32 to index
      %parallel_loop3A_453 = arith.constant 48 : index
      %parallel_loop3A_454 = tpu.vector_load %arg7[%parallel_loop3A_452, %parallel_loop3A_453] {strides = array<i32>} : memref<512x128xf32, #tpu.memory_space<vmem>>, vector<1x16xf32>,
      %parallel_loop3A_455 = vector.shape_cast %parallel_loop3A_454 : vector<1x16xf32> to vector<16xf32>
      %parallel_loop3A_456 = arith.constant 11.3137083 : f32
      %parallel_loop3A_457 = vector.broadcast %parallel_loop3A_456 : f32 to vector<16xf32>
      %parallel_loop3A_458 = arith.mulf %parallel_loop3A_455, %parallel_loop3A_457 : vector<16xf32>
      %parallel_loop3A_459 = arith.addf %parallel_loop3A_458, %parallel_loop3A_438 : vector<16xf32>
      %parallel_loop3A_460 = arith.index_cast %parallel_loop3A_390 : i32 to index
      %parallel_loop3A_461 = arith.constant 48 : index
      %parallel_loop3A_462 = tpu.vector_load %arg7[%parallel_loop3A_460, %parallel_loop3A_461] {strides = array<i32>} : memref<512x128xf32, #tpu.memory_space<vmem>>, vector<1x16xf32>,
      %parallel_loop3A_463 = vector.shape_cast %parallel_loop3A_462 : vector<1x16xf32> to vector<16xf32>
      %parallel_loop3A_464 = vector.shape_cast %parallel_loop3A_459 : vector<16xf32> to vector<1x16xf32>
      tpu.vector_store %arg7[%parallel_loop3A_460, %parallel_loop3A_461], %parallel_loop3A_464 {strides = array<i32>} : memref<512x128xf32, #tpu.memory_space<vmem>>, vector<1x16xf32>,
      %parallel_loop3A_465 = arith.index_cast %parallel_loop3A_386 : i32 to index
      %parallel_loop3A_466 = arith.constant 32 : index
      %parallel_loop3A_467 = tpu.vector_load %arg8[%parallel_loop3A_465, %parallel_loop3A_466] {strides = array<i32>} : memref<256x128xi32, #tpu.memory_space<vmem>>, vector<1x16xi32>,
      %parallel_loop3A_468 = vector.shape_cast %parallel_loop3A_467 : vector<1x16xi32> to vector<16xi32>
      %parallel_loop3A_469 = arith.constant 16 : i32
      %parallel_loop3A_470 = vector.broadcast %parallel_loop3A_469 : i32 to vector<16xi32>
      %parallel_loop3A_471 = arith.shli %parallel_loop3A_468, %parallel_loop3A_470 : vector<16xi32>
      %parallel_loop3A_472 = tpu.bitcast %parallel_loop3A_471 : vector<16xi32> -> vector<16xf32>
      %parallel_loop3A_473 = vector.broadcast %parallel_loop3A_218 : i32 to vector<16xi32>
      %parallel_loop3A_474 = arith.andi %parallel_loop3A_468, %parallel_loop3A_473 : vector<16xi32>
      %parallel_loop3A_475 = tpu.bitcast %parallel_loop3A_474 : vector<16xi32> -> vector<16xf32>
      %parallel_loop3A_476 = arith.index_cast %parallel_loop3A_390 : i32 to index
      %parallel_loop3A_477 = arith.constant 64 : index
      %parallel_loop3A_478 = tpu.vector_load %arg7[%parallel_loop3A_476, %parallel_loop3A_477] {strides = array<i32>} : memref<512x128xf32, #tpu.memory_space<vmem>>, vector<1x16xf32>,
      %parallel_loop3A_479 = vector.shape_cast %parallel_loop3A_478 : vector<1x16xf32> to vector<16xf32>
      %parallel_loop3A_480 = arith.constant 11.3137083 : f32
      %parallel_loop3A_481 = vector.broadcast %parallel_loop3A_480 : f32 to vector<16xf32>
      %parallel_loop3A_482 = arith.mulf %parallel_loop3A_479, %parallel_loop3A_481 : vector<16xf32>
      %parallel_loop3A_483 = arith.addf %parallel_loop3A_482, %parallel_loop3A_472 : vector<16xf32>
      %parallel_loop3A_484 = arith.index_cast %parallel_loop3A_390 : i32 to index
      %parallel_loop3A_485 = arith.constant 64 : index
      %parallel_loop3A_486 = tpu.vector_load %arg7[%parallel_loop3A_484, %parallel_loop3A_485] {strides = array<i32>} : memref<512x128xf32, #tpu.memory_space<vmem>>, vector<1x16xf32>,
      %parallel_loop3A_487 = vector.shape_cast %parallel_loop3A_486 : vector<1x16xf32> to vector<16xf32>
      %parallel_loop3A_488 = vector.shape_cast %parallel_loop3A_483 : vector<16xf32> to vector<1x16xf32>
      tpu.vector_store %arg7[%parallel_loop3A_484, %parallel_loop3A_485], %parallel_loop3A_488 {strides = array<i32>} : memref<512x128xf32, #tpu.memory_space<vmem>>, vector<1x16xf32>,
      %parallel_loop3A_489 = arith.index_cast %parallel_loop3A_390 : i32 to index
      %parallel_loop3A_490 = arith.constant 80 : index
      %parallel_loop3A_491 = tpu.vector_load %arg7[%parallel_loop3A_489, %parallel_loop3A_490] {strides = array<i32>} : memref<512x128xf32, #tpu.memory_space<vmem>>, vector<1x16xf32>,
      %parallel_loop3A_492 = vector.shape_cast %parallel_loop3A_491 : vector<1x16xf32> to vector<16xf32>
      %parallel_loop3A_493 = arith.constant 11.3137083 : f32
      %parallel_loop3A_494 = vector.broadcast %parallel_loop3A_493 : f32 to vector<16xf32>
      %parallel_loop3A_495 = arith.mulf %parallel_loop3A_492, %parallel_loop3A_494 : vector<16xf32>
      %parallel_loop3A_496 = arith.addf %parallel_loop3A_495, %parallel_loop3A_475 : vector<16xf32>
      %parallel_loop3A_497 = arith.index_cast %parallel_loop3A_390 : i32 to index
      %parallel_loop3A_498 = arith.constant 80 : index
      %parallel_loop3A_499 = tpu.vector_load %arg7[%parallel_loop3A_497, %parallel_loop3A_498] {strides = array<i32>} : memref<512x128xf32, #tpu.memory_space<vmem>>, vector<1x16xf32>,
      %parallel_loop3A_500 = vector.shape_cast %parallel_loop3A_499 : vector<1x16xf32> to vector<16xf32>
      %parallel_loop3A_501 = vector.shape_cast %parallel_loop3A_496 : vector<16xf32> to vector<1x16xf32>
      tpu.vector_store %arg7[%parallel_loop3A_497, %parallel_loop3A_498], %parallel_loop3A_501 {strides = array<i32>} : memref<512x128xf32, #tpu.memory_space<vmem>>, vector<1x16xf32>,
      %parallel_loop3A_502 = arith.index_cast %parallel_loop3A_386 : i32 to index
      %parallel_loop3A_503 = arith.constant 48 : index
      %parallel_loop3A_504 = tpu.vector_load %arg8[%parallel_loop3A_502, %parallel_loop3A_503] {strides = array<i32>} : memref<256x128xi32, #tpu.memory_space<vmem>>, vector<1x16xi32>,
      %parallel_loop3A_505 = vector.shape_cast %parallel_loop3A_504 : vector<1x16xi32> to vector<16xi32>
      %parallel_loop3A_506 = arith.constant 16 : i32
      %parallel_loop3A_507 = vector.broadcast %parallel_loop3A_506 : i32 to vector<16xi32>
      %parallel_loop3A_508 = arith.shli %parallel_loop3A_505, %parallel_loop3A_507 : vector<16xi32>
      %parallel_loop3A_509 = tpu.bitcast %parallel_loop3A_508 : vector<16xi32> -> vector<16xf32>
      %parallel_loop3A_510 = vector.broadcast %parallel_loop3A_218 : i32 to vector<16xi32>
      %parallel_loop3A_511 = arith.andi %parallel_loop3A_505, %parallel_loop3A_510 : vector<16xi32>
      %parallel_loop3A_512 = tpu.bitcast %parallel_loop3A_511 : vector<16xi32> -> vector<16xf32>
      %parallel_loop3A_513 = arith.index_cast %parallel_loop3A_390 : i32 to index
      %parallel_loop3A_514 = arith.constant 96 : index
      %parallel_loop3A_515 = tpu.vector_load %arg7[%parallel_loop3A_513, %parallel_loop3A_514] {strides = array<i32>} : memref<512x128xf32, #tpu.memory_space<vmem>>, vector<1x16xf32>,
      %parallel_loop3A_516 = vector.shape_cast %parallel_loop3A_515 : vector<1x16xf32> to vector<16xf32>
      %parallel_loop3A_517 = arith.constant 11.3137083 : f32
      %parallel_loop3A_518 = vector.broadcast %parallel_loop3A_517 : f32 to vector<16xf32>
      %parallel_loop3A_519 = arith.mulf %parallel_loop3A_516, %parallel_loop3A_518 : vector<16xf32>
      %parallel_loop3A_520 = arith.addf %parallel_loop3A_519, %parallel_loop3A_509 : vector<16xf32>
      %parallel_loop3A_521 = arith.index_cast %parallel_loop3A_390 : i32 to index
      %parallel_loop3A_522 = arith.constant 96 : index
      %parallel_loop3A_523 = tpu.vector_load %arg7[%parallel_loop3A_521, %parallel_loop3A_522] {strides = array<i32>} : memref<512x128xf32, #tpu.memory_space<vmem>>, vector<1x16xf32>,
      %parallel_loop3A_524 = vector.shape_cast %parallel_loop3A_523 : vector<1x16xf32> to vector<16xf32>
      %parallel_loop3A_525 = vector.shape_cast %parallel_loop3A_520 : vector<16xf32> to vector<1x16xf32>
      tpu.vector_store %arg7[%parallel_loop3A_521, %parallel_loop3A_522], %parallel_loop3A_525 {strides = array<i32>} : memref<512x128xf32, #tpu.memory_space<vmem>>, vector<1x16xf32>,
      %parallel_loop3A_526 = arith.index_cast %parallel_loop3A_390 : i32 to index
      %parallel_loop3A_527 = arith.constant 112 : index
      %parallel_loop3A_528 = tpu.vector_load %arg7[%parallel_loop3A_526, %parallel_loop3A_527] {strides = array<i32>} : memref<512x128xf32, #tpu.memory_space<vmem>>, vector<1x16xf32>,
      %parallel_loop3A_529 = vector.shape_cast %parallel_loop3A_528 : vector<1x16xf32> to vector<16xf32>
      %parallel_loop3A_530 = arith.constant 11.3137083 : f32
      %parallel_loop3A_531 = vector.broadcast %parallel_loop3A_530 : f32 to vector<16xf32>
      %parallel_loop3A_532 = arith.mulf %parallel_loop3A_529, %parallel_loop3A_531 : vector<16xf32>
      %parallel_loop3A_533 = arith.addf %parallel_loop3A_532, %parallel_loop3A_512 : vector<16xf32>
      %parallel_loop3A_534 = arith.index_cast %parallel_loop3A_390 : i32 to index
      %parallel_loop3A_535 = arith.constant 112 : index
      %parallel_loop3A_536 = tpu.vector_load %arg7[%parallel_loop3A_534, %parallel_loop3A_535] {strides = array<i32>} : memref<512x128xf32, #tpu.memory_space<vmem>>, vector<1x16xf32>,
      %parallel_loop3A_537 = vector.shape_cast %parallel_loop3A_536 : vector<1x16xf32> to vector<16xf32>
      %parallel_loop3A_538 = vector.shape_cast %parallel_loop3A_533 : vector<16xf32> to vector<1x16xf32>
      tpu.vector_store %arg7[%parallel_loop3A_534, %parallel_loop3A_535], %parallel_loop3A_538 {strides = array<i32>} : memref<512x128xf32, #tpu.memory_space<vmem>>, vector<1x16xf32>,
      %parallel_loop3A_539 = arith.constant 2 : i32
      %parallel_loop3A_540 = arith.muli %parallel_loop3A_539, %parallel_loop3A_386 : i32
      %parallel_loop3A_541 = arith.constant 1 : i32
      %parallel_loop3A_542 = arith.addi %parallel_loop3A_540, %parallel_loop3A_541 : i32
      %parallel_loop3A_543 = arith.index_cast %parallel_loop3A_386 : i32 to index
      %parallel_loop3A_544 = arith.constant 64 : index
      %parallel_loop3A_545 = tpu.vector_load %arg8[%parallel_loop3A_543, %parallel_loop3A_544] {strides = array<i32>} : memref<256x128xi32, #tpu.memory_space<vmem>>, vector<1x16xi32>,
      %parallel_loop3A_546 = vector.shape_cast %parallel_loop3A_545 : vector<1x16xi32> to vector<16xi32>
      %parallel_loop3A_547 = arith.constant 16 : i32
      %parallel_loop3A_548 = vector.broadcast %parallel_loop3A_547 : i32 to vector<16xi32>
      %parallel_loop3A_549 = arith.shli %parallel_loop3A_546, %parallel_loop3A_548 : vector<16xi32>
      %parallel_loop3A_550 = tpu.bitcast %parallel_loop3A_549 : vector<16xi32> -> vector<16xf32>
      %parallel_loop3A_551 = vector.broadcast %parallel_loop3A_218 : i32 to vector<16xi32>
      %parallel_loop3A_552 = arith.andi %parallel_loop3A_546, %parallel_loop3A_551 : vector<16xi32>
      %parallel_loop3A_553 = tpu.bitcast %parallel_loop3A_552 : vector<16xi32> -> vector<16xf32>
      %parallel_loop3A_554 = arith.index_cast %parallel_loop3A_542 : i32 to index
      %parallel_loop3A_555 = arith.constant 0 : index
      %parallel_loop3A_556 = tpu.vector_load %arg7[%parallel_loop3A_554, %parallel_loop3A_555] {strides = array<i32>} : memref<512x128xf32, #tpu.memory_space<vmem>>, vector<1x16xf32>,
      %parallel_loop3A_557 = vector.shape_cast %parallel_loop3A_556 : vector<1x16xf32> to vector<16xf32>
      %parallel_loop3A_558 = arith.constant 11.3137083 : f32
      %parallel_loop3A_559 = vector.broadcast %parallel_loop3A_558 : f32 to vector<16xf32>
      %parallel_loop3A_560 = arith.mulf %parallel_loop3A_557, %parallel_loop3A_559 : vector<16xf32>
      %parallel_loop3A_561 = arith.addf %parallel_loop3A_560, %parallel_loop3A_550 : vector<16xf32>
      %parallel_loop3A_562 = arith.index_cast %parallel_loop3A_542 : i32 to index
      %parallel_loop3A_563 = arith.constant 0 : index
      %parallel_loop3A_564 = tpu.vector_load %arg7[%parallel_loop3A_562, %parallel_loop3A_563] {strides = array<i32>} : memref<512x128xf32, #tpu.memory_space<vmem>>, vector<1x16xf32>,
      %parallel_loop3A_565 = vector.shape_cast %parallel_loop3A_564 : vector<1x16xf32> to vector<16xf32>
      %parallel_loop3A_566 = vector.shape_cast %parallel_loop3A_561 : vector<16xf32> to vector<1x16xf32>
      tpu.vector_store %arg7[%parallel_loop3A_562, %parallel_loop3A_563], %parallel_loop3A_566 {strides = array<i32>} : memref<512x128xf32, #tpu.memory_space<vmem>>, vector<1x16xf32>,
      %parallel_loop3A_567 = arith.index_cast %parallel_loop3A_542 : i32 to index
      %parallel_loop3A_568 = arith.constant 16 : index
      %parallel_loop3A_569 = tpu.vector_load %arg7[%parallel_loop3A_567, %parallel_loop3A_568] {strides = array<i32>} : memref<512x128xf32, #tpu.memory_space<vmem>>, vector<1x16xf32>,
      %parallel_loop3A_570 = vector.shape_cast %parallel_loop3A_569 : vector<1x16xf32> to vector<16xf32>
      %parallel_loop3A_571 = arith.constant 11.3137083 : f32
      %parallel_loop3A_572 = vector.broadcast %parallel_loop3A_571 : f32 to vector<16xf32>
      %parallel_loop3A_573 = arith.mulf %parallel_loop3A_570, %parallel_loop3A_572 : vector<16xf32>
      %parallel_loop3A_574 = arith.addf %parallel_loop3A_573, %parallel_loop3A_553 : vector<16xf32>
      %parallel_loop3A_575 = arith.index_cast %parallel_loop3A_542 : i32 to index
      %parallel_loop3A_576 = arith.constant 16 : index
      %parallel_loop3A_577 = tpu.vector_load %arg7[%parallel_loop3A_575, %parallel_loop3A_576] {strides = array<i32>} : memref<512x128xf32, #tpu.memory_space<vmem>>, vector<1x16xf32>,
      %parallel_loop3A_578 = vector.shape_cast %parallel_loop3A_577 : vector<1x16xf32> to vector<16xf32>
      %parallel_loop3A_579 = vector.shape_cast %parallel_loop3A_574 : vector<16xf32> to vector<1x16xf32>
      tpu.vector_store %arg7[%parallel_loop3A_575, %parallel_loop3A_576], %parallel_loop3A_579 {strides = array<i32>} : memref<512x128xf32, #tpu.memory_space<vmem>>, vector<1x16xf32>,
      %parallel_loop3A_580 = arith.index_cast %parallel_loop3A_386 : i32 to index
      %parallel_loop3A_581 = arith.constant 80 : index
      %parallel_loop3A_582 = tpu.vector_load %arg8[%parallel_loop3A_580, %parallel_loop3A_581] {strides = array<i32>} : memref<256x128xi32, #tpu.memory_space<vmem>>, vector<1x16xi32>,
      %parallel_loop3A_583 = vector.shape_cast %parallel_loop3A_582 : vector<1x16xi32> to vector<16xi32>
      %parallel_loop3A_584 = arith.constant 16 : i32
      %parallel_loop3A_585 = vector.broadcast %parallel_loop3A_584 : i32 to vector<16xi32>
      %parallel_loop3A_586 = arith.shli %parallel_loop3A_583, %parallel_loop3A_585 : vector<16xi32>
      %parallel_loop3A_587 = tpu.bitcast %parallel_loop3A_586 : vector<16xi32> -> vector<16xf32>
      %parallel_loop3A_588 = vector.broadcast %parallel_loop3A_218 : i32 to vector<16xi32>
      %parallel_loop3A_589 = arith.andi %parallel_loop3A_583, %parallel_loop3A_588 : vector<16xi32>
      %parallel_loop3A_590 = tpu.bitcast %parallel_loop3A_589 : vector<16xi32> -> vector<16xf32>
      %parallel_loop3A_591 = arith.index_cast %parallel_loop3A_542 : i32 to index
      %parallel_loop3A_592 = arith.constant 32 : index
      %parallel_loop3A_593 = tpu.vector_load %arg7[%parallel_loop3A_591, %parallel_loop3A_592] {strides = array<i32>} : memref<512x128xf32, #tpu.memory_space<vmem>>, vector<1x16xf32>,
      %parallel_loop3A_594 = vector.shape_cast %parallel_loop3A_593 : vector<1x16xf32> to vector<16xf32>
      %parallel_loop3A_595 = arith.constant 11.3137083 : f32
      %parallel_loop3A_596 = vector.broadcast %parallel_loop3A_595 : f32 to vector<16xf32>
      %parallel_loop3A_597 = arith.mulf %parallel_loop3A_594, %parallel_loop3A_596 : vector<16xf32>
      %parallel_loop3A_598 = arith.addf %parallel_loop3A_597, %parallel_loop3A_587 : vector<16xf32>
      %parallel_loop3A_599 = arith.index_cast %parallel_loop3A_542 : i32 to index
      %parallel_loop3A_600 = arith.constant 32 : index
      %parallel_loop3A_601 = tpu.vector_load %arg7[%parallel_loop3A_599, %parallel_loop3A_600] {strides = array<i32>} : memref<512x128xf32, #tpu.memory_space<vmem>>, vector<1x16xf32>,
      %parallel_loop3A_602 = vector.shape_cast %parallel_loop3A_601 : vector<1x16xf32> to vector<16xf32>
      %parallel_loop3A_603 = vector.shape_cast %parallel_loop3A_598 : vector<16xf32> to vector<1x16xf32>
      tpu.vector_store %arg7[%parallel_loop3A_599, %parallel_loop3A_600], %parallel_loop3A_603 {strides = array<i32>} : memref<512x128xf32, #tpu.memory_space<vmem>>, vector<1x16xf32>,
      %parallel_loop3A_604 = arith.index_cast %parallel_loop3A_542 : i32 to index
      %parallel_loop3A_605 = arith.constant 48 : index
      %parallel_loop3A_606 = tpu.vector_load %arg7[%parallel_loop3A_604, %parallel_loop3A_605] {strides = array<i32>} : memref<512x128xf32, #tpu.memory_space<vmem>>, vector<1x16xf32>,
      %parallel_loop3A_607 = vector.shape_cast %parallel_loop3A_606 : vector<1x16xf32> to vector<16xf32>
      %parallel_loop3A_608 = arith.constant 11.3137083 : f32
      %parallel_loop3A_609 = vector.broadcast %parallel_loop3A_608 : f32 to vector<16xf32>
      %parallel_loop3A_610 = arith.mulf %parallel_loop3A_607, %parallel_loop3A_609 : vector<16xf32>
      %parallel_loop3A_611 = arith.addf %parallel_loop3A_610, %parallel_loop3A_590 : vector<16xf32>
      %parallel_loop3A_612 = arith.index_cast %parallel_loop3A_542 : i32 to index
      %parallel_loop3A_613 = arith.constant 48 : index
      %parallel_loop3A_614 = tpu.vector_load %arg7[%parallel_loop3A_612, %parallel_loop3A_613] {strides = array<i32>} : memref<512x128xf32, #tpu.memory_space<vmem>>, vector<1x16xf32>,
      %parallel_loop3A_615 = vector.shape_cast %parallel_loop3A_614 : vector<1x16xf32> to vector<16xf32>
      %parallel_loop3A_616 = vector.shape_cast %parallel_loop3A_611 : vector<16xf32> to vector<1x16xf32>
      tpu.vector_store %arg7[%parallel_loop3A_612, %parallel_loop3A_613], %parallel_loop3A_616 {strides = array<i32>} : memref<512x128xf32, #tpu.memory_space<vmem>>, vector<1x16xf32>,
      %parallel_loop3A_617 = arith.index_cast %parallel_loop3A_386 : i32 to index
      %parallel_loop3A_618 = arith.constant 96 : index
      %parallel_loop3A_619 = tpu.vector_load %arg8[%parallel_loop3A_617, %parallel_loop3A_618] {strides = array<i32>} : memref<256x128xi32, #tpu.memory_space<vmem>>, vector<1x16xi32>,
      %parallel_loop3A_620 = vector.shape_cast %parallel_loop3A_619 : vector<1x16xi32> to vector<16xi32>
      %parallel_loop3A_621 = arith.constant 16 : i32
      %parallel_loop3A_622 = vector.broadcast %parallel_loop3A_621 : i32 to vector<16xi32>
      %parallel_loop3A_623 = arith.shli %parallel_loop3A_620, %parallel_loop3A_622 : vector<16xi32>
      %parallel_loop3A_624 = tpu.bitcast %parallel_loop3A_623 : vector<16xi32> -> vector<16xf32>
      %parallel_loop3A_625 = vector.broadcast %parallel_loop3A_218 : i32 to vector<16xi32>
      %parallel_loop3A_626 = arith.andi %parallel_loop3A_620, %parallel_loop3A_625 : vector<16xi32>
      %parallel_loop3A_627 = tpu.bitcast %parallel_loop3A_626 : vector<16xi32> -> vector<16xf32>
      %parallel_loop3A_628 = arith.index_cast %parallel_loop3A_542 : i32 to index
      %parallel_loop3A_629 = arith.constant 64 : index
      %parallel_loop3A_630 = tpu.vector_load %arg7[%parallel_loop3A_628, %parallel_loop3A_629] {strides = array<i32>} : memref<512x128xf32, #tpu.memory_space<vmem>>, vector<1x16xf32>,
      %parallel_loop3A_631 = vector.shape_cast %parallel_loop3A_630 : vector<1x16xf32> to vector<16xf32>
      %parallel_loop3A_632 = arith.constant 11.3137083 : f32
      %parallel_loop3A_633 = vector.broadcast %parallel_loop3A_632 : f32 to vector<16xf32>
      %parallel_loop3A_634 = arith.mulf %parallel_loop3A_631, %parallel_loop3A_633 : vector<16xf32>
      %parallel_loop3A_635 = arith.addf %parallel_loop3A_634, %parallel_loop3A_624 : vector<16xf32>
      %parallel_loop3A_636 = arith.index_cast %parallel_loop3A_542 : i32 to index
      %parallel_loop3A_637 = arith.constant 64 : index
      %parallel_loop3A_638 = tpu.vector_load %arg7[%parallel_loop3A_636, %parallel_loop3A_637] {strides = array<i32>} : memref<512x128xf32, #tpu.memory_space<vmem>>, vector<1x16xf32>,
      %parallel_loop3A_639 = vector.shape_cast %parallel_loop3A_638 : vector<1x16xf32> to vector<16xf32>
      %parallel_loop3A_640 = vector.shape_cast %parallel_loop3A_635 : vector<16xf32> to vector<1x16xf32>
      tpu.vector_store %arg7[%parallel_loop3A_636, %parallel_loop3A_637], %parallel_loop3A_640 {strides = array<i32>} : memref<512x128xf32, #tpu.memory_space<vmem>>, vector<1x16xf32>,
      %parallel_loop3A_641 = arith.index_cast %parallel_loop3A_542 : i32 to index
      %parallel_loop3A_642 = arith.constant 80 : index
      %parallel_loop3A_643 = tpu.vector_load %arg7[%parallel_loop3A_641, %parallel_loop3A_642] {strides = array<i32>} : memref<512x128xf32, #tpu.memory_space<vmem>>, vector<1x16xf32>,
      %parallel_loop3A_644 = vector.shape_cast %parallel_loop3A_643 : vector<1x16xf32> to vector<16xf32>
      %parallel_loop3A_645 = arith.constant 11.3137083 : f32
      %parallel_loop3A_646 = vector.broadcast %parallel_loop3A_645 : f32 to vector<16xf32>
      %parallel_loop3A_647 = arith.mulf %parallel_loop3A_644, %parallel_loop3A_646 : vector<16xf32>
      %parallel_loop3A_648 = arith.addf %parallel_loop3A_647, %parallel_loop3A_627 : vector<16xf32>
      %parallel_loop3A_649 = arith.index_cast %parallel_loop3A_542 : i32 to index
      %parallel_loop3A_650 = arith.constant 80 : index
      %parallel_loop3A_651 = tpu.vector_load %arg7[%parallel_loop3A_649, %parallel_loop3A_650] {strides = array<i32>} : memref<512x128xf32, #tpu.memory_space<vmem>>, vector<1x16xf32>,
      %parallel_loop3A_652 = vector.shape_cast %parallel_loop3A_651 : vector<1x16xf32> to vector<16xf32>
      %parallel_loop3A_653 = vector.shape_cast %parallel_loop3A_648 : vector<16xf32> to vector<1x16xf32>
      tpu.vector_store %arg7[%parallel_loop3A_649, %parallel_loop3A_650], %parallel_loop3A_653 {strides = array<i32>} : memref<512x128xf32, #tpu.memory_space<vmem>>, vector<1x16xf32>,
      %parallel_loop3A_654 = arith.index_cast %parallel_loop3A_386 : i32 to index
      %parallel_loop3A_655 = arith.constant 112 : index
      %parallel_loop3A_656 = tpu.vector_load %arg8[%parallel_loop3A_654, %parallel_loop3A_655] {strides = array<i32>} : memref<256x128xi32, #tpu.memory_space<vmem>>, vector<1x16xi32>,
      %parallel_loop3A_657 = vector.shape_cast %parallel_loop3A_656 : vector<1x16xi32> to vector<16xi32>
      %parallel_loop3A_658 = arith.constant 16 : i32
      %parallel_loop3A_659 = vector.broadcast %parallel_loop3A_658 : i32 to vector<16xi32>
      %parallel_loop3A_660 = arith.shli %parallel_loop3A_657, %parallel_loop3A_659 : vector<16xi32>
      %parallel_loop3A_661 = tpu.bitcast %parallel_loop3A_660 : vector<16xi32> -> vector<16xf32>
      %parallel_loop3A_662 = vector.broadcast %parallel_loop3A_218 : i32 to vector<16xi32>
      %parallel_loop3A_663 = arith.andi %parallel_loop3A_657, %parallel_loop3A_662 : vector<16xi32>
      %parallel_loop3A_664 = tpu.bitcast %parallel_loop3A_663 : vector<16xi32> -> vector<16xf32>
      %parallel_loop3A_665 = arith.index_cast %parallel_loop3A_542 : i32 to index
      %parallel_loop3A_666 = arith.constant 96 : index
      %parallel_loop3A_667 = tpu.vector_load %arg7[%parallel_loop3A_665, %parallel_loop3A_666] {strides = array<i32>} : memref<512x128xf32, #tpu.memory_space<vmem>>, vector<1x16xf32>,
      %parallel_loop3A_668 = vector.shape_cast %parallel_loop3A_667 : vector<1x16xf32> to vector<16xf32>
      %parallel_loop3A_669 = arith.constant 11.3137083 : f32
      %parallel_loop3A_670 = vector.broadcast %parallel_loop3A_669 : f32 to vector<16xf32>
      %parallel_loop3A_671 = arith.mulf %parallel_loop3A_668, %parallel_loop3A_670 : vector<16xf32>
      %parallel_loop3A_672 = arith.addf %parallel_loop3A_671, %parallel_loop3A_661 : vector<16xf32>
      %parallel_loop3A_673 = arith.index_cast %parallel_loop3A_542 : i32 to index
      %parallel_loop3A_674 = arith.constant 96 : index
      %parallel_loop3A_675 = tpu.vector_load %arg7[%parallel_loop3A_673, %parallel_loop3A_674] {strides = array<i32>} : memref<512x128xf32, #tpu.memory_space<vmem>>, vector<1x16xf32>,
      %parallel_loop3A_676 = vector.shape_cast %parallel_loop3A_675 : vector<1x16xf32> to vector<16xf32>
      %parallel_loop3A_677 = vector.shape_cast %parallel_loop3A_672 : vector<16xf32> to vector<1x16xf32>
      tpu.vector_store %arg7[%parallel_loop3A_673, %parallel_loop3A_674], %parallel_loop3A_677 {strides = array<i32>} : memref<512x128xf32, #tpu.memory_space<vmem>>, vector<1x16xf32>,
      %parallel_loop3A_678 = arith.index_cast %parallel_loop3A_542 : i32 to index
      %parallel_loop3A_679 = arith.constant 112 : index
      %parallel_loop3A_680 = tpu.vector_load %arg7[%parallel_loop3A_678, %parallel_loop3A_679] {strides = array<i32>} : memref<512x128xf32, #tpu.memory_space<vmem>>, vector<1x16xf32>,
      %parallel_loop3A_681 = vector.shape_cast %parallel_loop3A_680 : vector<1x16xf32> to vector<16xf32>
      %parallel_loop3A_682 = arith.constant 11.3137083 : f32
      %parallel_loop3A_683 = vector.broadcast %parallel_loop3A_682 : f32 to vector<16xf32>
      %parallel_loop3A_684 = arith.mulf %parallel_loop3A_681, %parallel_loop3A_683 : vector<16xf32>
      %parallel_loop3A_685 = arith.addf %parallel_loop3A_684, %parallel_loop3A_664 : vector<16xf32>
      %parallel_loop3A_686 = arith.index_cast %parallel_loop3A_542 : i32 to index
      %parallel_loop3A_687 = arith.constant 112 : index
      %parallel_loop3A_688 = tpu.vector_load %arg7[%parallel_loop3A_686, %parallel_loop3A_687] {strides = array<i32>} : memref<512x128xf32, #tpu.memory_space<vmem>>, vector<1x16xf32>,
      %parallel_loop3A_689 = vector.shape_cast %parallel_loop3A_688 : vector<1x16xf32> to vector<16xf32>
      %parallel_loop3A_690 = vector.shape_cast %parallel_loop3A_685 : vector<16xf32> to vector<1x16xf32>
      tpu.vector_store %arg7[%parallel_loop3A_686, %parallel_loop3A_687], %parallel_loop3A_690 {strides = array<i32>} : memref<512x128xf32, #tpu.memory_space<vmem>>, vector<1x16xf32>,
    } {sc.loop_unroll_factor = 2 : i64, sc.parallel_access}
    %add3A_219 = arith.constant 128 : i32
    %add3A_220 = arith.addi %mul3A_20, %add3A_219 : i32
    %dma_start3A_221 = arith.constant 1 : i32
    %dma_start3A_222 = arith.constant 128 : i32
    %dma_start3A_223 = arith.constant 0 : i32
    %dma_start3A_224 = tpu.memref_slice %arg7[%dma_start3A_222, %dma_start3A_223] : memref<512x128xf32, #tpu.memory_space<vmem>> -> memref<128x128xf32, #tpu.memory_space<vmem>>
    %dma_start3A_225 = arith.constant 0 : i32
    %dma_start3A_226 = tpu.memref_slice %arg5[%select_n3A, %add3A_220, %dma_start3A_225] : memref<4x4096x128xf32, #tpu.memory_space<hbm>> -> memref<1x128x128xf32, #tpu.memory_space<hbm>>
    %dma_start3A_227 = tpu.memref_squeeze %dma_start3A_226 : memref<1x128x128xf32, #tpu.memory_space<hbm>> -> memref<128x128xf32, #tpu.memory_space<hbm>>
    %dma_start3A_228 = tpu.memref_slice %arg11[%dma_start3A_221] : memref<4x!tpu.dma_semaphore, #tpu.memory_space<semaphore_mem>> -> memref<1x!tpu.dma_semaphore, #tpu.memory_space<semaphore_mem>>
    %dma_start3A_229 = tpu.memref_squeeze %dma_start3A_228 : memref<1x!tpu.dma_semaphore, #tpu.memory_space<semaphore_mem>> -> memref<!tpu.dma_semaphore, #tpu.memory_space<semaphore_mem>>
    %dma_start3A_230 = arith.constant 0 : i32
    %dma_start3A_231 = tpu.memref_slice %arg5[%select_n3A, %add3A_220, %dma_start3A_230] : memref<4x4096x128xf32, #tpu.memory_space<hbm>> -> memref<1x128x128xf32, #tpu.memory_space<hbm>>
    %dma_start3A_232 = tpu.memref_squeeze %dma_start3A_231 : memref<1x128x128xf32, #tpu.memory_space<hbm>> -> memref<128x128xf32, #tpu.memory_space<hbm>>
    %dma_start3A_233 = arith.constant 128 : i32
    %dma_start3A_234 = arith.constant 0 : i32
    %dma_start3A_235 = tpu.memref_slice %arg7[%dma_start3A_233, %dma_start3A_234] : memref<512x128xf32, #tpu.memory_space<vmem>> -> memref<128x128xf32, #tpu.memory_space<vmem>>
    tpu.enqueue_dma source(%dma_start3A_235 : memref<128x128xf32, #tpu.memory_space<vmem>>) target(%dma_start3A_232 : memref<128x128xf32, #tpu.memory_space<hbm>>) target_semaphore(%dma_start3A_229 : memref<!tpu.dma_semaphore, #tpu.memory_space<semaphore_mem>>)
    %dma_wait3A_236 = arith.constant 2 : i32
    %dma_wait3A_237 = arith.constant 256 : i32
    %dma_wait3A_238 = arith.constant 0 : i32
    %dma_wait3A_239 = tpu.memref_slice %arg7[%dma_wait3A_237, %dma_wait3A_238] : memref<512x128xf32, #tpu.memory_space<vmem>> -> memref<128x128xf32, #tpu.memory_space<vmem>>
    %dma_wait3A_240 = arith.constant 256 : i32
    %dma_wait3A_241 = tpu.memref_slice %arg6[%dma_wait3A_240] : memref<512xi32, #tpu.memory_space<vmem>> -> memref<128xi32, #tpu.memory_space<vmem>>
    %dma_wait3A_242 = arith.constant 0 : i32
    %dma_wait3A_243 = arith.constant 0 : i32
    %dma_wait3A_244 = tpu.memref_slice %arg4[%dma_wait3A_242, %dma_wait3A_243] : memref<1000000x128xf32, #tpu.memory_space<hbm>> -> memref<1000000x128xf32, #tpu.memory_space<hbm>>
    %dma_wait3A_245 = tpu.memref_slice %arg10[%dma_wait3A_236] : memref<4x!tpu.dma_semaphore, #tpu.memory_space<semaphore_mem>> -> memref<1x!tpu.dma_semaphore, #tpu.memory_space<semaphore_mem>>
    %dma_wait3A_246 = tpu.memref_squeeze %dma_wait3A_245 : memref<1x!tpu.dma_semaphore, #tpu.memory_space<semaphore_mem>> -> memref<!tpu.dma_semaphore, #tpu.memory_space<semaphore_mem>>
    tpu.wait_indirect_dma semaphore(%dma_wait3A_246 : memref<!tpu.dma_semaphore, #tpu.memory_space<semaphore_mem>>) src(%dma_wait3A_244 : memref<1000000x128xf32, #tpu.memory_space<hbm>>) dst(%dma_wait3A_239 : memref<128x128xf32, #tpu.memory_space<vmem>>)
    %dma_wait3A_247 = arith.constant 2 : i32
    %dma_wait3A_248 = arith.constant 128 : i32
    %dma_wait3A_249 = arith.constant 0 : i32
    %dma_wait3A_250 = tpu.memref_slice %arg8[%dma_wait3A_248, %dma_wait3A_249] : memref<256x128xi32, #tpu.memory_space<vmem>> -> memref<64x128xi32, #tpu.memory_space<vmem>>
    %dma_wait3A_251 = arith.constant 0 : i32
    %dma_wait3A_252 = tpu.memref_slice %arg3[%add3A_119, %dma_wait3A_251] : memref<2048x128xi32, #tpu.memory_space<hbm>> -> memref<64x128xi32, #tpu.memory_space<hbm>>
    %dma_wait3A_253 = tpu.memref_slice %arg9[%dma_wait3A_247] : memref<4x!tpu.dma_semaphore, #tpu.memory_space<semaphore_mem>> -> memref<1x!tpu.dma_semaphore, #tpu.memory_space<semaphore_mem>>
    %dma_wait3A_254 = tpu.memref_squeeze %dma_wait3A_253 : memref<1x!tpu.dma_semaphore, #tpu.memory_space<semaphore_mem>> -> memref<!tpu.dma_semaphore, #tpu.memory_space<semaphore_mem>>
    %dma_wait3A_255 = arith.constant 128 : i32
    %dma_wait3A_256 = arith.constant 0 : i32
    %dma_wait3A_257 = tpu.memref_slice %arg8[%dma_wait3A_255, %dma_wait3A_256] : memref<256x128xi32, #tpu.memory_space<vmem>> -> memref<64x128xi32, #tpu.memory_space<vmem>>
    %dma_wait3A_258 = arith.constant 0 : i32
    %dma_wait3A_259 = tpu.memref_slice %arg3[%add3A_119, %dma_wait3A_258] : memref<2048x128xi32, #tpu.memory_space<hbm>> -> memref<64x128xi32, #tpu.memory_space<hbm>>
    tpu.wait_dma2 semaphore(%dma_wait3A_254 : memref<!tpu.dma_semaphore, #tpu.memory_space<semaphore_mem>>) src(%dma_wait3A_259 : memref<64x128xi32, #tpu.memory_space<hbm>>) dst(%dma_wait3A_257 : memref<64x128xi32, #tpu.memory_space<vmem>>)
    %parallel_loop3A_260 = arith.constant 128 : i32
    %parallel_loop3A_261 = arith.constant 192 : i32
    %parallel_loop3A_262 = arith.constant 1 : i32
    %parallel_loop3A_263 = arith.constant -65536 : i32
    scf.for %parallel_loop3A_386 = %parallel_loop3A_260 to %parallel_loop3A_261 step %parallel_loop3A_262  : i32 {
      %parallel_loop3A_387 = arith.constant 2 : i32
      %parallel_loop3A_388 = arith.muli %parallel_loop3A_387, %parallel_loop3A_386 : i32
      %parallel_loop3A_389 = arith.constant 0 : i32
      %parallel_loop3A_390 = arith.addi %parallel_loop3A_388, %parallel_loop3A_389 : i32
      %parallel_loop3A_391 = arith.index_cast %parallel_loop3A_386 : i32 to index
      %parallel_loop3A_392 = arith.constant 0 : index
      %parallel_loop3A_393 = tpu.vector_load %arg8[%parallel_loop3A_391, %parallel_loop3A_392] {strides = array<i32>} : memref<256x128xi32, #tpu.memory_space<vmem>>, vector<1x16xi32>,
      %parallel_loop3A_394 = vector.shape_cast %parallel_loop3A_393 : vector<1x16xi32> to vector<16xi32>
      %parallel_loop3A_395 = arith.constant 16 : i32
      %parallel_loop3A_396 = vector.broadcast %parallel_loop3A_395 : i32 to vector<16xi32>
      %parallel_loop3A_397 = arith.shli %parallel_loop3A_394, %parallel_loop3A_396 : vector<16xi32>
      %parallel_loop3A_398 = tpu.bitcast %parallel_loop3A_397 : vector<16xi32> -> vector<16xf32>
      %parallel_loop3A_399 = vector.broadcast %parallel_loop3A_263 : i32 to vector<16xi32>
      %parallel_loop3A_400 = arith.andi %parallel_loop3A_394, %parallel_loop3A_399 : vector<16xi32>
      %parallel_loop3A_401 = tpu.bitcast %parallel_loop3A_400 : vector<16xi32> -> vector<16xf32>
      %parallel_loop3A_402 = arith.index_cast %parallel_loop3A_390 : i32 to index
      %parallel_loop3A_403 = arith.constant 0 : index
      %parallel_loop3A_404 = tpu.vector_load %arg7[%parallel_loop3A_402, %parallel_loop3A_403] {strides = array<i32>} : memref<512x128xf32, #tpu.memory_space<vmem>>, vector<1x16xf32>,
      %parallel_loop3A_405 = vector.shape_cast %parallel_loop3A_404 : vector<1x16xf32> to vector<16xf32>
      %parallel_loop3A_406 = arith.constant 11.3137083 : f32
      %parallel_loop3A_407 = vector.broadcast %parallel_loop3A_406 : f32 to vector<16xf32>
      %parallel_loop3A_408 = arith.mulf %parallel_loop3A_405, %parallel_loop3A_407 : vector<16xf32>
      %parallel_loop3A_409 = arith.addf %parallel_loop3A_408, %parallel_loop3A_398 : vector<16xf32>
      %parallel_loop3A_410 = arith.index_cast %parallel_loop3A_390 : i32 to index
      %parallel_loop3A_411 = arith.constant 0 : index
      %parallel_loop3A_412 = tpu.vector_load %arg7[%parallel_loop3A_410, %parallel_loop3A_411] {strides = array<i32>} : memref<512x128xf32, #tpu.memory_space<vmem>>, vector<1x16xf32>,
      %parallel_loop3A_413 = vector.shape_cast %parallel_loop3A_412 : vector<1x16xf32> to vector<16xf32>
      %parallel_loop3A_414 = vector.shape_cast %parallel_loop3A_409 : vector<16xf32> to vector<1x16xf32>
      tpu.vector_store %arg7[%parallel_loop3A_410, %parallel_loop3A_411], %parallel_loop3A_414 {strides = array<i32>} : memref<512x128xf32, #tpu.memory_space<vmem>>, vector<1x16xf32>,
      %parallel_loop3A_415 = arith.index_cast %parallel_loop3A_390 : i32 to index
      %parallel_loop3A_416 = arith.constant 16 : index
      %parallel_loop3A_417 = tpu.vector_load %arg7[%parallel_loop3A_415, %parallel_loop3A_416] {strides = array<i32>} : memref<512x128xf32, #tpu.memory_space<vmem>>, vector<1x16xf32>,
      %parallel_loop3A_418 = vector.shape_cast %parallel_loop3A_417 : vector<1x16xf32> to vector<16xf32>
      %parallel_loop3A_419 = arith.constant 11.3137083 : f32
      %parallel_loop3A_420 = vector.broadcast %parallel_loop3A_419 : f32 to vector<16xf32>
      %parallel_loop3A_421 = arith.mulf %parallel_loop3A_418, %parallel_loop3A_420 : vector<16xf32>
      %parallel_loop3A_422 = arith.addf %parallel_loop3A_421, %parallel_loop3A_401 : vector<16xf32>
      %parallel_loop3A_423 = arith.index_cast %parallel_loop3A_390 : i32 to index
      %parallel_loop3A_424 = arith.constant 16 : index
      %parallel_loop3A_425 = tpu.vector_load %arg7[%parallel_loop3A_423, %parallel_loop3A_424] {strides = array<i32>} : memref<512x128xf32, #tpu.memory_space<vmem>>, vector<1x16xf32>,
      %parallel_loop3A_426 = vector.shape_cast %parallel_loop3A_425 : vector<1x16xf32> to vector<16xf32>
      %parallel_loop3A_427 = vector.shape_cast %parallel_loop3A_422 : vector<16xf32> to vector<1x16xf32>
      tpu.vector_store %arg7[%parallel_loop3A_423, %parallel_loop3A_424], %parallel_loop3A_427 {strides = array<i32>} : memref<512x128xf32, #tpu.memory_space<vmem>>, vector<1x16xf32>,
      %parallel_loop3A_428 = arith.index_cast %parallel_loop3A_386 : i32 to index
      %parallel_loop3A_429 = arith.constant 16 : index
      %parallel_loop3A_430 = tpu.vector_load %arg8[%parallel_loop3A_428, %parallel_loop3A_429] {strides = array<i32>} : memref<256x128xi32, #tpu.memory_space<vmem>>, vector<1x16xi32>,
      %parallel_loop3A_431 = vector.shape_cast %parallel_loop3A_430 : vector<1x16xi32> to vector<16xi32>
      %parallel_loop3A_432 = arith.constant 16 : i32
      %parallel_loop3A_433 = vector.broadcast %parallel_loop3A_432 : i32 to vector<16xi32>
      %parallel_loop3A_434 = arith.shli %parallel_loop3A_431, %parallel_loop3A_433 : vector<16xi32>
      %parallel_loop3A_435 = tpu.bitcast %parallel_loop3A_434 : vector<16xi32> -> vector<16xf32>
      %parallel_loop3A_436 = vector.broadcast %parallel_loop3A_263 : i32 to vector<16xi32>
      %parallel_loop3A_437 = arith.andi %parallel_loop3A_431, %parallel_loop3A_436 : vector<16xi32>
      %parallel_loop3A_438 = tpu.bitcast %parallel_loop3A_437 : vector<16xi32> -> vector<16xf32>
      %parallel_loop3A_439 = arith.index_cast %parallel_loop3A_390 : i32 to index
      %parallel_loop3A_440 = arith.constant 32 : index
      %parallel_loop3A_441 = tpu.vector_load %arg7[%parallel_loop3A_439, %parallel_loop3A_440] {strides = array<i32>} : memref<512x128xf32, #tpu.memory_space<vmem>>, vector<1x16xf32>,
      %parallel_loop3A_442 = vector.shape_cast %parallel_loop3A_441 : vector<1x16xf32> to vector<16xf32>
      %parallel_loop3A_443 = arith.constant 11.3137083 : f32
      %parallel_loop3A_444 = vector.broadcast %parallel_loop3A_443 : f32 to vector<16xf32>
      %parallel_loop3A_445 = arith.mulf %parallel_loop3A_442, %parallel_loop3A_444 : vector<16xf32>
      %parallel_loop3A_446 = arith.addf %parallel_loop3A_445, %parallel_loop3A_435 : vector<16xf32>
      %parallel_loop3A_447 = arith.index_cast %parallel_loop3A_390 : i32 to index
      %parallel_loop3A_448 = arith.constant 32 : index
      %parallel_loop3A_449 = tpu.vector_load %arg7[%parallel_loop3A_447, %parallel_loop3A_448] {strides = array<i32>} : memref<512x128xf32, #tpu.memory_space<vmem>>, vector<1x16xf32>,
      %parallel_loop3A_450 = vector.shape_cast %parallel_loop3A_449 : vector<1x16xf32> to vector<16xf32>
      %parallel_loop3A_451 = vector.shape_cast %parallel_loop3A_446 : vector<16xf32> to vector<1x16xf32>
      tpu.vector_store %arg7[%parallel_loop3A_447, %parallel_loop3A_448], %parallel_loop3A_451 {strides = array<i32>} : memref<512x128xf32, #tpu.memory_space<vmem>>, vector<1x16xf32>,
      %parallel_loop3A_452 = arith.index_cast %parallel_loop3A_390 : i32 to index
      %parallel_loop3A_453 = arith.constant 48 : index
      %parallel_loop3A_454 = tpu.vector_load %arg7[%parallel_loop3A_452, %parallel_loop3A_453] {strides = array<i32>} : memref<512x128xf32, #tpu.memory_space<vmem>>, vector<1x16xf32>,
      %parallel_loop3A_455 = vector.shape_cast %parallel_loop3A_454 : vector<1x16xf32> to vector<16xf32>
      %parallel_loop3A_456 = arith.constant 11.3137083 : f32
      %parallel_loop3A_457 = vector.broadcast %parallel_loop3A_456 : f32 to vector<16xf32>
      %parallel_loop3A_458 = arith.mulf %parallel_loop3A_455, %parallel_loop3A_457 : vector<16xf32>
      %parallel_loop3A_459 = arith.addf %parallel_loop3A_458, %parallel_loop3A_438 : vector<16xf32>
      %parallel_loop3A_460 = arith.index_cast %parallel_loop3A_390 : i32 to index
      %parallel_loop3A_461 = arith.constant 48 : index
      %parallel_loop3A_462 = tpu.vector_load %arg7[%parallel_loop3A_460, %parallel_loop3A_461] {strides = array<i32>} : memref<512x128xf32, #tpu.memory_space<vmem>>, vector<1x16xf32>,
      %parallel_loop3A_463 = vector.shape_cast %parallel_loop3A_462 : vector<1x16xf32> to vector<16xf32>
      %parallel_loop3A_464 = vector.shape_cast %parallel_loop3A_459 : vector<16xf32> to vector<1x16xf32>
      tpu.vector_store %arg7[%parallel_loop3A_460, %parallel_loop3A_461], %parallel_loop3A_464 {strides = array<i32>} : memref<512x128xf32, #tpu.memory_space<vmem>>, vector<1x16xf32>,
      %parallel_loop3A_465 = arith.index_cast %parallel_loop3A_386 : i32 to index
      %parallel_loop3A_466 = arith.constant 32 : index
      %parallel_loop3A_467 = tpu.vector_load %arg8[%parallel_loop3A_465, %parallel_loop3A_466] {strides = array<i32>} : memref<256x128xi32, #tpu.memory_space<vmem>>, vector<1x16xi32>,
      %parallel_loop3A_468 = vector.shape_cast %parallel_loop3A_467 : vector<1x16xi32> to vector<16xi32>
      %parallel_loop3A_469 = arith.constant 16 : i32
      %parallel_loop3A_470 = vector.broadcast %parallel_loop3A_469 : i32 to vector<16xi32>
      %parallel_loop3A_471 = arith.shli %parallel_loop3A_468, %parallel_loop3A_470 : vector<16xi32>
      %parallel_loop3A_472 = tpu.bitcast %parallel_loop3A_471 : vector<16xi32> -> vector<16xf32>
      %parallel_loop3A_473 = vector.broadcast %parallel_loop3A_263 : i32 to vector<16xi32>
      %parallel_loop3A_474 = arith.andi %parallel_loop3A_468, %parallel_loop3A_473 : vector<16xi32>
      %parallel_loop3A_475 = tpu.bitcast %parallel_loop3A_474 : vector<16xi32> -> vector<16xf32>
      %parallel_loop3A_476 = arith.index_cast %parallel_loop3A_390 : i32 to index
      %parallel_loop3A_477 = arith.constant 64 : index
      %parallel_loop3A_478 = tpu.vector_load %arg7[%parallel_loop3A_476, %parallel_loop3A_477] {strides = array<i32>} : memref<512x128xf32, #tpu.memory_space<vmem>>, vector<1x16xf32>,
      %parallel_loop3A_479 = vector.shape_cast %parallel_loop3A_478 : vector<1x16xf32> to vector<16xf32>
      %parallel_loop3A_480 = arith.constant 11.3137083 : f32
      %parallel_loop3A_481 = vector.broadcast %parallel_loop3A_480 : f32 to vector<16xf32>
      %parallel_loop3A_482 = arith.mulf %parallel_loop3A_479, %parallel_loop3A_481 : vector<16xf32>
      %parallel_loop3A_483 = arith.addf %parallel_loop3A_482, %parallel_loop3A_472 : vector<16xf32>
      %parallel_loop3A_484 = arith.index_cast %parallel_loop3A_390 : i32 to index
      %parallel_loop3A_485 = arith.constant 64 : index
      %parallel_loop3A_486 = tpu.vector_load %arg7[%parallel_loop3A_484, %parallel_loop3A_485] {strides = array<i32>} : memref<512x128xf32, #tpu.memory_space<vmem>>, vector<1x16xf32>,
      %parallel_loop3A_487 = vector.shape_cast %parallel_loop3A_486 : vector<1x16xf32> to vector<16xf32>
      %parallel_loop3A_488 = vector.shape_cast %parallel_loop3A_483 : vector<16xf32> to vector<1x16xf32>
      tpu.vector_store %arg7[%parallel_loop3A_484, %parallel_loop3A_485], %parallel_loop3A_488 {strides = array<i32>} : memref<512x128xf32, #tpu.memory_space<vmem>>, vector<1x16xf32>,
      %parallel_loop3A_489 = arith.index_cast %parallel_loop3A_390 : i32 to index
      %parallel_loop3A_490 = arith.constant 80 : index
      %parallel_loop3A_491 = tpu.vector_load %arg7[%parallel_loop3A_489, %parallel_loop3A_490] {strides = array<i32>} : memref<512x128xf32, #tpu.memory_space<vmem>>, vector<1x16xf32>,
      %parallel_loop3A_492 = vector.shape_cast %parallel_loop3A_491 : vector<1x16xf32> to vector<16xf32>
      %parallel_loop3A_493 = arith.constant 11.3137083 : f32
      %parallel_loop3A_494 = vector.broadcast %parallel_loop3A_493 : f32 to vector<16xf32>
      %parallel_loop3A_495 = arith.mulf %parallel_loop3A_492, %parallel_loop3A_494 : vector<16xf32>
      %parallel_loop3A_496 = arith.addf %parallel_loop3A_495, %parallel_loop3A_475 : vector<16xf32>
      %parallel_loop3A_497 = arith.index_cast %parallel_loop3A_390 : i32 to index
      %parallel_loop3A_498 = arith.constant 80 : index
      %parallel_loop3A_499 = tpu.vector_load %arg7[%parallel_loop3A_497, %parallel_loop3A_498] {strides = array<i32>} : memref<512x128xf32, #tpu.memory_space<vmem>>, vector<1x16xf32>,
      %parallel_loop3A_500 = vector.shape_cast %parallel_loop3A_499 : vector<1x16xf32> to vector<16xf32>
      %parallel_loop3A_501 = vector.shape_cast %parallel_loop3A_496 : vector<16xf32> to vector<1x16xf32>
      tpu.vector_store %arg7[%parallel_loop3A_497, %parallel_loop3A_498], %parallel_loop3A_501 {strides = array<i32>} : memref<512x128xf32, #tpu.memory_space<vmem>>, vector<1x16xf32>,
      %parallel_loop3A_502 = arith.index_cast %parallel_loop3A_386 : i32 to index
      %parallel_loop3A_503 = arith.constant 48 : index
      %parallel_loop3A_504 = tpu.vector_load %arg8[%parallel_loop3A_502, %parallel_loop3A_503] {strides = array<i32>} : memref<256x128xi32, #tpu.memory_space<vmem>>, vector<1x16xi32>,
      %parallel_loop3A_505 = vector.shape_cast %parallel_loop3A_504 : vector<1x16xi32> to vector<16xi32>
      %parallel_loop3A_506 = arith.constant 16 : i32
      %parallel_loop3A_507 = vector.broadcast %parallel_loop3A_506 : i32 to vector<16xi32>
      %parallel_loop3A_508 = arith.shli %parallel_loop3A_505, %parallel_loop3A_507 : vector<16xi32>
      %parallel_loop3A_509 = tpu.bitcast %parallel_loop3A_508 : vector<16xi32> -> vector<16xf32>
      %parallel_loop3A_510 = vector.broadcast %parallel_loop3A_263 : i32 to vector<16xi32>
      %parallel_loop3A_511 = arith.andi %parallel_loop3A_505, %parallel_loop3A_510 : vector<16xi32>
      %parallel_loop3A_512 = tpu.bitcast %parallel_loop3A_511 : vector<16xi32> -> vector<16xf32>
      %parallel_loop3A_513 = arith.index_cast %parallel_loop3A_390 : i32 to index
      %parallel_loop3A_514 = arith.constant 96 : index
      %parallel_loop3A_515 = tpu.vector_load %arg7[%parallel_loop3A_513, %parallel_loop3A_514] {strides = array<i32>} : memref<512x128xf32, #tpu.memory_space<vmem>>, vector<1x16xf32>,
      %parallel_loop3A_516 = vector.shape_cast %parallel_loop3A_515 : vector<1x16xf32> to vector<16xf32>
      %parallel_loop3A_517 = arith.constant 11.3137083 : f32
      %parallel_loop3A_518 = vector.broadcast %parallel_loop3A_517 : f32 to vector<16xf32>
      %parallel_loop3A_519 = arith.mulf %parallel_loop3A_516, %parallel_loop3A_518 : vector<16xf32>
      %parallel_loop3A_520 = arith.addf %parallel_loop3A_519, %parallel_loop3A_509 : vector<16xf32>
      %parallel_loop3A_521 = arith.index_cast %parallel_loop3A_390 : i32 to index
      %parallel_loop3A_522 = arith.constant 96 : index
      %parallel_loop3A_523 = tpu.vector_load %arg7[%parallel_loop3A_521, %parallel_loop3A_522] {strides = array<i32>} : memref<512x128xf32, #tpu.memory_space<vmem>>, vector<1x16xf32>,
      %parallel_loop3A_524 = vector.shape_cast %parallel_loop3A_523 : vector<1x16xf32> to vector<16xf32>
      %parallel_loop3A_525 = vector.shape_cast %parallel_loop3A_520 : vector<16xf32> to vector<1x16xf32>
      tpu.vector_store %arg7[%parallel_loop3A_521, %parallel_loop3A_522], %parallel_loop3A_525 {strides = array<i32>} : memref<512x128xf32, #tpu.memory_space<vmem>>, vector<1x16xf32>,
      %parallel_loop3A_526 = arith.index_cast %parallel_loop3A_390 : i32 to index
      %parallel_loop3A_527 = arith.constant 112 : index
      %parallel_loop3A_528 = tpu.vector_load %arg7[%parallel_loop3A_526, %parallel_loop3A_527] {strides = array<i32>} : memref<512x128xf32, #tpu.memory_space<vmem>>, vector<1x16xf32>,
      %parallel_loop3A_529 = vector.shape_cast %parallel_loop3A_528 : vector<1x16xf32> to vector<16xf32>
      %parallel_loop3A_530 = arith.constant 11.3137083 : f32
      %parallel_loop3A_531 = vector.broadcast %parallel_loop3A_530 : f32 to vector<16xf32>
      %parallel_loop3A_532 = arith.mulf %parallel_loop3A_529, %parallel_loop3A_531 : vector<16xf32>
      %parallel_loop3A_533 = arith.addf %parallel_loop3A_532, %parallel_loop3A_512 : vector<16xf32>
      %parallel_loop3A_534 = arith.index_cast %parallel_loop3A_390 : i32 to index
      %parallel_loop3A_535 = arith.constant 112 : index
      %parallel_loop3A_536 = tpu.vector_load %arg7[%parallel_loop3A_534, %parallel_loop3A_535] {strides = array<i32>} : memref<512x128xf32, #tpu.memory_space<vmem>>, vector<1x16xf32>,
      %parallel_loop3A_537 = vector.shape_cast %parallel_loop3A_536 : vector<1x16xf32> to vector<16xf32>
      %parallel_loop3A_538 = vector.shape_cast %parallel_loop3A_533 : vector<16xf32> to vector<1x16xf32>
      tpu.vector_store %arg7[%parallel_loop3A_534, %parallel_loop3A_535], %parallel_loop3A_538 {strides = array<i32>} : memref<512x128xf32, #tpu.memory_space<vmem>>, vector<1x16xf32>,
      %parallel_loop3A_539 = arith.constant 2 : i32
      %parallel_loop3A_540 = arith.muli %parallel_loop3A_539, %parallel_loop3A_386 : i32
      %parallel_loop3A_541 = arith.constant 1 : i32
      %parallel_loop3A_542 = arith.addi %parallel_loop3A_540, %parallel_loop3A_541 : i32
      %parallel_loop3A_543 = arith.index_cast %parallel_loop3A_386 : i32 to index
      %parallel_loop3A_544 = arith.constant 64 : index
      %parallel_loop3A_545 = tpu.vector_load %arg8[%parallel_loop3A_543, %parallel_loop3A_544] {strides = array<i32>} : memref<256x128xi32, #tpu.memory_space<vmem>>, vector<1x16xi32>,
      %parallel_loop3A_546 = vector.shape_cast %parallel_loop3A_545 : vector<1x16xi32> to vector<16xi32>
      %parallel_loop3A_547 = arith.constant 16 : i32
      %parallel_loop3A_548 = vector.broadcast %parallel_loop3A_547 : i32 to vector<16xi32>
      %parallel_loop3A_549 = arith.shli %parallel_loop3A_546, %parallel_loop3A_548 : vector<16xi32>
      %parallel_loop3A_550 = tpu.bitcast %parallel_loop3A_549 : vector<16xi32> -> vector<16xf32>
      %parallel_loop3A_551 = vector.broadcast %parallel_loop3A_263 : i32 to vector<16xi32>
      %parallel_loop3A_552 = arith.andi %parallel_loop3A_546, %parallel_loop3A_551 : vector<16xi32>
      %parallel_loop3A_553 = tpu.bitcast %parallel_loop3A_552 : vector<16xi32> -> vector<16xf32>
      %parallel_loop3A_554 = arith.index_cast %parallel_loop3A_542 : i32 to index
      %parallel_loop3A_555 = arith.constant 0 : index
      %parallel_loop3A_556 = tpu.vector_load %arg7[%parallel_loop3A_554, %parallel_loop3A_555] {strides = array<i32>} : memref<512x128xf32, #tpu.memory_space<vmem>>, vector<1x16xf32>,
      %parallel_loop3A_557 = vector.shape_cast %parallel_loop3A_556 : vector<1x16xf32> to vector<16xf32>
      %parallel_loop3A_558 = arith.constant 11.3137083 : f32
      %parallel_loop3A_559 = vector.broadcast %parallel_loop3A_558 : f32 to vector<16xf32>
      %parallel_loop3A_560 = arith.mulf %parallel_loop3A_557, %parallel_loop3A_559 : vector<16xf32>
      %parallel_loop3A_561 = arith.addf %parallel_loop3A_560, %parallel_loop3A_550 : vector<16xf32>
      %parallel_loop3A_562 = arith.index_cast %parallel_loop3A_542 : i32 to index
      %parallel_loop3A_563 = arith.constant 0 : index
      %parallel_loop3A_564 = tpu.vector_load %arg7[%parallel_loop3A_562, %parallel_loop3A_563] {strides = array<i32>} : memref<512x128xf32, #tpu.memory_space<vmem>>, vector<1x16xf32>,
      %parallel_loop3A_565 = vector.shape_cast %parallel_loop3A_564 : vector<1x16xf32> to vector<16xf32>
      %parallel_loop3A_566 = vector.shape_cast %parallel_loop3A_561 : vector<16xf32> to vector<1x16xf32>
      tpu.vector_store %arg7[%parallel_loop3A_562, %parallel_loop3A_563], %parallel_loop3A_566 {strides = array<i32>} : memref<512x128xf32, #tpu.memory_space<vmem>>, vector<1x16xf32>,
      %parallel_loop3A_567 = arith.index_cast %parallel_loop3A_542 : i32 to index
      %parallel_loop3A_568 = arith.constant 16 : index
      %parallel_loop3A_569 = tpu.vector_load %arg7[%parallel_loop3A_567, %parallel_loop3A_568] {strides = array<i32>} : memref<512x128xf32, #tpu.memory_space<vmem>>, vector<1x16xf32>,
      %parallel_loop3A_570 = vector.shape_cast %parallel_loop3A_569 : vector<1x16xf32> to vector<16xf32>
      %parallel_loop3A_571 = arith.constant 11.3137083 : f32
      %parallel_loop3A_572 = vector.broadcast %parallel_loop3A_571 : f32 to vector<16xf32>
      %parallel_loop3A_573 = arith.mulf %parallel_loop3A_570, %parallel_loop3A_572 : vector<16xf32>
      %parallel_loop3A_574 = arith.addf %parallel_loop3A_573, %parallel_loop3A_553 : vector<16xf32>
      %parallel_loop3A_575 = arith.index_cast %parallel_loop3A_542 : i32 to index
      %parallel_loop3A_576 = arith.constant 16 : index
      %parallel_loop3A_577 = tpu.vector_load %arg7[%parallel_loop3A_575, %parallel_loop3A_576] {strides = array<i32>} : memref<512x128xf32, #tpu.memory_space<vmem>>, vector<1x16xf32>,
      %parallel_loop3A_578 = vector.shape_cast %parallel_loop3A_577 : vector<1x16xf32> to vector<16xf32>
      %parallel_loop3A_579 = vector.shape_cast %parallel_loop3A_574 : vector<16xf32> to vector<1x16xf32>
      tpu.vector_store %arg7[%parallel_loop3A_575, %parallel_loop3A_576], %parallel_loop3A_579 {strides = array<i32>} : memref<512x128xf32, #tpu.memory_space<vmem>>, vector<1x16xf32>,
      %parallel_loop3A_580 = arith.index_cast %parallel_loop3A_386 : i32 to index
      %parallel_loop3A_581 = arith.constant 80 : index
      %parallel_loop3A_582 = tpu.vector_load %arg8[%parallel_loop3A_580, %parallel_loop3A_581] {strides = array<i32>} : memref<256x128xi32, #tpu.memory_space<vmem>>, vector<1x16xi32>,
      %parallel_loop3A_583 = vector.shape_cast %parallel_loop3A_582 : vector<1x16xi32> to vector<16xi32>
      %parallel_loop3A_584 = arith.constant 16 : i32
      %parallel_loop3A_585 = vector.broadcast %parallel_loop3A_584 : i32 to vector<16xi32>
      %parallel_loop3A_586 = arith.shli %parallel_loop3A_583, %parallel_loop3A_585 : vector<16xi32>
      %parallel_loop3A_587 = tpu.bitcast %parallel_loop3A_586 : vector<16xi32> -> vector<16xf32>
      %parallel_loop3A_588 = vector.broadcast %parallel_loop3A_263 : i32 to vector<16xi32>
      %parallel_loop3A_589 = arith.andi %parallel_loop3A_583, %parallel_loop3A_588 : vector<16xi32>
      %parallel_loop3A_590 = tpu.bitcast %parallel_loop3A_589 : vector<16xi32> -> vector<16xf32>
      %parallel_loop3A_591 = arith.index_cast %parallel_loop3A_542 : i32 to index
      %parallel_loop3A_592 = arith.constant 32 : index
      %parallel_loop3A_593 = tpu.vector_load %arg7[%parallel_loop3A_591, %parallel_loop3A_592] {strides = array<i32>} : memref<512x128xf32, #tpu.memory_space<vmem>>, vector<1x16xf32>,
      %parallel_loop3A_594 = vector.shape_cast %parallel_loop3A_593 : vector<1x16xf32> to vector<16xf32>
      %parallel_loop3A_595 = arith.constant 11.3137083 : f32
      %parallel_loop3A_596 = vector.broadcast %parallel_loop3A_595 : f32 to vector<16xf32>
      %parallel_loop3A_597 = arith.mulf %parallel_loop3A_594, %parallel_loop3A_596 : vector<16xf32>
      %parallel_loop3A_598 = arith.addf %parallel_loop3A_597, %parallel_loop3A_587 : vector<16xf32>
      %parallel_loop3A_599 = arith.index_cast %parallel_loop3A_542 : i32 to index
      %parallel_loop3A_600 = arith.constant 32 : index
      %parallel_loop3A_601 = tpu.vector_load %arg7[%parallel_loop3A_599, %parallel_loop3A_600] {strides = array<i32>} : memref<512x128xf32, #tpu.memory_space<vmem>>, vector<1x16xf32>,
      %parallel_loop3A_602 = vector.shape_cast %parallel_loop3A_601 : vector<1x16xf32> to vector<16xf32>
      %parallel_loop3A_603 = vector.shape_cast %parallel_loop3A_598 : vector<16xf32> to vector<1x16xf32>
      tpu.vector_store %arg7[%parallel_loop3A_599, %parallel_loop3A_600], %parallel_loop3A_603 {strides = array<i32>} : memref<512x128xf32, #tpu.memory_space<vmem>>, vector<1x16xf32>,
      %parallel_loop3A_604 = arith.index_cast %parallel_loop3A_542 : i32 to index
      %parallel_loop3A_605 = arith.constant 48 : index
      %parallel_loop3A_606 = tpu.vector_load %arg7[%parallel_loop3A_604, %parallel_loop3A_605] {strides = array<i32>} : memref<512x128xf32, #tpu.memory_space<vmem>>, vector<1x16xf32>,
      %parallel_loop3A_607 = vector.shape_cast %parallel_loop3A_606 : vector<1x16xf32> to vector<16xf32>
      %parallel_loop3A_608 = arith.constant 11.3137083 : f32
      %parallel_loop3A_609 = vector.broadcast %parallel_loop3A_608 : f32 to vector<16xf32>
      %parallel_loop3A_610 = arith.mulf %parallel_loop3A_607, %parallel_loop3A_609 : vector<16xf32>
      %parallel_loop3A_611 = arith.addf %parallel_loop3A_610, %parallel_loop3A_590 : vector<16xf32>
      %parallel_loop3A_612 = arith.index_cast %parallel_loop3A_542 : i32 to index
      %parallel_loop3A_613 = arith.constant 48 : index
      %parallel_loop3A_614 = tpu.vector_load %arg7[%parallel_loop3A_612, %parallel_loop3A_613] {strides = array<i32>} : memref<512x128xf32, #tpu.memory_space<vmem>>, vector<1x16xf32>,
      %parallel_loop3A_615 = vector.shape_cast %parallel_loop3A_614 : vector<1x16xf32> to vector<16xf32>
      %parallel_loop3A_616 = vector.shape_cast %parallel_loop3A_611 : vector<16xf32> to vector<1x16xf32>
      tpu.vector_store %arg7[%parallel_loop3A_612, %parallel_loop3A_613], %parallel_loop3A_616 {strides = array<i32>} : memref<512x128xf32, #tpu.memory_space<vmem>>, vector<1x16xf32>,
      %parallel_loop3A_617 = arith.index_cast %parallel_loop3A_386 : i32 to index
      %parallel_loop3A_618 = arith.constant 96 : index
      %parallel_loop3A_619 = tpu.vector_load %arg8[%parallel_loop3A_617, %parallel_loop3A_618] {strides = array<i32>} : memref<256x128xi32, #tpu.memory_space<vmem>>, vector<1x16xi32>,
      %parallel_loop3A_620 = vector.shape_cast %parallel_loop3A_619 : vector<1x16xi32> to vector<16xi32>
      %parallel_loop3A_621 = arith.constant 16 : i32
      %parallel_loop3A_622 = vector.broadcast %parallel_loop3A_621 : i32 to vector<16xi32>
      %parallel_loop3A_623 = arith.shli %parallel_loop3A_620, %parallel_loop3A_622 : vector<16xi32>
      %parallel_loop3A_624 = tpu.bitcast %parallel_loop3A_623 : vector<16xi32> -> vector<16xf32>
      %parallel_loop3A_625 = vector.broadcast %parallel_loop3A_263 : i32 to vector<16xi32>
      %parallel_loop3A_626 = arith.andi %parallel_loop3A_620, %parallel_loop3A_625 : vector<16xi32>
      %parallel_loop3A_627 = tpu.bitcast %parallel_loop3A_626 : vector<16xi32> -> vector<16xf32>
      %parallel_loop3A_628 = arith.index_cast %parallel_loop3A_542 : i32 to index
      %parallel_loop3A_629 = arith.constant 64 : index
      %parallel_loop3A_630 = tpu.vector_load %arg7[%parallel_loop3A_628, %parallel_loop3A_629] {strides = array<i32>} : memref<512x128xf32, #tpu.memory_space<vmem>>, vector<1x16xf32>,
      %parallel_loop3A_631 = vector.shape_cast %parallel_loop3A_630 : vector<1x16xf32> to vector<16xf32>
      %parallel_loop3A_632 = arith.constant 11.3137083 : f32
      %parallel_loop3A_633 = vector.broadcast %parallel_loop3A_632 : f32 to vector<16xf32>
      %parallel_loop3A_634 = arith.mulf %parallel_loop3A_631, %parallel_loop3A_633 : vector<16xf32>
      %parallel_loop3A_635 = arith.addf %parallel_loop3A_634, %parallel_loop3A_624 : vector<16xf32>
      %parallel_loop3A_636 = arith.index_cast %parallel_loop3A_542 : i32 to index
      %parallel_loop3A_637 = arith.constant 64 : index
      %parallel_loop3A_638 = tpu.vector_load %arg7[%parallel_loop3A_636, %parallel_loop3A_637] {strides = array<i32>} : memref<512x128xf32, #tpu.memory_space<vmem>>, vector<1x16xf32>,
      %parallel_loop3A_639 = vector.shape_cast %parallel_loop3A_638 : vector<1x16xf32> to vector<16xf32>
      %parallel_loop3A_640 = vector.shape_cast %parallel_loop3A_635 : vector<16xf32> to vector<1x16xf32>
      tpu.vector_store %arg7[%parallel_loop3A_636, %parallel_loop3A_637], %parallel_loop3A_640 {strides = array<i32>} : memref<512x128xf32, #tpu.memory_space<vmem>>, vector<1x16xf32>,
      %parallel_loop3A_641 = arith.index_cast %parallel_loop3A_542 : i32 to index
      %parallel_loop3A_642 = arith.constant 80 : index
      %parallel_loop3A_643 = tpu.vector_load %arg7[%parallel_loop3A_641, %parallel_loop3A_642] {strides = array<i32>} : memref<512x128xf32, #tpu.memory_space<vmem>>, vector<1x16xf32>,
      %parallel_loop3A_644 = vector.shape_cast %parallel_loop3A_643 : vector<1x16xf32> to vector<16xf32>
      %parallel_loop3A_645 = arith.constant 11.3137083 : f32
      %parallel_loop3A_646 = vector.broadcast %parallel_loop3A_645 : f32 to vector<16xf32>
      %parallel_loop3A_647 = arith.mulf %parallel_loop3A_644, %parallel_loop3A_646 : vector<16xf32>
      %parallel_loop3A_648 = arith.addf %parallel_loop3A_647, %parallel_loop3A_627 : vector<16xf32>
      %parallel_loop3A_649 = arith.index_cast %parallel_loop3A_542 : i32 to index
      %parallel_loop3A_650 = arith.constant 80 : index
      %parallel_loop3A_651 = tpu.vector_load %arg7[%parallel_loop3A_649, %parallel_loop3A_650] {strides = array<i32>} : memref<512x128xf32, #tpu.memory_space<vmem>>, vector<1x16xf32>,
      %parallel_loop3A_652 = vector.shape_cast %parallel_loop3A_651 : vector<1x16xf32> to vector<16xf32>
      %parallel_loop3A_653 = vector.shape_cast %parallel_loop3A_648 : vector<16xf32> to vector<1x16xf32>
      tpu.vector_store %arg7[%parallel_loop3A_649, %parallel_loop3A_650], %parallel_loop3A_653 {strides = array<i32>} : memref<512x128xf32, #tpu.memory_space<vmem>>, vector<1x16xf32>,
      %parallel_loop3A_654 = arith.index_cast %parallel_loop3A_386 : i32 to index
      %parallel_loop3A_655 = arith.constant 112 : index
      %parallel_loop3A_656 = tpu.vector_load %arg8[%parallel_loop3A_654, %parallel_loop3A_655] {strides = array<i32>} : memref<256x128xi32, #tpu.memory_space<vmem>>, vector<1x16xi32>,
      %parallel_loop3A_657 = vector.shape_cast %parallel_loop3A_656 : vector<1x16xi32> to vector<16xi32>
      %parallel_loop3A_658 = arith.constant 16 : i32
      %parallel_loop3A_659 = vector.broadcast %parallel_loop3A_658 : i32 to vector<16xi32>
      %parallel_loop3A_660 = arith.shli %parallel_loop3A_657, %parallel_loop3A_659 : vector<16xi32>
      %parallel_loop3A_661 = tpu.bitcast %parallel_loop3A_660 : vector<16xi32> -> vector<16xf32>
      %parallel_loop3A_662 = vector.broadcast %parallel_loop3A_263 : i32 to vector<16xi32>
      %parallel_loop3A_663 = arith.andi %parallel_loop3A_657, %parallel_loop3A_662 : vector<16xi32>
      %parallel_loop3A_664 = tpu.bitcast %parallel_loop3A_663 : vector<16xi32> -> vector<16xf32>
      %parallel_loop3A_665 = arith.index_cast %parallel_loop3A_542 : i32 to index
      %parallel_loop3A_666 = arith.constant 96 : index
      %parallel_loop3A_667 = tpu.vector_load %arg7[%parallel_loop3A_665, %parallel_loop3A_666] {strides = array<i32>} : memref<512x128xf32, #tpu.memory_space<vmem>>, vector<1x16xf32>,
      %parallel_loop3A_668 = vector.shape_cast %parallel_loop3A_667 : vector<1x16xf32> to vector<16xf32>
      %parallel_loop3A_669 = arith.constant 11.3137083 : f32
      %parallel_loop3A_670 = vector.broadcast %parallel_loop3A_669 : f32 to vector<16xf32>
      %parallel_loop3A_671 = arith.mulf %parallel_loop3A_668, %parallel_loop3A_670 : vector<16xf32>
      %parallel_loop3A_672 = arith.addf %parallel_loop3A_671, %parallel_loop3A_661 : vector<16xf32>
      %parallel_loop3A_673 = arith.index_cast %parallel_loop3A_542 : i32 to index
      %parallel_loop3A_674 = arith.constant 96 : index
      %parallel_loop3A_675 = tpu.vector_load %arg7[%parallel_loop3A_673, %parallel_loop3A_674] {strides = array<i32>} : memref<512x128xf32, #tpu.memory_space<vmem>>, vector<1x16xf32>,
      %parallel_loop3A_676 = vector.shape_cast %parallel_loop3A_675 : vector<1x16xf32> to vector<16xf32>
      %parallel_loop3A_677 = vector.shape_cast %parallel_loop3A_672 : vector<16xf32> to vector<1x16xf32>
      tpu.vector_store %arg7[%parallel_loop3A_673, %parallel_loop3A_674], %parallel_loop3A_677 {strides = array<i32>} : memref<512x128xf32, #tpu.memory_space<vmem>>, vector<1x16xf32>,
      %parallel_loop3A_678 = arith.index_cast %parallel_loop3A_542 : i32 to index
      %parallel_loop3A_679 = arith.constant 112 : index
      %parallel_loop3A_680 = tpu.vector_load %arg7[%parallel_loop3A_678, %parallel_loop3A_679] {strides = array<i32>} : memref<512x128xf32, #tpu.memory_space<vmem>>, vector<1x16xf32>,
      %parallel_loop3A_681 = vector.shape_cast %parallel_loop3A_680 : vector<1x16xf32> to vector<16xf32>
      %parallel_loop3A_682 = arith.constant 11.3137083 : f32
      %parallel_loop3A_683 = vector.broadcast %parallel_loop3A_682 : f32 to vector<16xf32>
      %parallel_loop3A_684 = arith.mulf %parallel_loop3A_681, %parallel_loop3A_683 : vector<16xf32>
      %parallel_loop3A_685 = arith.addf %parallel_loop3A_684, %parallel_loop3A_664 : vector<16xf32>
      %parallel_loop3A_686 = arith.index_cast %parallel_loop3A_542 : i32 to index
      %parallel_loop3A_687 = arith.constant 112 : index
      %parallel_loop3A_688 = tpu.vector_load %arg7[%parallel_loop3A_686, %parallel_loop3A_687] {strides = array<i32>} : memref<512x128xf32, #tpu.memory_space<vmem>>, vector<1x16xf32>,
      %parallel_loop3A_689 = vector.shape_cast %parallel_loop3A_688 : vector<1x16xf32> to vector<16xf32>
      %parallel_loop3A_690 = vector.shape_cast %parallel_loop3A_685 : vector<16xf32> to vector<1x16xf32>
      tpu.vector_store %arg7[%parallel_loop3A_686, %parallel_loop3A_687], %parallel_loop3A_690 {strides = array<i32>} : memref<512x128xf32, #tpu.memory_space<vmem>>, vector<1x16xf32>,
    } {sc.loop_unroll_factor = 2 : i64, sc.parallel_access}
    %add3A_264 = arith.constant 256 : i32
    %add3A_265 = arith.addi %mul3A_20, %add3A_264 : i32
    %dma_start3A_266 = arith.constant 2 : i32
    %dma_start3A_267 = arith.constant 256 : i32
    %dma_start3A_268 = arith.constant 0 : i32
    %dma_start3A_269 = tpu.memref_slice %arg7[%dma_start3A_267, %dma_start3A_268] : memref<512x128xf32, #tpu.memory_space<vmem>> -> memref<128x128xf32, #tpu.memory_space<vmem>>
    %dma_start3A_270 = arith.constant 0 : i32
    %dma_start3A_271 = tpu.memref_slice %arg5[%select_n3A, %add3A_265, %dma_start3A_270] : memref<4x4096x128xf32, #tpu.memory_space<hbm>> -> memref<1x128x128xf32, #tpu.memory_space<hbm>>
    %dma_start3A_272 = tpu.memref_squeeze %dma_start3A_271 : memref<1x128x128xf32, #tpu.memory_space<hbm>> -> memref<128x128xf32, #tpu.memory_space<hbm>>
    %dma_start3A_273 = tpu.memref_slice %arg11[%dma_start3A_266] : memref<4x!tpu.dma_semaphore, #tpu.memory_space<semaphore_mem>> -> memref<1x!tpu.dma_semaphore, #tpu.memory_space<semaphore_mem>>
    %dma_start3A_274 = tpu.memref_squeeze %dma_start3A_273 : memref<1x!tpu.dma_semaphore, #tpu.memory_space<semaphore_mem>> -> memref<!tpu.dma_semaphore, #tpu.memory_space<semaphore_mem>>
    %dma_start3A_275 = arith.constant 0 : i32
    %dma_start3A_276 = tpu.memref_slice %arg5[%select_n3A, %add3A_265, %dma_start3A_275] : memref<4x4096x128xf32, #tpu.memory_space<hbm>> -> memref<1x128x128xf32, #tpu.memory_space<hbm>>
    %dma_start3A_277 = tpu.memref_squeeze %dma_start3A_276 : memref<1x128x128xf32, #tpu.memory_space<hbm>> -> memref<128x128xf32, #tpu.memory_space<hbm>>
    %dma_start3A_278 = arith.constant 256 : i32
    %dma_start3A_279 = arith.constant 0 : i32
    %dma_start3A_280 = tpu.memref_slice %arg7[%dma_start3A_278, %dma_start3A_279] : memref<512x128xf32, #tpu.memory_space<vmem>> -> memref<128x128xf32, #tpu.memory_space<vmem>>
    tpu.enqueue_dma source(%dma_start3A_280 : memref<128x128xf32, #tpu.memory_space<vmem>>) target(%dma_start3A_277 : memref<128x128xf32, #tpu.memory_space<hbm>>) target_semaphore(%dma_start3A_274 : memref<!tpu.dma_semaphore, #tpu.memory_space<semaphore_mem>>)
    %dma_wait3A_281 = arith.constant 3 : i32
    %dma_wait3A_282 = arith.constant 384 : i32
    %dma_wait3A_283 = arith.constant 0 : i32
    %dma_wait3A_284 = tpu.memref_slice %arg7[%dma_wait3A_282, %dma_wait3A_283] : memref<512x128xf32, #tpu.memory_space<vmem>> -> memref<128x128xf32, #tpu.memory_space<vmem>>
    %dma_wait3A_285 = arith.constant 384 : i32
    %dma_wait3A_286 = tpu.memref_slice %arg6[%dma_wait3A_285] : memref<512xi32, #tpu.memory_space<vmem>> -> memref<128xi32, #tpu.memory_space<vmem>>
    %dma_wait3A_287 = arith.constant 0 : i32
    %dma_wait3A_288 = arith.constant 0 : i32
    %dma_wait3A_289 = tpu.memref_slice %arg4[%dma_wait3A_287, %dma_wait3A_288] : memref<1000000x128xf32, #tpu.memory_space<hbm>> -> memref<1000000x128xf32, #tpu.memory_space<hbm>>
    %dma_wait3A_290 = tpu.memref_slice %arg10[%dma_wait3A_281] : memref<4x!tpu.dma_semaphore, #tpu.memory_space<semaphore_mem>> -> memref<1x!tpu.dma_semaphore, #tpu.memory_space<semaphore_mem>>
    %dma_wait3A_291 = tpu.memref_squeeze %dma_wait3A_290 : memref<1x!tpu.dma_semaphore, #tpu.memory_space<semaphore_mem>> -> memref<!tpu.dma_semaphore, #tpu.memory_space<semaphore_mem>>
    tpu.wait_indirect_dma semaphore(%dma_wait3A_291 : memref<!tpu.dma_semaphore, #tpu.memory_space<semaphore_mem>>) src(%dma_wait3A_289 : memref<1000000x128xf32, #tpu.memory_space<hbm>>) dst(%dma_wait3A_284 : memref<128x128xf32, #tpu.memory_space<vmem>>)
    %dma_wait3A_292 = arith.constant 3 : i32
    %dma_wait3A_293 = arith.constant 192 : i32
    %dma_wait3A_294 = arith.constant 0 : i32
    %dma_wait3A_295 = tpu.memref_slice %arg8[%dma_wait3A_293, %dma_wait3A_294] : memref<256x128xi32, #tpu.memory_space<vmem>> -> memref<64x128xi32, #tpu.memory_space<vmem>>
    %dma_wait3A_296 = arith.constant 0 : i32
    %dma_wait3A_297 = tpu.memref_slice %arg3[%add3A_134, %dma_wait3A_296] : memref<2048x128xi32, #tpu.memory_space<hbm>> -> memref<64x128xi32, #tpu.memory_space<hbm>>
    %dma_wait3A_298 = tpu.memref_slice %arg9[%dma_wait3A_292] : memref<4x!tpu.dma_semaphore, #tpu.memory_space<semaphore_mem>> -> memref<1x!tpu.dma_semaphore, #tpu.memory_space<semaphore_mem>>
    %dma_wait3A_299 = tpu.memref_squeeze %dma_wait3A_298 : memref<1x!tpu.dma_semaphore, #tpu.memory_space<semaphore_mem>> -> memref<!tpu.dma_semaphore, #tpu.memory_space<semaphore_mem>>
    %dma_wait3A_300 = arith.constant 192 : i32
    %dma_wait3A_301 = arith.constant 0 : i32
    %dma_wait3A_302 = tpu.memref_slice %arg8[%dma_wait3A_300, %dma_wait3A_301] : memref<256x128xi32, #tpu.memory_space<vmem>> -> memref<64x128xi32, #tpu.memory_space<vmem>>
    %dma_wait3A_303 = arith.constant 0 : i32
    %dma_wait3A_304 = tpu.memref_slice %arg3[%add3A_134, %dma_wait3A_303] : memref<2048x128xi32, #tpu.memory_space<hbm>> -> memref<64x128xi32, #tpu.memory_space<hbm>>
    tpu.wait_dma2 semaphore(%dma_wait3A_299 : memref<!tpu.dma_semaphore, #tpu.memory_space<semaphore_mem>>) src(%dma_wait3A_304 : memref<64x128xi32, #tpu.memory_space<hbm>>) dst(%dma_wait3A_302 : memref<64x128xi32, #tpu.memory_space<vmem>>)
    %parallel_loop3A_305 = arith.constant 192 : i32
    %parallel_loop3A_306 = arith.constant 256 : i32
    %parallel_loop3A_307 = arith.constant 1 : i32
    %parallel_loop3A_308 = arith.constant -65536 : i32
    scf.for %parallel_loop3A_386 = %parallel_loop3A_305 to %parallel_loop3A_306 step %parallel_loop3A_307  : i32 {
      %parallel_loop3A_387 = arith.constant 2 : i32
      %parallel_loop3A_388 = arith.muli %parallel_loop3A_387, %parallel_loop3A_386 : i32
      %parallel_loop3A_389 = arith.constant 0 : i32
      %parallel_loop3A_390 = arith.addi %parallel_loop3A_388, %parallel_loop3A_389 : i32
      %parallel_loop3A_391 = arith.index_cast %parallel_loop3A_386 : i32 to index
      %parallel_loop3A_392 = arith.constant 0 : index
      %parallel_loop3A_393 = tpu.vector_load %arg8[%parallel_loop3A_391, %parallel_loop3A_392] {strides = array<i32>} : memref<256x128xi32, #tpu.memory_space<vmem>>, vector<1x16xi32>,
      %parallel_loop3A_394 = vector.shape_cast %parallel_loop3A_393 : vector<1x16xi32> to vector<16xi32>
      %parallel_loop3A_395 = arith.constant 16 : i32
      %parallel_loop3A_396 = vector.broadcast %parallel_loop3A_395 : i32 to vector<16xi32>
      %parallel_loop3A_397 = arith.shli %parallel_loop3A_394, %parallel_loop3A_396 : vector<16xi32>
      %parallel_loop3A_398 = tpu.bitcast %parallel_loop3A_397 : vector<16xi32> -> vector<16xf32>
      %parallel_loop3A_399 = vector.broadcast %parallel_loop3A_308 : i32 to vector<16xi32>
      %parallel_loop3A_400 = arith.andi %parallel_loop3A_394, %parallel_loop3A_399 : vector<16xi32>
      %parallel_loop3A_401 = tpu.bitcast %parallel_loop3A_400 : vector<16xi32> -> vector<16xf32>
      %parallel_loop3A_402 = arith.index_cast %parallel_loop3A_390 : i32 to index
      %parallel_loop3A_403 = arith.constant 0 : index
      %parallel_loop3A_404 = tpu.vector_load %arg7[%parallel_loop3A_402, %parallel_loop3A_403] {strides = array<i32>} : memref<512x128xf32, #tpu.memory_space<vmem>>, vector<1x16xf32>,
      %parallel_loop3A_405 = vector.shape_cast %parallel_loop3A_404 : vector<1x16xf32> to vector<16xf32>
      %parallel_loop3A_406 = arith.constant 11.3137083 : f32
      %parallel_loop3A_407 = vector.broadcast %parallel_loop3A_406 : f32 to vector<16xf32>
      %parallel_loop3A_408 = arith.mulf %parallel_loop3A_405, %parallel_loop3A_407 : vector<16xf32>
      %parallel_loop3A_409 = arith.addf %parallel_loop3A_408, %parallel_loop3A_398 : vector<16xf32>
      %parallel_loop3A_410 = arith.index_cast %parallel_loop3A_390 : i32 to index
      %parallel_loop3A_411 = arith.constant 0 : index
      %parallel_loop3A_412 = tpu.vector_load %arg7[%parallel_loop3A_410, %parallel_loop3A_411] {strides = array<i32>} : memref<512x128xf32, #tpu.memory_space<vmem>>, vector<1x16xf32>,
      %parallel_loop3A_413 = vector.shape_cast %parallel_loop3A_412 : vector<1x16xf32> to vector<16xf32>
      %parallel_loop3A_414 = vector.shape_cast %parallel_loop3A_409 : vector<16xf32> to vector<1x16xf32>
      tpu.vector_store %arg7[%parallel_loop3A_410, %parallel_loop3A_411], %parallel_loop3A_414 {strides = array<i32>} : memref<512x128xf32, #tpu.memory_space<vmem>>, vector<1x16xf32>,
      %parallel_loop3A_415 = arith.index_cast %parallel_loop3A_390 : i32 to index
      %parallel_loop3A_416 = arith.constant 16 : index
      %parallel_loop3A_417 = tpu.vector_load %arg7[%parallel_loop3A_415, %parallel_loop3A_416] {strides = array<i32>} : memref<512x128xf32, #tpu.memory_space<vmem>>, vector<1x16xf32>,
      %parallel_loop3A_418 = vector.shape_cast %parallel_loop3A_417 : vector<1x16xf32> to vector<16xf32>
      %parallel_loop3A_419 = arith.constant 11.3137083 : f32
      %parallel_loop3A_420 = vector.broadcast %parallel_loop3A_419 : f32 to vector<16xf32>
      %parallel_loop3A_421 = arith.mulf %parallel_loop3A_418, %parallel_loop3A_420 : vector<16xf32>
      %parallel_loop3A_422 = arith.addf %parallel_loop3A_421, %parallel_loop3A_401 : vector<16xf32>
      %parallel_loop3A_423 = arith.index_cast %parallel_loop3A_390 : i32 to index
      %parallel_loop3A_424 = arith.constant 16 : index
      %parallel_loop3A_425 = tpu.vector_load %arg7[%parallel_loop3A_423, %parallel_loop3A_424] {strides = array<i32>} : memref<512x128xf32, #tpu.memory_space<vmem>>, vector<1x16xf32>,
      %parallel_loop3A_426 = vector.shape_cast %parallel_loop3A_425 : vector<1x16xf32> to vector<16xf32>
      %parallel_loop3A_427 = vector.shape_cast %parallel_loop3A_422 : vector<16xf32> to vector<1x16xf32>
      tpu.vector_store %arg7[%parallel_loop3A_423, %parallel_loop3A_424], %parallel_loop3A_427 {strides = array<i32>} : memref<512x128xf32, #tpu.memory_space<vmem>>, vector<1x16xf32>,
      %parallel_loop3A_428 = arith.index_cast %parallel_loop3A_386 : i32 to index
      %parallel_loop3A_429 = arith.constant 16 : index
      %parallel_loop3A_430 = tpu.vector_load %arg8[%parallel_loop3A_428, %parallel_loop3A_429] {strides = array<i32>} : memref<256x128xi32, #tpu.memory_space<vmem>>, vector<1x16xi32>,
      %parallel_loop3A_431 = vector.shape_cast %parallel_loop3A_430 : vector<1x16xi32> to vector<16xi32>
      %parallel_loop3A_432 = arith.constant 16 : i32
      %parallel_loop3A_433 = vector.broadcast %parallel_loop3A_432 : i32 to vector<16xi32>
      %parallel_loop3A_434 = arith.shli %parallel_loop3A_431, %parallel_loop3A_433 : vector<16xi32>
      %parallel_loop3A_435 = tpu.bitcast %parallel_loop3A_434 : vector<16xi32> -> vector<16xf32>
      %parallel_loop3A_436 = vector.broadcast %parallel_loop3A_308 : i32 to vector<16xi32>
      %parallel_loop3A_437 = arith.andi %parallel_loop3A_431, %parallel_loop3A_436 : vector<16xi32>
      %parallel_loop3A_438 = tpu.bitcast %parallel_loop3A_437 : vector<16xi32> -> vector<16xf32>
      %parallel_loop3A_439 = arith.index_cast %parallel_loop3A_390 : i32 to index
      %parallel_loop3A_440 = arith.constant 32 : index
      %parallel_loop3A_441 = tpu.vector_load %arg7[%parallel_loop3A_439, %parallel_loop3A_440] {strides = array<i32>} : memref<512x128xf32, #tpu.memory_space<vmem>>, vector<1x16xf32>,
      %parallel_loop3A_442 = vector.shape_cast %parallel_loop3A_441 : vector<1x16xf32> to vector<16xf32>
      %parallel_loop3A_443 = arith.constant 11.3137083 : f32
      %parallel_loop3A_444 = vector.broadcast %parallel_loop3A_443 : f32 to vector<16xf32>
      %parallel_loop3A_445 = arith.mulf %parallel_loop3A_442, %parallel_loop3A_444 : vector<16xf32>
      %parallel_loop3A_446 = arith.addf %parallel_loop3A_445, %parallel_loop3A_435 : vector<16xf32>
      %parallel_loop3A_447 = arith.index_cast %parallel_loop3A_390 : i32 to index
      %parallel_loop3A_448 = arith.constant 32 : index
      %parallel_loop3A_449 = tpu.vector_load %arg7[%parallel_loop3A_447, %parallel_loop3A_448] {strides = array<i32>} : memref<512x128xf32, #tpu.memory_space<vmem>>, vector<1x16xf32>,
      %parallel_loop3A_450 = vector.shape_cast %parallel_loop3A_449 : vector<1x16xf32> to vector<16xf32>
      %parallel_loop3A_451 = vector.shape_cast %parallel_loop3A_446 : vector<16xf32> to vector<1x16xf32>
      tpu.vector_store %arg7[%parallel_loop3A_447, %parallel_loop3A_448], %parallel_loop3A_451 {strides = array<i32>} : memref<512x128xf32, #tpu.memory_space<vmem>>, vector<1x16xf32>,
      %parallel_loop3A_452 = arith.index_cast %parallel_loop3A_390 : i32 to index
      %parallel_loop3A_453 = arith.constant 48 : index
      %parallel_loop3A_454 = tpu.vector_load %arg7[%parallel_loop3A_452, %parallel_loop3A_453] {strides = array<i32>} : memref<512x128xf32, #tpu.memory_space<vmem>>, vector<1x16xf32>,
      %parallel_loop3A_455 = vector.shape_cast %parallel_loop3A_454 : vector<1x16xf32> to vector<16xf32>
      %parallel_loop3A_456 = arith.constant 11.3137083 : f32
      %parallel_loop3A_457 = vector.broadcast %parallel_loop3A_456 : f32 to vector<16xf32>
      %parallel_loop3A_458 = arith.mulf %parallel_loop3A_455, %parallel_loop3A_457 : vector<16xf32>
      %parallel_loop3A_459 = arith.addf %parallel_loop3A_458, %parallel_loop3A_438 : vector<16xf32>
      %parallel_loop3A_460 = arith.index_cast %parallel_loop3A_390 : i32 to index
      %parallel_loop3A_461 = arith.constant 48 : index
      %parallel_loop3A_462 = tpu.vector_load %arg7[%parallel_loop3A_460, %parallel_loop3A_461] {strides = array<i32>} : memref<512x128xf32, #tpu.memory_space<vmem>>, vector<1x16xf32>,
      %parallel_loop3A_463 = vector.shape_cast %parallel_loop3A_462 : vector<1x16xf32> to vector<16xf32>
      %parallel_loop3A_464 = vector.shape_cast %parallel_loop3A_459 : vector<16xf32> to vector<1x16xf32>
      tpu.vector_store %arg7[%parallel_loop3A_460, %parallel_loop3A_461], %parallel_loop3A_464 {strides = array<i32>} : memref<512x128xf32, #tpu.memory_space<vmem>>, vector<1x16xf32>,
      %parallel_loop3A_465 = arith.index_cast %parallel_loop3A_386 : i32 to index
      %parallel_loop3A_466 = arith.constant 32 : index
      %parallel_loop3A_467 = tpu.vector_load %arg8[%parallel_loop3A_465, %parallel_loop3A_466] {strides = array<i32>} : memref<256x128xi32, #tpu.memory_space<vmem>>, vector<1x16xi32>,
      %parallel_loop3A_468 = vector.shape_cast %parallel_loop3A_467 : vector<1x16xi32> to vector<16xi32>
      %parallel_loop3A_469 = arith.constant 16 : i32
      %parallel_loop3A_470 = vector.broadcast %parallel_loop3A_469 : i32 to vector<16xi32>
      %parallel_loop3A_471 = arith.shli %parallel_loop3A_468, %parallel_loop3A_470 : vector<16xi32>
      %parallel_loop3A_472 = tpu.bitcast %parallel_loop3A_471 : vector<16xi32> -> vector<16xf32>
      %parallel_loop3A_473 = vector.broadcast %parallel_loop3A_308 : i32 to vector<16xi32>
      %parallel_loop3A_474 = arith.andi %parallel_loop3A_468, %parallel_loop3A_473 : vector<16xi32>
      %parallel_loop3A_475 = tpu.bitcast %parallel_loop3A_474 : vector<16xi32> -> vector<16xf32>
      %parallel_loop3A_476 = arith.index_cast %parallel_loop3A_390 : i32 to index
      %parallel_loop3A_477 = arith.constant 64 : index
      %parallel_loop3A_478 = tpu.vector_load %arg7[%parallel_loop3A_476, %parallel_loop3A_477] {strides = array<i32>} : memref<512x128xf32, #tpu.memory_space<vmem>>, vector<1x16xf32>,
      %parallel_loop3A_479 = vector.shape_cast %parallel_loop3A_478 : vector<1x16xf32> to vector<16xf32>
      %parallel_loop3A_480 = arith.constant 11.3137083 : f32
      %parallel_loop3A_481 = vector.broadcast %parallel_loop3A_480 : f32 to vector<16xf32>
      %parallel_loop3A_482 = arith.mulf %parallel_loop3A_479, %parallel_loop3A_481 : vector<16xf32>
      %parallel_loop3A_483 = arith.addf %parallel_loop3A_482, %parallel_loop3A_472 : vector<16xf32>
      %parallel_loop3A_484 = arith.index_cast %parallel_loop3A_390 : i32 to index
      %parallel_loop3A_485 = arith.constant 64 : index
      %parallel_loop3A_486 = tpu.vector_load %arg7[%parallel_loop3A_484, %parallel_loop3A_485] {strides = array<i32>} : memref<512x128xf32, #tpu.memory_space<vmem>>, vector<1x16xf32>,
      %parallel_loop3A_487 = vector.shape_cast %parallel_loop3A_486 : vector<1x16xf32> to vector<16xf32>
      %parallel_loop3A_488 = vector.shape_cast %parallel_loop3A_483 : vector<16xf32> to vector<1x16xf32>
      tpu.vector_store %arg7[%parallel_loop3A_484, %parallel_loop3A_485], %parallel_loop3A_488 {strides = array<i32>} : memref<512x128xf32, #tpu.memory_space<vmem>>, vector<1x16xf32>,
      %parallel_loop3A_489 = arith.index_cast %parallel_loop3A_390 : i32 to index
      %parallel_loop3A_490 = arith.constant 80 : index
      %parallel_loop3A_491 = tpu.vector_load %arg7[%parallel_loop3A_489, %parallel_loop3A_490] {strides = array<i32>} : memref<512x128xf32, #tpu.memory_space<vmem>>, vector<1x16xf32>,
      %parallel_loop3A_492 = vector.shape_cast %parallel_loop3A_491 : vector<1x16xf32> to vector<16xf32>
      %parallel_loop3A_493 = arith.constant 11.3137083 : f32
      %parallel_loop3A_494 = vector.broadcast %parallel_loop3A_493 : f32 to vector<16xf32>
      %parallel_loop3A_495 = arith.mulf %parallel_loop3A_492, %parallel_loop3A_494 : vector<16xf32>
      %parallel_loop3A_496 = arith.addf %parallel_loop3A_495, %parallel_loop3A_475 : vector<16xf32>
      %parallel_loop3A_497 = arith.index_cast %parallel_loop3A_390 : i32 to index
      %parallel_loop3A_498 = arith.constant 80 : index
      %parallel_loop3A_499 = tpu.vector_load %arg7[%parallel_loop3A_497, %parallel_loop3A_498] {strides = array<i32>} : memref<512x128xf32, #tpu.memory_space<vmem>>, vector<1x16xf32>,
      %parallel_loop3A_500 = vector.shape_cast %parallel_loop3A_499 : vector<1x16xf32> to vector<16xf32>
      %parallel_loop3A_501 = vector.shape_cast %parallel_loop3A_496 : vector<16xf32> to vector<1x16xf32>
      tpu.vector_store %arg7[%parallel_loop3A_497, %parallel_loop3A_498], %parallel_loop3A_501 {strides = array<i32>} : memref<512x128xf32, #tpu.memory_space<vmem>>, vector<1x16xf32>,
      %parallel_loop3A_502 = arith.index_cast %parallel_loop3A_386 : i32 to index
      %parallel_loop3A_503 = arith.constant 48 : index
      %parallel_loop3A_504 = tpu.vector_load %arg8[%parallel_loop3A_502, %parallel_loop3A_503] {strides = array<i32>} : memref<256x128xi32, #tpu.memory_space<vmem>>, vector<1x16xi32>,
      %parallel_loop3A_505 = vector.shape_cast %parallel_loop3A_504 : vector<1x16xi32> to vector<16xi32>
      %parallel_loop3A_506 = arith.constant 16 : i32
      %parallel_loop3A_507 = vector.broadcast %parallel_loop3A_506 : i32 to vector<16xi32>
      %parallel_loop3A_508 = arith.shli %parallel_loop3A_505, %parallel_loop3A_507 : vector<16xi32>
      %parallel_loop3A_509 = tpu.bitcast %parallel_loop3A_508 : vector<16xi32> -> vector<16xf32>
      %parallel_loop3A_510 = vector.broadcast %parallel_loop3A_308 : i32 to vector<16xi32>
      %parallel_loop3A_511 = arith.andi %parallel_loop3A_505, %parallel_loop3A_510 : vector<16xi32>
      %parallel_loop3A_512 = tpu.bitcast %parallel_loop3A_511 : vector<16xi32> -> vector<16xf32>
      %parallel_loop3A_513 = arith.index_cast %parallel_loop3A_390 : i32 to index
      %parallel_loop3A_514 = arith.constant 96 : index
      %parallel_loop3A_515 = tpu.vector_load %arg7[%parallel_loop3A_513, %parallel_loop3A_514] {strides = array<i32>} : memref<512x128xf32, #tpu.memory_space<vmem>>, vector<1x16xf32>,
      %parallel_loop3A_516 = vector.shape_cast %parallel_loop3A_515 : vector<1x16xf32> to vector<16xf32>
      %parallel_loop3A_517 = arith.constant 11.3137083 : f32
      %parallel_loop3A_518 = vector.broadcast %parallel_loop3A_517 : f32 to vector<16xf32>
      %parallel_loop3A_519 = arith.mulf %parallel_loop3A_516, %parallel_loop3A_518 : vector<16xf32>
      %parallel_loop3A_520 = arith.addf %parallel_loop3A_519, %parallel_loop3A_509 : vector<16xf32>
      %parallel_loop3A_521 = arith.index_cast %parallel_loop3A_390 : i32 to index
      %parallel_loop3A_522 = arith.constant 96 : index
      %parallel_loop3A_523 = tpu.vector_load %arg7[%parallel_loop3A_521, %parallel_loop3A_522] {strides = array<i32>} : memref<512x128xf32, #tpu.memory_space<vmem>>, vector<1x16xf32>,
      %parallel_loop3A_524 = vector.shape_cast %parallel_loop3A_523 : vector<1x16xf32> to vector<16xf32>
      %parallel_loop3A_525 = vector.shape_cast %parallel_loop3A_520 : vector<16xf32> to vector<1x16xf32>
      tpu.vector_store %arg7[%parallel_loop3A_521, %parallel_loop3A_522], %parallel_loop3A_525 {strides = array<i32>} : memref<512x128xf32, #tpu.memory_space<vmem>>, vector<1x16xf32>,
      %parallel_loop3A_526 = arith.index_cast %parallel_loop3A_390 : i32 to index
      %parallel_loop3A_527 = arith.constant 112 : index
      %parallel_loop3A_528 = tpu.vector_load %arg7[%parallel_loop3A_526, %parallel_loop3A_527] {strides = array<i32>} : memref<512x128xf32, #tpu.memory_space<vmem>>, vector<1x16xf32>,
      %parallel_loop3A_529 = vector.shape_cast %parallel_loop3A_528 : vector<1x16xf32> to vector<16xf32>
      %parallel_loop3A_530 = arith.constant 11.3137083 : f32
      %parallel_loop3A_531 = vector.broadcast %parallel_loop3A_530 : f32 to vector<16xf32>
      %parallel_loop3A_532 = arith.mulf %parallel_loop3A_529, %parallel_loop3A_531 : vector<16xf32>
      %parallel_loop3A_533 = arith.addf %parallel_loop3A_532, %parallel_loop3A_512 : vector<16xf32>
      %parallel_loop3A_534 = arith.index_cast %parallel_loop3A_390 : i32 to index
      %parallel_loop3A_535 = arith.constant 112 : index
      %parallel_loop3A_536 = tpu.vector_load %arg7[%parallel_loop3A_534, %parallel_loop3A_535] {strides = array<i32>} : memref<512x128xf32, #tpu.memory_space<vmem>>, vector<1x16xf32>,
      %parallel_loop3A_537 = vector.shape_cast %parallel_loop3A_536 : vector<1x16xf32> to vector<16xf32>
      %parallel_loop3A_538 = vector.shape_cast %parallel_loop3A_533 : vector<16xf32> to vector<1x16xf32>
      tpu.vector_store %arg7[%parallel_loop3A_534, %parallel_loop3A_535], %parallel_loop3A_538 {strides = array<i32>} : memref<512x128xf32, #tpu.memory_space<vmem>>, vector<1x16xf32>,
      %parallel_loop3A_539 = arith.constant 2 : i32
      %parallel_loop3A_540 = arith.muli %parallel_loop3A_539, %parallel_loop3A_386 : i32
      %parallel_loop3A_541 = arith.constant 1 : i32
      %parallel_loop3A_542 = arith.addi %parallel_loop3A_540, %parallel_loop3A_541 : i32
      %parallel_loop3A_543 = arith.index_cast %parallel_loop3A_386 : i32 to index
      %parallel_loop3A_544 = arith.constant 64 : index
      %parallel_loop3A_545 = tpu.vector_load %arg8[%parallel_loop3A_543, %parallel_loop3A_544] {strides = array<i32>} : memref<256x128xi32, #tpu.memory_space<vmem>>, vector<1x16xi32>,
      %parallel_loop3A_546 = vector.shape_cast %parallel_loop3A_545 : vector<1x16xi32> to vector<16xi32>
      %parallel_loop3A_547 = arith.constant 16 : i32
      %parallel_loop3A_548 = vector.broadcast %parallel_loop3A_547 : i32 to vector<16xi32>
      %parallel_loop3A_549 = arith.shli %parallel_loop3A_546, %parallel_loop3A_548 : vector<16xi32>
      %parallel_loop3A_550 = tpu.bitcast %parallel_loop3A_549 : vector<16xi32> -> vector<16xf32>
      %parallel_loop3A_551 = vector.broadcast %parallel_loop3A_308 : i32 to vector<16xi32>
      %parallel_loop3A_552 = arith.andi %parallel_loop3A_546, %parallel_loop3A_551 : vector<16xi32>
      %parallel_loop3A_553 = tpu.bitcast %parallel_loop3A_552 : vector<16xi32> -> vector<16xf32>
      %parallel_loop3A_554 = arith.index_cast %parallel_loop3A_542 : i32 to index
      %parallel_loop3A_555 = arith.constant 0 : index
      %parallel_loop3A_556 = tpu.vector_load %arg7[%parallel_loop3A_554, %parallel_loop3A_555] {strides = array<i32>} : memref<512x128xf32, #tpu.memory_space<vmem>>, vector<1x16xf32>,
      %parallel_loop3A_557 = vector.shape_cast %parallel_loop3A_556 : vector<1x16xf32> to vector<16xf32>
      %parallel_loop3A_558 = arith.constant 11.3137083 : f32
      %parallel_loop3A_559 = vector.broadcast %parallel_loop3A_558 : f32 to vector<16xf32>
      %parallel_loop3A_560 = arith.mulf %parallel_loop3A_557, %parallel_loop3A_559 : vector<16xf32>
      %parallel_loop3A_561 = arith.addf %parallel_loop3A_560, %parallel_loop3A_550 : vector<16xf32>
      %parallel_loop3A_562 = arith.index_cast %parallel_loop3A_542 : i32 to index
      %parallel_loop3A_563 = arith.constant 0 : index
      %parallel_loop3A_564 = tpu.vector_load %arg7[%parallel_loop3A_562, %parallel_loop3A_563] {strides = array<i32>} : memref<512x128xf32, #tpu.memory_space<vmem>>, vector<1x16xf32>,
      %parallel_loop3A_565 = vector.shape_cast %parallel_loop3A_564 : vector<1x16xf32> to vector<16xf32>
      %parallel_loop3A_566 = vector.shape_cast %parallel_loop3A_561 : vector<16xf32> to vector<1x16xf32>
      tpu.vector_store %arg7[%parallel_loop3A_562, %parallel_loop3A_563], %parallel_loop3A_566 {strides = array<i32>} : memref<512x128xf32, #tpu.memory_space<vmem>>, vector<1x16xf32>,
      %parallel_loop3A_567 = arith.index_cast %parallel_loop3A_542 : i32 to index
      %parallel_loop3A_568 = arith.constant 16 : index
      %parallel_loop3A_569 = tpu.vector_load %arg7[%parallel_loop3A_567, %parallel_loop3A_568] {strides = array<i32>} : memref<512x128xf32, #tpu.memory_space<vmem>>, vector<1x16xf32>,
      %parallel_loop3A_570 = vector.shape_cast %parallel_loop3A_569 : vector<1x16xf32> to vector<16xf32>
      %parallel_loop3A_571 = arith.constant 11.3137083 : f32
      %parallel_loop3A_572 = vector.broadcast %parallel_loop3A_571 : f32 to vector<16xf32>
      %parallel_loop3A_573 = arith.mulf %parallel_loop3A_570, %parallel_loop3A_572 : vector<16xf32>
      %parallel_loop3A_574 = arith.addf %parallel_loop3A_573, %parallel_loop3A_553 : vector<16xf32>
      %parallel_loop3A_575 = arith.index_cast %parallel_loop3A_542 : i32 to index
      %parallel_loop3A_576 = arith.constant 16 : index
      %parallel_loop3A_577 = tpu.vector_load %arg7[%parallel_loop3A_575, %parallel_loop3A_576] {strides = array<i32>} : memref<512x128xf32, #tpu.memory_space<vmem>>, vector<1x16xf32>,
      %parallel_loop3A_578 = vector.shape_cast %parallel_loop3A_577 : vector<1x16xf32> to vector<16xf32>
      %parallel_loop3A_579 = vector.shape_cast %parallel_loop3A_574 : vector<16xf32> to vector<1x16xf32>
      tpu.vector_store %arg7[%parallel_loop3A_575, %parallel_loop3A_576], %parallel_loop3A_579 {strides = array<i32>} : memref<512x128xf32, #tpu.memory_space<vmem>>, vector<1x16xf32>,
      %parallel_loop3A_580 = arith.index_cast %parallel_loop3A_386 : i32 to index
      %parallel_loop3A_581 = arith.constant 80 : index
      %parallel_loop3A_582 = tpu.vector_load %arg8[%parallel_loop3A_580, %parallel_loop3A_581] {strides = array<i32>} : memref<256x128xi32, #tpu.memory_space<vmem>>, vector<1x16xi32>,
      %parallel_loop3A_583 = vector.shape_cast %parallel_loop3A_582 : vector<1x16xi32> to vector<16xi32>
      %parallel_loop3A_584 = arith.constant 16 : i32
      %parallel_loop3A_585 = vector.broadcast %parallel_loop3A_584 : i32 to vector<16xi32>
      %parallel_loop3A_586 = arith.shli %parallel_loop3A_583, %parallel_loop3A_585 : vector<16xi32>
      %parallel_loop3A_587 = tpu.bitcast %parallel_loop3A_586 : vector<16xi32> -> vector<16xf32>
      %parallel_loop3A_588 = vector.broadcast %parallel_loop3A_308 : i32 to vector<16xi32>
      %parallel_loop3A_589 = arith.andi %parallel_loop3A_583, %parallel_loop3A_588 : vector<16xi32>
      %parallel_loop3A_590 = tpu.bitcast %parallel_loop3A_589 : vector<16xi32> -> vector<16xf32>
      %parallel_loop3A_591 = arith.index_cast %parallel_loop3A_542 : i32 to index
      %parallel_loop3A_592 = arith.constant 32 : index
      %parallel_loop3A_593 = tpu.vector_load %arg7[%parallel_loop3A_591, %parallel_loop3A_592] {strides = array<i32>} : memref<512x128xf32, #tpu.memory_space<vmem>>, vector<1x16xf32>,
      %parallel_loop3A_594 = vector.shape_cast %parallel_loop3A_593 : vector<1x16xf32> to vector<16xf32>
      %parallel_loop3A_595 = arith.constant 11.3137083 : f32
      %parallel_loop3A_596 = vector.broadcast %parallel_loop3A_595 : f32 to vector<16xf32>
      %parallel_loop3A_597 = arith.mulf %parallel_loop3A_594, %parallel_loop3A_596 : vector<16xf32>
      %parallel_loop3A_598 = arith.addf %parallel_loop3A_597, %parallel_loop3A_587 : vector<16xf32>
      %parallel_loop3A_599 = arith.index_cast %parallel_loop3A_542 : i32 to index
      %parallel_loop3A_600 = arith.constant 32 : index
      %parallel_loop3A_601 = tpu.vector_load %arg7[%parallel_loop3A_599, %parallel_loop3A_600] {strides = array<i32>} : memref<512x128xf32, #tpu.memory_space<vmem>>, vector<1x16xf32>,
      %parallel_loop3A_602 = vector.shape_cast %parallel_loop3A_601 : vector<1x16xf32> to vector<16xf32>
      %parallel_loop3A_603 = vector.shape_cast %parallel_loop3A_598 : vector<16xf32> to vector<1x16xf32>
      tpu.vector_store %arg7[%parallel_loop3A_599, %parallel_loop3A_600], %parallel_loop3A_603 {strides = array<i32>} : memref<512x128xf32, #tpu.memory_space<vmem>>, vector<1x16xf32>,
      %parallel_loop3A_604 = arith.index_cast %parallel_loop3A_542 : i32 to index
      %parallel_loop3A_605 = arith.constant 48 : index
      %parallel_loop3A_606 = tpu.vector_load %arg7[%parallel_loop3A_604, %parallel_loop3A_605] {strides = array<i32>} : memref<512x128xf32, #tpu.memory_space<vmem>>, vector<1x16xf32>,
      %parallel_loop3A_607 = vector.shape_cast %parallel_loop3A_606 : vector<1x16xf32> to vector<16xf32>
      %parallel_loop3A_608 = arith.constant 11.3137083 : f32
      %parallel_loop3A_609 = vector.broadcast %parallel_loop3A_608 : f32 to vector<16xf32>
      %parallel_loop3A_610 = arith.mulf %parallel_loop3A_607, %parallel_loop3A_609 : vector<16xf32>
      %parallel_loop3A_611 = arith.addf %parallel_loop3A_610, %parallel_loop3A_590 : vector<16xf32>
      %parallel_loop3A_612 = arith.index_cast %parallel_loop3A_542 : i32 to index
      %parallel_loop3A_613 = arith.constant 48 : index
      %parallel_loop3A_614 = tpu.vector_load %arg7[%parallel_loop3A_612, %parallel_loop3A_613] {strides = array<i32>} : memref<512x128xf32, #tpu.memory_space<vmem>>, vector<1x16xf32>,
      %parallel_loop3A_615 = vector.shape_cast %parallel_loop3A_614 : vector<1x16xf32> to vector<16xf32>
      %parallel_loop3A_616 = vector.shape_cast %parallel_loop3A_611 : vector<16xf32> to vector<1x16xf32>
      tpu.vector_store %arg7[%parallel_loop3A_612, %parallel_loop3A_613], %parallel_loop3A_616 {strides = array<i32>} : memref<512x128xf32, #tpu.memory_space<vmem>>, vector<1x16xf32>,
      %parallel_loop3A_617 = arith.index_cast %parallel_loop3A_386 : i32 to index
      %parallel_loop3A_618 = arith.constant 96 : index
      %parallel_loop3A_619 = tpu.vector_load %arg8[%parallel_loop3A_617, %parallel_loop3A_618] {strides = array<i32>} : memref<256x128xi32, #tpu.memory_space<vmem>>, vector<1x16xi32>,
      %parallel_loop3A_620 = vector.shape_cast %parallel_loop3A_619 : vector<1x16xi32> to vector<16xi32>
      %parallel_loop3A_621 = arith.constant 16 : i32
      %parallel_loop3A_622 = vector.broadcast %parallel_loop3A_621 : i32 to vector<16xi32>
      %parallel_loop3A_623 = arith.shli %parallel_loop3A_620, %parallel_loop3A_622 : vector<16xi32>
      %parallel_loop3A_624 = tpu.bitcast %parallel_loop3A_623 : vector<16xi32> -> vector<16xf32>
      %parallel_loop3A_625 = vector.broadcast %parallel_loop3A_308 : i32 to vector<16xi32>
      %parallel_loop3A_626 = arith.andi %parallel_loop3A_620, %parallel_loop3A_625 : vector<16xi32>
      %parallel_loop3A_627 = tpu.bitcast %parallel_loop3A_626 : vector<16xi32> -> vector<16xf32>
      %parallel_loop3A_628 = arith.index_cast %parallel_loop3A_542 : i32 to index
      %parallel_loop3A_629 = arith.constant 64 : index
      %parallel_loop3A_630 = tpu.vector_load %arg7[%parallel_loop3A_628, %parallel_loop3A_629] {strides = array<i32>} : memref<512x128xf32, #tpu.memory_space<vmem>>, vector<1x16xf32>,
      %parallel_loop3A_631 = vector.shape_cast %parallel_loop3A_630 : vector<1x16xf32> to vector<16xf32>
      %parallel_loop3A_632 = arith.constant 11.3137083 : f32
      %parallel_loop3A_633 = vector.broadcast %parallel_loop3A_632 : f32 to vector<16xf32>
      %parallel_loop3A_634 = arith.mulf %parallel_loop3A_631, %parallel_loop3A_633 : vector<16xf32>
      %parallel_loop3A_635 = arith.addf %parallel_loop3A_634, %parallel_loop3A_624 : vector<16xf32>
      %parallel_loop3A_636 = arith.index_cast %parallel_loop3A_542 : i32 to index
      %parallel_loop3A_637 = arith.constant 64 : index
      %parallel_loop3A_638 = tpu.vector_load %arg7[%parallel_loop3A_636, %parallel_loop3A_637] {strides = array<i32>} : memref<512x128xf32, #tpu.memory_space<vmem>>, vector<1x16xf32>,
      %parallel_loop3A_639 = vector.shape_cast %parallel_loop3A_638 : vector<1x16xf32> to vector<16xf32>
      %parallel_loop3A_640 = vector.shape_cast %parallel_loop3A_635 : vector<16xf32> to vector<1x16xf32>
      tpu.vector_store %arg7[%parallel_loop3A_636, %parallel_loop3A_637], %parallel_loop3A_640 {strides = array<i32>} : memref<512x128xf32, #tpu.memory_space<vmem>>, vector<1x16xf32>,
      %parallel_loop3A_641 = arith.index_cast %parallel_loop3A_542 : i32 to index
      %parallel_loop3A_642 = arith.constant 80 : index
      %parallel_loop3A_643 = tpu.vector_load %arg7[%parallel_loop3A_641, %parallel_loop3A_642] {strides = array<i32>} : memref<512x128xf32, #tpu.memory_space<vmem>>, vector<1x16xf32>,
      %parallel_loop3A_644 = vector.shape_cast %parallel_loop3A_643 : vector<1x16xf32> to vector<16xf32>
      %parallel_loop3A_645 = arith.constant 11.3137083 : f32
      %parallel_loop3A_646 = vector.broadcast %parallel_loop3A_645 : f32 to vector<16xf32>
      %parallel_loop3A_647 = arith.mulf %parallel_loop3A_644, %parallel_loop3A_646 : vector<16xf32>
      %parallel_loop3A_648 = arith.addf %parallel_loop3A_647, %parallel_loop3A_627 : vector<16xf32>
      %parallel_loop3A_649 = arith.index_cast %parallel_loop3A_542 : i32 to index
      %parallel_loop3A_650 = arith.constant 80 : index
      %parallel_loop3A_651 = tpu.vector_load %arg7[%parallel_loop3A_649, %parallel_loop3A_650] {strides = array<i32>} : memref<512x128xf32, #tpu.memory_space<vmem>>, vector<1x16xf32>,
      %parallel_loop3A_652 = vector.shape_cast %parallel_loop3A_651 : vector<1x16xf32> to vector<16xf32>
      %parallel_loop3A_653 = vector.shape_cast %parallel_loop3A_648 : vector<16xf32> to vector<1x16xf32>
      tpu.vector_store %arg7[%parallel_loop3A_649, %parallel_loop3A_650], %parallel_loop3A_653 {strides = array<i32>} : memref<512x128xf32, #tpu.memory_space<vmem>>, vector<1x16xf32>,
      %parallel_loop3A_654 = arith.index_cast %parallel_loop3A_386 : i32 to index
      %parallel_loop3A_655 = arith.constant 112 : index
      %parallel_loop3A_656 = tpu.vector_load %arg8[%parallel_loop3A_654, %parallel_loop3A_655] {strides = array<i32>} : memref<256x128xi32, #tpu.memory_space<vmem>>, vector<1x16xi32>,
      %parallel_loop3A_657 = vector.shape_cast %parallel_loop3A_656 : vector<1x16xi32> to vector<16xi32>
      %parallel_loop3A_658 = arith.constant 16 : i32
      %parallel_loop3A_659 = vector.broadcast %parallel_loop3A_658 : i32 to vector<16xi32>
      %parallel_loop3A_660 = arith.shli %parallel_loop3A_657, %parallel_loop3A_659 : vector<16xi32>
      %parallel_loop3A_661 = tpu.bitcast %parallel_loop3A_660 : vector<16xi32> -> vector<16xf32>
      %parallel_loop3A_662 = vector.broadcast %parallel_loop3A_308 : i32 to vector<16xi32>
      %parallel_loop3A_663 = arith.andi %parallel_loop3A_657, %parallel_loop3A_662 : vector<16xi32>
      %parallel_loop3A_664 = tpu.bitcast %parallel_loop3A_663 : vector<16xi32> -> vector<16xf32>
      %parallel_loop3A_665 = arith.index_cast %parallel_loop3A_542 : i32 to index
      %parallel_loop3A_666 = arith.constant 96 : index
      %parallel_loop3A_667 = tpu.vector_load %arg7[%parallel_loop3A_665, %parallel_loop3A_666] {strides = array<i32>} : memref<512x128xf32, #tpu.memory_space<vmem>>, vector<1x16xf32>,
      %parallel_loop3A_668 = vector.shape_cast %parallel_loop3A_667 : vector<1x16xf32> to vector<16xf32>
      %parallel_loop3A_669 = arith.constant 11.3137083 : f32
      %parallel_loop3A_670 = vector.broadcast %parallel_loop3A_669 : f32 to vector<16xf32>
      %parallel_loop3A_671 = arith.mulf %parallel_loop3A_668, %parallel_loop3A_670 : vector<16xf32>
      %parallel_loop3A_672 = arith.addf %parallel_loop3A_671, %parallel_loop3A_661 : vector<16xf32>
      %parallel_loop3A_673 = arith.index_cast %parallel_loop3A_542 : i32 to index
      %parallel_loop3A_674 = arith.constant 96 : index
      %parallel_loop3A_675 = tpu.vector_load %arg7[%parallel_loop3A_673, %parallel_loop3A_674] {strides = array<i32>} : memref<512x128xf32, #tpu.memory_space<vmem>>, vector<1x16xf32>,
      %parallel_loop3A_676 = vector.shape_cast %parallel_loop3A_675 : vector<1x16xf32> to vector<16xf32>
      %parallel_loop3A_677 = vector.shape_cast %parallel_loop3A_672 : vector<16xf32> to vector<1x16xf32>
      tpu.vector_store %arg7[%parallel_loop3A_673, %parallel_loop3A_674], %parallel_loop3A_677 {strides = array<i32>} : memref<512x128xf32, #tpu.memory_space<vmem>>, vector<1x16xf32>,
      %parallel_loop3A_678 = arith.index_cast %parallel_loop3A_542 : i32 to index
      %parallel_loop3A_679 = arith.constant 112 : index
      %parallel_loop3A_680 = tpu.vector_load %arg7[%parallel_loop3A_678, %parallel_loop3A_679] {strides = array<i32>} : memref<512x128xf32, #tpu.memory_space<vmem>>, vector<1x16xf32>,
      %parallel_loop3A_681 = vector.shape_cast %parallel_loop3A_680 : vector<1x16xf32> to vector<16xf32>
      %parallel_loop3A_682 = arith.constant 11.3137083 : f32
      %parallel_loop3A_683 = vector.broadcast %parallel_loop3A_682 : f32 to vector<16xf32>
      %parallel_loop3A_684 = arith.mulf %parallel_loop3A_681, %parallel_loop3A_683 : vector<16xf32>
      %parallel_loop3A_685 = arith.addf %parallel_loop3A_684, %parallel_loop3A_664 : vector<16xf32>
      %parallel_loop3A_686 = arith.index_cast %parallel_loop3A_542 : i32 to index
      %parallel_loop3A_687 = arith.constant 112 : index
      %parallel_loop3A_688 = tpu.vector_load %arg7[%parallel_loop3A_686, %parallel_loop3A_687] {strides = array<i32>} : memref<512x128xf32, #tpu.memory_space<vmem>>, vector<1x16xf32>,
      %parallel_loop3A_689 = vector.shape_cast %parallel_loop3A_688 : vector<1x16xf32> to vector<16xf32>
      %parallel_loop3A_690 = vector.shape_cast %parallel_loop3A_685 : vector<16xf32> to vector<1x16xf32>
      tpu.vector_store %arg7[%parallel_loop3A_686, %parallel_loop3A_687], %parallel_loop3A_690 {strides = array<i32>} : memref<512x128xf32, #tpu.memory_space<vmem>>, vector<1x16xf32>,
    } {sc.loop_unroll_factor = 2 : i64, sc.parallel_access}
    %add3A_309 = arith.constant 384 : i32
    %add3A_310 = arith.addi %mul3A_20, %add3A_309 : i32
    %dma_start3A_311 = arith.constant 3 : i32
    %dma_start3A_312 = arith.constant 384 : i32
    %dma_start3A_313 = arith.constant 0 : i32
    %dma_start3A_314 = tpu.memref_slice %arg7[%dma_start3A_312, %dma_start3A_313] : memref<512x128xf32, #tpu.memory_space<vmem>> -> memref<128x128xf32, #tpu.memory_space<vmem>>
    %dma_start3A_315 = arith.constant 0 : i32
    %dma_start3A_316 = tpu.memref_slice %arg5[%select_n3A, %add3A_310, %dma_start3A_315] : memref<4x4096x128xf32, #tpu.memory_space<hbm>> -> memref<1x128x128xf32, #tpu.memory_space<hbm>>
    %dma_start3A_317 = tpu.memref_squeeze %dma_start3A_316 : memref<1x128x128xf32, #tpu.memory_space<hbm>> -> memref<128x128xf32, #tpu.memory_space<hbm>>
    %dma_start3A_318 = tpu.memref_slice %arg11[%dma_start3A_311] : memref<4x!tpu.dma_semaphore, #tpu.memory_space<semaphore_mem>> -> memref<1x!tpu.dma_semaphore, #tpu.memory_space<semaphore_mem>>
    %dma_start3A_319 = tpu.memref_squeeze %dma_start3A_318 : memref<1x!tpu.dma_semaphore, #tpu.memory_space<semaphore_mem>> -> memref<!tpu.dma_semaphore, #tpu.memory_space<semaphore_mem>>
    %dma_start3A_320 = arith.constant 0 : i32
    %dma_start3A_321 = tpu.memref_slice %arg5[%select_n3A, %add3A_310, %dma_start3A_320] : memref<4x4096x128xf32, #tpu.memory_space<hbm>> -> memref<1x128x128xf32, #tpu.memory_space<hbm>>
    %dma_start3A_322 = tpu.memref_squeeze %dma_start3A_321 : memref<1x128x128xf32, #tpu.memory_space<hbm>> -> memref<128x128xf32, #tpu.memory_space<hbm>>
    %dma_start3A_323 = arith.constant 384 : i32
    %dma_start3A_324 = arith.constant 0 : i32
    %dma_start3A_325 = tpu.memref_slice %arg7[%dma_start3A_323, %dma_start3A_324] : memref<512x128xf32, #tpu.memory_space<vmem>> -> memref<128x128xf32, #tpu.memory_space<vmem>>
    tpu.enqueue_dma source(%dma_start3A_325 : memref<128x128xf32, #tpu.memory_space<vmem>>) target(%dma_start3A_322 : memref<128x128xf32, #tpu.memory_space<hbm>>) target_semaphore(%dma_start3A_319 : memref<!tpu.dma_semaphore, #tpu.memory_space<semaphore_mem>>)
    %dma_wait3A_326 = arith.constant 0 : i32
    %dma_wait3A_327 = arith.constant 0 : i32
    %dma_wait3A_328 = arith.constant 0 : i32
    %dma_wait3A_329 = tpu.memref_slice %arg7[%dma_wait3A_327, %dma_wait3A_328] : memref<512x128xf32, #tpu.memory_space<vmem>> -> memref<128x128xf32, #tpu.memory_space<vmem>>
    %dma_wait3A_330 = arith.constant 0 : i32
    %dma_wait3A_331 = tpu.memref_slice %arg5[%select_n3A, %add3A_175, %dma_wait3A_330] : memref<4x4096x128xf32, #tpu.memory_space<hbm>> -> memref<1x128x128xf32, #tpu.memory_space<hbm>>
    %dma_wait3A_332 = tpu.memref_squeeze %dma_wait3A_331 : memref<1x128x128xf32, #tpu.memory_space<hbm>> -> memref<128x128xf32, #tpu.memory_space<hbm>>
    %dma_wait3A_333 = tpu.memref_slice %arg11[%dma_wait3A_326] : memref<4x!tpu.dma_semaphore, #tpu.memory_space<semaphore_mem>> -> memref<1x!tpu.dma_semaphore, #tpu.memory_space<semaphore_mem>>
    %dma_wait3A_334 = tpu.memref_squeeze %dma_wait3A_333 : memref<1x!tpu.dma_semaphore, #tpu.memory_space<semaphore_mem>> -> memref<!tpu.dma_semaphore, #tpu.memory_space<semaphore_mem>>
    %dma_wait3A_335 = arith.constant 0 : i32
    %dma_wait3A_336 = tpu.memref_slice %arg5[%select_n3A, %add3A_175, %dma_wait3A_335] : memref<4x4096x128xf32, #tpu.memory_space<hbm>> -> memref<1x128x128xf32, #tpu.memory_space<hbm>>
    %dma_wait3A_337 = tpu.memref_squeeze %dma_wait3A_336 : memref<1x128x128xf32, #tpu.memory_space<hbm>> -> memref<128x128xf32, #tpu.memory_space<hbm>>
    %dma_wait3A_338 = arith.constant 0 : i32
    %dma_wait3A_339 = arith.constant 0 : i32
    %dma_wait3A_340 = tpu.memref_slice %arg7[%dma_wait3A_338, %dma_wait3A_339] : memref<512x128xf32, #tpu.memory_space<vmem>> -> memref<128x128xf32, #tpu.memory_space<vmem>>
    tpu.wait_dma2 semaphore(%dma_wait3A_334 : memref<!tpu.dma_semaphore, #tpu.memory_space<semaphore_mem>>) src(%dma_wait3A_340 : memref<128x128xf32, #tpu.memory_space<vmem>>) dst(%dma_wait3A_337 : memref<128x128xf32, #tpu.memory_space<hbm>>)
    %dma_wait3A_341 = arith.constant 1 : i32
    %dma_wait3A_342 = arith.constant 128 : i32
    %dma_wait3A_343 = arith.constant 0 : i32
    %dma_wait3A_344 = tpu.memref_slice %arg7[%dma_wait3A_342, %dma_wait3A_343] : memref<512x128xf32, #tpu.memory_space<vmem>> -> memref<128x128xf32, #tpu.memory_space<vmem>>
    %dma_wait3A_345 = arith.constant 0 : i32
    %dma_wait3A_346 = tpu.memref_slice %arg5[%select_n3A, %add3A_220, %dma_wait3A_345] : memref<4x4096x128xf32, #tpu.memory_space<hbm>> -> memref<1x128x128xf32, #tpu.memory_space<hbm>>
    %dma_wait3A_347 = tpu.memref_squeeze %dma_wait3A_346 : memref<1x128x128xf32, #tpu.memory_space<hbm>> -> memref<128x128xf32, #tpu.memory_space<hbm>>
    %dma_wait3A_348 = tpu.memref_slice %arg11[%dma_wait3A_341] : memref<4x!tpu.dma_semaphore, #tpu.memory_space<semaphore_mem>> -> memref<1x!tpu.dma_semaphore, #tpu.memory_space<semaphore_mem>>
    %dma_wait3A_349 = tpu.memref_squeeze %dma_wait3A_348 : memref<1x!tpu.dma_semaphore, #tpu.memory_space<semaphore_mem>> -> memref<!tpu.dma_semaphore, #tpu.memory_space<semaphore_mem>>
    %dma_wait3A_350 = arith.constant 0 : i32
    %dma_wait3A_351 = tpu.memref_slice %arg5[%select_n3A, %add3A_220, %dma_wait3A_350] : memref<4x4096x128xf32, #tpu.memory_space<hbm>> -> memref<1x128x128xf32, #tpu.memory_space<hbm>>
    %dma_wait3A_352 = tpu.memref_squeeze %dma_wait3A_351 : memref<1x128x128xf32, #tpu.memory_space<hbm>> -> memref<128x128xf32, #tpu.memory_space<hbm>>
    %dma_wait3A_353 = arith.constant 128 : i32
    %dma_wait3A_354 = arith.constant 0 : i32
    %dma_wait3A_355 = tpu.memref_slice %arg7[%dma_wait3A_353, %dma_wait3A_354] : memref<512x128xf32, #tpu.memory_space<vmem>> -> memref<128x128xf32, #tpu.memory_space<vmem>>
    tpu.wait_dma2 semaphore(%dma_wait3A_349 : memref<!tpu.dma_semaphore, #tpu.memory_space<semaphore_mem>>) src(%dma_wait3A_355 : memref<128x128xf32, #tpu.memory_space<vmem>>) dst(%dma_wait3A_352 : memref<128x128xf32, #tpu.memory_space<hbm>>)
    %dma_wait3A_356 = arith.constant 2 : i32
    %dma_wait3A_357 = arith.constant 256 : i32
    %dma_wait3A_358 = arith.constant 0 : i32
    %dma_wait3A_359 = tpu.memref_slice %arg7[%dma_wait3A_357, %dma_wait3A_358] : memref<512x128xf32, #tpu.memory_space<vmem>> -> memref<128x128xf32, #tpu.memory_space<vmem>>
    %dma_wait3A_360 = arith.constant 0 : i32
    %dma_wait3A_361 = tpu.memref_slice %arg5[%select_n3A, %add3A_265, %dma_wait3A_360] : memref<4x4096x128xf32, #tpu.memory_space<hbm>> -> memref<1x128x128xf32, #tpu.memory_space<hbm>>
    %dma_wait3A_362 = tpu.memref_squeeze %dma_wait3A_361 : memref<1x128x128xf32, #tpu.memory_space<hbm>> -> memref<128x128xf32, #tpu.memory_space<hbm>>
    %dma_wait3A_363 = tpu.memref_slice %arg11[%dma_wait3A_356] : memref<4x!tpu.dma_semaphore, #tpu.memory_space<semaphore_mem>> -> memref<1x!tpu.dma_semaphore, #tpu.memory_space<semaphore_mem>>
    %dma_wait3A_364 = tpu.memref_squeeze %dma_wait3A_363 : memref<1x!tpu.dma_semaphore, #tpu.memory_space<semaphore_mem>> -> memref<!tpu.dma_semaphore, #tpu.memory_space<semaphore_mem>>
    %dma_wait3A_365 = arith.constant 0 : i32
    %dma_wait3A_366 = tpu.memref_slice %arg5[%select_n3A, %add3A_265, %dma_wait3A_365] : memref<4x4096x128xf32, #tpu.memory_space<hbm>> -> memref<1x128x128xf32, #tpu.memory_space<hbm>>
    %dma_wait3A_367 = tpu.memref_squeeze %dma_wait3A_366 : memref<1x128x128xf32, #tpu.memory_space<hbm>> -> memref<128x128xf32, #tpu.memory_space<hbm>>
    %dma_wait3A_368 = arith.constant 256 : i32
    %dma_wait3A_369 = arith.constant 0 : i32
    %dma_wait3A_370 = tpu.memref_slice %arg7[%dma_wait3A_368, %dma_wait3A_369] : memref<512x128xf32, #tpu.memory_space<vmem>> -> memref<128x128xf32, #tpu.memory_space<vmem>>
    tpu.wait_dma2 semaphore(%dma_wait3A_364 : memref<!tpu.dma_semaphore, #tpu.memory_space<semaphore_mem>>) src(%dma_wait3A_370 : memref<128x128xf32, #tpu.memory_space<vmem>>) dst(%dma_wait3A_367 : memref<128x128xf32, #tpu.memory_space<hbm>>)
    %dma_wait3A_371 = arith.constant 3 : i32
    %dma_wait3A_372 = arith.constant 384 : i32
    %dma_wait3A_373 = arith.constant 0 : i32
    %dma_wait3A_374 = tpu.memref_slice %arg7[%dma_wait3A_372, %dma_wait3A_373] : memref<512x128xf32, #tpu.memory_space<vmem>> -> memref<128x128xf32, #tpu.memory_space<vmem>>
    %dma_wait3A_375 = arith.constant 0 : i32
    %dma_wait3A_376 = tpu.memref_slice %arg5[%select_n3A, %add3A_310, %dma_wait3A_375] : memref<4x4096x128xf32, #tpu.memory_space<hbm>> -> memref<1x128x128xf32, #tpu.memory_space<hbm>>
    %dma_wait3A_377 = tpu.memref_squeeze %dma_wait3A_376 : memref<1x128x128xf32, #tpu.memory_space<hbm>> -> memref<128x128xf32, #tpu.memory_space<hbm>>
    %dma_wait3A_378 = tpu.memref_slice %arg11[%dma_wait3A_371] : memref<4x!tpu.dma_semaphore, #tpu.memory_space<semaphore_mem>> -> memref<1x!tpu.dma_semaphore, #tpu.memory_space<semaphore_mem>>
    %dma_wait3A_379 = tpu.memref_squeeze %dma_wait3A_378 : memref<1x!tpu.dma_semaphore, #tpu.memory_space<semaphore_mem>> -> memref<!tpu.dma_semaphore, #tpu.memory_space<semaphore_mem>>
    %dma_wait3A_380 = arith.constant 0 : i32
    %dma_wait3A_381 = tpu.memref_slice %arg5[%select_n3A, %add3A_310, %dma_wait3A_380] : memref<4x4096x128xf32, #tpu.memory_space<hbm>> -> memref<1x128x128xf32, #tpu.memory_space<hbm>>
    %dma_wait3A_382 = tpu.memref_squeeze %dma_wait3A_381 : memref<1x128x128xf32, #tpu.memory_space<hbm>> -> memref<128x128xf32, #tpu.memory_space<hbm>>
    %dma_wait3A_383 = arith.constant 384 : i32
    %dma_wait3A_384 = arith.constant 0 : i32
    %dma_wait3A_385 = tpu.memref_slice %arg7[%dma_wait3A_383, %dma_wait3A_384] : memref<512x128xf32, #tpu.memory_space<vmem>> -> memref<128x128xf32, #tpu.memory_space<vmem>>
    tpu.wait_dma2 semaphore(%dma_wait3A_379 : memref<!tpu.dma_semaphore, #tpu.memory_space<semaphore_mem>>) src(%dma_wait3A_385 : memref<128x128xf32, #tpu.memory_space<vmem>>) dst(%dma_wait3A_382 : memref<128x128xf32, #tpu.memory_space<hbm>>)
    return
  }
}

</mosaic_0001>

<sc_bundles>
// kernel: kernel.3.cloned.1.call-start
scs
__scs_entry_jumppad:
0x0: {  	(pc) =	sbr.rel $0x88, $3  }
0x1: {  	(tag) =	ssettag $0x0;
	lr =	simm.s32 $0x1  }
0x2: {  	[smem:$0x3F9F] =	sst lr;
	_ =	strace $0xD0000000  }
0x3: {  	_ = 	snop  }
0x4: {  	_ = 	snop  }
0x5: {  	_ = 	snop  }
0x6: {  	_ = 	snop  }
0x7: {  	_ = 	snop  }
__scs_overlays_trampoline_lowered:
0x8: {  	[smem:$0x3FAE] =	sst s0  }
0x9: {  	[smem:$0x3FAF] =	sst s1  }
0xa: {  	[smem:$0x3FB0] =	sst s2  }
0xb: {  	[smem:$0x3FB1] =	sst s3  }
0xc: {  	[smem:$0x3FB2] =	sst s4  }
0xd: {  	[smem:$0x3FB3] =	sst s5  }
0xe: {  	[smem:$0x3FB4] =	sst s6  }
0xf: {  	[smem:$0x3FB5] =	sst s7  }
0x10: {  	[smem:$0x3FB6] =	sst s8  }
0x11: {  	[smem:$0x3FB7] =	sst s9;
	s0 =	simm.s32 @!p0 $0x0  }
0x12: {  	s1 =	sld [smem:$0x3F9D];
	s0 =	simm.s32 @p0 $0x1  }
0x13: {  	[smem:$0x3FB8] =	sst s0;
	s0 =	simm.s32 @!p1 $0x0  }
0x14: {  	s2 =	sld [smem:$0x3F9C];
	s0 =	simm.s32 @p1 $0x1  }
0x15: {  	[smem:$0x3FB9] =	sst s0;
	s0 =	simm.s32 @!p2 $0x0  }
0x16: {  	s3 =	sld [smem:$0x3FDB];
	s0 =	simm.s32 @p2 $0x1  }
0x17: {  	s4 =	simm.s32 $0x1BF5;
	[smem:$0x3FBB] =	sst s0  }
0x18: {  	s0 =	sld [smem:$0x3F9E];
	_ =	swait.ge [sflag:s4], $0x0  }
0x19: {  	s7 =	sld [smem:$0x3F9F]  }
0x1a: {  	s8 =	sadd.s32 $0xFFFFE003, lr  }
0x1b: {  	s9 =	sadd.s32 $0xFFFFFEF7, lr;
	s5 =	simm.s32 $0xFFFFFFFF;
	p2 =	slt.u32 s8, $0xFFFFF086  }
0x1c: {  	p1 =	slt.u32 s9, $0xF7A;
	s5 =	simm.s32 @!p2 $0x0  }
0x1d: {  	s5 =	simm.s32 @p1 $0x1;
	p0 =	seq.s32 s7, s2  }
0x1e: {  	s7 =	smul.u32 @!p0 $0xF7A, s2;
	p2 =	seq.s32 @!p0 s5, $0x0  }
0x1f: {  	s9 =	smul.u32 $0xF7A, s1;
	s8 =	simm.s32 @!p0 $0x1BF5;
	p2 =	por !p2, p0  }
0x20: {  	[sflag:s8] =	ssyncset.s32 @!p0 $0xFFFFF086;
	s6 =	sadd.s32 @!p0 s3, s7;
	s7 =	simm.s32 @!p0 $0x108  }
0x21: {  	s3 =	sadd.s32 s3, s9;
	s6 =	sadd.s32 @!p0 $0x88, s6;
	s7 =	simm.s32 @p2 $0x1082  }
0x22: {  	[simem:s7], [sflag:s8] =	dma.local @!p0 [hbm:s6], $0xF7A  }
0x23: {  	s9 =	sor.u32 $0xD0000000, s2;
	s6 =	simm.s32 $0x108;
	_ =	swait.ge @!p0 [sflag:s8], $0x0  }
0x24: {  	s3 =	sadd.s32 $0x88, s3;
	s6 =	simm.s32 @!p1 $0x1082;
	[sflag:s4] =	ssyncset.s32 $0xFFFFF086  }
0x25: {  	[simem:s6], [sflag:s4] =	dma.local [hbm:s3], $0xF7A  }
0x26: {  	[smem:$0x3F9F] =	sst s1;
	(tag) =	ssettag s2;
	_ =	strace s9  }
0x27: {  	s1 =	sld [smem:$0x3FAF]  }
0x28: {  	s2 =	sld [smem:$0x3FB0]  }
0x29: {  	s4 =	sld [smem:$0x3FB2]  }
0x2a: {  	p0 =	seq.s32 s5, $0x0;
	s5 =	sld [smem:$0x3FB3]  }
0x2b: {  	s6 =	sld [smem:$0x3FB4]  }
0x2c: {  	s7 =	sld [smem:$0x3FB5]  }
0x2d: {  	s3 =	simm.s32 $0x108;
	s8 =	sld [smem:$0x3FB6]  }
0x2e: {  	s3 =	simm.s32 @!p0 $0x1082;
	s9 =	sld [smem:$0x3FB7]  }
0x2f: {  	lr =	sadd.s32 s0, s3;
	s0 =	sld [smem:$0x3FAE]  }
0x30: {  	s3 =	sld [smem:$0x3FB1]  }
0x31: {  	[smem:$0x3FBA] =	sst s10  }
0x32: {  	s10 =	sld [smem:$0x3FB8];
	_ =	sdelay $0x3  }
0x33: {  	p0 =	seq.s32 s10, $0x1;
	s10 =	sld [smem:$0x3FBA];
	_ =	sdelay $0x3  }
0x34: {  	[smem:$0x3FBA] =	sst s10  }
0x35: {  	s10 =	sld [smem:$0x3FB9];
	_ =	sdelay $0x3  }
0x36: {  	p1 =	seq.s32 s10, $0x1;
	s10 =	sld [smem:$0x3FBA];
	_ =	sdelay $0x3  }
0x37: {  	[smem:$0x3FBA] =	sst s10  }
0x38: {  	s10 =	sld [smem:$0x3FBB]  }
0x39: {  	_ = 	snop;
	(pc) =	sbr.ind lr, $3  }
0x3a: {  	_ = 	snop  }
0x3b: {  	_ = 	snop  }
0x3c: {  	p2 =	seq.s32 s10, $0x1;
	s10 =	sld [smem:$0x3FBA]  }
0x3d: {  	_ =	shalt  }
0x3e: {  	_ =	shalt  }
0x3f: {  	_ =	shalt  }
0x40: {  	_ =	shalt  }
0x41: {  	_ =	shalt  }
0x42: {  	_ =	shalt  }
0x43: {  	_ =	shalt  }
0x44: {  	_ =	shalt  }
0x45: {  	_ =	shalt  }
0x46: {  	_ =	shalt  }
0x47: {  	_ =	shalt  }
0x48: {  	_ =	shalt  }
0x49: {  	_ =	shalt  }
0x4a: {  	_ =	shalt  }
0x4b: {  	_ =	shalt  }
0x4c: {  	_ =	shalt  }
0x4d: {  	_ =	shalt  }
0x4e: {  	_ =	shalt  }
0x4f: {  	_ =	shalt  }
0x50: {  	_ =	shalt  }
0x51: {  	_ =	shalt  }
0x52: {  	_ =	shalt  }
0x53: {  	_ =	shalt  }
0x54: {  	_ =	shalt  }
0x55: {  	_ =	shalt  }
0x56: {  	_ =	shalt  }
0x57: {  	_ =	shalt  }
0x58: {  	_ =	shalt  }
0x59: {  	_ =	shalt  }
0x5a: {  	_ =	shalt  }
0x5b: {  	_ =	shalt  }
0x5c: {  	_ =	shalt  }
0x5d: {  	_ =	shalt  }
0x5e: {  	_ =	shalt  }
0x5f: {  	_ =	shalt  }
0x60: {  	_ =	shalt  }
0x61: {  	_ =	shalt  }
0x62: {  	_ =	shalt  }
0x63: {  	_ =	shalt  }
0x64: {  	_ =	shalt  }
0x65: {  	_ =	shalt  }
0x66: {  	_ =	shalt  }
0x67: {  	_ =	shalt  }
0x68: {  	_ =	shalt  }
0x69: {  	_ =	shalt  }
0x6a: {  	_ =	shalt  }
0x6b: {  	_ =	shalt  }
0x6c: {  	_ =	shalt  }
0x6d: {  	_ =	shalt  }
0x6e: {  	_ =	shalt  }
0x6f: {  	_ =	shalt  }
0x70: {  	_ =	shalt  }
0x71: {  	_ =	shalt  }
0x72: {  	_ =	shalt  }
0x73: {  	_ =	shalt  }
0x74: {  	_ =	shalt  }
0x75: {  	_ =	shalt  }
0x76: {  	_ =	shalt  }
0x77: {  	_ =	shalt  }
0x78: {  	_ =	shalt  }
0x79: {  	_ =	shalt  }
0x7a: {  	_ =	shalt  }
0x7b: {  	_ =	shalt  }
0x7c: {  	_ =	shalt  }
0x7d: {  	_ =	shalt  }
0x7e: {  	_ =	shalt  }
0x7f: {  	_ =	shalt  }
0x80: {  	_ =	shalt  }
0x81: {  	_ =	shalt  }
0x82: {  	_ =	shalt  }
0x83: {  	_ =	shalt  }
0x84: {  	_ =	shalt  }
0x85: {  	_ =	shalt  }
0x86: {  	_ =	shalt  }
0x87: {  	_ =	shalt  }
.Lfunc_end0:
.L_simem_size_0:
called_computation_lowered:
.L_overlay_start_0:
0x88: {  	s2 =	sld [smem:$0x3FD9]  }
0x89: {  	s3 =	sld [smem:$0x3FFE];
	_ =	sdelay $0x1  }
0x8a: {  	s1 =	srdreg.scid  }
0x8b: {  	s0 =	sand.u32 $0x1, s1  }
0x8c: {  	s17 =	sshll.u32 s0, $0xA;
	s2 =	sadd.s32 s3, s2  }
0x8d: {  	s2 =	sadd.s32 s2, s17  }
0x8e: {  	[smem:$0x3FC6] =	sst s2  }
0x8f: {  	_ = 	snop  }
0x90: {  	s2 =	sld [smem:$0x3FC9]  }
0x91: {  	s18 =	sld [smem:$0x3FC8]  }
0x92: {  	s4 =	sld [smem:$0x3FD0];
	(tm) =	ssettm $0x1  }
0x93: {  	s5 =	sld [smem:$0x3FFB];
	_ =	sdelay $0x3  }
0x94: {  	_ =	strace s5  }
0x95: {  	s5 =	sld [smem:$0x3FFC];
	_ =	sdelay $0x3  }
0x96: {  	_ =	strace s5  }
0x97: {  	s5 =	sld [smem:$0x3FFD];
	_ =	sdelay $0x3  }
0x98: {  	_ =	strace s5  }
0x99: {  	_ =	strace $0x8FFFFFFF  }
0x9a: {  	s19 =	sld [smem:$0x3FDB];
	_ =	sdelay $0x1  }
0x9b: {  	s6 =	simm.s32 $_scs_section_size  }
0x9c: {  	s7 =	simm.s32 $_size__tile_overlayer_lowered;
	s8 =	simm.s32 $_tile_overlayer_lowered  }
0x9d: {  	s22 =	simm.s32 $0x1BFF;
	s21 =	sshll.u32 s8, $0x1;
	s5 =	sadd.s32 s6, s19  }
0x9e: {  	s9 =	simm.s32 $0x0;
	s20 =	sshll.u32 s7, $0x1;
	s7 =	sadd.s32 s21, s5  }
0x9f: {  	[timem:s9], [sflag:s22] =	dma.local [hbm:s7], s20  }
0xa0: {  	_ =	swait.ge [sflag:s22], s20  }
0xa1: {  	s6 =	ssub.s32 $0x0, s20;
	[sflag:s22] =	ssyncset.done $0x0  }
0xa2: {  	[sflag:s22] =	ssyncadd.s32 s6;
	_ =	sdelay $0x1  }
0xa3: {  	s23 =	simm.s32 $0x1B8B  }
0xa4: {  	_ =	swait.ge [sflag:s23], $0x1  }
0xa5: {  	[sflag:s23] =	ssyncset.done $0x0  }
0xa6: {  	s25 =	simm.s32 $0x1B8E;
	s24 =	sld [smem:$0x3FFE];
	[sflag:s23] =	ssyncadd.s32 $0xFFFFFFFF  }
0xa7: {  	s26 =	simm.s32 $execute0_lowered;
	[smem:$0x3FD2] =	sst s25  }
0xa8: {  	s7 =	sshll.u32 s26, $0x1;
	_ =	strace $0x80000046;
	[dreg:$0x1] =	wrdreg $0xFFFFFFFF  }
0xa9: {  	s28 =	simm.s32 $_size_execute0_lowered;
	s5 =	sadd.s32 s5, s7;
	[dreg:$0x0] =	wrdreg $0x0  }
0xaa: {  	s7 =	sshll.u32 s28, $0x1;
	[dreg:$0x2] =	wrdreg s5  }
0xab: {  	[dreg:$0x3] =	wrdreg s7  }
0xac: {  	[dreg:$0x4] =	wrdreg $0xC0  }
0xad: {  	_ =	task [dreg:s9], $0x5FFFF  }
0xae: {  	[dreg:$0x1] =	wrdreg $0xFFFFFFFF  }
0xaf: {  	[dreg:$0x0] =	wrdreg $0x60  }
0xb0: {  	[dreg:$0x2] =	wrdreg s2  }
0xb1: {  	[dreg:$0x3] =	wrdreg s24  }
0xb2: {  	[dreg:$0x4] =	wrdreg s18  }
0xb3: {  	[dreg:$0x5] =	wrdreg s4  }
0xb4: {  	[dreg:$0x6] =	wrdreg $0x9  }
0xb5: {  	_ =	task.clear_ibuf [dreg:s9], $0x7FFFF;
	_ =	strace $0x90000046  }
0xb6: {  	s29 =	simm.s32 $0x9;
	_ =	strace $0x80000048  }
0xb7: {  	_ =	swait.ge [sflag:s29], $0x1  }
0xb8: {  	[sflag:s29] =	ssyncadd.s32 $0xFFFFFFFF  }
0xb9: {  	_ =	strace $0x90000048  }
0xba: {  	_ =	sfence  }
0xbb: {  	s30 =	sld [smem:$0x0];
	_ =	sdelay $0x2  }
0xbc: {  	s31 =	sshll.u32 s1, $0xD;
	s1 =	sshrl.u32 s1, $0x2  }
0xbd: {  	s3 =	sand.u32 $0x4000, s31;
	s1 =	sadd.s32 s1, s30  }
0xbe: {  	s0 =	sor.u32 s3, s0;
	s1 =	sshll.u32 s1, $0x11  }
0xbf: {  	s0 =	sor.u32 s1, s0  }
0xc0: {  	s0 =	sadd.s32 $0x8F2B, s0  }
0xc1: {  	[sflag:s0] =	ssyncadd.remote.s32 $0x1  }
0xc2: {  	_ =	sfence.sel $0xFFFF  }
0xc3: {  	[dreg:$0x0] =	wrdreg $0xFFFFFFFF;
	(pc) =	sbr.abs _section_cstart, $3  }
0xc4: {  	[dreg:$0x1] =	wrdreg $0xFFFFFFFF  }
0xc5: {  	_ =	task.clear_ibuf [dreg:s9], $0x2FFFF;
	_ =	strace $0x9FFFFFFF  }
0xc6: {  	(tm) =	ssettm $0x7FFFFFFF  }
0xc7: {  	_ =	shalt  }
tec
execute0_lowered:
.L_overlay_start_1:
0x0: {  	(tag) =	ssettag $0x1  }
0x1: {  	s0 =	rddreg [dreg:$0x0]  }
0x2: {  	s1 =	rddreg [dreg:$0x1]  }
0x3: {  	s2 =	rddreg [dreg:$0x2]  }
0x4: {  	s4 =	rddreg [dreg:$0x3];
	s8 =	stileid.u32  }
0x5: {  	s5 =	srdreg.scid;
	s3 =	simm.s32 $0x0;
	s14 =	simm.s32 $0x80  }
0x6: {  	s15 =	simm.s32 $0x200;
	s16 =	simm.s32 $0xD;
	s28 =	simm.s32 $0x1  }
0x7: {  	s29 =	simm.s32 $0x6;
	s30 =	simm.s32 $0x2;
	s31 =	simm.s32 $0x7  }
0x8: {  	s6 =	sshll.u32 s8, $0x1;
	s5 =	sand.u32 $0x1, s5;
	[smem:$0x7FF] =	sst s3  }
0x9: {  	s8 =	sshrl.u32 s8, $0x2;
	s6 =	sand.u32 $0x6, s6;
	_ =	strace $0x80000047  }
0xa: {  	s9 =	sshll.u32 s8, $0x4;
	s8 =	sshll.u32 s8, $0x10;
	s6 =	sor.u32 s5, s6  }
0xb: {  	s5 =	ssub.s32 $0x2, s5;
	s0 =	sadd.s32 s0, s9;
	s7 =	sshll.u32 s6, $0xC  }
0xc: {  	s18 =	sshrl.u32 s5, $0x1;
	s19 =	sshll.u32 s6, $0x8;
	s6 =	sshll.u32 s6, $0xD  }
0xd: {  	s1 =	sadd.s32 s7, s1;
	s5 =	ssub.s32 s5, s18;
	s0 =	sadd.s32 s19, s0  }
0xe: {  	s21 =	sor.u32 s8, s6;
	s6 =	simm.s32 $0xC200;
	s18 =	simm.s32 $0x4  }
0xf: {  	[dreg:$0x5] =	wrdreg s0;
	s20 =	sadd.s32 $0x400, s1;
	s22 =	sadd.s32 $0x800, s1  }
0x10: {  	s23 =	sadd.s32 $0xC00, s1;
	s8 =	sadd.s32 s4, s21;
	[dreg:$0x6] =	wrdreg s20  }
0x11: {  	s24 =	sadd.s32 $0x1000, s1;
	s13 =	smax.u32 s5, $0x1;
	[dreg:$0x7] =	wrdreg s22  }
0x12: {  	s0 =	simm.s32 $0x3;
	s1 =	simm.s32 $0x8;
	[dreg:$0x8] =	wrdreg s23  }
0x13: {  	[dreg:$0x9] =	wrdreg s24;
	s25 =	sadd.s32 $0x800, s8;
	s26 =	sadd.s32 $0x1000, s8  }
0x14: {  	s12 =	sadd.s32 $0x1800, s8;
	s20 =	simm.s32 $0x9;
	s22 =	simm.s32 $0xA  }
0x15: {  	s23 =	simm.s32 $0xB;
	s24 =	simm.s32 $0xC;
	[dreg:$0xa] =	wrdreg s25  }
0x16: {  	[dreg:$0xb] =	wrdreg s26;
	s26 =	simm.s32 $0x5;
	s25 =	simm.s32 $0x0  }
.LBB2_1:
0x17: {  	s4 =	rddreg [dreg:$0x5]  }
0x18: {  	[tilespmem:s3], [sflag:$0xD] =	stream.strided.gather [hbm4b:s4+s14], $0x200, s15, s14, $0x38;
	[tilespmem:$0x18200] =	vst v63  }
0x19: {  	_ =	swait.ge [sflag:s16], $0x200  }
0x1a: {  	[sflag:s16] =	ssyncset.done $0x0  }
0x1b: {  	[sflag:s16] =	ssyncadd.s32 $0xFFFFFE00  }
0x1c: {  	[tilespmem:s15], [sflag:$0x5] =	stream.indirect.gather [hbm4b:s2+s14], $0x80, s3, s14, $0xb8;
	[tilespmem:$0x18200] =	vst v63  }
0x1d: {  	s7 =	simm.s32 $0x4200  }
0x1e: {  	[tilespmem:s7], [sflag:$0x6] =	stream.indirect.gather [hbm4b:s2+s14], $0x80, s14, s14, $0xb8;
	[tilespmem:$0x18200] =	vst v63  }
0x1f: {  	s9 =	simm.s32 $0x100;
	s5 =	simm.s32 $0x8200  }
0x20: {  	[tilespmem:s5], [sflag:$0x7] =	stream.indirect.gather [hbm4b:s2+s14], $0x80, s9, s14, $0xb8;
	[tilespmem:$0x18200] =	vst v63  }
0x21: {  	s10 =	simm.s32 $0x180  }
0x22: {  	[tilespmem:s6], [sflag:$0x8] =	stream.indirect.gather [hbm4b:s2+s14], $0x80, s10, s14, $0xb8;
	[tilespmem:$0x18200] =	vst v63  }
0x23: {  	s17 =	simm.s32 $0x10200;
	s11 =	rddreg [dreg:$0x6]  }
0x24: {  	[tilespmem:s17], [sflag:$0x1] =	stream.linear.gather [hbm4b:s11+s3], $0x2000, $0x38;
	[tilespmem:$0x18200] =	vst v63  }
0x25: {  	s21 =	simm.s32 $0x12200;
	s19 =	rddreg [dreg:$0x7]  }
0x26: {  	[tilespmem:s21], [sflag:$0x2] =	stream.linear.gather [hbm4b:s19+s3], $0x2000, $0x38;
	[tilespmem:$0x18200] =	vst v63  }
0x27: {  	s7 =	simm.s32 $0x14200;
	s6 =	rddreg [dreg:$0x8]  }
0x28: {  	[tilespmem:s7], [sflag:$0x3] =	stream.linear.gather [hbm4b:s6+s3], $0x2000, $0x38;
	[tilespmem:$0x18200] =	vst v63  }
0x29: {  	s9 =	rddreg [dreg:$0x9];
	s10 =	simm.s32 $0x16200  }
0x2a: {  	[tilespmem:s10], [sflag:$0x4] =	stream.linear.gather [hbm4b:s9+s3], $0x2000, $0x38;
	[tilespmem:$0x18200] =	vst v63  }
0x2b: {  	_ =	swait.ge [sflag:s26], $0x4000  }
0x2c: {  	[sflag:s26] =	ssyncset.done $0x0  }
0x2d: {  	[sflag:s26] =	ssyncadd.s32 $0xFFFFC000  }
0x2e: {  	_ =	swait.ge [sflag:s28], $0x2000  }
0x2f: {  	[sflag:s28] =	ssyncset.done $0x0  }
0x30: {  	s17 =	simm.s32 $0x300;
	[sflag:s28] =	ssyncadd.s32 $0xFFFFE000  }
0x31: {  	s11 =	simm.s32 $0x10280;
	v0 =	vld [tilespmem:s17+$0x0]  }
0x32: {  	v1 =	vld [tilespmem:s11+$0x0]  }
0x33: {  	v2 =	vld [tilespmem:s17+$0x10];
	_ =	sdelay $0x3  }
0x34: {  	v0 =	vmul.f32 $1.131370830e+01, v0  }
0x35: {  	v3 =	vshll.u32 v1, $0x10;
	v2 =	vmul.f32 $1.131370830e+01, v2  }
0x36: {  	v1 =	vand.u32 $0xFFFF0000, v1;
	v0 =	vadd.f32 v3, v0  }
0x37: {  	v4 =	vld [tilespmem:s17+$0xFFFFFF00];
	v1 =	vadd.f32 v1, v2  }
0x38: {  	v2 =	vld [tilespmem:s17+$0x30];
	[tilespmem:s17+$0x0] =	vst v0  }
0x39: {  	v0 =	vld [tilespmem:s17+$0x20];
	[tilespmem:s17+$0x10] =	vst v1  }
0x3a: {  	v1 =	vld [tilespmem:s11+$0x10]  }
0x3b: {  	v5 =	vld [tilespmem:s17+$0xFFFFFF10]  }
0x3c: {  	v6 =	vld [tilespmem:s17+$0x50]  }
0x3d: {  	v7 =	vld [tilespmem:s17+$0x70]  }
0x3e: {  	v8 =	vld [tilespmem:s17+$0xFFFFFF50];
	v0 =	vmul.f32 $1.131370830e+01, v0  }
0x3f: {  	v13 =	vld [tilespmem:s17+$0xFFFFFF80];
	v2 =	vmul.f32 $1.131370830e+01, v2;
	v3 =	vshll.u32 v1, $0x10  }
0x40: {  	v1 =	vand.u32 $0xFFFF0000, v1;
	v0 =	vadd.f32 v3, v0;
	v3 =	vld [tilespmem:s11+$0xFFFFFF80]  }
0x41: {  	s19 =	simm.s32 $0x500;
	v14 =	vld [tilespmem:s17+$0xFFFFFF90];
	v1 =	vadd.f32 v1, v2  }
0x42: {  	v11 =	vld [tilespmem:s19+$0x0];
	[tilespmem:s17+$0x20] =	vst v0  }
0x43: {  	v0 =	vld [tilespmem:s17+$0x40];
	[tilespmem:s17+$0x30] =	vst v1  }
0x44: {  	s21 =	simm.s32 $0x10380;
	v1 =	vmul.f32 $1.131370830e+01, v4;
	v2 =	vld [tilespmem:s11+$0x20]  }
0x45: {  	v12 =	vld [tilespmem:s21+$0x0];
	v5 =	vmul.f32 $1.131370830e+01, v5;
	v4 =	vshll.u32 v3, $0x10  }
0x46: {  	v15 =	vld [tilespmem:s19+$0x10];
	v3 =	vand.u32 $0xFFFF0000, v3;
	v1 =	vadd.f32 v4, v1  }
0x47: {  	v10 =	vld [tilespmem:s17+$0xFFFFFFA0];
	v3 =	vadd.f32 v3, v5  }
0x48: {  	v4 =	vld [tilespmem:s17+$0xFFFFFF20];
	v0 =	vmul.f32 $1.131370830e+01, v0;
	[tilespmem:s17+$0xFFFFFF00] =	vst v1  }
0x49: {  	v1 =	vld [tilespmem:s17+$0xFFFFFF30];
	v5 =	vshll.u32 v2, $0x10;
	[tilespmem:s17+$0xFFFFFF10] =	vst v3;
	v3 =	vmul.f32 $1.131370830e+01, v6  }
0x4a: {  	v2 =	vand.u32 $0xFFFF0000, v2;
	v0 =	vadd.f32 v5, v0;
	v6 =	vld [tilespmem:s11+$0xFFFFFF90]  }
0x4b: {  	v9 =	vld [tilespmem:s17+$0xFFFFFFB0];
	v2 =	vadd.f32 v2, v3  }
0x4c: {  	v18 =	vld [tilespmem:s21+$0xFFFFFF80];
	[tilespmem:s17+$0x40] =	vst v0  }
0x4d: {  	v0 =	vld [tilespmem:s17+$0x60];
	[tilespmem:s17+$0x50] =	vst v2  }
0x4e: {  	v2 =	vmul.f32 $1.131370830e+01, v4;
	v4 =	vld [tilespmem:s11+$0x30]  }
0x4f: {  	v19 =	vld [tilespmem:s17+$0xC0];
	v1 =	vmul.f32 $1.131370830e+01, v1;
	v5 =	vshll.u32 v6, $0x10  }
0x50: {  	v20 =	vld [tilespmem:s19+$0xFFFFFF30];
	v6 =	vand.u32 $0xFFFF0000, v6;
	v2 =	vadd.f32 v5, v2  }
0x51: {  	v22 =	vld [tilespmem:s19+$0xFFFFFF40];
	v1 =	vadd.f32 v6, v1  }
0x52: {  	s4 =	simm.s32 $0x700;
	v23 =	vld [tilespmem:s19+$0xFFFFFF50];
	v0 =	vmul.f32 $1.131370830e+01, v0;
	[tilespmem:s17+$0xFFFFFF20] =	vst v2  }
0x53: {  	v26 =	vld [tilespmem:s4+$0x0];
	[tilespmem:s17+$0xFFFFFF30] =	vst v1;
	v1 =	vmul.f32 $1.131370830e+01, v7;
	v2 =	vshll.u32 v4, $0x10  }
0x54: {  	v3 =	vld [tilespmem:s17+$0xFFFFFF40];
	v0 =	vadd.f32 v2, v0;
	v2 =	vand.u32 $0xFFFF0000, v4  }
0x55: {  	v7 =	vld [tilespmem:s11+$0xFFFFFFA0];
	v1 =	vadd.f32 v2, v1  }
0x56: {  	[tilespmem:s17+$0x60] =	vst v0;
	v0 =	vld [tilespmem:s17+$0x80]  }
0x57: {  	[tilespmem:s17+$0x70] =	vst v1;
	v1 =	vld [tilespmem:s17+$0x90]  }
0x58: {  	s5 =	simm.s32 $0x10480;
	v2 =	vld [tilespmem:s11+$0x40]  }
0x59: {  	v27 =	vld [tilespmem:s5+$0x0]  }
0x5a: {  	v29 =	vld [tilespmem:s4+$0xFFFFFF00];
	v3 =	vmul.f32 $1.131370830e+01, v3  }
0x5b: {  	v38 =	vld [tilespmem:s5+$0xFFFFFF80];
	v4 =	vshll.u32 v7, $0x10  }
0x5c: {  	v31 =	vld [tilespmem:s4+$0xFFFFFF10];
	v3 =	vadd.f32 v4, v3;
	v1 =	vmul.f32 $1.131370830e+01, v1  }
0x5d: {  	v32 =	vld [tilespmem:s4+$0xFFFFFF50];
	v0 =	vmul.f32 $1.131370830e+01, v0;
	v16 =	vshll.u32 v2, $0x10;
	v2 =	vand.u32 $0xFFFF0000, v2  }
0x5e: {  	v33 =	vld [tilespmem:s4+$0xFFFFFF60];
	v11 =	vmul.f32 $1.131370830e+01, v11;
	v1 =	vadd.f32 v2, v1  }
0x5f: {  	v45 =	vld [tilespmem:s19+$0xF0];
	v15 =	vmul.f32 $1.131370830e+01, v15;
	[tilespmem:s17+$0xFFFFFF40] =	vst v3;
	v0 =	vadd.f32 v16, v0;
	v2 =	vshll.u32 v12, $0x10  }
0x60: {  	v3 =	vld [tilespmem:s17+$0xA0];
	v2 =	vadd.f32 v2, v11;
	[tilespmem:s17+$0x90] =	vst v1;
	v1 =	vand.u32 $0xFFFF0000, v12  }
0x61: {  	v8 =	vmul.f32 $1.131370830e+01, v8;
	v11 =	vld [tilespmem:s17+$0xB0];
	[tilespmem:s17+$0x80] =	vst v0;
	v1 =	vadd.f32 v1, v15  }
0x62: {  	[tilespmem:s19+$0x0] =	vst v2;
	v2 =	vand.u32 $0xFFFF0000, v7;
	v7 =	vld [tilespmem:s19+$0x20]  }
0x63: {  	v2 =	vadd.f32 v2, v8;
	v8 =	vld [tilespmem:s11+$0x50];
	[tilespmem:s19+$0x10] =	vst v1  }
0x64: {  	v12 =	vld [tilespmem:s21+$0x10]  }
0x65: {  	[tilespmem:s17+$0xFFFFFF50] =	vst v2;
	v2 =	vld [tilespmem:s19+$0x30]  }
0x66: {  	s9 =	simm.s32 $0x900;
	v50 =	vld [tilespmem:s4+$0x70]  }
0x67: {  	v54 =	vld [tilespmem:s9+$0x0];
	v3 =	vmul.f32 $1.131370830e+01, v3  }
0x68: {  	v15 =	vld [tilespmem:s19+$0xFFFFFF00];
	v11 =	vmul.f32 $1.131370830e+01, v11;
	v17 =	vshll.u32 v8, $0x10  }
0x69: {  	s7 =	simm.s32 $0x10580;
	v16 =	vld [tilespmem:s19+$0xFFFFFF10];
	v7 =	vmul.f32 $1.131370830e+01, v7;
	v8 =	vand.u32 $0xFFFF0000, v8;
	v3 =	vadd.f32 v17, v3  }
0x6a: {  	v55 =	vld [tilespmem:s7+$0x0];
	v8 =	vadd.f32 v8, v11;
	v17 =	vshll.u32 v12, $0x10;
	v2 =	vmul.f32 $1.131370830e+01, v2  }
0x6b: {  	v35 =	vld [tilespmem:s4+$0xA0];
	v7 =	vadd.f32 v17, v7;
	[tilespmem:s17+$0xA0] =	vst v3;
	v3 =	vand.u32 $0xFFFF0000, v12  }
0x6c: {  	v57 =	vld [tilespmem:s9+$0xFFFFFF00];
	[tilespmem:s17+$0xB0] =	vst v8;
	v2 =	vadd.f32 v3, v2  }
0x6d: {  	v3 =	vmul.f32 $1.131370830e+01, v15;
	[tilespmem:s19+$0x20] =	vst v7;
	v7 =	vld [tilespmem:s19+$0x40]  }
0x6e: {  	v8 =	vshll.u32 v18, $0x10;
	[tilespmem:s19+$0x30] =	vst v2;
	v2 =	vmul.f32 $1.131370830e+01, v16;
	v16 =	vld [tilespmem:s19+$0x50]  }
0x6f: {  	v15 =	vand.u32 $0xFFFF0000, v18;
	v3 =	vadd.f32 v8, v3;
	v8 =	vld [tilespmem:s21+$0x20]  }
0x70: {  	v12 =	vld [tilespmem:s17+$0xD0];
	v15 =	vadd.f32 v15, v2  }
0x71: {  	v18 =	vld [tilespmem:s11+$0x60];
	[tilespmem:s19+$0xFFFFFF00] =	vst v3  }
0x72: {  	v11 =	vld [tilespmem:s19+$0xFFFFFF20];
	[tilespmem:s19+$0xFFFFFF10] =	vst v15  }
0x73: {  	v7 =	vmul.f32 $1.131370830e+01, v7;
	v15 =	vld [tilespmem:s21+$0xFFFFFF90]  }
0x74: {  	v37 =	vld [tilespmem:s7+$0xFFFFFF80];
	v16 =	vmul.f32 $1.131370830e+01, v16;
	v21 =	vshll.u32 v8, $0x10  }
0x75: {  	v58 =	vld [tilespmem:s4+$0xB0];
	v19 =	vmul.f32 $1.131370830e+01, v19;
	v8 =	vand.u32 $0xFFFF0000, v8;
	v7 =	vadd.f32 v21, v7  }
0x76: {  	v5 =	vld [tilespmem:s17+$0xFFFFFF60];
	v12 =	vmul.f32 $1.131370830e+01, v12;
	v21 =	vshll.u32 v18, $0x10;
	v8 =	vadd.f32 v8, v16  }
0x77: {  	v17 =	vld [tilespmem:s11+$0xFFFFFFB0];
	[tilespmem:s19+$0x40] =	vst v7;
	v7 =	vmul.f32 $1.131370830e+01, v11;
	v11 =	vand.u32 $0xFFFF0000, v18;
	v18 =	vadd.f32 v21, v19  }
0x78: {  	v19 =	vld [tilespmem:s19+$0x60];
	[tilespmem:s19+$0x50] =	vst v8;
	v8 =	vmul.f32 $1.131370830e+01, v20;
	v11 =	vadd.f32 v11, v12;
	v12 =	vshll.u32 v15, $0x10  }
0x79: {  	v24 =	vld [tilespmem:s21+$0x30];
	v7 =	vadd.f32 v12, v7;
	v12 =	vand.u32 $0xFFFF0000, v15  }
0x7a: {  	v15 =	vld [tilespmem:s19+$0x70];
	v8 =	vadd.f32 v12, v8  }
0x7b: {  	v61 =	vld [tilespmem:s9+$0x30];
	[tilespmem:s19+$0xFFFFFF20] =	vst v7  }
0x7c: {  	v63 =	vld [tilespmem:s9+$0xFFFFFF20];
	[tilespmem:s19+$0xFFFFFF30] =	vst v8  }
0x7d: {  	v7 =	vmul.f32 $1.131370830e+01, v19;
	v19 =	vld [tilespmem:s21+$0xFFFFFFA0]  }
0x7e: {  	v34 =	vmul.f32 $1.131370830e+01, v10;
	v10 =	vld [tilespmem:s4+$0xFFFFFFB0];
	v5 =	vmul.f32 $1.131370830e+01, v5;
	v8 =	vshll.u32 v24, $0x10  }
0x7f: {  	v6 =	vld [tilespmem:s17+$0xFFFFFF70];
	v25 =	vshll.u32 v17, $0x10;
	v15 =	vmul.f32 $1.131370830e+01, v15;
	v8 =	vadd.f32 v8, v7  }
0x80: {  	v4 =	vld [tilespmem:s17+$0xE0];
	v5 =	vadd.f32 v25, v5;
	v24 =	vand.u32 $0xFFFF0000, v24  }
0x81: {  	v0 =	vld [tilespmem:s17+$0xFFFFFFC0];
	v15 =	vadd.f32 v24, v15;
	[tilespmem:s19+$0x60] =	vst v8;
	v8 =	vand.u32 $0xFFFF0000, v17;
	v17 =	vmul.f32 $1.131370830e+01, v22  }
0x82: {  	[tilespmem:s17+$0xFFFFFF60] =	vst v5;
	v22 =	vld [tilespmem:s19+$0x80];
	v24 =	vshll.u32 v19, $0x10  }
0x83: {  	[tilespmem:s19+$0x70] =	vst v15;
	v5 =	vadd.f32 v24, v17;
	v17 =	vld [tilespmem:s19+$0x90]  }
0x84: {  	v6 =	vmul.f32 $1.131370830e+01, v6;
	v24 =	vld [tilespmem:s21+$0x40]  }
0x85: {  	v1 =	vld [tilespmem:s17+$0xFFFFFFD0]  }
0x86: {  	v2 =	vld [tilespmem:s17+$0xFFFFFFE0];
	v6 =	vadd.f32 v8, v6  }
0x87: {  	v3 =	vld [tilespmem:s17+$0xFFFFFFF0];
	[tilespmem:s19+$0xFFFFFF40] =	vst v5;
	v5 =	vmul.f32 $1.131370830e+01, v23  }
0x88: {  	v16 =	vld [tilespmem:s19+$0xFFFFFF60];
	v19 =	vand.u32 $0xFFFF0000, v19;
	[tilespmem:s17+$0xFFFFFF70] =	vst v6;
	v22 =	vmul.f32 $1.131370830e+01, v22  }
0x89: {  	v25 =	vld [tilespmem:s11+$0xFFFFFFC0];
	v5 =	vadd.f32 v19, v5;
	v19 =	vshll.u32 v24, $0x10;
	v17 =	vmul.f32 $1.131370830e+01, v17  }
0x8a: {  	v24 =	vand.u32 $0xFFFF0000, v24;
	v19 =	vadd.f32 v19, v22;
	v22 =	vld [tilespmem:s4+$0x10]  }
0x8b: {  	v20 =	vld [tilespmem:s19+$0xFFFFFF80];
	v17 =	vadd.f32 v24, v17;
	v24 =	vmul.f32 $1.131370830e+01, v26  }
0x8c: {  	v28 =	vshll.u32 v27, $0x10;
	v23 =	vld [tilespmem:s19+$0xA0];
	[tilespmem:s19+$0x80] =	vst v19  }
0x8d: {  	[tilespmem:s19+$0x90] =	vst v17;
	v17 =	vld [tilespmem:s19+$0xB0];
	v24 =	vadd.f32 v28, v24  }
0x8e: {  	v14 =	vmul.f32 $1.131370830e+01, v14;
	v26 =	vld [tilespmem:s21+$0x50]  }
0x8f: {  	v21 =	vld [tilespmem:s19+$0xFFFFFF90];
	v22 =	vmul.f32 $1.131370830e+01, v22;
	[tilespmem:s4+$0x0] =	vst v24;
	v24 =	vand.u32 $0xFFFF0000, v25  }
0x90: {  	v13 =	vmul.f32 $1.131370830e+01, v13;
	v27 =	vand.u32 $0xFFFF0000, v27;
	[tilespmem:s17+$0xC0] =	vst v18;
	v18 =	vld [tilespmem:s19+$0xFFFFFF70];
	v14 =	vadd.f32 v24, v14  }
0x91: {  	v12 =	vld [tilespmem:s17+$0xF0];
	v30 =	vshll.u32 v25, $0x10;
	v22 =	vadd.f32 v27, v22  }
0x92: {  	v13 =	vadd.f32 v30, v13;
	v23 =	vmul.f32 $1.131370830e+01, v23;
	v25 =	vld [tilespmem:s4+$0x20];
	[tilespmem:s17+$0xFFFFFF90] =	vst v14  }
0x93: {  	v17 =	vmul.f32 $1.131370830e+01, v17;
	v14 =	vld [tilespmem:s4+$0x30];
	v24 =	vshll.u32 v26, $0x10;
	[tilespmem:s4+$0x10] =	vst v22  }
0x94: {  	[tilespmem:s17+$0xFFFFFF80] =	vst v13;
	v13 =	vmul.f32 $1.131370830e+01, v29;
	v22 =	vand.u32 $0xFFFF0000, v26;
	v23 =	vadd.f32 v24, v23;
	v24 =	vld [tilespmem:s5+$0x10]  }
0x95: {  	[tilespmem:s17+$0xD0] =	vst v11;
	v47 =	vmul.f32 $1.131370830e+01, v16;
	v16 =	vld [tilespmem:s4+$0xFFFFFF90];
	v17 =	vadd.f32 v22, v17;
	v22 =	vshll.u32 v38, $0x10  }
0x96: {  	v39 =	vmul.f32 $1.131370830e+01, v31;
	v11 =	vld [tilespmem:s11+$0x70];
	v13 =	vadd.f32 v22, v13;
	[tilespmem:s19+$0xA0] =	vst v23  }
0x97: {  	v27 =	vld [tilespmem:s19+$0xC0];
	v23 =	vand.u32 $0xFFFF0000, v38;
	[tilespmem:s19+$0xB0] =	vst v17  }
0x98: {  	v22 =	vld [tilespmem:s4+$0xFFFFFF20];
	v17 =	vadd.f32 v23, v39;
	[tilespmem:s4+$0xFFFFFF00] =	vst v13;
	v13 =	vmul.f32 $1.131370830e+01, v25  }
0x99: {  	v41 =	vld [tilespmem:s21+$0x60];
	v14 =	vmul.f32 $1.131370830e+01, v14;
	v40 =	vshll.u32 v24, $0x10  }
0x9a: {  	v23 =	vld [tilespmem:s19+$0xD0];
	[tilespmem:s4+$0xFFFFFF10] =	vst v17;
	v24 =	vand.u32 $0xFFFF0000, v24;
	v17 =	vadd.f32 v40, v13  }
0x9b: {  	v25 =	vld [tilespmem:s4+$0xFFFFFF30];
	v14 =	vadd.f32 v24, v14  }
0x9c: {  	v42 =	vld [tilespmem:s5+$0xFFFFFF90];
	[tilespmem:s4+$0x20] =	vst v17  }
0x9d: {  	v27 =	vmul.f32 $1.131370830e+01, v27;
	v17 =	vld [tilespmem:s4+$0x40];
	[tilespmem:s4+$0x30] =	vst v14  }
0x9e: {  	v14 =	vmul.f32 $1.131370830e+01, v22;
	v22 =	vshll.u32 v41, $0x10;
	v43 =	vld [tilespmem:s5+$0x20]  }
0x9f: {  	v23 =	vmul.f32 $1.131370830e+01, v23;
	v22 =	vadd.f32 v22, v27;
	v27 =	vld [tilespmem:s4+$0x50]  }
0xa0: {  	v7 =	vld [tilespmem:s19+$0xFFFFFFA0];
	v25 =	vmul.f32 $1.131370830e+01, v25;
	v29 =	vand.u32 $0xFFFF0000, v41  }
0xa1: {  	v8 =	vld [tilespmem:s19+$0xFFFFFFB0];
	v23 =	vadd.f32 v29, v23;
	v28 =	vand.u32 $0xFFFF0000, v42  }
0xa2: {  	v15 =	vld [tilespmem:s19+$0xE0];
	[tilespmem:s19+$0xFFFFFF50] =	vst v5;
	v44 =	vshll.u32 v42, $0x10;
	v25 =	vadd.f32 v28, v25  }
0xa3: {  	v6 =	vld [tilespmem:s19+$0xFFFFFFC0];
	v31 =	vadd.f32 v44, v14;
	[tilespmem:s19+$0xD0] =	vst v23;
	v17 =	vmul.f32 $1.131370830e+01, v17  }
0xa4: {  	v19 =	vld [tilespmem:s21+$0xFFFFFFB0];
	v23 =	vshll.u32 v43, $0x10;
	[tilespmem:s4+$0xFFFFFF30] =	vst v25;
	v25 =	vmul.f32 $1.131370830e+01, v27  }
0xa5: {  	v24 =	vld [tilespmem:s4+$0xFFFFFF40];
	[tilespmem:s4+$0xFFFFFF20] =	vst v31;
	v46 =	vand.u32 $0xFFFF0000, v43;
	v23 =	vadd.f32 v23, v17  }
0xa6: {  	v27 =	vld [tilespmem:s5+$0xFFFFFFA0];
	v25 =	vadd.f32 v46, v25  }
0xa7: {  	v12 =	vmul.f32 $1.131370830e+01, v12;
	v26 =	vld [tilespmem:s11+$0xFFFFFFD0];
	[tilespmem:s4+$0x40] =	vst v23  }
0xa8: {  	v49 =	vmul.f32 $1.131370830e+01, v18;
	v62 =	vshll.u32 v11, $0x10;
	v11 =	vand.u32 $0xFFFF0000, v11;
	v23 =	vld [tilespmem:s4+$0x60];
	[tilespmem:s4+$0x50] =	vst v25  }
0xa9: {  	v11 =	vadd.f32 v11, v12;
	v12 =	vmul.f32 $1.131370830e+01, v15;
	v25 =	vshll.u32 v19, $0x10;
	v48 =	vld [tilespmem:s5+$0x30]  }
0xaa: {  	v15 =	vld [tilespmem:s9+$0xFFFFFF30];
	v24 =	vmul.f32 $1.131370830e+01, v24;
	v19 =	vand.u32 $0xFFFF0000, v19;
	v25 =	vadd.f32 v25, v47  }
0xab: {  	v32 =	vmul.f32 $1.131370830e+01, v32;
	v5 =	vld [tilespmem:s19+$0xFFFFFFD0];
	[tilespmem:s19+$0xC0] =	vst v22;
	v19 =	vadd.f32 v19, v49;
	v18 =	vshll.u32 v27, $0x10  }
0xac: {  	v13 =	vld [tilespmem:s19+$0xFFFFFFE0];
	v24 =	vadd.f32 v18, v24;
	[tilespmem:s19+$0xFFFFFF60] =	vst v25;
	v25 =	vand.u32 $0xFFFF0000, v27  }
0xad: {  	v41 =	vld [tilespmem:s4+$0xFFFFFFF0];
	v29 =	vmul.f32 $1.131370830e+01, v54;
	[tilespmem:s19+$0xFFFFFF70] =	vst v19;
	v25 =	vadd.f32 v25, v32;
	v23 =	vmul.f32 $1.131370830e+01, v23  }
0xae: {  	v27 =	vshll.u32 v26, $0x10;
	v52 =	vld [tilespmem:s21+$0xFFFFFFC0];
	[tilespmem:s4+$0xFFFFFF40] =	vst v24;
	v24 =	vmul.f32 $1.131370830e+01, v9;
	v19 =	vshll.u32 v48, $0x10  }
0xaf: {  	v22 =	vld [tilespmem:s4+$0xFFFFFF70];
	v26 =	vand.u32 $0xFFFF0000, v26;
	[tilespmem:s4+$0xFFFFFF50] =	vst v25;
	v25 =	vmul.f32 $1.131370830e+01, v50;
	v23 =	vadd.f32 v19, v23  }
0xb0: {  	v36 =	vshll.u32 v55, $0x10;
	v14 =	vld [tilespmem:s19+$0xFFFFFFF0];
	v24 =	vadd.f32 v26, v24;
	v26 =	vand.u32 $0xFFFF0000, v48  }
0xb1: {  	v29 =	vadd.f32 v36, v29;
	v36 =	vmul.f32 $1.131370830e+01, v61;
	v61 =	vld [tilespmem:s9+$0xFFFFFFA0];
	v25 =	vadd.f32 v26, v25;
	[tilespmem:s4+$0x60] =	vst v23  }
0xb2: {  	v20 =	vmul.f32 $1.131370830e+01, v20;
	v21 =	vmul.f32 $1.131370830e+01, v21;
	v51 =	vld [tilespmem:s21+$0x70];
	[tilespmem:s17+$0xFFFFFFB0] =	vst v24  }
0xb3: {  	v24 =	vld [tilespmem:s4+$0x80];
	v53 =	vand.u32 $0xFFFF0000, v52;
	[tilespmem:s4+$0x70] =	vst v25;
	v25 =	vshll.u32 v52, $0x10  }
0xb4: {  	v21 =	vadd.f32 v53, v21;
	v20 =	vadd.f32 v25, v20;
	v25 =	vld [tilespmem:s5+$0x40]  }
0xb5: {  	v26 =	vld [tilespmem:s4+$0x90]  }
0xb6: {  	[tilespmem:s19+$0xFFFFFF90] =	vst v21;
	v21 =	vld [tilespmem:s9+$0x10]  }
0xb7: {  	v43 =	vld [tilespmem:s4+$0xC0]  }
0xb8: {  	[tilespmem:s9+$0x0] =	vst v29;
	v29 =	vmul.f32 $1.131370830e+01, v58;
	v58 =	vld [tilespmem:s9+$0xFFFFFF90];
	v24 =	vmul.f32 $1.131370830e+01, v24  }
0xb9: {  	v17 =	vld [tilespmem:s4+$0xFFFFFF80];
	v56 =	vshll.u32 v25, $0x10  }
0xba: {  	v46 =	vld [tilespmem:s9+$0x40];
	v26 =	vmul.f32 $1.131370830e+01, v26;
	v24 =	vadd.f32 v56, v24  }
0xbb: {  	v18 =	vld [tilespmem:s4+$0xFFFFFFA0];
	v27 =	vadd.f32 v27, v34;
	v25 =	vand.u32 $0xFFFF0000, v25;
	v38 =	vmul.f32 $1.131370830e+01, v21  }
0xbc: {  	v25 =	vadd.f32 v25, v26;
	v26 =	vand.u32 $0xFFFF0000, v55;
	[tilespmem:s4+$0x80] =	vst v24;
	v24 =	vld [tilespmem:s9+$0xFFFFFF10]  }
0xbd: {  	v9 =	vld [tilespmem:s4+$0xFFFFFFC0];
	[tilespmem:s17+$0xFFFFFFA0] =	vst v27;
	v26 =	vadd.f32 v26, v38  }
0xbe: {  	v59 =	vmul.f32 $1.131370830e+01, v57;
	v4 =	vmul.f32 $1.131370830e+01, v4;
	v27 =	vld [tilespmem:s5+$0xFFFFFFB0];
	[tilespmem:s4+$0x90] =	vst v25  }
0xbf: {  	v35 =	vmul.f32 $1.131370830e+01, v35;
	v7 =	vmul.f32 $1.131370830e+01, v7;
	v25 =	vld [tilespmem:s9+$0x20];
	[tilespmem:s9+$0x10] =	vst v26  }
0xc0: {  	v4 =	vadd.f32 v62, v4;
	v8 =	vmul.f32 $1.131370830e+01, v8;
	v57 =	vmul.f32 $1.131370830e+01, v6;
	v60 =	vld [tilespmem:s7+$0x10]  }
0xc1: {  	v28 =	vmul.f32 $1.131370830e+01, v45;
	v48 =	vld [tilespmem:s9+$0xFFFFFF50];
	v26 =	vshll.u32 v37, $0x10;
	v24 =	vmul.f32 $1.131370830e+01, v24  }
0xc2: {  	v42 =	vshll.u32 v51, $0x10;
	v23 =	vld [tilespmem:s11+$0xFFFFFFE0];
	v37 =	vand.u32 $0xFFFF0000, v37;
	v26 =	vadd.f32 v26, v59  }
0xc3: {  	[tilespmem:s17+$0xF0] =	vst v11;
	v31 =	vand.u32 $0xFFFF0000, v51;
	v51 =	vmul.f32 $1.131370830e+01, v0;
	v40 =	vld [tilespmem:s5+$0x50];
	v24 =	vadd.f32 v37, v24  }
0xc4: {  	v12 =	vadd.f32 v42, v12;
	v52 =	vld [tilespmem:s9+$0x50];
	v53 =	vmul.f32 $1.131370830e+01, v1;
	[tilespmem:s9+$0xFFFFFF00] =	vst v26;
	v25 =	vmul.f32 $1.131370830e+01, v25  }
0xc5: {  	v1 =	vmul.f32 $1.131370830e+01, v22;
	v22 =	vld [tilespmem:s9+$0xFFFFFF60];
	v34 =	vand.u32 $0xFFFF0000, v60;
	[tilespmem:s9+$0xFFFFFF10] =	vst v24;
	v24 =	vshll.u32 v60, $0x10  }
0xc6: {  	[tilespmem:s17+$0xE0] =	vst v4;
	v0 =	vmul.f32 $1.131370830e+01, v15;
	v34 =	vadd.f32 v34, v36;
	v24 =	vadd.f32 v24, v25;
	v25 =	vld [tilespmem:s7+$0xFFFFFF90]  }
0xc7: {  	v28 =	vadd.f32 v31, v28;
	v54 =	vmul.f32 $1.131370830e+01, v46;
	v18 =	vmul.f32 $1.131370830e+01, v18;
	[tilespmem:s19+$0xFFFFFF80] =	vst v20;
	v56 =	vld [tilespmem:s9+$0xFFFFFF80]  }
0xc8: {  	v47 =	vshll.u32 v27, $0x10;
	v27 =	vand.u32 $0xFFFF0000, v27;
	v32 =	vld [tilespmem:s21+$0xFFFFFFD0];
	v44 =	vshll.u32 v40, $0x10;
	[tilespmem:s9+$0x30] =	vst v34  }
0xc9: {  	v26 =	vmul.f32 $1.131370830e+01, v33;
	v30 =	vand.u32 $0xFFFF0000, v40;
	v45 =	vadd.f32 v44, v35;
	[tilespmem:s9+$0x20] =	vst v24;
	v24 =	vld [tilespmem:s9+$0xFFFFFF40]  }
0xca: {  	[tilespmem:s19+$0xE0] =	vst v12;
	v6 =	vand.u32 $0xFFFF0000, v23;
	v38 =	vmul.f32 $1.131370830e+01, v63;
	v29 =	vadd.f32 v30, v29;
	v50 =	vld [tilespmem:s7+$0x20]  }
0xcb: {  	v19 =	vld [tilespmem:s4+$0xFFFFFFD0];
	v22 =	vmul.f32 $1.131370830e+01, v22;
	v26 =	vadd.f32 v47, v26;
	[tilespmem:s4+$0xA0] =	vst v45;
	v49 =	vshll.u32 v25, $0x10  }
0xcc: {  	v20 =	vld [tilespmem:s4+$0xE0];
	v12 =	vmul.f32 $1.131370830e+01, v56;
	[tilespmem:s4+$0xB0] =	vst v29;
	v25 =	vand.u32 $0xFFFF0000, v25;
	v15 =	vadd.f32 v49, v38  }
0xcd: {  	v30 =	vmul.f32 $1.131370830e+01, v52;
	[tilespmem:s4+$0xFFFFFF60] =	vst v26;
	v60 =	vmul.f32 $1.131370830e+01, v5;
	v0 =	vadd.f32 v25, v0;
	v25 =	vld [tilespmem:s4+$0xD0]  }
0xce: {  	v5 =	vmul.f32 $1.131370830e+01, v48;
	v55 =	vld [tilespmem:s5+$0x60];
	v4 =	vmul.f32 $1.131370830e+01, v24;
	v24 =	vadd.f32 v6, v53;
	[tilespmem:s9+$0xFFFFFF20] =	vst v15  }
0xcf: {  	v21 =	vld [tilespmem:s4+$0xFFFFFFE0];
	v15 =	vadd.f32 v27, v1;
	v1 =	vshll.u32 v32, $0x10;
	[tilespmem:s9+$0xFFFFFF30] =	vst v0;
	v0 =	vshll.u32 v50, $0x10  }
0xd0: {  	v11 =	vadd.f32 v0, v54;
	v0 =	vmul.f32 $1.131370830e+01, v2;
	v26 =	vld [tilespmem:s7+$0xFFFFFFA0];
	v2 =	vand.u32 $0xFFFF0000, v50;
	[tilespmem:s17+$0xFFFFFFD0] =	vst v24  }
0xd1: {  	v7 =	vadd.f32 v1, v7;
	v1 =	vand.u32 $0xFFFF0000, v32;
	v24 =	vld [tilespmem:s9+$0x90];
	v2 =	vadd.f32 v2, v30;
	[tilespmem:s4+$0xFFFFFF70] =	vst v15  }
0xd2: {  	v8 =	vadd.f32 v1, v8;
	v1 =	vmul.f32 $1.131370830e+01, v3;
	v15 =	vld [tilespmem:s9+$0x60];
	[tilespmem:s9+$0x40] =	vst v11;
	v25 =	vmul.f32 $1.131370830e+01, v25  }
0xd3: {  	v3 =	vshll.u32 v23, $0x10;
	v11 =	vmul.f32 $1.131370830e+01, v43;
	v59 =	vld [tilespmem:s5+$0xFFFFFFC0];
	[tilespmem:s9+$0x50] =	vst v2;
	v2 =	vand.u32 $0xFFFF0000, v55  }
0xd4: {  	v23 =	vadd.f32 v3, v51;
	v3 =	vshll.u32 v55, $0x10;
	[tilespmem:s19+$0xFFFFFFB0] =	vst v8;
	v8 =	vld [tilespmem:s9+$0xFFFFFFD0];
	v6 =	vadd.f32 v2, v25  }
0xd5: {  	[tilespmem:s19+$0xFFFFFFA0] =	vst v7;
	v7 =	vmul.f32 $1.131370830e+01, v16;
	v3 =	vadd.f32 v3, v11;
	v11 =	vld [tilespmem:s9+$0x70];
	v2 =	vshll.u32 v26, $0x10  }
0xd6: {  	v25 =	vld [tilespmem:s7+$0x30];
	v24 =	vmul.f32 $1.131370830e+01, v24;
	v4 =	vadd.f32 v2, v4;
	[tilespmem:s4+$0xD0] =	vst v6;
	v6 =	vand.u32 $0xFFFF0000, v26  }
0xd7: {  	v27 =	vld [tilespmem:s9+$0xFFFFFF70];
	[tilespmem:s4+$0xC0] =	vst v3;
	v2 =	vmul.f32 $1.131370830e+01, v13;
	v13 =	vmul.f32 $1.131370830e+01, v17;
	v5 =	vadd.f32 v6, v5  }
0xd8: {  	v3 =	vmul.f32 $1.131370830e+01, v14;
	v26 =	vmul.f32 $1.131370830e+01, v10;
	v14 =	vld [tilespmem:s5+$0x70];
	[tilespmem:s9+$0xFFFFFF40] =	vst v4;
	v4 =	vshll.u32 v59, $0x10  }
0xd9: {  	v10 =	vld [tilespmem:s4+$0xF0];
	v6 =	vmul.f32 $1.131370830e+01, v9;
	v4 =	vadd.f32 v4, v13;
	[tilespmem:s9+$0xFFFFFF50] =	vst v5;
	v5 =	vand.u32 $0xFFFF0000, v59  }
0xda: {  	v16 =	vld [tilespmem:s9+$0xFFFFFFC0];
	v8 =	vmul.f32 $1.131370830e+01, v8;
	v13 =	vmul.f32 $1.131370830e+01, v15;
	v5 =	vadd.f32 v5, v7  }
0xdb: {  	v9 =	vshll.u32 v25, $0x10;
	v11 =	vmul.f32 $1.131370830e+01, v11;
	v7 =	vmul.f32 $1.131370830e+01, v19;
	v15 =	vld [tilespmem:s7+$0xFFFFFFB0];
	[tilespmem:s4+$0xFFFFFF80] =	vst v4  }
0xdc: {  	v17 =	vld [tilespmem:s9+$0xFFFFFFB0];
	v19 =	vand.u32 $0xFFFF0000, v25;
	v9 =	vadd.f32 v9, v13;
	v13 =	vmul.f32 $1.131370830e+01, v20;
	[tilespmem:s4+$0xFFFFFF90] =	vst v5  }
0xdd: {  	[tilespmem:s19+$0xF0] =	vst v28;
	v4 =	vmul.f32 $1.131370830e+01, v21;
	v11 =	vadd.f32 v19, v11;
	v19 =	vshll.u32 v14, $0x10;
	v25 =	vld [tilespmem:s5+$0xFFFFFFD0]  }
0xde: {  	v21 =	vld [tilespmem:s21+$0xFFFFFFE0];
	v5 =	vmul.f32 $1.131370830e+01, v41;
	[tilespmem:s9+$0x60] =	vst v9;
	v9 =	vmul.f32 $1.131370830e+01, v10;
	v19 =	vadd.f32 v19, v13  }
0xdf: {  	v62 =	vld [tilespmem:s9+$0x80];
	[tilespmem:s9+$0x70] =	vst v11;
	v10 =	vand.u32 $0xFFFF0000, v14;
	v14 =	vmul.f32 $1.131370830e+01, v27;
	v13 =	vmul.f32 $1.131370830e+01, v58  }
0xe0: {  	[tilespmem:s17+$0xFFFFFFC0] =	vst v23;
	v20 =	vld [tilespmem:s7+$0x40];
	v23 =	vadd.f32 v10, v9;
	v9 =	vmul.f32 $1.131370830e+01, v16;
	v16 =	vshll.u32 v15, $0x10  }
0xe1: {  	v11 =	vmul.f32 $1.131370830e+01, v17;
	v17 =	vand.u32 $0xFFFF0000, v15;
	v15 =	vld [tilespmem:s9+$0xFFFFFFE0];
	[tilespmem:s4+$0xE0] =	vst v19;
	v16 =	vadd.f32 v16, v22  }
0xe2: {  	v10 =	vmul.f32 $1.131370830e+01, v61;
	v17 =	vadd.f32 v17, v14;
	v14 =	vld [tilespmem:s9+$0xFFFFFFF0];
	[tilespmem:s4+$0xF0] =	vst v23;
	v22 =	vshll.u32 v25, $0x10  }
0xe3: {  	v19 =	vshll.u32 v21, $0x10;
	v23 =	vand.u32 $0xFFFF0000, v25;
	[tilespmem:s9+$0xFFFFFF60] =	vst v16;
	v16 =	vld [tilespmem:s9+$0xE0];
	v63 =	vadd.f32 v22, v18  }
0xe4: {  	v27 =	vand.u32 $0xFFFF0000, v21;
	[tilespmem:s9+$0xFFFFFF70] =	vst v17;
	v17 =	vld [tilespmem:s11+$0xFFFFFFF0];
	v21 =	vadd.f32 v23, v26;
	v23 =	vmul.f32 $1.131370830e+01, v62  }
0xe5: {  	s6 =	simm.s32 $0x900;
	s10 =	simm.s32 $0x6;
	v19 =	vadd.f32 v19, v57;
	s11 =	simm.s32 $0x10680;
	v25 =	vshll.u32 v20, $0x10;
	v18 =	vadd.f32 v27, v60;
	v22 =	vld [tilespmem:s9+$0xA0];
	[tilespmem:s4+$0xFFFFFFA0] =	vst v63  }
.LBB2_2:
0xe6: {  	v26 =	vld [tilespmem:s11+$0x0];
	v15 =	vmul.f32 $1.131370830e+01, v15;
	v20 =	vand.u32 $0xFFFF0000, v20;
	v23 =	vadd.f32 v25, v23;
	s9 =	sadd.s32 $0x200, s9;
	[tilespmem:s4+$0xFFFFFFB0] =	vst v21  }
0xe7: {  	v21 =	vld [tilespmem:s9+$0x0];
	v25 =	vmul.f32 $1.131370830e+01, v14;
	v20 =	vadd.f32 v20, v24;
	[tilespmem:s19+$0xFFFFFFC0] =	vst v19  }
0xe8: {  	v19 =	vld [tilespmem:s9+$0x10];
	[tilespmem:s6+$0x80] =	vst v23;
	v14 =	vmul.f32 $1.131370830e+01, v16  }
0xe9: {  	[tilespmem:s6+$0x90] =	vst v20;
	v16 =	vld [tilespmem:s6+$0xB0];
	v20 =	vshll.u32 v17, $0x10;
	v17 =	vand.u32 $0xFFFF0000, v17  }
0xea: {  	v23 =	vld [tilespmem:s7+$0x50];
	[tilespmem:s19+$0xFFFFFFD0] =	vst v18;
	v18 =	vadd.f32 v20, v0;
	v17 =	vadd.f32 v17, v1;
	v0 =	vmovc v2;
	v2 =	vmov v4  }
0xeb: {  	v4 =	vmovc v15;
	v1 =	vmov v3;
	v3 =	vmov v5;
	v5 =	vmov v25;
	v20 =	vld [tilespmem:s9+$0xFFFFFF00]  }
0xec: {  	v15 =	vld [tilespmem:s9+$0xFFFFFF10];
	v21 =	vmul.f32 $1.131370830e+01, v21;
	[tilespmem:s17+$0xFFFFFFE0] =	vst v18  }
0xed: {  	v24 =	vshll.u32 v26, $0x10;
	v18 =	vld [tilespmem:s11+$0xFFFFFF80];
	v19 =	vmul.f32 $1.131370830e+01, v19;
	[tilespmem:s17+$0xFFFFFFF0] =	vst v17;
	s17 =	smov.u32 s19;
	s19 =	smov.u32 s4;
	s4 =	smov.u32 s6  }
0xee: {  	s10 =	sadd.s32 $0x2, s10;
	v22 =	vmul.f32 $1.131370830e+01, v22;
	v25 =	vand.u32 $0xFFFF0000, v26;
	s6 =	smov.u32 s9;
	v17 =	vld [tilespmem:s9+$0xFFFFFF20];
	v21 =	vadd.f32 v24, v21  }
0xef: {  	p0 =	slt.u32 s10, $0x3E;
	v16 =	vmul.f32 $1.131370830e+01, v16;
	v19 =	vadd.f32 v25, v19;
	v24 =	vshll.u32 v23, $0x10;
	v25 =	vld [tilespmem:s4+$0xC0]  }
0xf0: {  	v23 =	vand.u32 $0xFFFF0000, v23;
	v20 =	vmul.f32 $1.131370830e+01, v20;
	[tilespmem:s9+$0x0] =	vst v21;
	v21 =	vld [tilespmem:s9+$0x20];
	v22 =	vadd.f32 v24, v22  }
0xf1: {  	v16 =	vadd.f32 v23, v16;
	v15 =	vmul.f32 $1.131370830e+01, v15;
	[tilespmem:s9+$0x10] =	vst v19;
	v19 =	vld [tilespmem:s9+$0x30]  }
0xf2: {  	v23 =	vshll.u32 v18, $0x10;
	v18 =	vand.u32 $0xFFFF0000, v18;
	v24 =	vld [tilespmem:s11+$0x10];
	[tilespmem:s4+$0xA0] =	vst v22  }
0xf3: {  	v20 =	vadd.f32 v23, v20;
	v15 =	vadd.f32 v18, v15;
	v17 =	vmul.f32 $1.131370830e+01, v17;
	[tilespmem:s4+$0xB0] =	vst v16;
	v16 =	vld [tilespmem:s4+$0xD0]  }
0xf4: {  	v18 =	vld [tilespmem:s7+$0x60]  }
0xf5: {  	[tilespmem:s9+$0xFFFFFF00] =	vst v20;
	v20 =	vld [tilespmem:s9+$0xFFFFFF30]  }
0xf6: {  	v21 =	vmul.f32 $1.131370830e+01, v21;
	[tilespmem:s9+$0xFFFFFF10] =	vst v15;
	v15 =	vld [tilespmem:s9+$0xFFFFFF40]  }
0xf7: {  	v19 =	vmul.f32 $1.131370830e+01, v19;
	v22 =	vld [tilespmem:s11+$0xFFFFFF90];
	v23 =	vshll.u32 v24, $0x10  }
0xf8: {  	v24 =	vand.u32 $0xFFFF0000, v24;
	v26 =	vld [tilespmem:s9+$0xFFFFFF50];
	v21 =	vadd.f32 v23, v21;
	v23 =	vmul.f32 $1.131370830e+01, v25  }
0xf9: {  	v19 =	vadd.f32 v24, v19;
	v16 =	vmul.f32 $1.131370830e+01, v16;
	v25 =	vld [tilespmem:s9+$0xFFFFFF60];
	v24 =	vshll.u32 v18, $0x10  }
0xfa: {  	v18 =	vand.u32 $0xFFFF0000, v18;
	v20 =	vmul.f32 $1.131370830e+01, v20;
	[tilespmem:s9+$0x20] =	vst v21;
	v21 =	vld [tilespmem:s9+$0x40];
	v23 =	vadd.f32 v24, v23  }
0xfb: {  	v16 =	vadd.f32 v18, v16;
	v15 =	vmul.f32 $1.131370830e+01, v15;
	[tilespmem:s9+$0x30] =	vst v19;
	v19 =	vld [tilespmem:s9+$0x50]  }
0xfc: {  	v18 =	vshll.u32 v22, $0x10;
	v22 =	vand.u32 $0xFFFF0000, v22;
	v24 =	vld [tilespmem:s11+$0x20];
	[tilespmem:s4+$0xC0] =	vst v23  }
0xfd: {  	v17 =	vadd.f32 v18, v17;
	v18 =	vadd.f32 v22, v20;
	v20 =	vmul.f32 $1.131370830e+01, v26;
	[tilespmem:s4+$0xD0] =	vst v16;
	v16 =	vld [tilespmem:s4+$0xF0]  }
0xfe: {  	v22 =	vmul.f32 $1.131370830e+01, v25;
	v23 =	vld [tilespmem:s7+$0x70]  }
0xff: {  	[tilespmem:s9+$0xFFFFFF20] =	vst v17;
	v17 =	vld [tilespmem:s9+$0xFFFFFF70]  }
0x100: {  	v21 =	vmul.f32 $1.131370830e+01, v21;
	[tilespmem:s9+$0xFFFFFF30] =	vst v18;
	v18 =	vld [tilespmem:s9+$0xFFFFFF80]  }
0x101: {  	v19 =	vmul.f32 $1.131370830e+01, v19;
	v25 =	vld [tilespmem:s11+$0xFFFFFFA0];
	v26 =	vshll.u32 v24, $0x10  }
0x102: {  	v24 =	vand.u32 $0xFFFF0000, v24;
	v27 =	vld [tilespmem:s9+$0xFFFFFF90];
	v21 =	vadd.f32 v26, v21;
	v16 =	vmul.f32 $1.131370830e+01, v16  }
0x103: {  	v19 =	vadd.f32 v24, v19;
	v24 =	vld [tilespmem:s7+$0xFFFFFFC0];
	v26 =	vshll.u32 v23, $0x10;
	v23 =	vand.u32 $0xFFFF0000, v23  }
0x104: {  	v17 =	vmul.f32 $1.131370830e+01, v17;
	[tilespmem:s9+$0x40] =	vst v21;
	v21 =	vld [tilespmem:s9+$0x60];
	v14 =	vadd.f32 v26, v14;
	v16 =	vadd.f32 v23, v16  }
0x105: {  	v18 =	vmul.f32 $1.131370830e+01, v18;
	[tilespmem:s9+$0x50] =	vst v19;
	v19 =	vld [tilespmem:s9+$0x70]  }
0x106: {  	v23 =	vshll.u32 v25, $0x10;
	v25 =	vand.u32 $0xFFFF0000, v25;
	v26 =	vld [tilespmem:s11+$0x30];
	[tilespmem:s4+$0xF0] =	vst v16  }
0x107: {  	v15 =	vadd.f32 v23, v15;
	v16 =	vadd.f32 v25, v20;
	v20 =	vmul.f32 $1.131370830e+01, v27;
	v23 =	vld [tilespmem:s9+$0xFFFFFFA0];
	[tilespmem:s4+$0xE0] =	vst v14  }
0x108: {  	v14 =	vld [tilespmem:s9+$0xFFFFFFB0];
	v25 =	vshll.u32 v24, $0x10;
	v24 =	vand.u32 $0xFFFF0000, v24  }
0x109: {  	[tilespmem:s9+$0xFFFFFF40] =	vst v15;
	v15 =	vld [tilespmem:s9+$0xFFFFFFC0];
	v25 =	vadd.f32 v25, v12;
	v24 =	vadd.f32 v24, v13;
	v12 =	vmovc v18;
	v13 =	vmov v20  }
0x10a: {  	v18 =	vmul.f32 $1.131370830e+01, v21;
	[tilespmem:s9+$0xFFFFFF50] =	vst v16;
	v16 =	vld [tilespmem:s9+$0xFFFFFFD0]  }
0x10b: {  	v19 =	vmul.f32 $1.131370830e+01, v19;
	v20 =	vld [tilespmem:s11+$0xFFFFFFB0];
	v21 =	vshll.u32 v26, $0x10;
	[tilespmem:s4+$0xFFFFFF80] =	vst v25  }
0x10c: {  	v25 =	vand.u32 $0xFFFF0000, v26;
	v23 =	vmul.f32 $1.131370830e+01, v23;
	v18 =	vadd.f32 v21, v18;
	[tilespmem:s4+$0xFFFFFF90] =	vst v24;
	v21 =	vld [tilespmem:s5+$0xFFFFFFE0]  }
0x10d: {  	v24 =	vmul.f32 $1.131370830e+01, v14;
	v14 =	vadd.f32 v25, v19;
	v19 =	vld [tilespmem:s7+$0xFFFFFFD0]  }
0x10e: {  	v26 =	vmul.f32 $1.131370830e+01, v15;
	[tilespmem:s9+$0x60] =	vst v18;
	v18 =	vld [tilespmem:s9+$0x80]  }
0x10f: {  	v27 =	vmul.f32 $1.131370830e+01, v16;
	[tilespmem:s9+$0x70] =	vst v14;
	v28 =	vld [tilespmem:s9+$0x90]  }
0x110: {  	v14 =	vshll.u32 v20, $0x10;
	v15 =	vand.u32 $0xFFFF0000, v20;
	v20 =	vld [tilespmem:s11+$0x40]  }
.Ltmp0:
0x111: {  	v16 =	vadd.f32 v14, v22;
	v17 =	vadd.f32 v15, v17;
	v15 =	vld [tilespmem:s9+$0xFFFFFFE0];
	v22 =	vshll.u32 v21, $0x10;
	(pc) =	sbr.rel @p0 .LBB2_2-.Ltmp0, $4  }
0x112: {  	v29 =	vand.u32 $0xFFFF0000, v21;
	v14 =	vld [tilespmem:s9+$0xFFFFFFF0];
	v25 =	vshll.u32 v19, $0x10;
	v19 =	vand.u32 $0xFFFF0000, v19  }
0x113: {  	[tilespmem:s9+$0xFFFFFF60] =	vst v16;
	v16 =	vld [tilespmem:s9+$0xE0];
	v30 =	vadd.f32 v25, v10;
	v21 =	vadd.f32 v19, v11;
	v10 =	vmovc v23;
	v11 =	vmov v24  }
0x114: {  	v23 =	vmul.f32 $1.131370830e+01, v18;
	v19 =	vadd.f32 v22, v6;
	v18 =	vadd.f32 v29, v7;
	v6 =	vmovc v9;
	[tilespmem:s9+$0xFFFFFF70] =	vst v17;
	v17 =	vld [tilespmem:s21+$0xFFFFFFF0];
	s21 =	smov.u32 s5;
	s5 =	smov.u32 s7;
	s7 =	smov.u32 s11  }
0x115: {  	v9 =	vmovc v26;
	v7 =	vmovc v8;
	v8 =	vmov v27;
	v24 =	vmul.f32 $1.131370830e+01, v28;
	s11 =	sadd.s32 $0x100, s11;
	v25 =	vshll.u32 v20, $0x10;
	v22 =	vld [tilespmem:s9+$0xA0];
	[tilespmem:s4+$0xFFFFFFA0] =	vst v30  }
0x116: {  	v20 =	vand.u32 $0xFFFF0000, v20  }
0x117: {  	v20 =	vadd.f32 v20, v24;
	_ =	sdelay $0x1  }
0x118: {  	[tilespmem:s6+$0x90] =	vst v20;
	v20 =	vld [tilespmem:s7+$0xFFFFFFC0]  }
0x119: {  	v23 =	vadd.f32 v25, v23;
	_ =	sdelay $0x1  }
0x11a: {  	[tilespmem:s6+$0x80] =	vst v23;
	v23 =	vld [tilespmem:s6+$0xB0]  }
0x11b: {  	v24 =	vld [tilespmem:s7+$0x50]  }
0x11c: {  	v25 =	vshll.u32 v20, $0x10  }
0x11d: {  	v20 =	vand.u32 $0xFFFF0000, v20;
	v12 =	vadd.f32 v25, v12  }
0x11e: {  	v13 =	vadd.f32 v20, v13  }
0x11f: {  	v22 =	vmul.f32 $1.131370830e+01, v22;
	[tilespmem:s6+$0xFFFFFF80] =	vst v12  }
0x120: {  	v23 =	vmul.f32 $1.131370830e+01, v23;
	v25 =	vshll.u32 v24, $0x10;
	[tilespmem:s6+$0xFFFFFF90] =	vst v13  }
0x121: {  	v20 =	vand.u32 $0xFFFF0000, v24;
	v22 =	vadd.f32 v25, v22;
	v13 =	vld [tilespmem:s7+$0xFFFFFFD0]  }
0x122: {  	v20 =	vadd.f32 v20, v23  }
0x123: {  	v12 =	vld [tilespmem:s6+$0xC0];
	[tilespmem:s6+$0xA0] =	vst v22  }
0x124: {  	[tilespmem:s6+$0xB0] =	vst v20;
	v20 =	vld [tilespmem:s6+$0xD0]  }
0x125: {  	v22 =	vld [tilespmem:s7+$0x60]  }
0x126: {  	v23 =	vshll.u32 v13, $0x10  }
0x127: {  	v13 =	vand.u32 $0xFFFF0000, v13;
	v10 =	vadd.f32 v23, v10  }
0x128: {  	[tilespmem:s4+$0xFFFFFFB0] =	vst v21;
	v11 =	vadd.f32 v13, v11  }
0x129: {  	v21 =	vld [tilespmem:s5+$0xFFFFFFE0];
	v12 =	vmul.f32 $1.131370830e+01, v12;
	[tilespmem:s6+$0xFFFFFFA0] =	vst v10  }
0x12a: {  	v20 =	vmul.f32 $1.131370830e+01, v20;
	v13 =	vshll.u32 v22, $0x10;
	[tilespmem:s6+$0xFFFFFFB0] =	vst v11  }
0x12b: {  	v12 =	vadd.f32 v13, v12;
	v10 =	vand.u32 $0xFFFF0000, v22;
	v11 =	vld [tilespmem:s7+$0xFFFFFFE0]  }
0x12c: {  	v10 =	vadd.f32 v10, v20  }
0x12d: {  	[tilespmem:s6+$0xC0] =	vst v12  }
0x12e: {  	v12 =	vshll.u32 v21, $0x10;
	[tilespmem:s6+$0xD0] =	vst v10;
	v10 =	vld [tilespmem:s6+$0xF0]  }
0x12f: {  	[tilespmem:s19+$0xFFFFFFC0] =	vst v19;
	v19 =	vand.u32 $0xFFFF0000, v21;
	v6 =	vadd.f32 v12, v6;
	v13 =	vld [tilespmem:s7+$0x70]  }
0x130: {  	[tilespmem:s19+$0xFFFFFFD0] =	vst v18;
	v7 =	vadd.f32 v19, v7;
	v12 =	vshll.u32 v11, $0x10  }
0x131: {  	v18 =	vld [tilespmem:s21+$0xFFFFFFF0];
	[tilespmem:s4+$0xFFFFFFC0] =	vst v6;
	v6 =	vand.u32 $0xFFFF0000, v11;
	v9 =	vadd.f32 v12, v9  }
0x132: {  	[tilespmem:s4+$0xFFFFFFD0] =	vst v7;
	v11 =	vshll.u32 v17, $0x10;
	v6 =	vadd.f32 v6, v8  }
0x133: {  	v7 =	vand.u32 $0xFFFF0000, v17;
	v0 =	vadd.f32 v11, v0;
	v8 =	vmul.f32 $1.131370830e+01, v10;
	v10 =	vld [tilespmem:s5+$0xFFFFFFF0];
	[tilespmem:s6+$0xFFFFFFC0] =	vst v9  }
0x134: {  	v1 =	vadd.f32 v7, v1;
	v9 =	vmul.f32 $1.131370830e+01, v16;
	v7 =	vand.u32 $0xFFFF0000, v13;
	[tilespmem:s6+$0xFFFFFFD0] =	vst v6  }
0x135: {  	[tilespmem:s17+$0xFFFFFFE0] =	vst v0;
	v0 =	vshll.u32 v13, $0x10;
	v6 =	vadd.f32 v7, v8;
	v7 =	vld [tilespmem:s7+$0xFFFFFFF0]  }
0x136: {  	[tilespmem:s17+$0xFFFFFFF0] =	vst v1;
	v1 =	vshll.u32 v18, $0x10;
	v0 =	vadd.f32 v0, v9  }
0x137: {  	v1 =	vadd.f32 v1, v2;
	[tilespmem:s6+$0xF0] =	vst v6;
	v6 =	vand.u32 $0xFFFF0000, v18  }
0x138: {  	[tilespmem:s6+$0xE0] =	vst v0;
	v0 =	vadd.f32 v6, v3;
	v2 =	vshll.u32 v10, $0x10  }
0x139: {  	[tilespmem:s19+$0xFFFFFFE0] =	vst v1;
	v3 =	vmul.f32 $1.131370830e+01, v15;
	v1 =	vand.u32 $0xFFFF0000, v10;
	v2 =	vadd.f32 v2, v4  }
0x13a: {  	v4 =	vmul.f32 $1.131370830e+01, v14;
	[tilespmem:s19+$0xFFFFFFF0] =	vst v0;
	v0 =	vadd.f32 v1, v5;
	v1 =	vshll.u32 v7, $0x10  }
0x13b: {  	[tilespmem:s4+$0xFFFFFFE0] =	vst v2;
	v2 =	vand.u32 $0xFFFF0000, v7;
	v1 =	vadd.f32 v1, v3  }
0x13c: {  	[tilespmem:s4+$0xFFFFFFF0] =	vst v0;
	v0 =	vadd.f32 v2, v4  }
0x13d: {  	[tilespmem:s6+$0xFFFFFFE0] =	vst v1  }
0x13e: {  	[tilespmem:s6+$0xFFFFFFF0] =	vst v0  }
0x13f: {  	[hbm4b:s8+s3] =	stream.linear.scatter [tilespmem:s15], [sflag:$0x9], $0x4000, $0x38;
	[tilespmem:$0x18200] =	vst v63  }
0x140: {  	_ =	swait.ge [sflag:s29], $0x4000  }
0x141: {  	[sflag:s29] =	ssyncset.done $0x0  }
0x142: {  	[sflag:s29] =	ssyncadd.s32 $0xFFFFC000  }
0x143: {  	_ =	swait.ge [sflag:s30], $0x2000  }
0x144: {  	[sflag:s30] =	ssyncset.done $0x0  }
0x145: {  	s17 =	simm.s32 $0x43F0;
	[sflag:s30] =	ssyncadd.s32 $0xFFFFE000  }
0x146: {  	s11 =	simm.s32 $0x122F0;
	v0 =	vld [tilespmem:s17+$0xFFFFFF10]  }
0x147: {  	v1 =	vld [tilespmem:s11+$0xFFFFFF90]  }
0x148: {  	v2 =	vld [tilespmem:s17+$0xFFFFFF20];
	_ =	sdelay $0x3  }
0x149: {  	v0 =	vmul.f32 $1.131370830e+01, v0  }
0x14a: {  	v3 =	vshll.u32 v1, $0x10;
	v2 =	vmul.f32 $1.131370830e+01, v2  }
0x14b: {  	v1 =	vand.u32 $0xFFFF0000, v1;
	v0 =	vadd.f32 v3, v0  }
0x14c: {  	v4 =	vld [tilespmem:s17+$0xFFFFFE10];
	v1 =	vadd.f32 v1, v2  }
0x14d: {  	v2 =	vld [tilespmem:s17+$0xFFFFFF40];
	[tilespmem:s17+$0xFFFFFF10] =	vst v0  }
0x14e: {  	v0 =	vld [tilespmem:s17+$0xFFFFFF30];
	[tilespmem:s17+$0xFFFFFF20] =	vst v1  }
0x14f: {  	v1 =	vld [tilespmem:s11+$0xFFFFFFA0]  }
0x150: {  	v5 =	vld [tilespmem:s17+$0xFFFFFE20]  }
0x151: {  	v6 =	vld [tilespmem:s17+$0xFFFFFF60]  }
0x152: {  	v7 =	vld [tilespmem:s17+$0xFFFFFF80]  }
0x153: {  	v8 =	vld [tilespmem:s17+$0xFFFFFE60];
	v0 =	vmul.f32 $1.131370830e+01, v0  }
0x154: {  	v13 =	vld [tilespmem:s17+$0xFFFFFE90];
	v2 =	vmul.f32 $1.131370830e+01, v2;
	v3 =	vshll.u32 v1, $0x10  }
0x155: {  	v1 =	vand.u32 $0xFFFF0000, v1;
	v0 =	vadd.f32 v3, v0;
	v3 =	vld [tilespmem:s11+$0xFFFFFF10]  }
0x156: {  	s19 =	simm.s32 $0x45F0;
	v14 =	vld [tilespmem:s17+$0xFFFFFEA0];
	v1 =	vadd.f32 v1, v2  }
0x157: {  	v11 =	vld [tilespmem:s19+$0xFFFFFF10];
	[tilespmem:s17+$0xFFFFFF30] =	vst v0  }
0x158: {  	v0 =	vld [tilespmem:s17+$0xFFFFFF50];
	[tilespmem:s17+$0xFFFFFF40] =	vst v1  }
0x159: {  	s21 =	simm.s32 $0x123F0;
	v1 =	vmul.f32 $1.131370830e+01, v4;
	v2 =	vld [tilespmem:s11+$0xFFFFFFB0]  }
0x15a: {  	v12 =	vld [tilespmem:s21+$0xFFFFFF90];
	v5 =	vmul.f32 $1.131370830e+01, v5;
	v4 =	vshll.u32 v3, $0x10  }
0x15b: {  	v15 =	vld [tilespmem:s19+$0xFFFFFF20];
	v3 =	vand.u32 $0xFFFF0000, v3;
	v1 =	vadd.f32 v4, v1  }
0x15c: {  	v10 =	vld [tilespmem:s17+$0xFFFFFEB0];
	v3 =	vadd.f32 v3, v5  }
0x15d: {  	v4 =	vld [tilespmem:s17+$0xFFFFFE30];
	v0 =	vmul.f32 $1.131370830e+01, v0;
	[tilespmem:s17+$0xFFFFFE10] =	vst v1  }
0x15e: {  	v1 =	vld [tilespmem:s17+$0xFFFFFE40];
	v5 =	vshll.u32 v2, $0x10;
	[tilespmem:s17+$0xFFFFFE20] =	vst v3;
	v3 =	vmul.f32 $1.131370830e+01, v6  }
0x15f: {  	v2 =	vand.u32 $0xFFFF0000, v2;
	v0 =	vadd.f32 v5, v0;
	v6 =	vld [tilespmem:s11+$0xFFFFFF20]  }
0x160: {  	v9 =	vld [tilespmem:s17+$0xFFFFFEC0];
	v2 =	vadd.f32 v2, v3  }
0x161: {  	v18 =	vld [tilespmem:s21+$0xFFFFFF10];
	[tilespmem:s17+$0xFFFFFF50] =	vst v0  }
0x162: {  	v0 =	vld [tilespmem:s17+$0xFFFFFF70];
	[tilespmem:s17+$0xFFFFFF60] =	vst v2  }
0x163: {  	v2 =	vmul.f32 $1.131370830e+01, v4;
	v4 =	vld [tilespmem:s11+$0xFFFFFFC0]  }
0x164: {  	v19 =	vld [tilespmem:s17+$0xFFFFFFD0];
	v1 =	vmul.f32 $1.131370830e+01, v1;
	v5 =	vshll.u32 v6, $0x10  }
0x165: {  	v20 =	vld [tilespmem:s19+$0xFFFFFE40];
	v6 =	vand.u32 $0xFFFF0000, v6;
	v2 =	vadd.f32 v5, v2  }
0x166: {  	v22 =	vld [tilespmem:s19+$0xFFFFFE50];
	v1 =	vadd.f32 v6, v1  }
0x167: {  	s4 =	simm.s32 $0x47F0;
	v23 =	vld [tilespmem:s19+$0xFFFFFE60];
	v0 =	vmul.f32 $1.131370830e+01, v0;
	[tilespmem:s17+$0xFFFFFE30] =	vst v2  }
0x168: {  	v26 =	vld [tilespmem:s4+$0xFFFFFF10];
	[tilespmem:s17+$0xFFFFFE40] =	vst v1;
	v1 =	vmul.f32 $1.131370830e+01, v7;
	v2 =	vshll.u32 v4, $0x10  }
0x169: {  	v3 =	vld [tilespmem:s17+$0xFFFFFE50];
	v0 =	vadd.f32 v2, v0;
	v2 =	vand.u32 $0xFFFF0000, v4  }
0x16a: {  	v7 =	vld [tilespmem:s11+$0xFFFFFF30];
	v1 =	vadd.f32 v2, v1  }
0x16b: {  	[tilespmem:s17+$0xFFFFFF70] =	vst v0;
	v0 =	vld [tilespmem:s17+$0xFFFFFF90]  }
0x16c: {  	[tilespmem:s17+$0xFFFFFF80] =	vst v1;
	v1 =	vld [tilespmem:s17+$0xFFFFFFA0]  }
0x16d: {  	s5 =	simm.s32 $0x124F0;
	v2 =	vld [tilespmem:s11+$0xFFFFFFD0]  }
0x16e: {  	v27 =	vld [tilespmem:s5+$0xFFFFFF90]  }
0x16f: {  	v29 =	vld [tilespmem:s4+$0xFFFFFE10];
	v3 =	vmul.f32 $1.131370830e+01, v3  }
0x170: {  	v39 =	vld [tilespmem:s5+$0xFFFFFF10];
	v4 =	vshll.u32 v7, $0x10  }
0x171: {  	v31 =	vld [tilespmem:s4+$0xFFFFFE20];
	v3 =	vadd.f32 v4, v3;
	v1 =	vmul.f32 $1.131370830e+01, v1  }
0x172: {  	v32 =	vld [tilespmem:s4+$0xFFFFFE60];
	v0 =	vmul.f32 $1.131370830e+01, v0;
	v16 =	vshll.u32 v2, $0x10;
	v2 =	vand.u32 $0xFFFF0000, v2  }
0x173: {  	v33 =	vld [tilespmem:s4+$0xFFFFFE70];
	v11 =	vmul.f32 $1.131370830e+01, v11;
	v1 =	vadd.f32 v2, v1  }
0x174: {  	v46 =	vld [tilespmem:s19+$0x0];
	v15 =	vmul.f32 $1.131370830e+01, v15;
	[tilespmem:s17+$0xFFFFFE50] =	vst v3;
	v0 =	vadd.f32 v16, v0;
	v2 =	vshll.u32 v12, $0x10  }
0x175: {  	v3 =	vld [tilespmem:s17+$0xFFFFFFB0];
	v2 =	vadd.f32 v2, v11;
	[tilespmem:s17+$0xFFFFFFA0] =	vst v1;
	v1 =	vand.u32 $0xFFFF0000, v12  }
0x176: {  	v8 =	vmul.f32 $1.131370830e+01, v8;
	v11 =	vld [tilespmem:s17+$0xFFFFFFC0];
	[tilespmem:s17+$0xFFFFFF90] =	vst v0;
	v1 =	vadd.f32 v1, v15  }
0x177: {  	[tilespmem:s19+$0xFFFFFF10] =	vst v2;
	v2 =	vand.u32 $0xFFFF0000, v7;
	v7 =	vld [tilespmem:s19+$0xFFFFFF30]  }
0x178: {  	v2 =	vadd.f32 v2, v8;
	v8 =	vld [tilespmem:s11+$0xFFFFFFE0];
	[tilespmem:s19+$0xFFFFFF20] =	vst v1  }
0x179: {  	v12 =	vld [tilespmem:s21+$0xFFFFFFA0]  }
0x17a: {  	[tilespmem:s17+$0xFFFFFE60] =	vst v2;
	v2 =	vld [tilespmem:s19+$0xFFFFFF40]  }
0x17b: {  	s9 =	simm.s32 $0x49F0;
	v51 =	vld [tilespmem:s4+$0xFFFFFF80]  }
0x17c: {  	v55 =	vld [tilespmem:s9+$0xFFFFFF10];
	v3 =	vmul.f32 $1.131370830e+01, v3  }
0x17d: {  	v15 =	vld [tilespmem:s19+$0xFFFFFE10];
	v11 =	vmul.f32 $1.131370830e+01, v11;
	v17 =	vshll.u32 v8, $0x10  }
0x17e: {  	s7 =	simm.s32 $0x125F0;
	v16 =	vld [tilespmem:s19+$0xFFFFFE20];
	v7 =	vmul.f32 $1.131370830e+01, v7;
	v8 =	vand.u32 $0xFFFF0000, v8;
	v3 =	vadd.f32 v17, v3  }
0x17f: {  	v56 =	vld [tilespmem:s7+$0xFFFFFF90];
	v8 =	vadd.f32 v8, v11;
	v17 =	vshll.u32 v12, $0x10;
	v2 =	vmul.f32 $1.131370830e+01, v2  }
0x180: {  	v35 =	vld [tilespmem:s4+$0xFFFFFFB0];
	v7 =	vadd.f32 v17, v7;
	[tilespmem:s17+$0xFFFFFFB0] =	vst v3;
	v3 =	vand.u32 $0xFFFF0000, v12  }
0x181: {  	v58 =	vld [tilespmem:s9+$0xFFFFFE10];
	[tilespmem:s17+$0xFFFFFFC0] =	vst v8;
	v2 =	vadd.f32 v3, v2  }
0x182: {  	v3 =	vmul.f32 $1.131370830e+01, v15;
	[tilespmem:s19+$0xFFFFFF30] =	vst v7;
	v7 =	vld [tilespmem:s19+$0xFFFFFF50]  }
0x183: {  	v8 =	vshll.u32 v18, $0x10;
	[tilespmem:s19+$0xFFFFFF40] =	vst v2;
	v2 =	vmul.f32 $1.131370830e+01, v16;
	v16 =	vld [tilespmem:s19+$0xFFFFFF60]  }
0x184: {  	v15 =	vand.u32 $0xFFFF0000, v18;
	v3 =	vadd.f32 v8, v3;
	v8 =	vld [tilespmem:s21+$0xFFFFFFB0]  }
0x185: {  	v12 =	vld [tilespmem:s17+$0xFFFFFFE0];
	v15 =	vadd.f32 v15, v2  }
0x186: {  	v18 =	vld [tilespmem:s11+$0xFFFFFFF0];
	[tilespmem:s19+$0xFFFFFE10] =	vst v3  }
0x187: {  	v11 =	vld [tilespmem:s19+$0xFFFFFE30];
	[tilespmem:s19+$0xFFFFFE20] =	vst v15  }
0x188: {  	v7 =	vmul.f32 $1.131370830e+01, v7;
	v15 =	vld [tilespmem:s21+$0xFFFFFF20]  }
0x189: {  	v37 =	vld [tilespmem:s7+$0xFFFFFF10];
	v16 =	vmul.f32 $1.131370830e+01, v16;
	v21 =	vshll.u32 v8, $0x10  }
0x18a: {  	v59 =	vld [tilespmem:s4+$0xFFFFFFC0];
	v19 =	vmul.f32 $1.131370830e+01, v19;
	v8 =	vand.u32 $0xFFFF0000, v8;
	v7 =	vadd.f32 v21, v7  }
0x18b: {  	v5 =	vld [tilespmem:s17+$0xFFFFFE70];
	v12 =	vmul.f32 $1.131370830e+01, v12;
	v21 =	vshll.u32 v18, $0x10;
	v8 =	vadd.f32 v8, v16  }
0x18c: {  	v17 =	vld [tilespmem:s11+$0xFFFFFF40];
	[tilespmem:s19+$0xFFFFFF50] =	vst v7;
	v7 =	vmul.f32 $1.131370830e+01, v11;
	v11 =	vand.u32 $0xFFFF0000, v18;
	v18 =	vadd.f32 v21, v19  }
0x18d: {  	v19 =	vld [tilespmem:s19+$0xFFFFFF70];
	[tilespmem:s19+$0xFFFFFF60] =	vst v8;
	v8 =	vmul.f32 $1.131370830e+01, v20;
	v11 =	vadd.f32 v11, v12;
	v12 =	vshll.u32 v15, $0x10  }
0x18e: {  	v24 =	vld [tilespmem:s21+$0xFFFFFFC0];
	v7 =	vadd.f32 v12, v7;
	v12 =	vand.u32 $0xFFFF0000, v15  }
0x18f: {  	v15 =	vld [tilespmem:s19+$0xFFFFFF80];
	v8 =	vadd.f32 v12, v8  }
0x190: {  	v62 =	vld [tilespmem:s9+$0xFFFFFF40];
	[tilespmem:s19+$0xFFFFFE30] =	vst v7  }
0x191: {  	v34 =	vmul.f32 $1.131370830e+01, v10;
	v10 =	vld [tilespmem:s4+$0xFFFFFEC0];
	[tilespmem:s19+$0xFFFFFE40] =	vst v8  }
0x192: {  	v7 =	vmul.f32 $1.131370830e+01, v19;
	v19 =	vld [tilespmem:s21+$0xFFFFFF30]  }
0x193: {  	v6 =	vld [tilespmem:s17+$0xFFFFFE80];
	v5 =	vmul.f32 $1.131370830e+01, v5;
	v8 =	vshll.u32 v24, $0x10  }
0x194: {  	v4 =	vld [tilespmem:s17+$0xFFFFFFF0];
	v25 =	vshll.u32 v17, $0x10;
	v15 =	vmul.f32 $1.131370830e+01, v15;
	v8 =	vadd.f32 v8, v7  }
0x195: {  	v0 =	vld [tilespmem:s17+$0xFFFFFED0];
	v5 =	vadd.f32 v25, v5;
	v24 =	vand.u32 $0xFFFF0000, v24  }
0x196: {  	v1 =	vld [tilespmem:s17+$0xFFFFFEE0];
	v15 =	vadd.f32 v24, v15;
	[tilespmem:s19+$0xFFFFFF70] =	vst v8;
	v8 =	vand.u32 $0xFFFF0000, v17;
	v17 =	vmul.f32 $1.131370830e+01, v22  }
0x197: {  	[tilespmem:s17+$0xFFFFFE70] =	vst v5;
	v22 =	vld [tilespmem:s19+$0xFFFFFF90];
	v24 =	vshll.u32 v19, $0x10  }
0x198: {  	[tilespmem:s19+$0xFFFFFF80] =	vst v15;
	v5 =	vadd.f32 v24, v17;
	v17 =	vld [tilespmem:s19+$0xFFFFFFA0]  }
0x199: {  	v6 =	vmul.f32 $1.131370830e+01, v6;
	v24 =	vld [tilespmem:s21+$0xFFFFFFD0]  }
0x19a: {  	v2 =	vld [tilespmem:s17+$0xFFFFFEF0]  }
0x19b: {  	v3 =	vld [tilespmem:s17+$0xFFFFFF00];
	v6 =	vadd.f32 v8, v6  }
0x19c: {  	v16 =	vld [tilespmem:s19+$0xFFFFFE70];
	[tilespmem:s19+$0xFFFFFE50] =	vst v5;
	v5 =	vmul.f32 $1.131370830e+01, v23  }
0x19d: {  	v20 =	vld [tilespmem:s19+$0xFFFFFE90];
	v19 =	vand.u32 $0xFFFF0000, v19;
	[tilespmem:s17+$0xFFFFFE80] =	vst v6;
	v22 =	vmul.f32 $1.131370830e+01, v22  }
0x19e: {  	v25 =	vld [tilespmem:s11+$0xFFFFFF50];
	v5 =	vadd.f32 v19, v5;
	v19 =	vshll.u32 v24, $0x10;
	v17 =	vmul.f32 $1.131370830e+01, v17  }
0x19f: {  	v24 =	vand.u32 $0xFFFF0000, v24;
	v19 =	vadd.f32 v19, v22;
	v22 =	vld [tilespmem:s4+$0xFFFFFF20]  }
0x1a0: {  	v21 =	vld [tilespmem:s19+$0xFFFFFEA0];
	v17 =	vadd.f32 v24, v17;
	v24 =	vmul.f32 $1.131370830e+01, v26  }
0x1a1: {  	v28 =	vshll.u32 v27, $0x10;
	v23 =	vld [tilespmem:s19+$0xFFFFFFB0];
	[tilespmem:s19+$0xFFFFFF90] =	vst v19  }
0x1a2: {  	[tilespmem:s19+$0xFFFFFFA0] =	vst v17;
	v17 =	vld [tilespmem:s19+$0xFFFFFFC0];
	v24 =	vadd.f32 v28, v24  }
0x1a3: {  	v14 =	vmul.f32 $1.131370830e+01, v14;
	[tilespmem:s17+$0xFFFFFFD0] =	vst v18;
	v26 =	vld [tilespmem:s21+$0xFFFFFFE0]  }
0x1a4: {  	v18 =	vld [tilespmem:s19+$0xFFFFFE80];
	v22 =	vmul.f32 $1.131370830e+01, v22;
	[tilespmem:s4+$0xFFFFFF10] =	vst v24;
	v24 =	vand.u32 $0xFFFF0000, v25  }
0x1a5: {  	v13 =	vmul.f32 $1.131370830e+01, v13;
	v27 =	vand.u32 $0xFFFF0000, v27;
	v12 =	vld [tilespmem:s17+$0x0];
	v14 =	vadd.f32 v24, v14  }
0x1a6: {  	[tilespmem:s17+$0xFFFFFFE0] =	vst v11;
	v48 =	vmul.f32 $1.131370830e+01, v16;
	v16 =	vld [tilespmem:s4+$0xFFFFFEA0];
	v30 =	vshll.u32 v25, $0x10;
	v22 =	vadd.f32 v27, v22  }
0x1a7: {  	v13 =	vadd.f32 v30, v13;
	v23 =	vmul.f32 $1.131370830e+01, v23;
	v25 =	vld [tilespmem:s4+$0xFFFFFF30];
	[tilespmem:s17+$0xFFFFFEA0] =	vst v14  }
0x1a8: {  	v17 =	vmul.f32 $1.131370830e+01, v17;
	v14 =	vld [tilespmem:s4+$0xFFFFFF40];
	v24 =	vshll.u32 v26, $0x10;
	[tilespmem:s4+$0xFFFFFF20] =	vst v22  }
0x1a9: {  	[tilespmem:s17+$0xFFFFFE90] =	vst v13;
	v13 =	vmul.f32 $1.131370830e+01, v29;
	v22 =	vand.u32 $0xFFFF0000, v26;
	v23 =	vadd.f32 v24, v23;
	v24 =	vld [tilespmem:s5+$0xFFFFFFA0]  }
0x1aa: {  	v11 =	vld [tilespmem:s11+$0x0];
	v17 =	vadd.f32 v22, v17;
	v22 =	vshll.u32 v39, $0x10  }
0x1ab: {  	v40 =	vmul.f32 $1.131370830e+01, v31;
	v15 =	vld [tilespmem:s19+$0xFFFFFFF0];
	v13 =	vadd.f32 v22, v13;
	[tilespmem:s19+$0xFFFFFFB0] =	vst v23  }
0x1ac: {  	v27 =	vld [tilespmem:s19+$0xFFFFFFD0];
	v23 =	vand.u32 $0xFFFF0000, v39;
	[tilespmem:s19+$0xFFFFFFC0] =	vst v17  }
0x1ad: {  	v22 =	vld [tilespmem:s4+$0xFFFFFE30];
	v17 =	vadd.f32 v23, v40;
	[tilespmem:s4+$0xFFFFFE10] =	vst v13;
	v13 =	vmul.f32 $1.131370830e+01, v25  }
0x1ae: {  	v42 =	vld [tilespmem:s21+$0xFFFFFFF0];
	v14 =	vmul.f32 $1.131370830e+01, v14;
	v41 =	vshll.u32 v24, $0x10  }
0x1af: {  	v23 =	vld [tilespmem:s19+$0xFFFFFFE0];
	[tilespmem:s4+$0xFFFFFE20] =	vst v17;
	v24 =	vand.u32 $0xFFFF0000, v24;
	v17 =	vadd.f32 v41, v13  }
0x1b0: {  	v25 =	vld [tilespmem:s4+$0xFFFFFE40];
	v14 =	vadd.f32 v24, v14  }
0x1b1: {  	v43 =	vld [tilespmem:s5+$0xFFFFFF20];
	[tilespmem:s4+$0xFFFFFF30] =	vst v17  }
0x1b2: {  	v27 =	vmul.f32 $1.131370830e+01, v27;
	v17 =	vld [tilespmem:s4+$0xFFFFFF50];
	[tilespmem:s4+$0xFFFFFF40] =	vst v14  }
0x1b3: {  	v14 =	vmul.f32 $1.131370830e+01, v22;
	v22 =	vshll.u32 v42, $0x10;
	v44 =	vld [tilespmem:s5+$0xFFFFFFB0]  }
0x1b4: {  	v12 =	vmul.f32 $1.131370830e+01, v12;
	v23 =	vmul.f32 $1.131370830e+01, v23;
	v22 =	vadd.f32 v22, v27;
	v27 =	vld [tilespmem:s4+$0xFFFFFF60]  }
0x1b5: {  	v7 =	vld [tilespmem:s19+$0xFFFFFEB0];
	v63 =	vshll.u32 v11, $0x10;
	v25 =	vmul.f32 $1.131370830e+01, v25;
	v29 =	vand.u32 $0xFFFF0000, v42  }
0x1b6: {  	v11 =	vand.u32 $0xFFFF0000, v11;
	v8 =	vld [tilespmem:s19+$0xFFFFFEC0];
	v23 =	vadd.f32 v29, v23;
	v28 =	vand.u32 $0xFFFF0000, v43  }
0x1b7: {  	v11 =	vadd.f32 v11, v12;
	v6 =	vld [tilespmem:s19+$0xFFFFFED0];
	[tilespmem:s19+$0xFFFFFE60] =	vst v5;
	v45 =	vshll.u32 v43, $0x10;
	v25 =	vadd.f32 v28, v25  }
0x1b8: {  	v12 =	vmul.f32 $1.131370830e+01, v15;
	v15 =	vld [tilespmem:s9+$0xFFFFFE40];
	v31 =	vadd.f32 v45, v14;
	[tilespmem:s19+$0xFFFFFFE0] =	vst v23;
	v17 =	vmul.f32 $1.131370830e+01, v17  }
0x1b9: {  	v19 =	vld [tilespmem:s21+$0xFFFFFF40];
	v23 =	vshll.u32 v44, $0x10;
	[tilespmem:s4+$0xFFFFFE40] =	vst v25;
	v25 =	vmul.f32 $1.131370830e+01, v27  }
0x1ba: {  	v24 =	vld [tilespmem:s4+$0xFFFFFE50];
	[tilespmem:s4+$0xFFFFFE30] =	vst v31;
	v47 =	vand.u32 $0xFFFF0000, v44;
	v23 =	vadd.f32 v23, v17  }
0x1bb: {  	v27 =	vld [tilespmem:s5+$0xFFFFFF30];
	v25 =	vadd.f32 v47, v25  }
0x1bc: {  	v26 =	vld [tilespmem:s11+$0xFFFFFF60];
	[tilespmem:s4+$0xFFFFFF50] =	vst v23  }
0x1bd: {  	v23 =	vld [tilespmem:s4+$0xFFFFFF70];
	[tilespmem:s4+$0xFFFFFF60] =	vst v25  }
0x1be: {  	v50 =	vmul.f32 $1.131370830e+01, v18;
	v25 =	vshll.u32 v19, $0x10;
	v49 =	vld [tilespmem:s5+$0xFFFFFFC0]  }
0x1bf: {  	v5 =	vld [tilespmem:s19+$0xFFFFFEE0];
	v24 =	vmul.f32 $1.131370830e+01, v24;
	v19 =	vand.u32 $0xFFFF0000, v19;
	v25 =	vadd.f32 v25, v48  }
0x1c0: {  	v32 =	vmul.f32 $1.131370830e+01, v32;
	v40 =	vld [tilespmem:s9+$0xFFFFFE30];
	[tilespmem:s19+$0xFFFFFFD0] =	vst v22;
	v19 =	vadd.f32 v19, v50;
	v18 =	vshll.u32 v27, $0x10  }
0x1c1: {  	v13 =	vld [tilespmem:s19+$0xFFFFFEF0];
	v24 =	vadd.f32 v18, v24;
	[tilespmem:s19+$0xFFFFFE70] =	vst v25;
	v25 =	vand.u32 $0xFFFF0000, v27  }
0x1c2: {  	v42 =	vld [tilespmem:s4+$0xFFFFFF00];
	v29 =	vmul.f32 $1.131370830e+01, v55;
	[tilespmem:s19+$0xFFFFFE80] =	vst v19;
	v25 =	vadd.f32 v25, v32;
	v23 =	vmul.f32 $1.131370830e+01, v23  }
0x1c3: {  	v27 =	vshll.u32 v26, $0x10;
	v53 =	vld [tilespmem:s21+$0xFFFFFF50];
	[tilespmem:s4+$0xFFFFFE50] =	vst v24;
	v24 =	vmul.f32 $1.131370830e+01, v9;
	v19 =	vshll.u32 v49, $0x10  }
0x1c4: {  	v22 =	vld [tilespmem:s4+$0xFFFFFE80];
	v26 =	vand.u32 $0xFFFF0000, v26;
	[tilespmem:s4+$0xFFFFFE60] =	vst v25;
	v25 =	vmul.f32 $1.131370830e+01, v51;
	v23 =	vadd.f32 v19, v23  }
0x1c5: {  	v36 =	vshll.u32 v56, $0x10;
	v14 =	vld [tilespmem:s19+$0xFFFFFF00];
	v24 =	vadd.f32 v26, v24;
	v26 =	vand.u32 $0xFFFF0000, v49  }
0x1c6: {  	v29 =	vadd.f32 v36, v29;
	v36 =	vmul.f32 $1.131370830e+01, v62;
	v62 =	vld [tilespmem:s9+$0xFFFFFEB0];
	v25 =	vadd.f32 v26, v25;
	[tilespmem:s4+$0xFFFFFF70] =	vst v23  }
0x1c7: {  	v20 =	vmul.f32 $1.131370830e+01, v20;
	v21 =	vmul.f32 $1.131370830e+01, v21;
	v52 =	vld [tilespmem:s21+$0x0];
	[tilespmem:s17+$0xFFFFFEC0] =	vst v24  }
0x1c8: {  	v24 =	vld [tilespmem:s4+$0xFFFFFF90];
	v54 =	vand.u32 $0xFFFF0000, v53;
	[tilespmem:s4+$0xFFFFFF80] =	vst v25;
	v25 =	vshll.u32 v53, $0x10  }
0x1c9: {  	v21 =	vadd.f32 v54, v21;
	v20 =	vadd.f32 v25, v20;
	v25 =	vld [tilespmem:s5+$0xFFFFFFD0]  }
0x1ca: {  	v26 =	vld [tilespmem:s4+$0xFFFFFFA0]  }
0x1cb: {  	[tilespmem:s19+$0xFFFFFEA0] =	vst v21;
	v21 =	vld [tilespmem:s9+$0xFFFFFF20]  }
0x1cc: {  	v44 =	vld [tilespmem:s4+$0xFFFFFFD0]  }
0x1cd: {  	[tilespmem:s9+$0xFFFFFF10] =	vst v29;
	v29 =	vmul.f32 $1.131370830e+01, v59;
	v59 =	vld [tilespmem:s9+$0xFFFFFEA0];
	v24 =	vmul.f32 $1.131370830e+01, v24  }
0x1ce: {  	v17 =	vld [tilespmem:s4+$0xFFFFFE90];
	v57 =	vshll.u32 v25, $0x10  }
0x1cf: {  	v47 =	vld [tilespmem:s9+$0xFFFFFF50];
	v26 =	vmul.f32 $1.131370830e+01, v26;
	v24 =	vadd.f32 v57, v24  }
0x1d0: {  	v18 =	vld [tilespmem:s4+$0xFFFFFEB0];
	v27 =	vadd.f32 v27, v34;
	v25 =	vand.u32 $0xFFFF0000, v25;
	v38 =	vmul.f32 $1.131370830e+01, v21  }
0x1d1: {  	v25 =	vadd.f32 v25, v26;
	v26 =	vand.u32 $0xFFFF0000, v56;
	[tilespmem:s4+$0xFFFFFF90] =	vst v24;
	v24 =	vld [tilespmem:s9+$0xFFFFFE20]  }
0x1d2: {  	v9 =	vld [tilespmem:s4+$0xFFFFFED0];
	[tilespmem:s17+$0xFFFFFEB0] =	vst v27;
	v26 =	vadd.f32 v26, v38  }
0x1d3: {  	v60 =	vmul.f32 $1.131370830e+01, v58;
	v4 =	vmul.f32 $1.131370830e+01, v4;
	v27 =	vld [tilespmem:s5+$0xFFFFFF40];
	[tilespmem:s4+$0xFFFFFFA0] =	vst v25  }
0x1d4: {  	v35 =	vmul.f32 $1.131370830e+01, v35;
	v7 =	vmul.f32 $1.131370830e+01, v7;
	v25 =	vld [tilespmem:s9+$0xFFFFFF30];
	[tilespmem:s9+$0xFFFFFF20] =	vst v26  }
0x1d5: {  	v4 =	vadd.f32 v63, v4;
	v8 =	vmul.f32 $1.131370830e+01, v8;
	v58 =	vmul.f32 $1.131370830e+01, v6;
	v61 =	vld [tilespmem:s7+$0xFFFFFFA0]  }
0x1d6: {  	v28 =	vmul.f32 $1.131370830e+01, v46;
	v49 =	vld [tilespmem:s9+$0xFFFFFE60];
	v26 =	vshll.u32 v37, $0x10;
	v24 =	vmul.f32 $1.131370830e+01, v24  }
0x1d7: {  	v43 =	vshll.u32 v52, $0x10;
	v23 =	vld [tilespmem:s11+$0xFFFFFF70];
	v37 =	vand.u32 $0xFFFF0000, v37;
	v26 =	vadd.f32 v26, v60  }
0x1d8: {  	[tilespmem:s17+$0x0] =	vst v11;
	v31 =	vand.u32 $0xFFFF0000, v52;
	v52 =	vmul.f32 $1.131370830e+01, v0;
	v41 =	vld [tilespmem:s5+$0xFFFFFFE0];
	v24 =	vadd.f32 v37, v24  }
0x1d9: {  	v12 =	vadd.f32 v43, v12;
	v53 =	vld [tilespmem:s9+$0xFFFFFF60];
	v54 =	vmul.f32 $1.131370830e+01, v1;
	[tilespmem:s9+$0xFFFFFE10] =	vst v26;
	v25 =	vmul.f32 $1.131370830e+01, v25  }
0x1da: {  	v1 =	vmul.f32 $1.131370830e+01, v22;
	v22 =	vld [tilespmem:s9+$0xFFFFFE70];
	v34 =	vand.u32 $0xFFFF0000, v61;
	[tilespmem:s9+$0xFFFFFE20] =	vst v24;
	v24 =	vshll.u32 v61, $0x10  }
0x1db: {  	[tilespmem:s17+$0xFFFFFFF0] =	vst v4;
	v0 =	vmul.f32 $1.131370830e+01, v15;
	v34 =	vadd.f32 v34, v36;
	v24 =	vadd.f32 v24, v25;
	v25 =	vld [tilespmem:s7+$0xFFFFFF20]  }
0x1dc: {  	v28 =	vadd.f32 v31, v28;
	v55 =	vmul.f32 $1.131370830e+01, v47;
	v18 =	vmul.f32 $1.131370830e+01, v18;
	[tilespmem:s19+$0xFFFFFE90] =	vst v20;
	v57 =	vld [tilespmem:s9+$0xFFFFFE90]  }
0x1dd: {  	v48 =	vshll.u32 v27, $0x10;
	v27 =	vand.u32 $0xFFFF0000, v27;
	v32 =	vld [tilespmem:s21+$0xFFFFFF60];
	v45 =	vshll.u32 v41, $0x10;
	[tilespmem:s9+$0xFFFFFF40] =	vst v34  }
0x1de: {  	v26 =	vmul.f32 $1.131370830e+01, v33;
	v30 =	vand.u32 $0xFFFF0000, v41;
	v46 =	vadd.f32 v45, v35;
	[tilespmem:s9+$0xFFFFFF30] =	vst v24;
	v24 =	vld [tilespmem:s9+$0xFFFFFE50]  }
0x1df: {  	[tilespmem:s19+$0xFFFFFFF0] =	vst v12;
	v6 =	vand.u32 $0xFFFF0000, v23;
	v38 =	vmul.f32 $1.131370830e+01, v40;
	v29 =	vadd.f32 v30, v29;
	v51 =	vld [tilespmem:s7+$0xFFFFFFB0]  }
0x1e0: {  	v19 =	vld [tilespmem:s4+$0xFFFFFEE0];
	v22 =	vmul.f32 $1.131370830e+01, v22;
	v26 =	vadd.f32 v48, v26;
	[tilespmem:s4+$0xFFFFFFB0] =	vst v46;
	v50 =	vshll.u32 v25, $0x10  }
0x1e1: {  	v20 =	vld [tilespmem:s4+$0xFFFFFFF0];
	v12 =	vmul.f32 $1.131370830e+01, v57;
	[tilespmem:s4+$0xFFFFFFC0] =	vst v29;
	v25 =	vand.u32 $0xFFFF0000, v25;
	v15 =	vadd.f32 v50, v38  }
0x1e2: {  	v30 =	vmul.f32 $1.131370830e+01, v53;
	[tilespmem:s4+$0xFFFFFE70] =	vst v26;
	v61 =	vmul.f32 $1.131370830e+01, v5;
	v0 =	vadd.f32 v25, v0;
	v25 =	vld [tilespmem:s4+$0xFFFFFFE0]  }
0x1e3: {  	v5 =	vmul.f32 $1.131370830e+01, v49;
	v56 =	vld [tilespmem:s5+$0xFFFFFFF0];
	v4 =	vmul.f32 $1.131370830e+01, v24;
	v24 =	vadd.f32 v6, v54;
	[tilespmem:s9+$0xFFFFFE30] =	vst v15  }
0x1e4: {  	v21 =	vld [tilespmem:s4+$0xFFFFFEF0];
	v15 =	vadd.f32 v27, v1;
	v1 =	vshll.u32 v32, $0x10;
	[tilespmem:s9+$0xFFFFFE40] =	vst v0;
	v0 =	vshll.u32 v51, $0x10  }
0x1e5: {  	v11 =	vadd.f32 v0, v55;
	v0 =	vmul.f32 $1.131370830e+01, v2;
	v26 =	vld [tilespmem:s7+$0xFFFFFF30];
	v2 =	vand.u32 $0xFFFF0000, v51;
	[tilespmem:s17+$0xFFFFFEE0] =	vst v24  }
0x1e6: {  	v7 =	vadd.f32 v1, v7;
	v1 =	vand.u32 $0xFFFF0000, v32;
	v24 =	vld [tilespmem:s9+$0xFFFFFFA0];
	v2 =	vadd.f32 v2, v30;
	[tilespmem:s4+$0xFFFFFE80] =	vst v15  }
0x1e7: {  	v8 =	vadd.f32 v1, v8;
	v1 =	vmul.f32 $1.131370830e+01, v3;
	v15 =	vld [tilespmem:s9+$0xFFFFFF70];
	[tilespmem:s9+$0xFFFFFF50] =	vst v11;
	v25 =	vmul.f32 $1.131370830e+01, v25  }
0x1e8: {  	v3 =	vshll.u32 v23, $0x10;
	v11 =	vmul.f32 $1.131370830e+01, v44;
	v60 =	vld [tilespmem:s5+$0xFFFFFF50];
	[tilespmem:s9+$0xFFFFFF60] =	vst v2;
	v2 =	vand.u32 $0xFFFF0000, v56  }
0x1e9: {  	v23 =	vadd.f32 v3, v52;
	v3 =	vshll.u32 v56, $0x10;
	[tilespmem:s19+$0xFFFFFEC0] =	vst v8;
	v8 =	vld [tilespmem:s9+$0xFFFFFEE0];
	v6 =	vadd.f32 v2, v25  }
0x1ea: {  	[tilespmem:s19+$0xFFFFFEB0] =	vst v7;
	v7 =	vmul.f32 $1.131370830e+01, v16;
	v3 =	vadd.f32 v3, v11;
	v11 =	vld [tilespmem:s9+$0xFFFFFF80];
	v2 =	vshll.u32 v26, $0x10  }
0x1eb: {  	v25 =	vld [tilespmem:s7+$0xFFFFFFC0];
	v24 =	vmul.f32 $1.131370830e+01, v24;
	v4 =	vadd.f32 v2, v4;
	[tilespmem:s4+$0xFFFFFFE0] =	vst v6;
	v6 =	vand.u32 $0xFFFF0000, v26  }
0x1ec: {  	v27 =	vld [tilespmem:s9+$0xFFFFFE80];
	[tilespmem:s4+$0xFFFFFFD0] =	vst v3;
	v2 =	vmul.f32 $1.131370830e+01, v13;
	v13 =	vmul.f32 $1.131370830e+01, v17;
	v5 =	vadd.f32 v6, v5  }
0x1ed: {  	v3 =	vmul.f32 $1.131370830e+01, v14;
	v26 =	vmul.f32 $1.131370830e+01, v10;
	v14 =	vld [tilespmem:s5+$0x0];
	[tilespmem:s9+$0xFFFFFE50] =	vst v4;
	v4 =	vshll.u32 v60, $0x10  }
0x1ee: {  	v10 =	vld [tilespmem:s4+$0x0];
	v6 =	vmul.f32 $1.131370830e+01, v9;
	v4 =	vadd.f32 v4, v13;
	[tilespmem:s9+$0xFFFFFE60] =	vst v5;
	v5 =	vand.u32 $0xFFFF0000, v60  }
0x1ef: {  	v16 =	vld [tilespmem:s9+$0xFFFFFED0];
	v8 =	vmul.f32 $1.131370830e+01, v8;
	v13 =	vmul.f32 $1.131370830e+01, v15;
	v5 =	vadd.f32 v5, v7  }
0x1f0: {  	v9 =	vshll.u32 v25, $0x10;
	v11 =	vmul.f32 $1.131370830e+01, v11;
	v7 =	vmul.f32 $1.131370830e+01, v19;
	v15 =	vld [tilespmem:s7+$0xFFFFFF40];
	[tilespmem:s4+$0xFFFFFE90] =	vst v4  }
0x1f1: {  	v17 =	vld [tilespmem:s9+$0xFFFFFEC0];
	v19 =	vand.u32 $0xFFFF0000, v25;
	v9 =	vadd.f32 v9, v13;
	v13 =	vmul.f32 $1.131370830e+01, v20;
	[tilespmem:s4+$0xFFFFFEA0] =	vst v5  }
0x1f2: {  	[tilespmem:s19+$0x0] =	vst v28;
	v4 =	vmul.f32 $1.131370830e+01, v21;
	v11 =	vadd.f32 v19, v11;
	v19 =	vshll.u32 v14, $0x10;
	v25 =	vld [tilespmem:s5+$0xFFFFFF60]  }
0x1f3: {  	v21 =	vld [tilespmem:s21+$0xFFFFFF70];
	v5 =	vmul.f32 $1.131370830e+01, v42;
	[tilespmem:s9+$0xFFFFFF70] =	vst v9;
	v9 =	vmul.f32 $1.131370830e+01, v10;
	v19 =	vadd.f32 v19, v13  }
0x1f4: {  	v63 =	vld [tilespmem:s9+$0xFFFFFF90];
	[tilespmem:s9+$0xFFFFFF80] =	vst v11;
	v10 =	vand.u32 $0xFFFF0000, v14;
	v14 =	vmul.f32 $1.131370830e+01, v27;
	v13 =	vmul.f32 $1.131370830e+01, v59  }
0x1f5: {  	[tilespmem:s17+$0xFFFFFED0] =	vst v23;
	v20 =	vld [tilespmem:s7+$0xFFFFFFD0];
	v23 =	vadd.f32 v10, v9;
	v9 =	vmul.f32 $1.131370830e+01, v16;
	v16 =	vshll.u32 v15, $0x10  }
0x1f6: {  	v11 =	vmul.f32 $1.131370830e+01, v17;
	v17 =	vand.u32 $0xFFFF0000, v15;
	v15 =	vld [tilespmem:s9+$0xFFFFFEF0];
	[tilespmem:s4+$0xFFFFFFF0] =	vst v19;
	v16 =	vadd.f32 v16, v22  }
0x1f7: {  	v10 =	vmul.f32 $1.131370830e+01, v62;
	v17 =	vadd.f32 v17, v14;
	v14 =	vld [tilespmem:s9+$0xFFFFFF00];
	[tilespmem:s4+$0x0] =	vst v23;
	v22 =	vshll.u32 v25, $0x10  }
0x1f8: {  	v19 =	vshll.u32 v21, $0x10;
	v23 =	vand.u32 $0xFFFF0000, v25;
	[tilespmem:s9+$0xFFFFFE70] =	vst v16;
	v16 =	vld [tilespmem:s9+$0xFFFFFFF0];
	v27 =	vadd.f32 v22, v18  }
0x1f9: {  	v21 =	vand.u32 $0xFFFF0000, v21;
	[tilespmem:s9+$0xFFFFFE80] =	vst v17;
	v17 =	vld [tilespmem:s11+$0xFFFFFF80];
	v22 =	vadd.f32 v23, v26;
	v23 =	vmul.f32 $1.131370830e+01, v63  }
0x1fa: {  	s10 =	simm.s32 $0x46;
	s6 =	simm.s32 $0x49F0;
	v19 =	vadd.f32 v19, v58;
	s11 =	simm.s32 $0x126F0;
	v25 =	vshll.u32 v20, $0x10;
	v18 =	vadd.f32 v21, v61;
	v21 =	vld [tilespmem:s9+$0xFFFFFFB0];
	[tilespmem:s4+$0xFFFFFEB0] =	vst v27  }
.LBB2_4:
0x1fb: {  	v26 =	vld [tilespmem:s11+$0xFFFFFF90];
	v15 =	vmul.f32 $1.131370830e+01, v15;
	v20 =	vand.u32 $0xFFFF0000, v20;
	v23 =	vadd.f32 v25, v23;
	s9 =	sadd.s32 $0x200, s9;
	[tilespmem:s4+$0xFFFFFEC0] =	vst v22  }
0x1fc: {  	v22 =	vld [tilespmem:s9+$0xFFFFFF10];
	v25 =	vmul.f32 $1.131370830e+01, v14;
	v20 =	vadd.f32 v20, v24;
	[tilespmem:s19+$0xFFFFFED0] =	vst v19  }
0x1fd: {  	v19 =	vld [tilespmem:s9+$0xFFFFFF20];
	[tilespmem:s6+$0xFFFFFF90] =	vst v23;
	v14 =	vmul.f32 $1.131370830e+01, v16  }
0x1fe: {  	[tilespmem:s6+$0xFFFFFFA0] =	vst v20;
	v16 =	vld [tilespmem:s6+$0xFFFFFFC0];
	v20 =	vshll.u32 v17, $0x10;
	v17 =	vand.u32 $0xFFFF0000, v17  }
0x1ff: {  	v23 =	vld [tilespmem:s7+$0xFFFFFFE0];
	[tilespmem:s19+$0xFFFFFEE0] =	vst v18;
	v18 =	vadd.f32 v20, v0;
	v17 =	vadd.f32 v17, v1;
	v0 =	vmovc v2;
	v2 =	vmov v4  }
0x200: {  	v4 =	vmovc v15;
	v1 =	vmov v3;
	v3 =	vmov v5;
	v5 =	vmov v25;
	v20 =	vld [tilespmem:s9+$0xFFFFFE10]  }
0x201: {  	v15 =	vld [tilespmem:s9+$0xFFFFFE20];
	v22 =	vmul.f32 $1.131370830e+01, v22;
	[tilespmem:s17+$0xFFFFFEF0] =	vst v18  }
0x202: {  	v24 =	vshll.u32 v26, $0x10;
	v18 =	vld [tilespmem:s11+$0xFFFFFF10];
	v19 =	vmul.f32 $1.131370830e+01, v19;
	[tilespmem:s17+$0xFFFFFF00] =	vst v17;
	s17 =	smov.u32 s19;
	s19 =	smov.u32 s4;
	s4 =	smov.u32 s6  }
0x203: {  	s10 =	sadd.s32 $0x2, s10;
	v21 =	vmul.f32 $1.131370830e+01, v21;
	v25 =	vand.u32 $0xFFFF0000, v26;
	s6 =	smov.u32 s9;
	v17 =	vld [tilespmem:s9+$0xFFFFFE30];
	v22 =	vadd.f32 v24, v22  }
0x204: {  	p0 =	slt.u32 s10, $0x7E;
	v16 =	vmul.f32 $1.131370830e+01, v16;
	v19 =	vadd.f32 v25, v19;
	v24 =	vshll.u32 v23, $0x10;
	v25 =	vld [tilespmem:s4+$0xFFFFFFD0]  }
0x205: {  	v23 =	vand.u32 $0xFFFF0000, v23;
	v20 =	vmul.f32 $1.131370830e+01, v20;
	[tilespmem:s9+$0xFFFFFF10] =	vst v22;
	v22 =	vld [tilespmem:s9+$0xFFFFFF30];
	v21 =	vadd.f32 v24, v21  }
0x206: {  	v16 =	vadd.f32 v23, v16;
	v15 =	vmul.f32 $1.131370830e+01, v15;
	[tilespmem:s9+$0xFFFFFF20] =	vst v19;
	v19 =	vld [tilespmem:s9+$0xFFFFFF40]  }
0x207: {  	v23 =	vshll.u32 v18, $0x10;
	v18 =	vand.u32 $0xFFFF0000, v18;
	v24 =	vld [tilespmem:s11+$0xFFFFFFA0];
	[tilespmem:s4+$0xFFFFFFB0] =	vst v21  }
0x208: {  	v20 =	vadd.f32 v23, v20;
	v15 =	vadd.f32 v18, v15;
	v17 =	vmul.f32 $1.131370830e+01, v17;
	[tilespmem:s4+$0xFFFFFFC0] =	vst v16;
	v16 =	vld [tilespmem:s4+$0xFFFFFFE0]  }
0x209: {  	v18 =	vld [tilespmem:s7+$0xFFFFFFF0]  }
0x20a: {  	[tilespmem:s9+$0xFFFFFE10] =	vst v20;
	v20 =	vld [tilespmem:s9+$0xFFFFFE40]  }
0x20b: {  	v21 =	vmul.f32 $1.131370830e+01, v22;
	[tilespmem:s9+$0xFFFFFE20] =	vst v15;
	v15 =	vld [tilespmem:s9+$0xFFFFFE50]  }
0x20c: {  	v19 =	vmul.f32 $1.131370830e+01, v19;
	v22 =	vld [tilespmem:s11+$0xFFFFFF20];
	v23 =	vshll.u32 v24, $0x10  }
0x20d: {  	v24 =	vand.u32 $0xFFFF0000, v24;
	v26 =	vld [tilespmem:s9+$0xFFFFFE60];
	v21 =	vadd.f32 v23, v21;
	v23 =	vmul.f32 $1.131370830e+01, v25  }
0x20e: {  	v19 =	vadd.f32 v24, v19;
	v16 =	vmul.f32 $1.131370830e+01, v16;
	v25 =	vld [tilespmem:s9+$0xFFFFFE70];
	v24 =	vshll.u32 v18, $0x10  }
0x20f: {  	v18 =	vand.u32 $0xFFFF0000, v18;
	v20 =	vmul.f32 $1.131370830e+01, v20;
	[tilespmem:s9+$0xFFFFFF30] =	vst v21;
	v21 =	vld [tilespmem:s9+$0xFFFFFF50];
	v23 =	vadd.f32 v24, v23  }
0x210: {  	v16 =	vadd.f32 v18, v16;
	v15 =	vmul.f32 $1.131370830e+01, v15;
	[tilespmem:s9+$0xFFFFFF40] =	vst v19;
	v19 =	vld [tilespmem:s9+$0xFFFFFF60]  }
0x211: {  	v18 =	vshll.u32 v22, $0x10;
	v22 =	vand.u32 $0xFFFF0000, v22;
	v24 =	vld [tilespmem:s11+$0xFFFFFFB0];
	[tilespmem:s4+$0xFFFFFFD0] =	vst v23  }
0x212: {  	v17 =	vadd.f32 v18, v17;
	v18 =	vadd.f32 v22, v20;
	v20 =	vmul.f32 $1.131370830e+01, v26;
	[tilespmem:s4+$0xFFFFFFE0] =	vst v16;
	v16 =	vld [tilespmem:s4+$0x0]  }
0x213: {  	v22 =	vmul.f32 $1.131370830e+01, v25;
	v23 =	vld [tilespmem:s7+$0x0]  }
0x214: {  	[tilespmem:s9+$0xFFFFFE30] =	vst v17;
	v17 =	vld [tilespmem:s9+$0xFFFFFE80]  }
0x215: {  	v21 =	vmul.f32 $1.131370830e+01, v21;
	[tilespmem:s9+$0xFFFFFE40] =	vst v18;
	v18 =	vld [tilespmem:s9+$0xFFFFFE90]  }
0x216: {  	v19 =	vmul.f32 $1.131370830e+01, v19;
	v25 =	vld [tilespmem:s11+$0xFFFFFF30];
	v26 =	vshll.u32 v24, $0x10  }
0x217: {  	v24 =	vand.u32 $0xFFFF0000, v24;
	v27 =	vld [tilespmem:s9+$0xFFFFFEA0];
	v21 =	vadd.f32 v26, v21;
	v16 =	vmul.f32 $1.131370830e+01, v16  }
0x218: {  	v19 =	vadd.f32 v24, v19;
	v24 =	vld [tilespmem:s7+$0xFFFFFF50];
	v26 =	vshll.u32 v23, $0x10;
	v23 =	vand.u32 $0xFFFF0000, v23  }
0x219: {  	v17 =	vmul.f32 $1.131370830e+01, v17;
	[tilespmem:s9+$0xFFFFFF50] =	vst v21;
	v21 =	vld [tilespmem:s9+$0xFFFFFF70];
	v14 =	vadd.f32 v26, v14;
	v16 =	vadd.f32 v23, v16  }
0x21a: {  	v18 =	vmul.f32 $1.131370830e+01, v18;
	[tilespmem:s9+$0xFFFFFF60] =	vst v19;
	v19 =	vld [tilespmem:s9+$0xFFFFFF80]  }
0x21b: {  	v23 =	vshll.u32 v25, $0x10;
	v25 =	vand.u32 $0xFFFF0000, v25;
	v26 =	vld [tilespmem:s11+$0xFFFFFFC0];
	[tilespmem:s4+$0x0] =	vst v16  }
0x21c: {  	v15 =	vadd.f32 v23, v15;
	v16 =	vadd.f32 v25, v20;
	v20 =	vmul.f32 $1.131370830e+01, v27;
	v23 =	vld [tilespmem:s9+$0xFFFFFEB0];
	[tilespmem:s4+$0xFFFFFFF0] =	vst v14  }
0x21d: {  	v14 =	vld [tilespmem:s9+$0xFFFFFEC0];
	v25 =	vshll.u32 v24, $0x10;
	v24 =	vand.u32 $0xFFFF0000, v24  }
0x21e: {  	[tilespmem:s9+$0xFFFFFE50] =	vst v15;
	v15 =	vld [tilespmem:s9+$0xFFFFFED0];
	v25 =	vadd.f32 v25, v12;
	v24 =	vadd.f32 v24, v13;
	v12 =	vmovc v18;
	v13 =	vmov v20  }
0x21f: {  	v18 =	vmul.f32 $1.131370830e+01, v21;
	[tilespmem:s9+$0xFFFFFE60] =	vst v16;
	v16 =	vld [tilespmem:s9+$0xFFFFFEE0]  }
0x220: {  	v19 =	vmul.f32 $1.131370830e+01, v19;
	v20 =	vld [tilespmem:s11+$0xFFFFFF40];
	v21 =	vshll.u32 v26, $0x10;
	[tilespmem:s4+$0xFFFFFE90] =	vst v25  }
0x221: {  	v25 =	vand.u32 $0xFFFF0000, v26;
	v23 =	vmul.f32 $1.131370830e+01, v23;
	v18 =	vadd.f32 v21, v18;
	[tilespmem:s4+$0xFFFFFEA0] =	vst v24;
	v21 =	vld [tilespmem:s5+$0xFFFFFF70]  }
0x222: {  	v24 =	vmul.f32 $1.131370830e+01, v14;
	v14 =	vadd.f32 v25, v19;
	v19 =	vld [tilespmem:s7+$0xFFFFFF60]  }
0x223: {  	v26 =	vmul.f32 $1.131370830e+01, v15;
	[tilespmem:s9+$0xFFFFFF70] =	vst v18;
	v18 =	vld [tilespmem:s9+$0xFFFFFF90]  }
0x224: {  	v27 =	vmul.f32 $1.131370830e+01, v16;
	[tilespmem:s9+$0xFFFFFF80] =	vst v14;
	v28 =	vld [tilespmem:s9+$0xFFFFFFA0]  }
0x225: {  	v14 =	vshll.u32 v20, $0x10;
	v15 =	vand.u32 $0xFFFF0000, v20;
	v20 =	vld [tilespmem:s11+$0xFFFFFFD0]  }
.Ltmp1:
0x226: {  	v16 =	vadd.f32 v14, v22;
	v17 =	vadd.f32 v15, v17;
	v15 =	vld [tilespmem:s9+$0xFFFFFEF0];
	v25 =	vshll.u32 v21, $0x10;
	(pc) =	sbr.rel @p0 .LBB2_4-.Ltmp1, $4  }
0x227: {  	v21 =	vand.u32 $0xFFFF0000, v21;
	v14 =	vld [tilespmem:s9+$0xFFFFFF00];
	v22 =	vshll.u32 v19, $0x10;
	v19 =	vand.u32 $0xFFFF0000, v19  }
0x228: {  	[tilespmem:s9+$0xFFFFFE70] =	vst v16;
	v16 =	vld [tilespmem:s9+$0xFFFFFFF0];
	v29 =	vadd.f32 v22, v10;
	v22 =	vadd.f32 v19, v11;
	v10 =	vmovc v23;
	v11 =	vmov v24  }
0x229: {  	v23 =	vmul.f32 $1.131370830e+01, v18;
	v19 =	vadd.f32 v25, v6;
	v18 =	vadd.f32 v21, v7;
	v6 =	vmovc v9;
	[tilespmem:s9+$0xFFFFFE80] =	vst v17;
	v17 =	vld [tilespmem:s21+$0xFFFFFF80];
	s21 =	smov.u32 s5;
	s5 =	smov.u32 s7;
	s7 =	smov.u32 s11  }
0x22a: {  	v9 =	vmovc v26;
	v7 =	vmovc v8;
	v8 =	vmov v27;
	v24 =	vmul.f32 $1.131370830e+01, v28;
	s11 =	sadd.s32 $0x100, s11;
	v25 =	vshll.u32 v20, $0x10;
	v21 =	vld [tilespmem:s9+$0xFFFFFFB0];
	[tilespmem:s4+$0xFFFFFEB0] =	vst v29  }
0x22b: {  	v20 =	vand.u32 $0xFFFF0000, v20  }
0x22c: {  	v20 =	vadd.f32 v20, v24;
	_ =	sdelay $0x1  }
0x22d: {  	[tilespmem:s6+$0xFFFFFFA0] =	vst v20;
	v20 =	vld [tilespmem:s7+$0xFFFFFF50]  }
0x22e: {  	v23 =	vadd.f32 v25, v23;
	_ =	sdelay $0x1  }
0x22f: {  	[tilespmem:s6+$0xFFFFFF90] =	vst v23;
	v23 =	vld [tilespmem:s6+$0xFFFFFFC0]  }
0x230: {  	v24 =	vld [tilespmem:s7+$0xFFFFFFE0]  }
0x231: {  	v25 =	vshll.u32 v20, $0x10  }
0x232: {  	v20 =	vand.u32 $0xFFFF0000, v20;
	v12 =	vadd.f32 v25, v12  }
0x233: {  	v13 =	vadd.f32 v20, v13  }
0x234: {  	v21 =	vmul.f32 $1.131370830e+01, v21;
	[tilespmem:s6+$0xFFFFFE90] =	vst v12  }
0x235: {  	v23 =	vmul.f32 $1.131370830e+01, v23;
	v25 =	vshll.u32 v24, $0x10;
	[tilespmem:s6+$0xFFFFFEA0] =	vst v13  }
0x236: {  	v20 =	vand.u32 $0xFFFF0000, v24;
	v21 =	vadd.f32 v25, v21;
	v13 =	vld [tilespmem:s7+$0xFFFFFF60]  }
0x237: {  	v20 =	vadd.f32 v20, v23  }
0x238: {  	v12 =	vld [tilespmem:s6+$0xFFFFFFD0];
	[tilespmem:s6+$0xFFFFFFB0] =	vst v21  }
0x239: {  	[tilespmem:s6+$0xFFFFFFC0] =	vst v20;
	v20 =	vld [tilespmem:s6+$0xFFFFFFE0]  }
0x23a: {  	v21 =	vld [tilespmem:s7+$0xFFFFFFF0]  }
0x23b: {  	v23 =	vshll.u32 v13, $0x10  }
0x23c: {  	v13 =	vand.u32 $0xFFFF0000, v13;
	v10 =	vadd.f32 v23, v10  }
0x23d: {  	[tilespmem:s4+$0xFFFFFEC0] =	vst v22;
	v11 =	vadd.f32 v13, v11  }
0x23e: {  	v22 =	vld [tilespmem:s5+$0xFFFFFF70];
	v12 =	vmul.f32 $1.131370830e+01, v12;
	[tilespmem:s6+$0xFFFFFEB0] =	vst v10  }
0x23f: {  	v20 =	vmul.f32 $1.131370830e+01, v20;
	v13 =	vshll.u32 v21, $0x10;
	[tilespmem:s6+$0xFFFFFEC0] =	vst v11  }
0x240: {  	v12 =	vadd.f32 v13, v12;
	v10 =	vand.u32 $0xFFFF0000, v21;
	v11 =	vld [tilespmem:s7+$0xFFFFFF70]  }
0x241: {  	v10 =	vadd.f32 v10, v20  }
0x242: {  	[tilespmem:s6+$0xFFFFFFD0] =	vst v12  }
0x243: {  	v12 =	vshll.u32 v22, $0x10;
	[tilespmem:s6+$0xFFFFFFE0] =	vst v10;
	v10 =	vld [tilespmem:s6+$0x0]  }
0x244: {  	[tilespmem:s19+$0xFFFFFED0] =	vst v19;
	v19 =	vand.u32 $0xFFFF0000, v22;
	v6 =	vadd.f32 v12, v6;
	v13 =	vld [tilespmem:s7+$0x0]  }
0x245: {  	[tilespmem:s19+$0xFFFFFEE0] =	vst v18;
	v7 =	vadd.f32 v19, v7;
	v12 =	vshll.u32 v11, $0x10  }
0x246: {  	v18 =	vld [tilespmem:s21+$0xFFFFFF80];
	[tilespmem:s4+$0xFFFFFED0] =	vst v6;
	v6 =	vand.u32 $0xFFFF0000, v11;
	v9 =	vadd.f32 v12, v9  }
0x247: {  	[tilespmem:s4+$0xFFFFFEE0] =	vst v7;
	v11 =	vshll.u32 v17, $0x10;
	v6 =	vadd.f32 v6, v8  }
0x248: {  	v7 =	vand.u32 $0xFFFF0000, v17;
	v0 =	vadd.f32 v11, v0;
	v8 =	vmul.f32 $1.131370830e+01, v10;
	v10 =	vld [tilespmem:s5+$0xFFFFFF80];
	[tilespmem:s6+$0xFFFFFED0] =	vst v9  }
0x249: {  	v1 =	vadd.f32 v7, v1;
	v9 =	vmul.f32 $1.131370830e+01, v16;
	v7 =	vand.u32 $0xFFFF0000, v13;
	[tilespmem:s6+$0xFFFFFEE0] =	vst v6  }
0x24a: {  	[tilespmem:s17+$0xFFFFFEF0] =	vst v0;
	v0 =	vshll.u32 v13, $0x10;
	v6 =	vadd.f32 v7, v8;
	v7 =	vld [tilespmem:s7+$0xFFFFFF80]  }
0x24b: {  	[tilespmem:s17+$0xFFFFFF00] =	vst v1;
	v1 =	vshll.u32 v18, $0x10;
	v0 =	vadd.f32 v0, v9  }
0x24c: {  	v1 =	vadd.f32 v1, v2;
	[tilespmem:s6+$0x0] =	vst v6;
	v6 =	vand.u32 $0xFFFF0000, v18  }
0x24d: {  	[tilespmem:s6+$0xFFFFFFF0] =	vst v0;
	v0 =	vadd.f32 v6, v3;
	v2 =	vshll.u32 v10, $0x10  }
0x24e: {  	[tilespmem:s19+$0xFFFFFEF0] =	vst v1;
	v3 =	vmul.f32 $1.131370830e+01, v15;
	v1 =	vand.u32 $0xFFFF0000, v10;
	v2 =	vadd.f32 v2, v4  }
0x24f: {  	v4 =	vmul.f32 $1.131370830e+01, v14;
	[tilespmem:s19+$0xFFFFFF00] =	vst v0;
	v0 =	vadd.f32 v1, v5;
	v1 =	vshll.u32 v7, $0x10  }
0x250: {  	[tilespmem:s4+$0xFFFFFEF0] =	vst v2;
	v2 =	vand.u32 $0xFFFF0000, v7;
	v1 =	vadd.f32 v1, v3  }
0x251: {  	[tilespmem:s4+$0xFFFFFF00] =	vst v0;
	v0 =	vadd.f32 v2, v4  }
0x252: {  	[tilespmem:s6+$0xFFFFFEF0] =	vst v1  }
0x253: {  	[tilespmem:s6+$0xFFFFFF00] =	vst v0  }
0x254: {  	s10 =	simm.s32 $0x4200;
	s4 =	rddreg [dreg:$0xa]  }
0x255: {  	[hbm4b:s4+s3] =	stream.linear.scatter [tilespmem:s10], [sflag:$0xA], $0x4000, $0x38;
	[tilespmem:$0x18200] =	vst v63  }
0x256: {  	_ =	swait.ge [sflag:s31], $0x4000  }
0x257: {  	[sflag:s31] =	ssyncset.done $0x0  }
0x258: {  	[sflag:s31] =	ssyncadd.s32 $0xFFFFC000  }
0x259: {  	_ =	swait.ge [sflag:s0], $0x2000  }
0x25a: {  	[sflag:s0] =	ssyncset.done $0x0  }
0x25b: {  	s17 =	simm.s32 $0x83F0;
	[sflag:s0] =	ssyncadd.s32 $0xFFFFE000  }
0x25c: {  	s11 =	simm.s32 $0x142F0;
	v0 =	vld [tilespmem:s17+$0xFFFFFF10]  }
0x25d: {  	v1 =	vld [tilespmem:s11+$0xFFFFFF90]  }
0x25e: {  	v2 =	vld [tilespmem:s17+$0xFFFFFF20];
	_ =	sdelay $0x3  }
0x25f: {  	v0 =	vmul.f32 $1.131370830e+01, v0  }
0x260: {  	v3 =	vshll.u32 v1, $0x10;
	v2 =	vmul.f32 $1.131370830e+01, v2  }
0x261: {  	v1 =	vand.u32 $0xFFFF0000, v1;
	v0 =	vadd.f32 v3, v0  }
0x262: {  	v4 =	vld [tilespmem:s17+$0xFFFFFE10];
	v1 =	vadd.f32 v1, v2  }
0x263: {  	v2 =	vld [tilespmem:s17+$0xFFFFFF40];
	[tilespmem:s17+$0xFFFFFF10] =	vst v0  }
0x264: {  	v0 =	vld [tilespmem:s17+$0xFFFFFF30];
	[tilespmem:s17+$0xFFFFFF20] =	vst v1  }
0x265: {  	v1 =	vld [tilespmem:s11+$0xFFFFFFA0]  }
0x266: {  	v5 =	vld [tilespmem:s17+$0xFFFFFE20]  }
0x267: {  	v6 =	vld [tilespmem:s17+$0xFFFFFF60]  }
0x268: {  	v7 =	vld [tilespmem:s17+$0xFFFFFF80]  }
0x269: {  	v8 =	vld [tilespmem:s17+$0xFFFFFE60];
	v0 =	vmul.f32 $1.131370830e+01, v0  }
0x26a: {  	v13 =	vld [tilespmem:s17+$0xFFFFFE90];
	v2 =	vmul.f32 $1.131370830e+01, v2;
	v3 =	vshll.u32 v1, $0x10  }
0x26b: {  	v1 =	vand.u32 $0xFFFF0000, v1;
	v0 =	vadd.f32 v3, v0;
	v3 =	vld [tilespmem:s11+$0xFFFFFF10]  }
0x26c: {  	s19 =	simm.s32 $0x85F0;
	v14 =	vld [tilespmem:s17+$0xFFFFFEA0];
	v1 =	vadd.f32 v1, v2  }
0x26d: {  	v11 =	vld [tilespmem:s19+$0xFFFFFF10];
	[tilespmem:s17+$0xFFFFFF30] =	vst v0  }
0x26e: {  	v0 =	vld [tilespmem:s17+$0xFFFFFF50];
	[tilespmem:s17+$0xFFFFFF40] =	vst v1  }
0x26f: {  	s21 =	simm.s32 $0x143F0;
	v1 =	vmul.f32 $1.131370830e+01, v4;
	v2 =	vld [tilespmem:s11+$0xFFFFFFB0]  }
0x270: {  	v12 =	vld [tilespmem:s21+$0xFFFFFF90];
	v5 =	vmul.f32 $1.131370830e+01, v5;
	v4 =	vshll.u32 v3, $0x10  }
0x271: {  	v15 =	vld [tilespmem:s19+$0xFFFFFF20];
	v3 =	vand.u32 $0xFFFF0000, v3;
	v1 =	vadd.f32 v4, v1  }
0x272: {  	v10 =	vld [tilespmem:s17+$0xFFFFFEB0];
	v3 =	vadd.f32 v3, v5  }
0x273: {  	v4 =	vld [tilespmem:s17+$0xFFFFFE30];
	v0 =	vmul.f32 $1.131370830e+01, v0;
	[tilespmem:s17+$0xFFFFFE10] =	vst v1  }
0x274: {  	v1 =	vld [tilespmem:s17+$0xFFFFFE40];
	v5 =	vshll.u32 v2, $0x10;
	[tilespmem:s17+$0xFFFFFE20] =	vst v3;
	v3 =	vmul.f32 $1.131370830e+01, v6  }
0x275: {  	v2 =	vand.u32 $0xFFFF0000, v2;
	v0 =	vadd.f32 v5, v0;
	v6 =	vld [tilespmem:s11+$0xFFFFFF20]  }
0x276: {  	v9 =	vld [tilespmem:s17+$0xFFFFFEC0];
	v2 =	vadd.f32 v2, v3  }
0x277: {  	v18 =	vld [tilespmem:s21+$0xFFFFFF10];
	[tilespmem:s17+$0xFFFFFF50] =	vst v0  }
0x278: {  	v0 =	vld [tilespmem:s17+$0xFFFFFF70];
	[tilespmem:s17+$0xFFFFFF60] =	vst v2  }
0x279: {  	v2 =	vmul.f32 $1.131370830e+01, v4;
	v4 =	vld [tilespmem:s11+$0xFFFFFFC0]  }
0x27a: {  	v19 =	vld [tilespmem:s17+$0xFFFFFFD0];
	v1 =	vmul.f32 $1.131370830e+01, v1;
	v5 =	vshll.u32 v6, $0x10  }
0x27b: {  	v20 =	vld [tilespmem:s19+$0xFFFFFE40];
	v6 =	vand.u32 $0xFFFF0000, v6;
	v2 =	vadd.f32 v5, v2  }
0x27c: {  	v22 =	vld [tilespmem:s19+$0xFFFFFE50];
	v1 =	vadd.f32 v6, v1  }
0x27d: {  	s4 =	simm.s32 $0x87F0;
	v23 =	vld [tilespmem:s19+$0xFFFFFE60];
	v0 =	vmul.f32 $1.131370830e+01, v0;
	[tilespmem:s17+$0xFFFFFE30] =	vst v2  }
0x27e: {  	v26 =	vld [tilespmem:s4+$0xFFFFFF10];
	[tilespmem:s17+$0xFFFFFE40] =	vst v1;
	v1 =	vmul.f32 $1.131370830e+01, v7;
	v2 =	vshll.u32 v4, $0x10  }
0x27f: {  	v3 =	vld [tilespmem:s17+$0xFFFFFE50];
	v0 =	vadd.f32 v2, v0;
	v2 =	vand.u32 $0xFFFF0000, v4  }
0x280: {  	v7 =	vld [tilespmem:s11+$0xFFFFFF30];
	v1 =	vadd.f32 v2, v1  }
0x281: {  	[tilespmem:s17+$0xFFFFFF70] =	vst v0;
	v0 =	vld [tilespmem:s17+$0xFFFFFF90]  }
0x282: {  	[tilespmem:s17+$0xFFFFFF80] =	vst v1;
	v1 =	vld [tilespmem:s17+$0xFFFFFFA0]  }
0x283: {  	s5 =	simm.s32 $0x144F0;
	v2 =	vld [tilespmem:s11+$0xFFFFFFD0]  }
0x284: {  	v27 =	vld [tilespmem:s5+$0xFFFFFF90]  }
0x285: {  	v29 =	vld [tilespmem:s4+$0xFFFFFE10];
	v3 =	vmul.f32 $1.131370830e+01, v3  }
0x286: {  	v39 =	vld [tilespmem:s5+$0xFFFFFF10];
	v4 =	vshll.u32 v7, $0x10  }
0x287: {  	v31 =	vld [tilespmem:s4+$0xFFFFFE20];
	v3 =	vadd.f32 v4, v3;
	v1 =	vmul.f32 $1.131370830e+01, v1  }
0x288: {  	v32 =	vld [tilespmem:s4+$0xFFFFFE60];
	v0 =	vmul.f32 $1.131370830e+01, v0;
	v16 =	vshll.u32 v2, $0x10;
	v2 =	vand.u32 $0xFFFF0000, v2  }
0x289: {  	v33 =	vld [tilespmem:s4+$0xFFFFFE70];
	v11 =	vmul.f32 $1.131370830e+01, v11;
	v1 =	vadd.f32 v2, v1  }
0x28a: {  	v46 =	vld [tilespmem:s19+$0x0];
	v15 =	vmul.f32 $1.131370830e+01, v15;
	[tilespmem:s17+$0xFFFFFE50] =	vst v3;
	v0 =	vadd.f32 v16, v0;
	v2 =	vshll.u32 v12, $0x10  }
0x28b: {  	v3 =	vld [tilespmem:s17+$0xFFFFFFB0];
	v2 =	vadd.f32 v2, v11;
	[tilespmem:s17+$0xFFFFFFA0] =	vst v1;
	v1 =	vand.u32 $0xFFFF0000, v12  }
0x28c: {  	v8 =	vmul.f32 $1.131370830e+01, v8;
	v11 =	vld [tilespmem:s17+$0xFFFFFFC0];
	[tilespmem:s17+$0xFFFFFF90] =	vst v0;
	v1 =	vadd.f32 v1, v15  }
0x28d: {  	[tilespmem:s19+$0xFFFFFF10] =	vst v2;
	v2 =	vand.u32 $0xFFFF0000, v7;
	v7 =	vld [tilespmem:s19+$0xFFFFFF30]  }
0x28e: {  	v2 =	vadd.f32 v2, v8;
	v8 =	vld [tilespmem:s11+$0xFFFFFFE0];
	[tilespmem:s19+$0xFFFFFF20] =	vst v1  }
0x28f: {  	v12 =	vld [tilespmem:s21+$0xFFFFFFA0]  }
0x290: {  	[tilespmem:s17+$0xFFFFFE60] =	vst v2;
	v2 =	vld [tilespmem:s19+$0xFFFFFF40]  }
0x291: {  	s9 =	simm.s32 $0x89F0;
	v51 =	vld [tilespmem:s4+$0xFFFFFF80]  }
0x292: {  	v55 =	vld [tilespmem:s9+$0xFFFFFF10];
	v3 =	vmul.f32 $1.131370830e+01, v3  }
0x293: {  	v15 =	vld [tilespmem:s19+$0xFFFFFE10];
	v11 =	vmul.f32 $1.131370830e+01, v11;
	v17 =	vshll.u32 v8, $0x10  }
0x294: {  	s7 =	simm.s32 $0x145F0;
	v16 =	vld [tilespmem:s19+$0xFFFFFE20];
	v7 =	vmul.f32 $1.131370830e+01, v7;
	v8 =	vand.u32 $0xFFFF0000, v8;
	v3 =	vadd.f32 v17, v3  }
0x295: {  	v56 =	vld [tilespmem:s7+$0xFFFFFF90];
	v8 =	vadd.f32 v8, v11;
	v17 =	vshll.u32 v12, $0x10;
	v2 =	vmul.f32 $1.131370830e+01, v2  }
0x296: {  	v35 =	vld [tilespmem:s4+$0xFFFFFFB0];
	v7 =	vadd.f32 v17, v7;
	[tilespmem:s17+$0xFFFFFFB0] =	vst v3;
	v3 =	vand.u32 $0xFFFF0000, v12  }
0x297: {  	v58 =	vld [tilespmem:s9+$0xFFFFFE10];
	[tilespmem:s17+$0xFFFFFFC0] =	vst v8;
	v2 =	vadd.f32 v3, v2  }
0x298: {  	v3 =	vmul.f32 $1.131370830e+01, v15;
	[tilespmem:s19+$0xFFFFFF30] =	vst v7;
	v7 =	vld [tilespmem:s19+$0xFFFFFF50]  }
0x299: {  	v8 =	vshll.u32 v18, $0x10;
	[tilespmem:s19+$0xFFFFFF40] =	vst v2;
	v2 =	vmul.f32 $1.131370830e+01, v16;
	v16 =	vld [tilespmem:s19+$0xFFFFFF60]  }
0x29a: {  	v15 =	vand.u32 $0xFFFF0000, v18;
	v3 =	vadd.f32 v8, v3;
	v8 =	vld [tilespmem:s21+$0xFFFFFFB0]  }
0x29b: {  	v12 =	vld [tilespmem:s17+$0xFFFFFFE0];
	v15 =	vadd.f32 v15, v2  }
0x29c: {  	v18 =	vld [tilespmem:s11+$0xFFFFFFF0];
	[tilespmem:s19+$0xFFFFFE10] =	vst v3  }
0x29d: {  	v11 =	vld [tilespmem:s19+$0xFFFFFE30];
	[tilespmem:s19+$0xFFFFFE20] =	vst v15  }
0x29e: {  	v7 =	vmul.f32 $1.131370830e+01, v7;
	v15 =	vld [tilespmem:s21+$0xFFFFFF20]  }
0x29f: {  	v37 =	vld [tilespmem:s7+$0xFFFFFF10];
	v16 =	vmul.f32 $1.131370830e+01, v16;
	v21 =	vshll.u32 v8, $0x10  }
0x2a0: {  	v59 =	vld [tilespmem:s4+$0xFFFFFFC0];
	v19 =	vmul.f32 $1.131370830e+01, v19;
	v8 =	vand.u32 $0xFFFF0000, v8;
	v7 =	vadd.f32 v21, v7  }
0x2a1: {  	v5 =	vld [tilespmem:s17+$0xFFFFFE70];
	v12 =	vmul.f32 $1.131370830e+01, v12;
	v21 =	vshll.u32 v18, $0x10;
	v8 =	vadd.f32 v8, v16  }
0x2a2: {  	v17 =	vld [tilespmem:s11+$0xFFFFFF40];
	[tilespmem:s19+$0xFFFFFF50] =	vst v7;
	v7 =	vmul.f32 $1.131370830e+01, v11;
	v11 =	vand.u32 $0xFFFF0000, v18;
	v18 =	vadd.f32 v21, v19  }
0x2a3: {  	v19 =	vld [tilespmem:s19+$0xFFFFFF70];
	[tilespmem:s19+$0xFFFFFF60] =	vst v8;
	v8 =	vmul.f32 $1.131370830e+01, v20;
	v11 =	vadd.f32 v11, v12;
	v12 =	vshll.u32 v15, $0x10  }
0x2a4: {  	v24 =	vld [tilespmem:s21+$0xFFFFFFC0];
	v7 =	vadd.f32 v12, v7;
	v12 =	vand.u32 $0xFFFF0000, v15  }
0x2a5: {  	v15 =	vld [tilespmem:s19+$0xFFFFFF80];
	v8 =	vadd.f32 v12, v8  }
0x2a6: {  	v62 =	vld [tilespmem:s9+$0xFFFFFF40];
	[tilespmem:s19+$0xFFFFFE30] =	vst v7  }
0x2a7: {  	v34 =	vmul.f32 $1.131370830e+01, v10;
	v10 =	vld [tilespmem:s4+$0xFFFFFEC0];
	[tilespmem:s19+$0xFFFFFE40] =	vst v8  }
0x2a8: {  	v7 =	vmul.f32 $1.131370830e+01, v19;
	v19 =	vld [tilespmem:s21+$0xFFFFFF30]  }
0x2a9: {  	v6 =	vld [tilespmem:s17+$0xFFFFFE80];
	v5 =	vmul.f32 $1.131370830e+01, v5;
	v8 =	vshll.u32 v24, $0x10  }
0x2aa: {  	v4 =	vld [tilespmem:s17+$0xFFFFFFF0];
	v25 =	vshll.u32 v17, $0x10;
	v15 =	vmul.f32 $1.131370830e+01, v15;
	v8 =	vadd.f32 v8, v7  }
0x2ab: {  	v0 =	vld [tilespmem:s17+$0xFFFFFED0];
	v5 =	vadd.f32 v25, v5;
	v24 =	vand.u32 $0xFFFF0000, v24  }
0x2ac: {  	v1 =	vld [tilespmem:s17+$0xFFFFFEE0];
	v15 =	vadd.f32 v24, v15;
	[tilespmem:s19+$0xFFFFFF70] =	vst v8;
	v8 =	vand.u32 $0xFFFF0000, v17;
	v17 =	vmul.f32 $1.131370830e+01, v22  }
0x2ad: {  	[tilespmem:s17+$0xFFFFFE70] =	vst v5;
	v22 =	vld [tilespmem:s19+$0xFFFFFF90];
	v24 =	vshll.u32 v19, $0x10  }
0x2ae: {  	[tilespmem:s19+$0xFFFFFF80] =	vst v15;
	v5 =	vadd.f32 v24, v17;
	v17 =	vld [tilespmem:s19+$0xFFFFFFA0]  }
0x2af: {  	v6 =	vmul.f32 $1.131370830e+01, v6;
	v24 =	vld [tilespmem:s21+$0xFFFFFFD0]  }
0x2b0: {  	v2 =	vld [tilespmem:s17+$0xFFFFFEF0]  }
0x2b1: {  	v3 =	vld [tilespmem:s17+$0xFFFFFF00];
	v6 =	vadd.f32 v8, v6  }
0x2b2: {  	v16 =	vld [tilespmem:s19+$0xFFFFFE70];
	[tilespmem:s19+$0xFFFFFE50] =	vst v5;
	v5 =	vmul.f32 $1.131370830e+01, v23  }
0x2b3: {  	v20 =	vld [tilespmem:s19+$0xFFFFFE90];
	v19 =	vand.u32 $0xFFFF0000, v19;
	[tilespmem:s17+$0xFFFFFE80] =	vst v6;
	v22 =	vmul.f32 $1.131370830e+01, v22  }
0x2b4: {  	v25 =	vld [tilespmem:s11+$0xFFFFFF50];
	v5 =	vadd.f32 v19, v5;
	v19 =	vshll.u32 v24, $0x10;
	v17 =	vmul.f32 $1.131370830e+01, v17  }
0x2b5: {  	v24 =	vand.u32 $0xFFFF0000, v24;
	v19 =	vadd.f32 v19, v22;
	v22 =	vld [tilespmem:s4+$0xFFFFFF20]  }
0x2b6: {  	v21 =	vld [tilespmem:s19+$0xFFFFFEA0];
	v17 =	vadd.f32 v24, v17;
	v24 =	vmul.f32 $1.131370830e+01, v26  }
0x2b7: {  	v28 =	vshll.u32 v27, $0x10;
	v23 =	vld [tilespmem:s19+$0xFFFFFFB0];
	[tilespmem:s19+$0xFFFFFF90] =	vst v19  }
0x2b8: {  	[tilespmem:s19+$0xFFFFFFA0] =	vst v17;
	v17 =	vld [tilespmem:s19+$0xFFFFFFC0];
	v24 =	vadd.f32 v28, v24  }
0x2b9: {  	v14 =	vmul.f32 $1.131370830e+01, v14;
	[tilespmem:s17+$0xFFFFFFD0] =	vst v18;
	v26 =	vld [tilespmem:s21+$0xFFFFFFE0]  }
0x2ba: {  	v18 =	vld [tilespmem:s19+$0xFFFFFE80];
	v22 =	vmul.f32 $1.131370830e+01, v22;
	[tilespmem:s4+$0xFFFFFF10] =	vst v24;
	v24 =	vand.u32 $0xFFFF0000, v25  }
0x2bb: {  	v13 =	vmul.f32 $1.131370830e+01, v13;
	v27 =	vand.u32 $0xFFFF0000, v27;
	v12 =	vld [tilespmem:s17+$0x0];
	v14 =	vadd.f32 v24, v14  }
0x2bc: {  	[tilespmem:s17+$0xFFFFFFE0] =	vst v11;
	v48 =	vmul.f32 $1.131370830e+01, v16;
	v16 =	vld [tilespmem:s4+$0xFFFFFEA0];
	v30 =	vshll.u32 v25, $0x10;
	v22 =	vadd.f32 v27, v22  }
0x2bd: {  	v13 =	vadd.f32 v30, v13;
	v23 =	vmul.f32 $1.131370830e+01, v23;
	v25 =	vld [tilespmem:s4+$0xFFFFFF30];
	[tilespmem:s17+$0xFFFFFEA0] =	vst v14  }
0x2be: {  	v17 =	vmul.f32 $1.131370830e+01, v17;
	v14 =	vld [tilespmem:s4+$0xFFFFFF40];
	v24 =	vshll.u32 v26, $0x10;
	[tilespmem:s4+$0xFFFFFF20] =	vst v22  }
0x2bf: {  	[tilespmem:s17+$0xFFFFFE90] =	vst v13;
	v13 =	vmul.f32 $1.131370830e+01, v29;
	v22 =	vand.u32 $0xFFFF0000, v26;
	v23 =	vadd.f32 v24, v23;
	v24 =	vld [tilespmem:s5+$0xFFFFFFA0]  }
0x2c0: {  	v11 =	vld [tilespmem:s11+$0x0];
	v17 =	vadd.f32 v22, v17;
	v22 =	vshll.u32 v39, $0x10  }
0x2c1: {  	v40 =	vmul.f32 $1.131370830e+01, v31;
	v15 =	vld [tilespmem:s19+$0xFFFFFFF0];
	v13 =	vadd.f32 v22, v13;
	[tilespmem:s19+$0xFFFFFFB0] =	vst v23  }
0x2c2: {  	v27 =	vld [tilespmem:s19+$0xFFFFFFD0];
	v23 =	vand.u32 $0xFFFF0000, v39;
	[tilespmem:s19+$0xFFFFFFC0] =	vst v17  }
0x2c3: {  	v22 =	vld [tilespmem:s4+$0xFFFFFE30];
	v17 =	vadd.f32 v23, v40;
	[tilespmem:s4+$0xFFFFFE10] =	vst v13;
	v13 =	vmul.f32 $1.131370830e+01, v25  }
0x2c4: {  	v42 =	vld [tilespmem:s21+$0xFFFFFFF0];
	v14 =	vmul.f32 $1.131370830e+01, v14;
	v41 =	vshll.u32 v24, $0x10  }
0x2c5: {  	v23 =	vld [tilespmem:s19+$0xFFFFFFE0];
	[tilespmem:s4+$0xFFFFFE20] =	vst v17;
	v24 =	vand.u32 $0xFFFF0000, v24;
	v17 =	vadd.f32 v41, v13  }
0x2c6: {  	v25 =	vld [tilespmem:s4+$0xFFFFFE40];
	v14 =	vadd.f32 v24, v14  }
0x2c7: {  	v43 =	vld [tilespmem:s5+$0xFFFFFF20];
	[tilespmem:s4+$0xFFFFFF30] =	vst v17  }
0x2c8: {  	v27 =	vmul.f32 $1.131370830e+01, v27;
	v17 =	vld [tilespmem:s4+$0xFFFFFF50];
	[tilespmem:s4+$0xFFFFFF40] =	vst v14  }
0x2c9: {  	v14 =	vmul.f32 $1.131370830e+01, v22;
	v22 =	vshll.u32 v42, $0x10;
	v44 =	vld [tilespmem:s5+$0xFFFFFFB0]  }
0x2ca: {  	v12 =	vmul.f32 $1.131370830e+01, v12;
	v23 =	vmul.f32 $1.131370830e+01, v23;
	v22 =	vadd.f32 v22, v27;
	v27 =	vld [tilespmem:s4+$0xFFFFFF60]  }
0x2cb: {  	v7 =	vld [tilespmem:s19+$0xFFFFFEB0];
	v63 =	vshll.u32 v11, $0x10;
	v25 =	vmul.f32 $1.131370830e+01, v25;
	v29 =	vand.u32 $0xFFFF0000, v42  }
0x2cc: {  	v11 =	vand.u32 $0xFFFF0000, v11;
	v8 =	vld [tilespmem:s19+$0xFFFFFEC0];
	v23 =	vadd.f32 v29, v23;
	v28 =	vand.u32 $0xFFFF0000, v43  }
0x2cd: {  	v11 =	vadd.f32 v11, v12;
	v6 =	vld [tilespmem:s19+$0xFFFFFED0];
	[tilespmem:s19+$0xFFFFFE60] =	vst v5;
	v45 =	vshll.u32 v43, $0x10;
	v25 =	vadd.f32 v28, v25  }
0x2ce: {  	v12 =	vmul.f32 $1.131370830e+01, v15;
	v15 =	vld [tilespmem:s9+$0xFFFFFE40];
	v31 =	vadd.f32 v45, v14;
	[tilespmem:s19+$0xFFFFFFE0] =	vst v23;
	v17 =	vmul.f32 $1.131370830e+01, v17  }
0x2cf: {  	v19 =	vld [tilespmem:s21+$0xFFFFFF40];
	v23 =	vshll.u32 v44, $0x10;
	[tilespmem:s4+$0xFFFFFE40] =	vst v25;
	v25 =	vmul.f32 $1.131370830e+01, v27  }
0x2d0: {  	v24 =	vld [tilespmem:s4+$0xFFFFFE50];
	[tilespmem:s4+$0xFFFFFE30] =	vst v31;
	v47 =	vand.u32 $0xFFFF0000, v44;
	v23 =	vadd.f32 v23, v17  }
0x2d1: {  	v27 =	vld [tilespmem:s5+$0xFFFFFF30];
	v25 =	vadd.f32 v47, v25  }
0x2d2: {  	v26 =	vld [tilespmem:s11+$0xFFFFFF60];
	[tilespmem:s4+$0xFFFFFF50] =	vst v23  }
0x2d3: {  	v23 =	vld [tilespmem:s4+$0xFFFFFF70];
	[tilespmem:s4+$0xFFFFFF60] =	vst v25  }
0x2d4: {  	v50 =	vmul.f32 $1.131370830e+01, v18;
	v25 =	vshll.u32 v19, $0x10;
	v49 =	vld [tilespmem:s5+$0xFFFFFFC0]  }
0x2d5: {  	v5 =	vld [tilespmem:s19+$0xFFFFFEE0];
	v24 =	vmul.f32 $1.131370830e+01, v24;
	v19 =	vand.u32 $0xFFFF0000, v19;
	v25 =	vadd.f32 v25, v48  }
0x2d6: {  	v32 =	vmul.f32 $1.131370830e+01, v32;
	v40 =	vld [tilespmem:s9+$0xFFFFFE30];
	[tilespmem:s19+$0xFFFFFFD0] =	vst v22;
	v19 =	vadd.f32 v19, v50;
	v18 =	vshll.u32 v27, $0x10  }
0x2d7: {  	v13 =	vld [tilespmem:s19+$0xFFFFFEF0];
	v24 =	vadd.f32 v18, v24;
	[tilespmem:s19+$0xFFFFFE70] =	vst v25;
	v25 =	vand.u32 $0xFFFF0000, v27  }
0x2d8: {  	v42 =	vld [tilespmem:s4+$0xFFFFFF00];
	v29 =	vmul.f32 $1.131370830e+01, v55;
	[tilespmem:s19+$0xFFFFFE80] =	vst v19;
	v25 =	vadd.f32 v25, v32;
	v23 =	vmul.f32 $1.131370830e+01, v23  }
0x2d9: {  	v27 =	vshll.u32 v26, $0x10;
	v53 =	vld [tilespmem:s21+$0xFFFFFF50];
	[tilespmem:s4+$0xFFFFFE50] =	vst v24;
	v24 =	vmul.f32 $1.131370830e+01, v9;
	v19 =	vshll.u32 v49, $0x10  }
0x2da: {  	v22 =	vld [tilespmem:s4+$0xFFFFFE80];
	v26 =	vand.u32 $0xFFFF0000, v26;
	[tilespmem:s4+$0xFFFFFE60] =	vst v25;
	v25 =	vmul.f32 $1.131370830e+01, v51;
	v23 =	vadd.f32 v19, v23  }
0x2db: {  	v36 =	vshll.u32 v56, $0x10;
	v14 =	vld [tilespmem:s19+$0xFFFFFF00];
	v24 =	vadd.f32 v26, v24;
	v26 =	vand.u32 $0xFFFF0000, v49  }
0x2dc: {  	v29 =	vadd.f32 v36, v29;
	v36 =	vmul.f32 $1.131370830e+01, v62;
	v62 =	vld [tilespmem:s9+$0xFFFFFEB0];
	v25 =	vadd.f32 v26, v25;
	[tilespmem:s4+$0xFFFFFF70] =	vst v23  }
0x2dd: {  	v20 =	vmul.f32 $1.131370830e+01, v20;
	v21 =	vmul.f32 $1.131370830e+01, v21;
	v52 =	vld [tilespmem:s21+$0x0];
	[tilespmem:s17+$0xFFFFFEC0] =	vst v24  }
0x2de: {  	v24 =	vld [tilespmem:s4+$0xFFFFFF90];
	v54 =	vand.u32 $0xFFFF0000, v53;
	[tilespmem:s4+$0xFFFFFF80] =	vst v25;
	v25 =	vshll.u32 v53, $0x10  }
0x2df: {  	v21 =	vadd.f32 v54, v21;
	v20 =	vadd.f32 v25, v20;
	v25 =	vld [tilespmem:s5+$0xFFFFFFD0]  }
0x2e0: {  	v26 =	vld [tilespmem:s4+$0xFFFFFFA0]  }
0x2e1: {  	[tilespmem:s19+$0xFFFFFEA0] =	vst v21;
	v21 =	vld [tilespmem:s9+$0xFFFFFF20]  }
0x2e2: {  	v44 =	vld [tilespmem:s4+$0xFFFFFFD0]  }
0x2e3: {  	[tilespmem:s9+$0xFFFFFF10] =	vst v29;
	v29 =	vmul.f32 $1.131370830e+01, v59;
	v59 =	vld [tilespmem:s9+$0xFFFFFEA0];
	v24 =	vmul.f32 $1.131370830e+01, v24  }
0x2e4: {  	v17 =	vld [tilespmem:s4+$0xFFFFFE90];
	v57 =	vshll.u32 v25, $0x10  }
0x2e5: {  	v47 =	vld [tilespmem:s9+$0xFFFFFF50];
	v26 =	vmul.f32 $1.131370830e+01, v26;
	v24 =	vadd.f32 v57, v24  }
0x2e6: {  	v18 =	vld [tilespmem:s4+$0xFFFFFEB0];
	v27 =	vadd.f32 v27, v34;
	v25 =	vand.u32 $0xFFFF0000, v25;
	v38 =	vmul.f32 $1.131370830e+01, v21  }
0x2e7: {  	v25 =	vadd.f32 v25, v26;
	v26 =	vand.u32 $0xFFFF0000, v56;
	[tilespmem:s4+$0xFFFFFF90] =	vst v24;
	v24 =	vld [tilespmem:s9+$0xFFFFFE20]  }
0x2e8: {  	v9 =	vld [tilespmem:s4+$0xFFFFFED0];
	[tilespmem:s17+$0xFFFFFEB0] =	vst v27;
	v26 =	vadd.f32 v26, v38  }
0x2e9: {  	v60 =	vmul.f32 $1.131370830e+01, v58;
	v4 =	vmul.f32 $1.131370830e+01, v4;
	v27 =	vld [tilespmem:s5+$0xFFFFFF40];
	[tilespmem:s4+$0xFFFFFFA0] =	vst v25  }
0x2ea: {  	v35 =	vmul.f32 $1.131370830e+01, v35;
	v7 =	vmul.f32 $1.131370830e+01, v7;
	v25 =	vld [tilespmem:s9+$0xFFFFFF30];
	[tilespmem:s9+$0xFFFFFF20] =	vst v26  }
0x2eb: {  	v4 =	vadd.f32 v63, v4;
	v8 =	vmul.f32 $1.131370830e+01, v8;
	v58 =	vmul.f32 $1.131370830e+01, v6;
	v61 =	vld [tilespmem:s7+$0xFFFFFFA0]  }
0x2ec: {  	v28 =	vmul.f32 $1.131370830e+01, v46;
	v49 =	vld [tilespmem:s9+$0xFFFFFE60];
	v26 =	vshll.u32 v37, $0x10;
	v24 =	vmul.f32 $1.131370830e+01, v24  }
0x2ed: {  	v43 =	vshll.u32 v52, $0x10;
	v23 =	vld [tilespmem:s11+$0xFFFFFF70];
	v37 =	vand.u32 $0xFFFF0000, v37;
	v26 =	vadd.f32 v26, v60  }
0x2ee: {  	[tilespmem:s17+$0x0] =	vst v11;
	v31 =	vand.u32 $0xFFFF0000, v52;
	v52 =	vmul.f32 $1.131370830e+01, v0;
	v41 =	vld [tilespmem:s5+$0xFFFFFFE0];
	v24 =	vadd.f32 v37, v24  }
0x2ef: {  	v12 =	vadd.f32 v43, v12;
	v53 =	vld [tilespmem:s9+$0xFFFFFF60];
	v54 =	vmul.f32 $1.131370830e+01, v1;
	[tilespmem:s9+$0xFFFFFE10] =	vst v26;
	v25 =	vmul.f32 $1.131370830e+01, v25  }
0x2f0: {  	v1 =	vmul.f32 $1.131370830e+01, v22;
	v22 =	vld [tilespmem:s9+$0xFFFFFE70];
	v34 =	vand.u32 $0xFFFF0000, v61;
	[tilespmem:s9+$0xFFFFFE20] =	vst v24;
	v24 =	vshll.u32 v61, $0x10  }
0x2f1: {  	[tilespmem:s17+$0xFFFFFFF0] =	vst v4;
	v0 =	vmul.f32 $1.131370830e+01, v15;
	v34 =	vadd.f32 v34, v36;
	v24 =	vadd.f32 v24, v25;
	v25 =	vld [tilespmem:s7+$0xFFFFFF20]  }
0x2f2: {  	v28 =	vadd.f32 v31, v28;
	v55 =	vmul.f32 $1.131370830e+01, v47;
	v18 =	vmul.f32 $1.131370830e+01, v18;
	[tilespmem:s19+$0xFFFFFE90] =	vst v20;
	v57 =	vld [tilespmem:s9+$0xFFFFFE90]  }
0x2f3: {  	v48 =	vshll.u32 v27, $0x10;
	v27 =	vand.u32 $0xFFFF0000, v27;
	v32 =	vld [tilespmem:s21+$0xFFFFFF60];
	v45 =	vshll.u32 v41, $0x10;
	[tilespmem:s9+$0xFFFFFF40] =	vst v34  }
0x2f4: {  	v26 =	vmul.f32 $1.131370830e+01, v33;
	v30 =	vand.u32 $0xFFFF0000, v41;
	v46 =	vadd.f32 v45, v35;
	[tilespmem:s9+$0xFFFFFF30] =	vst v24;
	v24 =	vld [tilespmem:s9+$0xFFFFFE50]  }
0x2f5: {  	[tilespmem:s19+$0xFFFFFFF0] =	vst v12;
	v6 =	vand.u32 $0xFFFF0000, v23;
	v38 =	vmul.f32 $1.131370830e+01, v40;
	v29 =	vadd.f32 v30, v29;
	v51 =	vld [tilespmem:s7+$0xFFFFFFB0]  }
0x2f6: {  	v19 =	vld [tilespmem:s4+$0xFFFFFEE0];
	v22 =	vmul.f32 $1.131370830e+01, v22;
	v26 =	vadd.f32 v48, v26;
	[tilespmem:s4+$0xFFFFFFB0] =	vst v46;
	v50 =	vshll.u32 v25, $0x10  }
0x2f7: {  	v20 =	vld [tilespmem:s4+$0xFFFFFFF0];
	v12 =	vmul.f32 $1.131370830e+01, v57;
	[tilespmem:s4+$0xFFFFFFC0] =	vst v29;
	v25 =	vand.u32 $0xFFFF0000, v25;
	v15 =	vadd.f32 v50, v38  }
0x2f8: {  	v30 =	vmul.f32 $1.131370830e+01, v53;
	[tilespmem:s4+$0xFFFFFE70] =	vst v26;
	v61 =	vmul.f32 $1.131370830e+01, v5;
	v0 =	vadd.f32 v25, v0;
	v25 =	vld [tilespmem:s4+$0xFFFFFFE0]  }
0x2f9: {  	v5 =	vmul.f32 $1.131370830e+01, v49;
	v56 =	vld [tilespmem:s5+$0xFFFFFFF0];
	v4 =	vmul.f32 $1.131370830e+01, v24;
	v24 =	vadd.f32 v6, v54;
	[tilespmem:s9+$0xFFFFFE30] =	vst v15  }
0x2fa: {  	v21 =	vld [tilespmem:s4+$0xFFFFFEF0];
	v15 =	vadd.f32 v27, v1;
	v1 =	vshll.u32 v32, $0x10;
	[tilespmem:s9+$0xFFFFFE40] =	vst v0;
	v0 =	vshll.u32 v51, $0x10  }
0x2fb: {  	v11 =	vadd.f32 v0, v55;
	v0 =	vmul.f32 $1.131370830e+01, v2;
	v26 =	vld [tilespmem:s7+$0xFFFFFF30];
	v2 =	vand.u32 $0xFFFF0000, v51;
	[tilespmem:s17+$0xFFFFFEE0] =	vst v24  }
0x2fc: {  	v7 =	vadd.f32 v1, v7;
	v1 =	vand.u32 $0xFFFF0000, v32;
	v24 =	vld [tilespmem:s9+$0xFFFFFFA0];
	v2 =	vadd.f32 v2, v30;
	[tilespmem:s4+$0xFFFFFE80] =	vst v15  }
0x2fd: {  	v8 =	vadd.f32 v1, v8;
	v1 =	vmul.f32 $1.131370830e+01, v3;
	v15 =	vld [tilespmem:s9+$0xFFFFFF70];
	[tilespmem:s9+$0xFFFFFF50] =	vst v11;
	v25 =	vmul.f32 $1.131370830e+01, v25  }
0x2fe: {  	v3 =	vshll.u32 v23, $0x10;
	v11 =	vmul.f32 $1.131370830e+01, v44;
	v60 =	vld [tilespmem:s5+$0xFFFFFF50];
	[tilespmem:s9+$0xFFFFFF60] =	vst v2;
	v2 =	vand.u32 $0xFFFF0000, v56  }
0x2ff: {  	v23 =	vadd.f32 v3, v52;
	v3 =	vshll.u32 v56, $0x10;
	[tilespmem:s19+$0xFFFFFEC0] =	vst v8;
	v8 =	vld [tilespmem:s9+$0xFFFFFEE0];
	v6 =	vadd.f32 v2, v25  }
0x300: {  	[tilespmem:s19+$0xFFFFFEB0] =	vst v7;
	v7 =	vmul.f32 $1.131370830e+01, v16;
	v3 =	vadd.f32 v3, v11;
	v11 =	vld [tilespmem:s9+$0xFFFFFF80];
	v2 =	vshll.u32 v26, $0x10  }
0x301: {  	v25 =	vld [tilespmem:s7+$0xFFFFFFC0];
	v24 =	vmul.f32 $1.131370830e+01, v24;
	v4 =	vadd.f32 v2, v4;
	[tilespmem:s4+$0xFFFFFFE0] =	vst v6;
	v6 =	vand.u32 $0xFFFF0000, v26  }
0x302: {  	v27 =	vld [tilespmem:s9+$0xFFFFFE80];
	[tilespmem:s4+$0xFFFFFFD0] =	vst v3;
	v2 =	vmul.f32 $1.131370830e+01, v13;
	v13 =	vmul.f32 $1.131370830e+01, v17;
	v5 =	vadd.f32 v6, v5  }
0x303: {  	v3 =	vmul.f32 $1.131370830e+01, v14;
	v26 =	vmul.f32 $1.131370830e+01, v10;
	v14 =	vld [tilespmem:s5+$0x0];
	[tilespmem:s9+$0xFFFFFE50] =	vst v4;
	v4 =	vshll.u32 v60, $0x10  }
0x304: {  	v10 =	vld [tilespmem:s4+$0x0];
	v6 =	vmul.f32 $1.131370830e+01, v9;
	v4 =	vadd.f32 v4, v13;
	[tilespmem:s9+$0xFFFFFE60] =	vst v5;
	v5 =	vand.u32 $0xFFFF0000, v60  }
0x305: {  	v16 =	vld [tilespmem:s9+$0xFFFFFED0];
	v8 =	vmul.f32 $1.131370830e+01, v8;
	v13 =	vmul.f32 $1.131370830e+01, v15;
	v5 =	vadd.f32 v5, v7  }
0x306: {  	v9 =	vshll.u32 v25, $0x10;
	v11 =	vmul.f32 $1.131370830e+01, v11;
	v7 =	vmul.f32 $1.131370830e+01, v19;
	v15 =	vld [tilespmem:s7+$0xFFFFFF40];
	[tilespmem:s4+$0xFFFFFE90] =	vst v4  }
0x307: {  	v17 =	vld [tilespmem:s9+$0xFFFFFEC0];
	v19 =	vand.u32 $0xFFFF0000, v25;
	v9 =	vadd.f32 v9, v13;
	v13 =	vmul.f32 $1.131370830e+01, v20;
	[tilespmem:s4+$0xFFFFFEA0] =	vst v5  }
0x308: {  	[tilespmem:s19+$0x0] =	vst v28;
	v4 =	vmul.f32 $1.131370830e+01, v21;
	v11 =	vadd.f32 v19, v11;
	v19 =	vshll.u32 v14, $0x10;
	v25 =	vld [tilespmem:s5+$0xFFFFFF60]  }
0x309: {  	v21 =	vld [tilespmem:s21+$0xFFFFFF70];
	v5 =	vmul.f32 $1.131370830e+01, v42;
	[tilespmem:s9+$0xFFFFFF70] =	vst v9;
	v9 =	vmul.f32 $1.131370830e+01, v10;
	v19 =	vadd.f32 v19, v13  }
0x30a: {  	v63 =	vld [tilespmem:s9+$0xFFFFFF90];
	[tilespmem:s9+$0xFFFFFF80] =	vst v11;
	v10 =	vand.u32 $0xFFFF0000, v14;
	v14 =	vmul.f32 $1.131370830e+01, v27;
	v13 =	vmul.f32 $1.131370830e+01, v59  }
0x30b: {  	[tilespmem:s17+$0xFFFFFED0] =	vst v23;
	v20 =	vld [tilespmem:s7+$0xFFFFFFD0];
	v23 =	vadd.f32 v10, v9;
	v9 =	vmul.f32 $1.131370830e+01, v16;
	v16 =	vshll.u32 v15, $0x10  }
0x30c: {  	v11 =	vmul.f32 $1.131370830e+01, v17;
	v17 =	vand.u32 $0xFFFF0000, v15;
	v15 =	vld [tilespmem:s9+$0xFFFFFEF0];
	[tilespmem:s4+$0xFFFFFFF0] =	vst v19;
	v16 =	vadd.f32 v16, v22  }
0x30d: {  	v10 =	vmul.f32 $1.131370830e+01, v62;
	v17 =	vadd.f32 v17, v14;
	v14 =	vld [tilespmem:s9+$0xFFFFFF00];
	[tilespmem:s4+$0x0] =	vst v23;
	v22 =	vshll.u32 v25, $0x10  }
0x30e: {  	v19 =	vshll.u32 v21, $0x10;
	v23 =	vand.u32 $0xFFFF0000, v25;
	[tilespmem:s9+$0xFFFFFE70] =	vst v16;
	v16 =	vld [tilespmem:s9+$0xFFFFFFF0];
	v27 =	vadd.f32 v22, v18  }
0x30f: {  	v21 =	vand.u32 $0xFFFF0000, v21;
	[tilespmem:s9+$0xFFFFFE80] =	vst v17;
	v17 =	vld [tilespmem:s11+$0xFFFFFF80];
	v22 =	vadd.f32 v23, v26;
	v23 =	vmul.f32 $1.131370830e+01, v63  }
0x310: {  	s6 =	simm.s32 $0x89F0;
	s10 =	simm.s32 $0x86;
	v19 =	vadd.f32 v19, v58;
	s11 =	simm.s32 $0x146F0;
	v25 =	vshll.u32 v20, $0x10;
	v18 =	vadd.f32 v21, v61;
	v21 =	vld [tilespmem:s9+$0xFFFFFFB0];
	[tilespmem:s4+$0xFFFFFEB0] =	vst v27  }
.LBB2_6:
0x311: {  	v26 =	vld [tilespmem:s11+$0xFFFFFF90];
	v15 =	vmul.f32 $1.131370830e+01, v15;
	v20 =	vand.u32 $0xFFFF0000, v20;
	v23 =	vadd.f32 v25, v23;
	s9 =	sadd.s32 $0x200, s9;
	[tilespmem:s4+$0xFFFFFEC0] =	vst v22  }
0x312: {  	v22 =	vld [tilespmem:s9+$0xFFFFFF10];
	v25 =	vmul.f32 $1.131370830e+01, v14;
	v20 =	vadd.f32 v20, v24;
	[tilespmem:s19+$0xFFFFFED0] =	vst v19  }
0x313: {  	v19 =	vld [tilespmem:s9+$0xFFFFFF20];
	[tilespmem:s6+$0xFFFFFF90] =	vst v23;
	v14 =	vmul.f32 $1.131370830e+01, v16  }
0x314: {  	[tilespmem:s6+$0xFFFFFFA0] =	vst v20;
	v16 =	vld [tilespmem:s6+$0xFFFFFFC0];
	v20 =	vshll.u32 v17, $0x10;
	v17 =	vand.u32 $0xFFFF0000, v17  }
0x315: {  	v23 =	vld [tilespmem:s7+$0xFFFFFFE0];
	[tilespmem:s19+$0xFFFFFEE0] =	vst v18;
	v18 =	vadd.f32 v20, v0;
	v17 =	vadd.f32 v17, v1;
	v0 =	vmovc v2;
	v2 =	vmov v4  }
0x316: {  	v4 =	vmovc v15;
	v1 =	vmov v3;
	v3 =	vmov v5;
	v5 =	vmov v25;
	v20 =	vld [tilespmem:s9+$0xFFFFFE10]  }
0x317: {  	v15 =	vld [tilespmem:s9+$0xFFFFFE20];
	v22 =	vmul.f32 $1.131370830e+01, v22;
	[tilespmem:s17+$0xFFFFFEF0] =	vst v18  }
0x318: {  	v24 =	vshll.u32 v26, $0x10;
	v18 =	vld [tilespmem:s11+$0xFFFFFF10];
	v19 =	vmul.f32 $1.131370830e+01, v19;
	[tilespmem:s17+$0xFFFFFF00] =	vst v17;
	s17 =	smov.u32 s19;
	s19 =	smov.u32 s4;
	s4 =	smov.u32 s6  }
0x319: {  	s10 =	sadd.s32 $0x2, s10;
	v21 =	vmul.f32 $1.131370830e+01, v21;
	v25 =	vand.u32 $0xFFFF0000, v26;
	s6 =	smov.u32 s9;
	v17 =	vld [tilespmem:s9+$0xFFFFFE30];
	v22 =	vadd.f32 v24, v22  }
0x31a: {  	p0 =	slt.u32 s10, $0xBE;
	v16 =	vmul.f32 $1.131370830e+01, v16;
	v19 =	vadd.f32 v25, v19;
	v24 =	vshll.u32 v23, $0x10;
	v25 =	vld [tilespmem:s4+$0xFFFFFFD0]  }
0x31b: {  	v23 =	vand.u32 $0xFFFF0000, v23;
	v20 =	vmul.f32 $1.131370830e+01, v20;
	[tilespmem:s9+$0xFFFFFF10] =	vst v22;
	v22 =	vld [tilespmem:s9+$0xFFFFFF30];
	v21 =	vadd.f32 v24, v21  }
0x31c: {  	v16 =	vadd.f32 v23, v16;
	v15 =	vmul.f32 $1.131370830e+01, v15;
	[tilespmem:s9+$0xFFFFFF20] =	vst v19;
	v19 =	vld [tilespmem:s9+$0xFFFFFF40]  }
0x31d: {  	v23 =	vshll.u32 v18, $0x10;
	v18 =	vand.u32 $0xFFFF0000, v18;
	v24 =	vld [tilespmem:s11+$0xFFFFFFA0];
	[tilespmem:s4+$0xFFFFFFB0] =	vst v21  }
0x31e: {  	v20 =	vadd.f32 v23, v20;
	v15 =	vadd.f32 v18, v15;
	v17 =	vmul.f32 $1.131370830e+01, v17;
	[tilespmem:s4+$0xFFFFFFC0] =	vst v16;
	v16 =	vld [tilespmem:s4+$0xFFFFFFE0]  }
0x31f: {  	v18 =	vld [tilespmem:s7+$0xFFFFFFF0]  }
0x320: {  	[tilespmem:s9+$0xFFFFFE10] =	vst v20;
	v20 =	vld [tilespmem:s9+$0xFFFFFE40]  }
0x321: {  	v21 =	vmul.f32 $1.131370830e+01, v22;
	[tilespmem:s9+$0xFFFFFE20] =	vst v15;
	v15 =	vld [tilespmem:s9+$0xFFFFFE50]  }
0x322: {  	v19 =	vmul.f32 $1.131370830e+01, v19;
	v22 =	vld [tilespmem:s11+$0xFFFFFF20];
	v23 =	vshll.u32 v24, $0x10  }
0x323: {  	v24 =	vand.u32 $0xFFFF0000, v24;
	v26 =	vld [tilespmem:s9+$0xFFFFFE60];
	v21 =	vadd.f32 v23, v21;
	v23 =	vmul.f32 $1.131370830e+01, v25  }
0x324: {  	v19 =	vadd.f32 v24, v19;
	v16 =	vmul.f32 $1.131370830e+01, v16;
	v25 =	vld [tilespmem:s9+$0xFFFFFE70];
	v24 =	vshll.u32 v18, $0x10  }
0x325: {  	v18 =	vand.u32 $0xFFFF0000, v18;
	v20 =	vmul.f32 $1.131370830e+01, v20;
	[tilespmem:s9+$0xFFFFFF30] =	vst v21;
	v21 =	vld [tilespmem:s9+$0xFFFFFF50];
	v23 =	vadd.f32 v24, v23  }
0x326: {  	v16 =	vadd.f32 v18, v16;
	v15 =	vmul.f32 $1.131370830e+01, v15;
	[tilespmem:s9+$0xFFFFFF40] =	vst v19;
	v19 =	vld [tilespmem:s9+$0xFFFFFF60]  }
0x327: {  	v18 =	vshll.u32 v22, $0x10;
	v22 =	vand.u32 $0xFFFF0000, v22;
	v24 =	vld [tilespmem:s11+$0xFFFFFFB0];
	[tilespmem:s4+$0xFFFFFFD0] =	vst v23  }
0x328: {  	v17 =	vadd.f32 v18, v17;
	v18 =	vadd.f32 v22, v20;
	v20 =	vmul.f32 $1.131370830e+01, v26;
	[tilespmem:s4+$0xFFFFFFE0] =	vst v16;
	v16 =	vld [tilespmem:s4+$0x0]  }
0x329: {  	v22 =	vmul.f32 $1.131370830e+01, v25;
	v23 =	vld [tilespmem:s7+$0x0]  }
0x32a: {  	[tilespmem:s9+$0xFFFFFE30] =	vst v17;
	v17 =	vld [tilespmem:s9+$0xFFFFFE80]  }
0x32b: {  	v21 =	vmul.f32 $1.131370830e+01, v21;
	[tilespmem:s9+$0xFFFFFE40] =	vst v18;
	v18 =	vld [tilespmem:s9+$0xFFFFFE90]  }
0x32c: {  	v19 =	vmul.f32 $1.131370830e+01, v19;
	v25 =	vld [tilespmem:s11+$0xFFFFFF30];
	v26 =	vshll.u32 v24, $0x10  }
0x32d: {  	v24 =	vand.u32 $0xFFFF0000, v24;
	v27 =	vld [tilespmem:s9+$0xFFFFFEA0];
	v21 =	vadd.f32 v26, v21;
	v16 =	vmul.f32 $1.131370830e+01, v16  }
0x32e: {  	v19 =	vadd.f32 v24, v19;
	v24 =	vld [tilespmem:s7+$0xFFFFFF50];
	v26 =	vshll.u32 v23, $0x10;
	v23 =	vand.u32 $0xFFFF0000, v23  }
0x32f: {  	v17 =	vmul.f32 $1.131370830e+01, v17;
	[tilespmem:s9+$0xFFFFFF50] =	vst v21;
	v21 =	vld [tilespmem:s9+$0xFFFFFF70];
	v14 =	vadd.f32 v26, v14;
	v16 =	vadd.f32 v23, v16  }
0x330: {  	v18 =	vmul.f32 $1.131370830e+01, v18;
	[tilespmem:s9+$0xFFFFFF60] =	vst v19;
	v19 =	vld [tilespmem:s9+$0xFFFFFF80]  }
0x331: {  	v23 =	vshll.u32 v25, $0x10;
	v25 =	vand.u32 $0xFFFF0000, v25;
	v26 =	vld [tilespmem:s11+$0xFFFFFFC0];
	[tilespmem:s4+$0x0] =	vst v16  }
0x332: {  	v15 =	vadd.f32 v23, v15;
	v16 =	vadd.f32 v25, v20;
	v20 =	vmul.f32 $1.131370830e+01, v27;
	v23 =	vld [tilespmem:s9+$0xFFFFFEB0];
	[tilespmem:s4+$0xFFFFFFF0] =	vst v14  }
0x333: {  	v14 =	vld [tilespmem:s9+$0xFFFFFEC0];
	v25 =	vshll.u32 v24, $0x10;
	v24 =	vand.u32 $0xFFFF0000, v24  }
0x334: {  	[tilespmem:s9+$0xFFFFFE50] =	vst v15;
	v15 =	vld [tilespmem:s9+$0xFFFFFED0];
	v25 =	vadd.f32 v25, v12;
	v24 =	vadd.f32 v24, v13;
	v12 =	vmovc v18;
	v13 =	vmov v20  }
0x335: {  	v18 =	vmul.f32 $1.131370830e+01, v21;
	[tilespmem:s9+$0xFFFFFE60] =	vst v16;
	v16 =	vld [tilespmem:s9+$0xFFFFFEE0]  }
0x336: {  	v19 =	vmul.f32 $1.131370830e+01, v19;
	v20 =	vld [tilespmem:s11+$0xFFFFFF40];
	v21 =	vshll.u32 v26, $0x10;
	[tilespmem:s4+$0xFFFFFE90] =	vst v25  }
0x337: {  	v25 =	vand.u32 $0xFFFF0000, v26;
	v23 =	vmul.f32 $1.131370830e+01, v23;
	v18 =	vadd.f32 v21, v18;
	[tilespmem:s4+$0xFFFFFEA0] =	vst v24;
	v21 =	vld [tilespmem:s5+$0xFFFFFF70]  }
0x338: {  	v24 =	vmul.f32 $1.131370830e+01, v14;
	v14 =	vadd.f32 v25, v19;
	v19 =	vld [tilespmem:s7+$0xFFFFFF60]  }
0x339: {  	v26 =	vmul.f32 $1.131370830e+01, v15;
	[tilespmem:s9+$0xFFFFFF70] =	vst v18;
	v18 =	vld [tilespmem:s9+$0xFFFFFF90]  }
0x33a: {  	v27 =	vmul.f32 $1.131370830e+01, v16;
	[tilespmem:s9+$0xFFFFFF80] =	vst v14;
	v28 =	vld [tilespmem:s9+$0xFFFFFFA0]  }
0x33b: {  	v14 =	vshll.u32 v20, $0x10;
	v15 =	vand.u32 $0xFFFF0000, v20;
	v20 =	vld [tilespmem:s11+$0xFFFFFFD0]  }
.Ltmp2:
0x33c: {  	v16 =	vadd.f32 v14, v22;
	v17 =	vadd.f32 v15, v17;
	v15 =	vld [tilespmem:s9+$0xFFFFFEF0];
	v25 =	vshll.u32 v21, $0x10;
	(pc) =	sbr.rel @p0 .LBB2_6-.Ltmp2, $4  }
0x33d: {  	v21 =	vand.u32 $0xFFFF0000, v21;
	v14 =	vld [tilespmem:s9+$0xFFFFFF00];
	v22 =	vshll.u32 v19, $0x10;
	v19 =	vand.u32 $0xFFFF0000, v19  }
0x33e: {  	[tilespmem:s9+$0xFFFFFE70] =	vst v16;
	v16 =	vld [tilespmem:s9+$0xFFFFFFF0];
	v29 =	vadd.f32 v22, v10;
	v22 =	vadd.f32 v19, v11;
	v10 =	vmovc v23;
	v11 =	vmov v24  }
0x33f: {  	v23 =	vmul.f32 $1.131370830e+01, v18;
	v19 =	vadd.f32 v25, v6;
	v18 =	vadd.f32 v21, v7;
	v6 =	vmovc v9;
	[tilespmem:s9+$0xFFFFFE80] =	vst v17;
	v17 =	vld [tilespmem:s21+$0xFFFFFF80];
	s21 =	smov.u32 s5;
	s5 =	smov.u32 s7;
	s7 =	smov.u32 s11  }
0x340: {  	v9 =	vmovc v26;
	v7 =	vmovc v8;
	v8 =	vmov v27;
	v24 =	vmul.f32 $1.131370830e+01, v28;
	s11 =	sadd.s32 $0x100, s11;
	v25 =	vshll.u32 v20, $0x10;
	v21 =	vld [tilespmem:s9+$0xFFFFFFB0];
	[tilespmem:s4+$0xFFFFFEB0] =	vst v29  }
0x341: {  	v20 =	vand.u32 $0xFFFF0000, v20  }
0x342: {  	v20 =	vadd.f32 v20, v24;
	_ =	sdelay $0x1  }
0x343: {  	[tilespmem:s6+$0xFFFFFFA0] =	vst v20;
	v20 =	vld [tilespmem:s7+$0xFFFFFF50]  }
0x344: {  	v23 =	vadd.f32 v25, v23;
	_ =	sdelay $0x1  }
0x345: {  	[tilespmem:s6+$0xFFFFFF90] =	vst v23;
	v23 =	vld [tilespmem:s6+$0xFFFFFFC0]  }
0x346: {  	v24 =	vld [tilespmem:s7+$0xFFFFFFE0]  }
0x347: {  	v25 =	vshll.u32 v20, $0x10  }
0x348: {  	v20 =	vand.u32 $0xFFFF0000, v20;
	v12 =	vadd.f32 v25, v12  }
0x349: {  	v13 =	vadd.f32 v20, v13  }
0x34a: {  	v21 =	vmul.f32 $1.131370830e+01, v21;
	[tilespmem:s6+$0xFFFFFE90] =	vst v12  }
0x34b: {  	v23 =	vmul.f32 $1.131370830e+01, v23;
	v25 =	vshll.u32 v24, $0x10;
	[tilespmem:s6+$0xFFFFFEA0] =	vst v13  }
0x34c: {  	v20 =	vand.u32 $0xFFFF0000, v24;
	v21 =	vadd.f32 v25, v21;
	v13 =	vld [tilespmem:s7+$0xFFFFFF60]  }
0x34d: {  	v20 =	vadd.f32 v20, v23  }
0x34e: {  	v12 =	vld [tilespmem:s6+$0xFFFFFFD0];
	[tilespmem:s6+$0xFFFFFFB0] =	vst v21  }
0x34f: {  	[tilespmem:s6+$0xFFFFFFC0] =	vst v20;
	v20 =	vld [tilespmem:s6+$0xFFFFFFE0]  }
0x350: {  	v21 =	vld [tilespmem:s7+$0xFFFFFFF0]  }
0x351: {  	v23 =	vshll.u32 v13, $0x10  }
0x352: {  	v13 =	vand.u32 $0xFFFF0000, v13;
	v10 =	vadd.f32 v23, v10  }
0x353: {  	[tilespmem:s4+$0xFFFFFEC0] =	vst v22;
	v11 =	vadd.f32 v13, v11  }
0x354: {  	v22 =	vld [tilespmem:s5+$0xFFFFFF70];
	v12 =	vmul.f32 $1.131370830e+01, v12;
	[tilespmem:s6+$0xFFFFFEB0] =	vst v10  }
0x355: {  	v20 =	vmul.f32 $1.131370830e+01, v20;
	v13 =	vshll.u32 v21, $0x10;
	[tilespmem:s6+$0xFFFFFEC0] =	vst v11  }
0x356: {  	v12 =	vadd.f32 v13, v12;
	v10 =	vand.u32 $0xFFFF0000, v21;
	v11 =	vld [tilespmem:s7+$0xFFFFFF70]  }
0x357: {  	v10 =	vadd.f32 v10, v20  }
0x358: {  	[tilespmem:s6+$0xFFFFFFD0] =	vst v12  }
0x359: {  	v12 =	vshll.u32 v22, $0x10;
	[tilespmem:s6+$0xFFFFFFE0] =	vst v10;
	v10 =	vld [tilespmem:s6+$0x0]  }
0x35a: {  	[tilespmem:s19+$0xFFFFFED0] =	vst v19;
	v19 =	vand.u32 $0xFFFF0000, v22;
	v6 =	vadd.f32 v12, v6;
	v13 =	vld [tilespmem:s7+$0x0]  }
0x35b: {  	[tilespmem:s19+$0xFFFFFEE0] =	vst v18;
	v7 =	vadd.f32 v19, v7;
	v12 =	vshll.u32 v11, $0x10  }
0x35c: {  	v18 =	vld [tilespmem:s21+$0xFFFFFF80];
	[tilespmem:s4+$0xFFFFFED0] =	vst v6;
	v6 =	vand.u32 $0xFFFF0000, v11;
	v9 =	vadd.f32 v12, v9  }
0x35d: {  	[tilespmem:s4+$0xFFFFFEE0] =	vst v7;
	v11 =	vshll.u32 v17, $0x10;
	v6 =	vadd.f32 v6, v8  }
0x35e: {  	v7 =	vand.u32 $0xFFFF0000, v17;
	v0 =	vadd.f32 v11, v0;
	v8 =	vmul.f32 $1.131370830e+01, v10;
	v10 =	vld [tilespmem:s5+$0xFFFFFF80];
	[tilespmem:s6+$0xFFFFFED0] =	vst v9  }
0x35f: {  	v1 =	vadd.f32 v7, v1;
	v9 =	vmul.f32 $1.131370830e+01, v16;
	v7 =	vand.u32 $0xFFFF0000, v13;
	[tilespmem:s6+$0xFFFFFEE0] =	vst v6  }
0x360: {  	[tilespmem:s17+$0xFFFFFEF0] =	vst v0;
	v0 =	vshll.u32 v13, $0x10;
	v6 =	vadd.f32 v7, v8;
	v7 =	vld [tilespmem:s7+$0xFFFFFF80]  }
0x361: {  	[tilespmem:s17+$0xFFFFFF00] =	vst v1;
	v1 =	vshll.u32 v18, $0x10;
	v0 =	vadd.f32 v0, v9  }
0x362: {  	v1 =	vadd.f32 v1, v2;
	[tilespmem:s6+$0x0] =	vst v6;
	v6 =	vand.u32 $0xFFFF0000, v18  }
0x363: {  	[tilespmem:s6+$0xFFFFFFF0] =	vst v0;
	v0 =	vadd.f32 v6, v3;
	v2 =	vshll.u32 v10, $0x10  }
0x364: {  	[tilespmem:s19+$0xFFFFFEF0] =	vst v1;
	v3 =	vmul.f32 $1.131370830e+01, v15;
	v1 =	vand.u32 $0xFFFF0000, v10;
	v2 =	vadd.f32 v2, v4  }
0x365: {  	v4 =	vmul.f32 $1.131370830e+01, v14;
	[tilespmem:s19+$0xFFFFFF00] =	vst v0;
	v0 =	vadd.f32 v1, v5;
	v1 =	vshll.u32 v7, $0x10  }
0x366: {  	[tilespmem:s4+$0xFFFFFEF0] =	vst v2;
	v2 =	vand.u32 $0xFFFF0000, v7;
	v1 =	vadd.f32 v1, v3  }
0x367: {  	[tilespmem:s4+$0xFFFFFF00] =	vst v0;
	v0 =	vadd.f32 v2, v4  }
0x368: {  	[tilespmem:s6+$0xFFFFFEF0] =	vst v1  }
0x369: {  	[tilespmem:s6+$0xFFFFFF00] =	vst v0  }
0x36a: {  	s10 =	simm.s32 $0x8200;
	s4 =	rddreg [dreg:$0xb]  }
0x36b: {  	[hbm4b:s4+s3] =	stream.linear.scatter [tilespmem:s10], [sflag:$0xB], $0x4000, $0x38;
	[tilespmem:$0x18200] =	vst v63  }
0x36c: {  	_ =	swait.ge [sflag:s1], $0x4000  }
0x36d: {  	[sflag:s1] =	ssyncset.done $0x0  }
0x36e: {  	[sflag:s1] =	ssyncadd.s32 $0xFFFFC000  }
0x36f: {  	_ =	swait.ge [sflag:s18], $0x2000  }
0x370: {  	[sflag:s18] =	ssyncset.done $0x0  }
0x371: {  	s17 =	simm.s32 $0xC3F0;
	[sflag:s18] =	ssyncadd.s32 $0xFFFFE000  }
0x372: {  	s11 =	simm.s32 $0x162F0;
	v0 =	vld [tilespmem:s17+$0xFFFFFF10]  }
0x373: {  	v1 =	vld [tilespmem:s11+$0xFFFFFF90]  }
0x374: {  	v2 =	vld [tilespmem:s17+$0xFFFFFF20];
	_ =	sdelay $0x3  }
0x375: {  	v0 =	vmul.f32 $1.131370830e+01, v0  }
0x376: {  	v3 =	vshll.u32 v1, $0x10;
	v2 =	vmul.f32 $1.131370830e+01, v2  }
0x377: {  	v1 =	vand.u32 $0xFFFF0000, v1;
	v0 =	vadd.f32 v3, v0  }
0x378: {  	v4 =	vld [tilespmem:s17+$0xFFFFFE10];
	v1 =	vadd.f32 v1, v2  }
0x379: {  	v2 =	vld [tilespmem:s17+$0xFFFFFF40];
	[tilespmem:s17+$0xFFFFFF10] =	vst v0  }
0x37a: {  	v0 =	vld [tilespmem:s17+$0xFFFFFF30];
	[tilespmem:s17+$0xFFFFFF20] =	vst v1  }
0x37b: {  	v1 =	vld [tilespmem:s11+$0xFFFFFFA0]  }
0x37c: {  	v5 =	vld [tilespmem:s17+$0xFFFFFE20]  }
0x37d: {  	v6 =	vld [tilespmem:s17+$0xFFFFFF60]  }
0x37e: {  	v7 =	vld [tilespmem:s17+$0xFFFFFF80]  }
0x37f: {  	v8 =	vld [tilespmem:s17+$0xFFFFFE60];
	v0 =	vmul.f32 $1.131370830e+01, v0  }
0x380: {  	v13 =	vld [tilespmem:s17+$0xFFFFFE90];
	v2 =	vmul.f32 $1.131370830e+01, v2;
	v3 =	vshll.u32 v1, $0x10  }
0x381: {  	v1 =	vand.u32 $0xFFFF0000, v1;
	v0 =	vadd.f32 v3, v0;
	v3 =	vld [tilespmem:s11+$0xFFFFFF10]  }
0x382: {  	s19 =	simm.s32 $0xC5F0;
	v14 =	vld [tilespmem:s17+$0xFFFFFEA0];
	v1 =	vadd.f32 v1, v2  }
0x383: {  	v11 =	vld [tilespmem:s19+$0xFFFFFF10];
	[tilespmem:s17+$0xFFFFFF30] =	vst v0  }
0x384: {  	v0 =	vld [tilespmem:s17+$0xFFFFFF50];
	[tilespmem:s17+$0xFFFFFF40] =	vst v1  }
0x385: {  	s21 =	simm.s32 $0x163F0;
	v1 =	vmul.f32 $1.131370830e+01, v4;
	v2 =	vld [tilespmem:s11+$0xFFFFFFB0]  }
0x386: {  	v12 =	vld [tilespmem:s21+$0xFFFFFF90];
	v5 =	vmul.f32 $1.131370830e+01, v5;
	v4 =	vshll.u32 v3, $0x10  }
0x387: {  	v15 =	vld [tilespmem:s19+$0xFFFFFF20];
	v3 =	vand.u32 $0xFFFF0000, v3;
	v1 =	vadd.f32 v4, v1  }
0x388: {  	v10 =	vld [tilespmem:s17+$0xFFFFFEB0];
	v3 =	vadd.f32 v3, v5  }
0x389: {  	v4 =	vld [tilespmem:s17+$0xFFFFFE30];
	v0 =	vmul.f32 $1.131370830e+01, v0;
	[tilespmem:s17+$0xFFFFFE10] =	vst v1  }
0x38a: {  	v1 =	vld [tilespmem:s17+$0xFFFFFE40];
	v5 =	vshll.u32 v2, $0x10;
	[tilespmem:s17+$0xFFFFFE20] =	vst v3;
	v3 =	vmul.f32 $1.131370830e+01, v6  }
0x38b: {  	v2 =	vand.u32 $0xFFFF0000, v2;
	v0 =	vadd.f32 v5, v0;
	v6 =	vld [tilespmem:s11+$0xFFFFFF20]  }
0x38c: {  	v9 =	vld [tilespmem:s17+$0xFFFFFEC0];
	v2 =	vadd.f32 v2, v3  }
0x38d: {  	v18 =	vld [tilespmem:s21+$0xFFFFFF10];
	[tilespmem:s17+$0xFFFFFF50] =	vst v0  }
0x38e: {  	v0 =	vld [tilespmem:s17+$0xFFFFFF70];
	[tilespmem:s17+$0xFFFFFF60] =	vst v2  }
0x38f: {  	v2 =	vmul.f32 $1.131370830e+01, v4;
	v4 =	vld [tilespmem:s11+$0xFFFFFFC0]  }
0x390: {  	v19 =	vld [tilespmem:s17+$0xFFFFFFD0];
	v1 =	vmul.f32 $1.131370830e+01, v1;
	v5 =	vshll.u32 v6, $0x10  }
0x391: {  	v20 =	vld [tilespmem:s19+$0xFFFFFE40];
	v6 =	vand.u32 $0xFFFF0000, v6;
	v2 =	vadd.f32 v5, v2  }
0x392: {  	v22 =	vld [tilespmem:s19+$0xFFFFFE50];
	v1 =	vadd.f32 v6, v1  }
0x393: {  	s4 =	simm.s32 $0xC7F0;
	v23 =	vld [tilespmem:s19+$0xFFFFFE60];
	v0 =	vmul.f32 $1.131370830e+01, v0;
	[tilespmem:s17+$0xFFFFFE30] =	vst v2  }
0x394: {  	v26 =	vld [tilespmem:s4+$0xFFFFFF10];
	[tilespmem:s17+$0xFFFFFE40] =	vst v1;
	v1 =	vmul.f32 $1.131370830e+01, v7;
	v2 =	vshll.u32 v4, $0x10  }
0x395: {  	v3 =	vld [tilespmem:s17+$0xFFFFFE50];
	v0 =	vadd.f32 v2, v0;
	v2 =	vand.u32 $0xFFFF0000, v4  }
0x396: {  	v7 =	vld [tilespmem:s11+$0xFFFFFF30];
	v1 =	vadd.f32 v2, v1  }
0x397: {  	[tilespmem:s17+$0xFFFFFF70] =	vst v0;
	v0 =	vld [tilespmem:s17+$0xFFFFFF90]  }
0x398: {  	[tilespmem:s17+$0xFFFFFF80] =	vst v1;
	v1 =	vld [tilespmem:s17+$0xFFFFFFA0]  }
0x399: {  	s5 =	simm.s32 $0x164F0;
	v2 =	vld [tilespmem:s11+$0xFFFFFFD0]  }
0x39a: {  	v27 =	vld [tilespmem:s5+$0xFFFFFF90]  }
0x39b: {  	v29 =	vld [tilespmem:s4+$0xFFFFFE10];
	v3 =	vmul.f32 $1.131370830e+01, v3  }
0x39c: {  	v39 =	vld [tilespmem:s5+$0xFFFFFF10];
	v4 =	vshll.u32 v7, $0x10  }
0x39d: {  	v31 =	vld [tilespmem:s4+$0xFFFFFE20];
	v3 =	vadd.f32 v4, v3;
	v1 =	vmul.f32 $1.131370830e+01, v1  }
0x39e: {  	v32 =	vld [tilespmem:s4+$0xFFFFFE60];
	v0 =	vmul.f32 $1.131370830e+01, v0;
	v16 =	vshll.u32 v2, $0x10;
	v2 =	vand.u32 $0xFFFF0000, v2  }
0x39f: {  	v33 =	vld [tilespmem:s4+$0xFFFFFE70];
	v11 =	vmul.f32 $1.131370830e+01, v11;
	v1 =	vadd.f32 v2, v1  }
0x3a0: {  	v46 =	vld [tilespmem:s19+$0x0];
	v15 =	vmul.f32 $1.131370830e+01, v15;
	[tilespmem:s17+$0xFFFFFE50] =	vst v3;
	v0 =	vadd.f32 v16, v0;
	v2 =	vshll.u32 v12, $0x10  }
0x3a1: {  	v3 =	vld [tilespmem:s17+$0xFFFFFFB0];
	v2 =	vadd.f32 v2, v11;
	[tilespmem:s17+$0xFFFFFFA0] =	vst v1;
	v1 =	vand.u32 $0xFFFF0000, v12  }
0x3a2: {  	v8 =	vmul.f32 $1.131370830e+01, v8;
	v11 =	vld [tilespmem:s17+$0xFFFFFFC0];
	[tilespmem:s17+$0xFFFFFF90] =	vst v0;
	v1 =	vadd.f32 v1, v15  }
0x3a3: {  	[tilespmem:s19+$0xFFFFFF10] =	vst v2;
	v2 =	vand.u32 $0xFFFF0000, v7;
	v7 =	vld [tilespmem:s19+$0xFFFFFF30]  }
0x3a4: {  	v2 =	vadd.f32 v2, v8;
	v8 =	vld [tilespmem:s11+$0xFFFFFFE0];
	[tilespmem:s19+$0xFFFFFF20] =	vst v1  }
0x3a5: {  	v12 =	vld [tilespmem:s21+$0xFFFFFFA0]  }
0x3a6: {  	[tilespmem:s17+$0xFFFFFE60] =	vst v2;
	v2 =	vld [tilespmem:s19+$0xFFFFFF40]  }
0x3a7: {  	s9 =	simm.s32 $0xC9F0;
	v51 =	vld [tilespmem:s4+$0xFFFFFF80]  }
0x3a8: {  	v55 =	vld [tilespmem:s9+$0xFFFFFF10];
	v3 =	vmul.f32 $1.131370830e+01, v3  }
0x3a9: {  	v15 =	vld [tilespmem:s19+$0xFFFFFE10];
	v11 =	vmul.f32 $1.131370830e+01, v11;
	v17 =	vshll.u32 v8, $0x10  }
0x3aa: {  	s7 =	simm.s32 $0x165F0;
	v16 =	vld [tilespmem:s19+$0xFFFFFE20];
	v7 =	vmul.f32 $1.131370830e+01, v7;
	v8 =	vand.u32 $0xFFFF0000, v8;
	v3 =	vadd.f32 v17, v3  }
0x3ab: {  	v56 =	vld [tilespmem:s7+$0xFFFFFF90];
	v8 =	vadd.f32 v8, v11;
	v17 =	vshll.u32 v12, $0x10;
	v2 =	vmul.f32 $1.131370830e+01, v2  }
0x3ac: {  	v35 =	vld [tilespmem:s4+$0xFFFFFFB0];
	v7 =	vadd.f32 v17, v7;
	[tilespmem:s17+$0xFFFFFFB0] =	vst v3;
	v3 =	vand.u32 $0xFFFF0000, v12  }
0x3ad: {  	v58 =	vld [tilespmem:s9+$0xFFFFFE10];
	[tilespmem:s17+$0xFFFFFFC0] =	vst v8;
	v2 =	vadd.f32 v3, v2  }
0x3ae: {  	v3 =	vmul.f32 $1.131370830e+01, v15;
	[tilespmem:s19+$0xFFFFFF30] =	vst v7;
	v7 =	vld [tilespmem:s19+$0xFFFFFF50]  }
0x3af: {  	v8 =	vshll.u32 v18, $0x10;
	[tilespmem:s19+$0xFFFFFF40] =	vst v2;
	v2 =	vmul.f32 $1.131370830e+01, v16;
	v16 =	vld [tilespmem:s19+$0xFFFFFF60]  }
0x3b0: {  	v15 =	vand.u32 $0xFFFF0000, v18;
	v3 =	vadd.f32 v8, v3;
	v8 =	vld [tilespmem:s21+$0xFFFFFFB0]  }
0x3b1: {  	v12 =	vld [tilespmem:s17+$0xFFFFFFE0];
	v15 =	vadd.f32 v15, v2  }
0x3b2: {  	v18 =	vld [tilespmem:s11+$0xFFFFFFF0];
	[tilespmem:s19+$0xFFFFFE10] =	vst v3  }
0x3b3: {  	v11 =	vld [tilespmem:s19+$0xFFFFFE30];
	[tilespmem:s19+$0xFFFFFE20] =	vst v15  }
0x3b4: {  	v7 =	vmul.f32 $1.131370830e+01, v7;
	v15 =	vld [tilespmem:s21+$0xFFFFFF20]  }
0x3b5: {  	v37 =	vld [tilespmem:s7+$0xFFFFFF10];
	v16 =	vmul.f32 $1.131370830e+01, v16;
	v21 =	vshll.u32 v8, $0x10  }
0x3b6: {  	v59 =	vld [tilespmem:s4+$0xFFFFFFC0];
	v19 =	vmul.f32 $1.131370830e+01, v19;
	v8 =	vand.u32 $0xFFFF0000, v8;
	v7 =	vadd.f32 v21, v7  }
0x3b7: {  	v5 =	vld [tilespmem:s17+$0xFFFFFE70];
	v12 =	vmul.f32 $1.131370830e+01, v12;
	v21 =	vshll.u32 v18, $0x10;
	v8 =	vadd.f32 v8, v16  }
0x3b8: {  	v17 =	vld [tilespmem:s11+$0xFFFFFF40];
	[tilespmem:s19+$0xFFFFFF50] =	vst v7;
	v7 =	vmul.f32 $1.131370830e+01, v11;
	v11 =	vand.u32 $0xFFFF0000, v18;
	v18 =	vadd.f32 v21, v19  }
0x3b9: {  	v19 =	vld [tilespmem:s19+$0xFFFFFF70];
	[tilespmem:s19+$0xFFFFFF60] =	vst v8;
	v8 =	vmul.f32 $1.131370830e+01, v20;
	v11 =	vadd.f32 v11, v12;
	v12 =	vshll.u32 v15, $0x10  }
0x3ba: {  	v24 =	vld [tilespmem:s21+$0xFFFFFFC0];
	v7 =	vadd.f32 v12, v7;
	v12 =	vand.u32 $0xFFFF0000, v15  }
0x3bb: {  	v15 =	vld [tilespmem:s19+$0xFFFFFF80];
	v8 =	vadd.f32 v12, v8  }
0x3bc: {  	v62 =	vld [tilespmem:s9+$0xFFFFFF40];
	[tilespmem:s19+$0xFFFFFE30] =	vst v7  }
0x3bd: {  	v34 =	vmul.f32 $1.131370830e+01, v10;
	v10 =	vld [tilespmem:s4+$0xFFFFFEC0];
	[tilespmem:s19+$0xFFFFFE40] =	vst v8  }
0x3be: {  	v7 =	vmul.f32 $1.131370830e+01, v19;
	v19 =	vld [tilespmem:s21+$0xFFFFFF30]  }
0x3bf: {  	v6 =	vld [tilespmem:s17+$0xFFFFFE80];
	v5 =	vmul.f32 $1.131370830e+01, v5;
	v8 =	vshll.u32 v24, $0x10  }
0x3c0: {  	v4 =	vld [tilespmem:s17+$0xFFFFFFF0];
	v25 =	vshll.u32 v17, $0x10;
	v15 =	vmul.f32 $1.131370830e+01, v15;
	v8 =	vadd.f32 v8, v7  }
0x3c1: {  	v0 =	vld [tilespmem:s17+$0xFFFFFED0];
	v5 =	vadd.f32 v25, v5;
	v24 =	vand.u32 $0xFFFF0000, v24  }
0x3c2: {  	v1 =	vld [tilespmem:s17+$0xFFFFFEE0];
	v15 =	vadd.f32 v24, v15;
	[tilespmem:s19+$0xFFFFFF70] =	vst v8;
	v8 =	vand.u32 $0xFFFF0000, v17;
	v17 =	vmul.f32 $1.131370830e+01, v22  }
0x3c3: {  	[tilespmem:s17+$0xFFFFFE70] =	vst v5;
	v22 =	vld [tilespmem:s19+$0xFFFFFF90];
	v24 =	vshll.u32 v19, $0x10  }
0x3c4: {  	[tilespmem:s19+$0xFFFFFF80] =	vst v15;
	v5 =	vadd.f32 v24, v17;
	v17 =	vld [tilespmem:s19+$0xFFFFFFA0]  }
0x3c5: {  	v6 =	vmul.f32 $1.131370830e+01, v6;
	v24 =	vld [tilespmem:s21+$0xFFFFFFD0]  }
0x3c6: {  	v2 =	vld [tilespmem:s17+$0xFFFFFEF0]  }
0x3c7: {  	v3 =	vld [tilespmem:s17+$0xFFFFFF00];
	v6 =	vadd.f32 v8, v6  }
0x3c8: {  	v16 =	vld [tilespmem:s19+$0xFFFFFE70];
	[tilespmem:s19+$0xFFFFFE50] =	vst v5;
	v5 =	vmul.f32 $1.131370830e+01, v23  }
0x3c9: {  	v20 =	vld [tilespmem:s19+$0xFFFFFE90];
	v19 =	vand.u32 $0xFFFF0000, v19;
	[tilespmem:s17+$0xFFFFFE80] =	vst v6;
	v22 =	vmul.f32 $1.131370830e+01, v22  }
0x3ca: {  	v25 =	vld [tilespmem:s11+$0xFFFFFF50];
	v5 =	vadd.f32 v19, v5;
	v19 =	vshll.u32 v24, $0x10;
	v17 =	vmul.f32 $1.131370830e+01, v17  }
0x3cb: {  	v24 =	vand.u32 $0xFFFF0000, v24;
	v19 =	vadd.f32 v19, v22;
	v22 =	vld [tilespmem:s4+$0xFFFFFF20]  }
0x3cc: {  	v21 =	vld [tilespmem:s19+$0xFFFFFEA0];
	v17 =	vadd.f32 v24, v17;
	v24 =	vmul.f32 $1.131370830e+01, v26  }
0x3cd: {  	v28 =	vshll.u32 v27, $0x10;
	v23 =	vld [tilespmem:s19+$0xFFFFFFB0];
	[tilespmem:s19+$0xFFFFFF90] =	vst v19  }
0x3ce: {  	[tilespmem:s19+$0xFFFFFFA0] =	vst v17;
	v17 =	vld [tilespmem:s19+$0xFFFFFFC0];
	v24 =	vadd.f32 v28, v24  }
0x3cf: {  	v14 =	vmul.f32 $1.131370830e+01, v14;
	[tilespmem:s17+$0xFFFFFFD0] =	vst v18;
	v26 =	vld [tilespmem:s21+$0xFFFFFFE0]  }
0x3d0: {  	v18 =	vld [tilespmem:s19+$0xFFFFFE80];
	v22 =	vmul.f32 $1.131370830e+01, v22;
	[tilespmem:s4+$0xFFFFFF10] =	vst v24;
	v24 =	vand.u32 $0xFFFF0000, v25  }
0x3d1: {  	v13 =	vmul.f32 $1.131370830e+01, v13;
	v27 =	vand.u32 $0xFFFF0000, v27;
	v12 =	vld [tilespmem:s17+$0x0];
	v14 =	vadd.f32 v24, v14  }
0x3d2: {  	[tilespmem:s17+$0xFFFFFFE0] =	vst v11;
	v48 =	vmul.f32 $1.131370830e+01, v16;
	v16 =	vld [tilespmem:s4+$0xFFFFFEA0];
	v30 =	vshll.u32 v25, $0x10;
	v22 =	vadd.f32 v27, v22  }
0x3d3: {  	v13 =	vadd.f32 v30, v13;
	v23 =	vmul.f32 $1.131370830e+01, v23;
	v25 =	vld [tilespmem:s4+$0xFFFFFF30];
	[tilespmem:s17+$0xFFFFFEA0] =	vst v14  }
0x3d4: {  	v17 =	vmul.f32 $1.131370830e+01, v17;
	v14 =	vld [tilespmem:s4+$0xFFFFFF40];
	v24 =	vshll.u32 v26, $0x10;
	[tilespmem:s4+$0xFFFFFF20] =	vst v22  }
0x3d5: {  	[tilespmem:s17+$0xFFFFFE90] =	vst v13;
	v13 =	vmul.f32 $1.131370830e+01, v29;
	v22 =	vand.u32 $0xFFFF0000, v26;
	v23 =	vadd.f32 v24, v23;
	v24 =	vld [tilespmem:s5+$0xFFFFFFA0]  }
0x3d6: {  	v11 =	vld [tilespmem:s11+$0x0];
	v17 =	vadd.f32 v22, v17;
	v22 =	vshll.u32 v39, $0x10  }
0x3d7: {  	v40 =	vmul.f32 $1.131370830e+01, v31;
	v15 =	vld [tilespmem:s19+$0xFFFFFFF0];
	v13 =	vadd.f32 v22, v13;
	[tilespmem:s19+$0xFFFFFFB0] =	vst v23  }
0x3d8: {  	v27 =	vld [tilespmem:s19+$0xFFFFFFD0];
	v23 =	vand.u32 $0xFFFF0000, v39;
	[tilespmem:s19+$0xFFFFFFC0] =	vst v17  }
0x3d9: {  	v22 =	vld [tilespmem:s4+$0xFFFFFE30];
	v17 =	vadd.f32 v23, v40;
	[tilespmem:s4+$0xFFFFFE10] =	vst v13;
	v13 =	vmul.f32 $1.131370830e+01, v25  }
0x3da: {  	v42 =	vld [tilespmem:s21+$0xFFFFFFF0];
	v14 =	vmul.f32 $1.131370830e+01, v14;
	v41 =	vshll.u32 v24, $0x10  }
0x3db: {  	v23 =	vld [tilespmem:s19+$0xFFFFFFE0];
	[tilespmem:s4+$0xFFFFFE20] =	vst v17;
	v24 =	vand.u32 $0xFFFF0000, v24;
	v17 =	vadd.f32 v41, v13  }
0x3dc: {  	v25 =	vld [tilespmem:s4+$0xFFFFFE40];
	v14 =	vadd.f32 v24, v14  }
0x3dd: {  	v43 =	vld [tilespmem:s5+$0xFFFFFF20];
	[tilespmem:s4+$0xFFFFFF30] =	vst v17  }
0x3de: {  	v27 =	vmul.f32 $1.131370830e+01, v27;
	v17 =	vld [tilespmem:s4+$0xFFFFFF50];
	[tilespmem:s4+$0xFFFFFF40] =	vst v14  }
0x3df: {  	v14 =	vmul.f32 $1.131370830e+01, v22;
	v22 =	vshll.u32 v42, $0x10;
	v44 =	vld [tilespmem:s5+$0xFFFFFFB0]  }
0x3e0: {  	v12 =	vmul.f32 $1.131370830e+01, v12;
	v23 =	vmul.f32 $1.131370830e+01, v23;
	v22 =	vadd.f32 v22, v27;
	v27 =	vld [tilespmem:s4+$0xFFFFFF60]  }
0x3e1: {  	v7 =	vld [tilespmem:s19+$0xFFFFFEB0];
	v63 =	vshll.u32 v11, $0x10;
	v25 =	vmul.f32 $1.131370830e+01, v25;
	v29 =	vand.u32 $0xFFFF0000, v42  }
0x3e2: {  	v11 =	vand.u32 $0xFFFF0000, v11;
	v8 =	vld [tilespmem:s19+$0xFFFFFEC0];
	v23 =	vadd.f32 v29, v23;
	v28 =	vand.u32 $0xFFFF0000, v43  }
0x3e3: {  	v11 =	vadd.f32 v11, v12;
	v6 =	vld [tilespmem:s19+$0xFFFFFED0];
	[tilespmem:s19+$0xFFFFFE60] =	vst v5;
	v45 =	vshll.u32 v43, $0x10;
	v25 =	vadd.f32 v28, v25  }
0x3e4: {  	v12 =	vmul.f32 $1.131370830e+01, v15;
	v15 =	vld [tilespmem:s9+$0xFFFFFE40];
	v31 =	vadd.f32 v45, v14;
	[tilespmem:s19+$0xFFFFFFE0] =	vst v23;
	v17 =	vmul.f32 $1.131370830e+01, v17  }
0x3e5: {  	v19 =	vld [tilespmem:s21+$0xFFFFFF40];
	v23 =	vshll.u32 v44, $0x10;
	[tilespmem:s4+$0xFFFFFE40] =	vst v25;
	v25 =	vmul.f32 $1.131370830e+01, v27  }
0x3e6: {  	v24 =	vld [tilespmem:s4+$0xFFFFFE50];
	[tilespmem:s4+$0xFFFFFE30] =	vst v31;
	v47 =	vand.u32 $0xFFFF0000, v44;
	v23 =	vadd.f32 v23, v17  }
0x3e7: {  	v27 =	vld [tilespmem:s5+$0xFFFFFF30];
	v25 =	vadd.f32 v47, v25  }
0x3e8: {  	v26 =	vld [tilespmem:s11+$0xFFFFFF60];
	[tilespmem:s4+$0xFFFFFF50] =	vst v23  }
0x3e9: {  	v23 =	vld [tilespmem:s4+$0xFFFFFF70];
	[tilespmem:s4+$0xFFFFFF60] =	vst v25  }
0x3ea: {  	v50 =	vmul.f32 $1.131370830e+01, v18;
	v25 =	vshll.u32 v19, $0x10;
	v49 =	vld [tilespmem:s5+$0xFFFFFFC0]  }
0x3eb: {  	v5 =	vld [tilespmem:s19+$0xFFFFFEE0];
	v24 =	vmul.f32 $1.131370830e+01, v24;
	v19 =	vand.u32 $0xFFFF0000, v19;
	v25 =	vadd.f32 v25, v48  }
0x3ec: {  	v32 =	vmul.f32 $1.131370830e+01, v32;
	v40 =	vld [tilespmem:s9+$0xFFFFFE30];
	[tilespmem:s19+$0xFFFFFFD0] =	vst v22;
	v19 =	vadd.f32 v19, v50;
	v18 =	vshll.u32 v27, $0x10  }
0x3ed: {  	v13 =	vld [tilespmem:s19+$0xFFFFFEF0];
	v24 =	vadd.f32 v18, v24;
	[tilespmem:s19+$0xFFFFFE70] =	vst v25;
	v25 =	vand.u32 $0xFFFF0000, v27  }
0x3ee: {  	v42 =	vld [tilespmem:s4+$0xFFFFFF00];
	v29 =	vmul.f32 $1.131370830e+01, v55;
	[tilespmem:s19+$0xFFFFFE80] =	vst v19;
	v25 =	vadd.f32 v25, v32;
	v23 =	vmul.f32 $1.131370830e+01, v23  }
0x3ef: {  	v27 =	vshll.u32 v26, $0x10;
	v53 =	vld [tilespmem:s21+$0xFFFFFF50];
	[tilespmem:s4+$0xFFFFFE50] =	vst v24;
	v24 =	vmul.f32 $1.131370830e+01, v9;
	v19 =	vshll.u32 v49, $0x10  }
0x3f0: {  	v22 =	vld [tilespmem:s4+$0xFFFFFE80];
	v26 =	vand.u32 $0xFFFF0000, v26;
	[tilespmem:s4+$0xFFFFFE60] =	vst v25;
	v25 =	vmul.f32 $1.131370830e+01, v51;
	v23 =	vadd.f32 v19, v23  }
0x3f1: {  	v36 =	vshll.u32 v56, $0x10;
	v14 =	vld [tilespmem:s19+$0xFFFFFF00];
	v24 =	vadd.f32 v26, v24;
	v26 =	vand.u32 $0xFFFF0000, v49  }
0x3f2: {  	v29 =	vadd.f32 v36, v29;
	v36 =	vmul.f32 $1.131370830e+01, v62;
	v62 =	vld [tilespmem:s9+$0xFFFFFEB0];
	v25 =	vadd.f32 v26, v25;
	[tilespmem:s4+$0xFFFFFF70] =	vst v23  }
0x3f3: {  	v20 =	vmul.f32 $1.131370830e+01, v20;
	v21 =	vmul.f32 $1.131370830e+01, v21;
	v52 =	vld [tilespmem:s21+$0x0];
	[tilespmem:s17+$0xFFFFFEC0] =	vst v24  }
0x3f4: {  	v24 =	vld [tilespmem:s4+$0xFFFFFF90];
	v54 =	vand.u32 $0xFFFF0000, v53;
	[tilespmem:s4+$0xFFFFFF80] =	vst v25;
	v25 =	vshll.u32 v53, $0x10  }
0x3f5: {  	v21 =	vadd.f32 v54, v21;
	v20 =	vadd.f32 v25, v20;
	v25 =	vld [tilespmem:s5+$0xFFFFFFD0]  }
0x3f6: {  	v26 =	vld [tilespmem:s4+$0xFFFFFFA0]  }
0x3f7: {  	[tilespmem:s19+$0xFFFFFEA0] =	vst v21;
	v21 =	vld [tilespmem:s9+$0xFFFFFF20]  }
0x3f8: {  	v44 =	vld [tilespmem:s4+$0xFFFFFFD0]  }
0x3f9: {  	[tilespmem:s9+$0xFFFFFF10] =	vst v29;
	v29 =	vmul.f32 $1.131370830e+01, v59;
	v59 =	vld [tilespmem:s9+$0xFFFFFEA0];
	v24 =	vmul.f32 $1.131370830e+01, v24  }
0x3fa: {  	v17 =	vld [tilespmem:s4+$0xFFFFFE90];
	v57 =	vshll.u32 v25, $0x10  }
0x3fb: {  	v47 =	vld [tilespmem:s9+$0xFFFFFF50];
	v26 =	vmul.f32 $1.131370830e+01, v26;
	v24 =	vadd.f32 v57, v24  }
0x3fc: {  	v18 =	vld [tilespmem:s4+$0xFFFFFEB0];
	v27 =	vadd.f32 v27, v34;
	v25 =	vand.u32 $0xFFFF0000, v25;
	v38 =	vmul.f32 $1.131370830e+01, v21  }
0x3fd: {  	v25 =	vadd.f32 v25, v26;
	v26 =	vand.u32 $0xFFFF0000, v56;
	[tilespmem:s4+$0xFFFFFF90] =	vst v24;
	v24 =	vld [tilespmem:s9+$0xFFFFFE20]  }
0x3fe: {  	v9 =	vld [tilespmem:s4+$0xFFFFFED0];
	[tilespmem:s17+$0xFFFFFEB0] =	vst v27;
	v26 =	vadd.f32 v26, v38  }
0x3ff: {  	v60 =	vmul.f32 $1.131370830e+01, v58;
	v4 =	vmul.f32 $1.131370830e+01, v4;
	v27 =	vld [tilespmem:s5+$0xFFFFFF40];
	[tilespmem:s4+$0xFFFFFFA0] =	vst v25  }
0x400: {  	v35 =	vmul.f32 $1.131370830e+01, v35;
	v7 =	vmul.f32 $1.131370830e+01, v7;
	v25 =	vld [tilespmem:s9+$0xFFFFFF30];
	[tilespmem:s9+$0xFFFFFF20] =	vst v26  }
0x401: {  	v4 =	vadd.f32 v63, v4;
	v8 =	vmul.f32 $1.131370830e+01, v8;
	v58 =	vmul.f32 $1.131370830e+01, v6;
	v61 =	vld [tilespmem:s7+$0xFFFFFFA0]  }
0x402: {  	v28 =	vmul.f32 $1.131370830e+01, v46;
	v49 =	vld [tilespmem:s9+$0xFFFFFE60];
	v26 =	vshll.u32 v37, $0x10;
	v24 =	vmul.f32 $1.131370830e+01, v24  }
0x403: {  	v43 =	vshll.u32 v52, $0x10;
	v23 =	vld [tilespmem:s11+$0xFFFFFF70];
	v37 =	vand.u32 $0xFFFF0000, v37;
	v26 =	vadd.f32 v26, v60  }
0x404: {  	[tilespmem:s17+$0x0] =	vst v11;
	v31 =	vand.u32 $0xFFFF0000, v52;
	v52 =	vmul.f32 $1.131370830e+01, v0;
	v41 =	vld [tilespmem:s5+$0xFFFFFFE0];
	v24 =	vadd.f32 v37, v24  }
0x405: {  	v12 =	vadd.f32 v43, v12;
	v53 =	vld [tilespmem:s9+$0xFFFFFF60];
	v54 =	vmul.f32 $1.131370830e+01, v1;
	[tilespmem:s9+$0xFFFFFE10] =	vst v26;
	v25 =	vmul.f32 $1.131370830e+01, v25  }
0x406: {  	v1 =	vmul.f32 $1.131370830e+01, v22;
	v22 =	vld [tilespmem:s9+$0xFFFFFE70];
	v34 =	vand.u32 $0xFFFF0000, v61;
	[tilespmem:s9+$0xFFFFFE20] =	vst v24;
	v24 =	vshll.u32 v61, $0x10  }
0x407: {  	[tilespmem:s17+$0xFFFFFFF0] =	vst v4;
	v0 =	vmul.f32 $1.131370830e+01, v15;
	v34 =	vadd.f32 v34, v36;
	v24 =	vadd.f32 v24, v25;
	v25 =	vld [tilespmem:s7+$0xFFFFFF20]  }
0x408: {  	v28 =	vadd.f32 v31, v28;
	v55 =	vmul.f32 $1.131370830e+01, v47;
	v18 =	vmul.f32 $1.131370830e+01, v18;
	[tilespmem:s19+$0xFFFFFE90] =	vst v20;
	v57 =	vld [tilespmem:s9+$0xFFFFFE90]  }
0x409: {  	v48 =	vshll.u32 v27, $0x10;
	v27 =	vand.u32 $0xFFFF0000, v27;
	v32 =	vld [tilespmem:s21+$0xFFFFFF60];
	v45 =	vshll.u32 v41, $0x10;
	[tilespmem:s9+$0xFFFFFF40] =	vst v34  }
0x40a: {  	v26 =	vmul.f32 $1.131370830e+01, v33;
	v30 =	vand.u32 $0xFFFF0000, v41;
	v46 =	vadd.f32 v45, v35;
	[tilespmem:s9+$0xFFFFFF30] =	vst v24;
	v24 =	vld [tilespmem:s9+$0xFFFFFE50]  }
0x40b: {  	[tilespmem:s19+$0xFFFFFFF0] =	vst v12;
	v6 =	vand.u32 $0xFFFF0000, v23;
	v38 =	vmul.f32 $1.131370830e+01, v40;
	v29 =	vadd.f32 v30, v29;
	v51 =	vld [tilespmem:s7+$0xFFFFFFB0]  }
0x40c: {  	v19 =	vld [tilespmem:s4+$0xFFFFFEE0];
	v22 =	vmul.f32 $1.131370830e+01, v22;
	v26 =	vadd.f32 v48, v26;
	[tilespmem:s4+$0xFFFFFFB0] =	vst v46;
	v50 =	vshll.u32 v25, $0x10  }
0x40d: {  	v20 =	vld [tilespmem:s4+$0xFFFFFFF0];
	v12 =	vmul.f32 $1.131370830e+01, v57;
	[tilespmem:s4+$0xFFFFFFC0] =	vst v29;
	v25 =	vand.u32 $0xFFFF0000, v25;
	v15 =	vadd.f32 v50, v38  }
0x40e: {  	v30 =	vmul.f32 $1.131370830e+01, v53;
	[tilespmem:s4+$0xFFFFFE70] =	vst v26;
	v61 =	vmul.f32 $1.131370830e+01, v5;
	v0 =	vadd.f32 v25, v0;
	v25 =	vld [tilespmem:s4+$0xFFFFFFE0]  }
0x40f: {  	v5 =	vmul.f32 $1.131370830e+01, v49;
	v56 =	vld [tilespmem:s5+$0xFFFFFFF0];
	v4 =	vmul.f32 $1.131370830e+01, v24;
	v24 =	vadd.f32 v6, v54;
	[tilespmem:s9+$0xFFFFFE30] =	vst v15  }
0x410: {  	v21 =	vld [tilespmem:s4+$0xFFFFFEF0];
	v15 =	vadd.f32 v27, v1;
	v1 =	vshll.u32 v32, $0x10;
	[tilespmem:s9+$0xFFFFFE40] =	vst v0;
	v0 =	vshll.u32 v51, $0x10  }
0x411: {  	v11 =	vadd.f32 v0, v55;
	v0 =	vmul.f32 $1.131370830e+01, v2;
	v26 =	vld [tilespmem:s7+$0xFFFFFF30];
	v2 =	vand.u32 $0xFFFF0000, v51;
	[tilespmem:s17+$0xFFFFFEE0] =	vst v24  }
0x412: {  	v7 =	vadd.f32 v1, v7;
	v1 =	vand.u32 $0xFFFF0000, v32;
	v24 =	vld [tilespmem:s9+$0xFFFFFFA0];
	v2 =	vadd.f32 v2, v30;
	[tilespmem:s4+$0xFFFFFE80] =	vst v15  }
0x413: {  	v8 =	vadd.f32 v1, v8;
	v1 =	vmul.f32 $1.131370830e+01, v3;
	v15 =	vld [tilespmem:s9+$0xFFFFFF70];
	[tilespmem:s9+$0xFFFFFF50] =	vst v11;
	v25 =	vmul.f32 $1.131370830e+01, v25  }
0x414: {  	v3 =	vshll.u32 v23, $0x10;
	v11 =	vmul.f32 $1.131370830e+01, v44;
	v60 =	vld [tilespmem:s5+$0xFFFFFF50];
	[tilespmem:s9+$0xFFFFFF60] =	vst v2;
	v2 =	vand.u32 $0xFFFF0000, v56  }
0x415: {  	v23 =	vadd.f32 v3, v52;
	v3 =	vshll.u32 v56, $0x10;
	[tilespmem:s19+$0xFFFFFEC0] =	vst v8;
	v8 =	vld [tilespmem:s9+$0xFFFFFEE0];
	v6 =	vadd.f32 v2, v25  }
0x416: {  	[tilespmem:s19+$0xFFFFFEB0] =	vst v7;
	v7 =	vmul.f32 $1.131370830e+01, v16;
	v3 =	vadd.f32 v3, v11;
	v11 =	vld [tilespmem:s9+$0xFFFFFF80];
	v2 =	vshll.u32 v26, $0x10  }
0x417: {  	v25 =	vld [tilespmem:s7+$0xFFFFFFC0];
	v24 =	vmul.f32 $1.131370830e+01, v24;
	v4 =	vadd.f32 v2, v4;
	[tilespmem:s4+$0xFFFFFFE0] =	vst v6;
	v6 =	vand.u32 $0xFFFF0000, v26  }
0x418: {  	v27 =	vld [tilespmem:s9+$0xFFFFFE80];
	[tilespmem:s4+$0xFFFFFFD0] =	vst v3;
	v2 =	vmul.f32 $1.131370830e+01, v13;
	v13 =	vmul.f32 $1.131370830e+01, v17;
	v5 =	vadd.f32 v6, v5  }
0x419: {  	v3 =	vmul.f32 $1.131370830e+01, v14;
	v26 =	vmul.f32 $1.131370830e+01, v10;
	v14 =	vld [tilespmem:s5+$0x0];
	[tilespmem:s9+$0xFFFFFE50] =	vst v4;
	v4 =	vshll.u32 v60, $0x10  }
0x41a: {  	v10 =	vld [tilespmem:s4+$0x0];
	v6 =	vmul.f32 $1.131370830e+01, v9;
	v4 =	vadd.f32 v4, v13;
	[tilespmem:s9+$0xFFFFFE60] =	vst v5;
	v5 =	vand.u32 $0xFFFF0000, v60  }
0x41b: {  	v16 =	vld [tilespmem:s9+$0xFFFFFED0];
	v8 =	vmul.f32 $1.131370830e+01, v8;
	v13 =	vmul.f32 $1.131370830e+01, v15;
	v5 =	vadd.f32 v5, v7  }
0x41c: {  	v9 =	vshll.u32 v25, $0x10;
	v11 =	vmul.f32 $1.131370830e+01, v11;
	v7 =	vmul.f32 $1.131370830e+01, v19;
	v15 =	vld [tilespmem:s7+$0xFFFFFF40];
	[tilespmem:s4+$0xFFFFFE90] =	vst v4  }
0x41d: {  	v17 =	vld [tilespmem:s9+$0xFFFFFEC0];
	v19 =	vand.u32 $0xFFFF0000, v25;
	v9 =	vadd.f32 v9, v13;
	v13 =	vmul.f32 $1.131370830e+01, v20;
	[tilespmem:s4+$0xFFFFFEA0] =	vst v5  }
0x41e: {  	[tilespmem:s19+$0x0] =	vst v28;
	v4 =	vmul.f32 $1.131370830e+01, v21;
	v11 =	vadd.f32 v19, v11;
	v19 =	vshll.u32 v14, $0x10;
	v25 =	vld [tilespmem:s5+$0xFFFFFF60]  }
0x41f: {  	v21 =	vld [tilespmem:s21+$0xFFFFFF70];
	v5 =	vmul.f32 $1.131370830e+01, v42;
	[tilespmem:s9+$0xFFFFFF70] =	vst v9;
	v9 =	vmul.f32 $1.131370830e+01, v10;
	v19 =	vadd.f32 v19, v13  }
0x420: {  	v63 =	vld [tilespmem:s9+$0xFFFFFF90];
	[tilespmem:s9+$0xFFFFFF80] =	vst v11;
	v10 =	vand.u32 $0xFFFF0000, v14;
	v14 =	vmul.f32 $1.131370830e+01, v27;
	v13 =	vmul.f32 $1.131370830e+01, v59  }
0x421: {  	[tilespmem:s17+$0xFFFFFED0] =	vst v23;
	v20 =	vld [tilespmem:s7+$0xFFFFFFD0];
	v23 =	vadd.f32 v10, v9;
	v9 =	vmul.f32 $1.131370830e+01, v16;
	v16 =	vshll.u32 v15, $0x10  }
0x422: {  	v11 =	vmul.f32 $1.131370830e+01, v17;
	v17 =	vand.u32 $0xFFFF0000, v15;
	v15 =	vld [tilespmem:s9+$0xFFFFFEF0];
	[tilespmem:s4+$0xFFFFFFF0] =	vst v19;
	v16 =	vadd.f32 v16, v22  }
0x423: {  	v10 =	vmul.f32 $1.131370830e+01, v62;
	v17 =	vadd.f32 v17, v14;
	v14 =	vld [tilespmem:s9+$0xFFFFFF00];
	[tilespmem:s4+$0x0] =	vst v23;
	v22 =	vshll.u32 v25, $0x10  }
0x424: {  	v19 =	vshll.u32 v21, $0x10;
	v23 =	vand.u32 $0xFFFF0000, v25;
	[tilespmem:s9+$0xFFFFFE70] =	vst v16;
	v16 =	vld [tilespmem:s9+$0xFFFFFFF0];
	v27 =	vadd.f32 v22, v18  }
0x425: {  	v21 =	vand.u32 $0xFFFF0000, v21;
	[tilespmem:s9+$0xFFFFFE80] =	vst v17;
	v17 =	vld [tilespmem:s11+$0xFFFFFF80];
	v22 =	vadd.f32 v23, v26;
	v23 =	vmul.f32 $1.131370830e+01, v63  }
0x426: {  	s6 =	simm.s32 $0xC9F0;
	s10 =	simm.s32 $0xC6;
	v19 =	vadd.f32 v19, v58;
	s11 =	simm.s32 $0x166F0;
	v25 =	vshll.u32 v20, $0x10;
	v18 =	vadd.f32 v21, v61;
	v21 =	vld [tilespmem:s9+$0xFFFFFFB0];
	[tilespmem:s4+$0xFFFFFEB0] =	vst v27  }
.LBB2_8:
0x427: {  	v26 =	vld [tilespmem:s11+$0xFFFFFF90];
	v15 =	vmul.f32 $1.131370830e+01, v15;
	v20 =	vand.u32 $0xFFFF0000, v20;
	v23 =	vadd.f32 v25, v23;
	s9 =	sadd.s32 $0x200, s9;
	[tilespmem:s4+$0xFFFFFEC0] =	vst v22  }
0x428: {  	v22 =	vld [tilespmem:s9+$0xFFFFFF10];
	v25 =	vmul.f32 $1.131370830e+01, v14;
	v20 =	vadd.f32 v20, v24;
	[tilespmem:s19+$0xFFFFFED0] =	vst v19  }
0x429: {  	v19 =	vld [tilespmem:s9+$0xFFFFFF20];
	[tilespmem:s6+$0xFFFFFF90] =	vst v23;
	v14 =	vmul.f32 $1.131370830e+01, v16  }
0x42a: {  	[tilespmem:s6+$0xFFFFFFA0] =	vst v20;
	v16 =	vld [tilespmem:s6+$0xFFFFFFC0];
	v20 =	vshll.u32 v17, $0x10;
	v17 =	vand.u32 $0xFFFF0000, v17  }
0x42b: {  	v23 =	vld [tilespmem:s7+$0xFFFFFFE0];
	[tilespmem:s19+$0xFFFFFEE0] =	vst v18;
	v18 =	vadd.f32 v20, v0;
	v17 =	vadd.f32 v17, v1;
	v0 =	vmovc v2;
	v2 =	vmov v4  }
0x42c: {  	v4 =	vmovc v15;
	v1 =	vmov v3;
	v3 =	vmov v5;
	v5 =	vmov v25;
	v20 =	vld [tilespmem:s9+$0xFFFFFE10]  }
0x42d: {  	v15 =	vld [tilespmem:s9+$0xFFFFFE20];
	v22 =	vmul.f32 $1.131370830e+01, v22;
	[tilespmem:s17+$0xFFFFFEF0] =	vst v18  }
0x42e: {  	v24 =	vshll.u32 v26, $0x10;
	v18 =	vld [tilespmem:s11+$0xFFFFFF10];
	v19 =	vmul.f32 $1.131370830e+01, v19;
	[tilespmem:s17+$0xFFFFFF00] =	vst v17;
	s17 =	smov.u32 s19;
	s19 =	smov.u32 s4;
	s4 =	smov.u32 s6  }
0x42f: {  	s10 =	sadd.s32 $0x2, s10;
	v21 =	vmul.f32 $1.131370830e+01, v21;
	v25 =	vand.u32 $0xFFFF0000, v26;
	s6 =	smov.u32 s9;
	v17 =	vld [tilespmem:s9+$0xFFFFFE30];
	v22 =	vadd.f32 v24, v22  }
0x430: {  	p0 =	slt.u32 s10, $0xFE;
	v16 =	vmul.f32 $1.131370830e+01, v16;
	v19 =	vadd.f32 v25, v19;
	v24 =	vshll.u32 v23, $0x10;
	v25 =	vld [tilespmem:s4+$0xFFFFFFD0]  }
0x431: {  	v23 =	vand.u32 $0xFFFF0000, v23;
	v20 =	vmul.f32 $1.131370830e+01, v20;
	[tilespmem:s9+$0xFFFFFF10] =	vst v22;
	v22 =	vld [tilespmem:s9+$0xFFFFFF30];
	v21 =	vadd.f32 v24, v21  }
0x432: {  	v16 =	vadd.f32 v23, v16;
	v15 =	vmul.f32 $1.131370830e+01, v15;
	[tilespmem:s9+$0xFFFFFF20] =	vst v19;
	v19 =	vld [tilespmem:s9+$0xFFFFFF40]  }
0x433: {  	v23 =	vshll.u32 v18, $0x10;
	v18 =	vand.u32 $0xFFFF0000, v18;
	v24 =	vld [tilespmem:s11+$0xFFFFFFA0];
	[tilespmem:s4+$0xFFFFFFB0] =	vst v21  }
0x434: {  	v20 =	vadd.f32 v23, v20;
	v15 =	vadd.f32 v18, v15;
	v17 =	vmul.f32 $1.131370830e+01, v17;
	[tilespmem:s4+$0xFFFFFFC0] =	vst v16;
	v16 =	vld [tilespmem:s4+$0xFFFFFFE0]  }
0x435: {  	v18 =	vld [tilespmem:s7+$0xFFFFFFF0]  }
0x436: {  	[tilespmem:s9+$0xFFFFFE10] =	vst v20;
	v20 =	vld [tilespmem:s9+$0xFFFFFE40]  }
0x437: {  	v21 =	vmul.f32 $1.131370830e+01, v22;
	[tilespmem:s9+$0xFFFFFE20] =	vst v15;
	v15 =	vld [tilespmem:s9+$0xFFFFFE50]  }
0x438: {  	v19 =	vmul.f32 $1.131370830e+01, v19;
	v22 =	vld [tilespmem:s11+$0xFFFFFF20];
	v23 =	vshll.u32 v24, $0x10  }
0x439: {  	v24 =	vand.u32 $0xFFFF0000, v24;
	v26 =	vld [tilespmem:s9+$0xFFFFFE60];
	v21 =	vadd.f32 v23, v21;
	v23 =	vmul.f32 $1.131370830e+01, v25  }
0x43a: {  	v19 =	vadd.f32 v24, v19;
	v16 =	vmul.f32 $1.131370830e+01, v16;
	v25 =	vld [tilespmem:s9+$0xFFFFFE70];
	v24 =	vshll.u32 v18, $0x10  }
0x43b: {  	v18 =	vand.u32 $0xFFFF0000, v18;
	v20 =	vmul.f32 $1.131370830e+01, v20;
	[tilespmem:s9+$0xFFFFFF30] =	vst v21;
	v21 =	vld [tilespmem:s9+$0xFFFFFF50];
	v23 =	vadd.f32 v24, v23  }
0x43c: {  	v16 =	vadd.f32 v18, v16;
	v15 =	vmul.f32 $1.131370830e+01, v15;
	[tilespmem:s9+$0xFFFFFF40] =	vst v19;
	v19 =	vld [tilespmem:s9+$0xFFFFFF60]  }
0x43d: {  	v18 =	vshll.u32 v22, $0x10;
	v22 =	vand.u32 $0xFFFF0000, v22;
	v24 =	vld [tilespmem:s11+$0xFFFFFFB0];
	[tilespmem:s4+$0xFFFFFFD0] =	vst v23  }
0x43e: {  	v17 =	vadd.f32 v18, v17;
	v18 =	vadd.f32 v22, v20;
	v20 =	vmul.f32 $1.131370830e+01, v26;
	[tilespmem:s4+$0xFFFFFFE0] =	vst v16;
	v16 =	vld [tilespmem:s4+$0x0]  }
0x43f: {  	v22 =	vmul.f32 $1.131370830e+01, v25;
	v23 =	vld [tilespmem:s7+$0x0]  }
0x440: {  	[tilespmem:s9+$0xFFFFFE30] =	vst v17;
	v17 =	vld [tilespmem:s9+$0xFFFFFE80]  }
0x441: {  	v21 =	vmul.f32 $1.131370830e+01, v21;
	[tilespmem:s9+$0xFFFFFE40] =	vst v18;
	v18 =	vld [tilespmem:s9+$0xFFFFFE90]  }
0x442: {  	v19 =	vmul.f32 $1.131370830e+01, v19;
	v25 =	vld [tilespmem:s11+$0xFFFFFF30];
	v26 =	vshll.u32 v24, $0x10  }
0x443: {  	v24 =	vand.u32 $0xFFFF0000, v24;
	v27 =	vld [tilespmem:s9+$0xFFFFFEA0];
	v21 =	vadd.f32 v26, v21;
	v16 =	vmul.f32 $1.131370830e+01, v16  }
0x444: {  	v19 =	vadd.f32 v24, v19;
	v24 =	vld [tilespmem:s7+$0xFFFFFF50];
	v26 =	vshll.u32 v23, $0x10;
	v23 =	vand.u32 $0xFFFF0000, v23  }
0x445: {  	v17 =	vmul.f32 $1.131370830e+01, v17;
	[tilespmem:s9+$0xFFFFFF50] =	vst v21;
	v21 =	vld [tilespmem:s9+$0xFFFFFF70];
	v14 =	vadd.f32 v26, v14;
	v16 =	vadd.f32 v23, v16  }
0x446: {  	v18 =	vmul.f32 $1.131370830e+01, v18;
	[tilespmem:s9+$0xFFFFFF60] =	vst v19;
	v19 =	vld [tilespmem:s9+$0xFFFFFF80]  }
0x447: {  	v23 =	vshll.u32 v25, $0x10;
	v25 =	vand.u32 $0xFFFF0000, v25;
	v26 =	vld [tilespmem:s11+$0xFFFFFFC0];
	[tilespmem:s4+$0x0] =	vst v16  }
0x448: {  	v15 =	vadd.f32 v23, v15;
	v16 =	vadd.f32 v25, v20;
	v20 =	vmul.f32 $1.131370830e+01, v27;
	v23 =	vld [tilespmem:s9+$0xFFFFFEB0];
	[tilespmem:s4+$0xFFFFFFF0] =	vst v14  }
0x449: {  	v14 =	vld [tilespmem:s9+$0xFFFFFEC0];
	v25 =	vshll.u32 v24, $0x10;
	v24 =	vand.u32 $0xFFFF0000, v24  }
0x44a: {  	[tilespmem:s9+$0xFFFFFE50] =	vst v15;
	v15 =	vld [tilespmem:s9+$0xFFFFFED0];
	v25 =	vadd.f32 v25, v12;
	v24 =	vadd.f32 v24, v13;
	v12 =	vmovc v18;
	v13 =	vmov v20  }
0x44b: {  	v18 =	vmul.f32 $1.131370830e+01, v21;
	[tilespmem:s9+$0xFFFFFE60] =	vst v16;
	v16 =	vld [tilespmem:s9+$0xFFFFFEE0]  }
0x44c: {  	v19 =	vmul.f32 $1.131370830e+01, v19;
	v20 =	vld [tilespmem:s11+$0xFFFFFF40];
	v21 =	vshll.u32 v26, $0x10;
	[tilespmem:s4+$0xFFFFFE90] =	vst v25  }
0x44d: {  	v25 =	vand.u32 $0xFFFF0000, v26;
	v23 =	vmul.f32 $1.131370830e+01, v23;
	v18 =	vadd.f32 v21, v18;
	[tilespmem:s4+$0xFFFFFEA0] =	vst v24;
	v21 =	vld [tilespmem:s5+$0xFFFFFF70]  }
0x44e: {  	v24 =	vmul.f32 $1.131370830e+01, v14;
	v14 =	vadd.f32 v25, v19;
	v19 =	vld [tilespmem:s7+$0xFFFFFF60]  }
0x44f: {  	v26 =	vmul.f32 $1.131370830e+01, v15;
	[tilespmem:s9+$0xFFFFFF70] =	vst v18;
	v18 =	vld [tilespmem:s9+$0xFFFFFF90]  }
0x450: {  	v27 =	vmul.f32 $1.131370830e+01, v16;
	[tilespmem:s9+$0xFFFFFF80] =	vst v14;
	v28 =	vld [tilespmem:s9+$0xFFFFFFA0]  }
0x451: {  	v14 =	vshll.u32 v20, $0x10;
	v15 =	vand.u32 $0xFFFF0000, v20;
	v20 =	vld [tilespmem:s11+$0xFFFFFFD0]  }
.Ltmp3:
0x452: {  	v16 =	vadd.f32 v14, v22;
	v17 =	vadd.f32 v15, v17;
	v15 =	vld [tilespmem:s9+$0xFFFFFEF0];
	v25 =	vshll.u32 v21, $0x10;
	(pc) =	sbr.rel @p0 .LBB2_8-.Ltmp3, $4  }
0x453: {  	v21 =	vand.u32 $0xFFFF0000, v21;
	v14 =	vld [tilespmem:s9+$0xFFFFFF00];
	v22 =	vshll.u32 v19, $0x10;
	v19 =	vand.u32 $0xFFFF0000, v19  }
0x454: {  	[tilespmem:s9+$0xFFFFFE70] =	vst v16;
	v16 =	vld [tilespmem:s9+$0xFFFFFFF0];
	v29 =	vadd.f32 v22, v10;
	v22 =	vadd.f32 v19, v11;
	v10 =	vmovc v23;
	v11 =	vmov v24  }
0x455: {  	v23 =	vmul.f32 $1.131370830e+01, v18;
	v19 =	vadd.f32 v25, v6;
	v18 =	vadd.f32 v21, v7;
	v6 =	vmovc v9;
	[tilespmem:s9+$0xFFFFFE80] =	vst v17;
	v17 =	vld [tilespmem:s21+$0xFFFFFF80];
	s21 =	smov.u32 s5;
	s5 =	smov.u32 s7;
	s7 =	smov.u32 s11  }
0x456: {  	v9 =	vmovc v26;
	v7 =	vmovc v8;
	v8 =	vmov v27;
	v24 =	vmul.f32 $1.131370830e+01, v28;
	s11 =	sadd.s32 $0x100, s11;
	v25 =	vshll.u32 v20, $0x10;
	v21 =	vld [tilespmem:s9+$0xFFFFFFB0];
	[tilespmem:s4+$0xFFFFFEB0] =	vst v29  }
0x457: {  	v63 =	vld [tilespmem:s7+$0xFFFFFF50];
	_ =	sdelay $0x2  }
0x458: {  	v20 =	vand.u32 $0xFFFF0000, v20  }
0x459: {  	v20 =	vadd.f32 v20, v24  }
0x45a: {  	v23 =	vadd.f32 v25, v23;
	v30 =	vshll.u32 v63, $0x10  }
0x45b: {  	[tilespmem:s6+$0xFFFFFFA0] =	vst v20;
	v20 =	vand.u32 $0xFFFF0000, v63;
	v12 =	vadd.f32 v30, v12  }
0x45c: {  	v28 =	vld [tilespmem:s6+$0xFFFFFFC0];
	[tilespmem:s6+$0xFFFFFF90] =	vst v23;
	v13 =	vadd.f32 v20, v13  }
0x45d: {  	v29 =	vld [tilespmem:s7+$0xFFFFFFE0];
	[tilespmem:s6+$0xFFFFFE90] =	vst v12  }
0x45e: {  	[tilespmem:s6+$0xFFFFFEA0] =	vst v13  }
0x45f: {  	v13 =	vld [tilespmem:s7+$0xFFFFFF60];
	_ =	sdelay $0x1  }
0x460: {  	v21 =	vmul.f32 $1.131370830e+01, v21  }
0x461: {  	v23 =	vmul.f32 $1.131370830e+01, v28;
	v31 =	vshll.u32 v29, $0x10  }
0x462: {  	v32 =	vand.u32 $0xFFFF0000, v29;
	v21 =	vadd.f32 v31, v21  }
0x463: {  	v33 =	vld [tilespmem:s6+$0xFFFFFFD0];
	[tilespmem:s4+$0xFFFFFEC0] =	vst v22;
	v20 =	vadd.f32 v32, v23;
	v35 =	vshll.u32 v13, $0x10  }
0x464: {  	v22 =	vld [tilespmem:s5+$0xFFFFFF70];
	[tilespmem:s6+$0xFFFFFFB0] =	vst v21;
	v13 =	vand.u32 $0xFFFF0000, v13;
	v10 =	vadd.f32 v35, v10  }
0x465: {  	v34 =	vld [tilespmem:s6+$0xFFFFFFE0];
	[tilespmem:s6+$0xFFFFFFC0] =	vst v20;
	v11 =	vadd.f32 v13, v11  }
0x466: {  	v21 =	vld [tilespmem:s7+$0xFFFFFFF0];
	[tilespmem:s6+$0xFFFFFEB0] =	vst v10  }
0x467: {  	[tilespmem:s6+$0xFFFFFEC0] =	vst v11  }
0x468: {  	v11 =	vld [tilespmem:s7+$0xFFFFFF70]  }
0x469: {  	v39 =	vshll.u32 v22, $0x10  }
0x46a: {  	[tilespmem:s19+$0xFFFFFED0] =	vst v19;
	v41 =	vand.u32 $0xFFFF0000, v22;
	v6 =	vadd.f32 v39, v6;
	v12 =	vmul.f32 $1.131370830e+01, v33  }
0x46b: {  	[tilespmem:s19+$0xFFFFFEE0] =	vst v18;
	v7 =	vadd.f32 v41, v7;
	v20 =	vmul.f32 $1.131370830e+01, v34;
	v36 =	vshll.u32 v21, $0x10  }
0x46c: {  	v18 =	vld [tilespmem:s21+$0xFFFFFF80];
	[tilespmem:s4+$0xFFFFFED0] =	vst v6;
	v37 =	vand.u32 $0xFFFF0000, v21;
	v12 =	vadd.f32 v36, v12  }
0x46d: {  	[tilespmem:s4+$0xFFFFFEE0] =	vst v7;
	v10 =	vadd.f32 v37, v20;
	v42 =	vshll.u32 v11, $0x10  }
0x46e: {  	v47 =	vld [tilespmem:s5+$0xFFFFFF80];
	[tilespmem:s6+$0xFFFFFFD0] =	vst v12;
	v43 =	vand.u32 $0xFFFF0000, v11;
	v9 =	vadd.f32 v42, v9  }
0x46f: {  	v38 =	vld [tilespmem:s6+$0x0];
	v45 =	vand.u32 $0xFFFF0000, v17;
	[tilespmem:s6+$0xFFFFFFE0] =	vst v10;
	v6 =	vadd.f32 v43, v8  }
0x470: {  	v44 =	vshll.u32 v17, $0x10;
	v1 =	vadd.f32 v45, v1;
	v40 =	vld [tilespmem:s7+$0x0];
	[tilespmem:s6+$0xFFFFFED0] =	vst v9  }
0x471: {  	v0 =	vadd.f32 v44, v0;
	v53 =	vshll.u32 v18, $0x10;
	[tilespmem:s6+$0xFFFFFEE0] =	vst v6  }
0x472: {  	[tilespmem:s17+$0xFFFFFF00] =	vst v1;
	v54 =	vand.u32 $0xFFFF0000, v18;
	v1 =	vadd.f32 v53, v2;
	v52 =	vld [tilespmem:s7+$0xFFFFFF80]  }
0x473: {  	[tilespmem:s17+$0xFFFFFEF0] =	vst v0;
	v55 =	vadd.f32 v54, v3;
	v56 =	vshll.u32 v47, $0x10  }
0x474: {  	v46 =	vmul.f32 $1.131370830e+01, v38;
	[tilespmem:s19+$0xFFFFFEF0] =	vst v1;
	v58 =	vand.u32 $0xFFFF0000, v47;
	v2 =	vadd.f32 v56, v4  }
0x475: {  	v48 =	vmul.f32 $1.131370830e+01, v16;
	[tilespmem:s19+$0xFFFFFF00] =	vst v55;
	v60 =	vadd.f32 v58, v5;
	v49 =	vand.u32 $0xFFFF0000, v40  }
0x476: {  	v57 =	vmul.f32 $1.131370830e+01, v15;
	[tilespmem:s4+$0xFFFFFEF0] =	vst v2;
	v50 =	vshll.u32 v40, $0x10;
	v51 =	vadd.f32 v49, v46  }
0x477: {  	v59 =	vmul.f32 $1.131370830e+01, v14;
	[tilespmem:s4+$0xFFFFFF00] =	vst v60;
	v0 =	vadd.f32 v50, v48;
	v61 =	vshll.u32 v52, $0x10  }
0x478: {  	[tilespmem:s6+$0x0] =	vst v51;
	v62 =	vand.u32 $0xFFFF0000, v52;
	v1 =	vadd.f32 v61, v57  }
0x479: {  	[tilespmem:s6+$0xFFFFFFF0] =	vst v0;
	v63 =	vadd.f32 v62, v59  }
0x47a: {  	[tilespmem:s6+$0xFFFFFEF0] =	vst v1  }
0x47b: {  	[tilespmem:s6+$0xFFFFFF00] =	vst v63;
	s6 =	simm.s32 $0xC200  }
0x47c: {  	[hbm4b:s12+s3] =	stream.linear.scatter [tilespmem:s6], [sflag:$0xC], $0x4000, $0x38;
	[tilespmem:$0x18200] =	vst v63  }
0x47d: {  	_ =	swait.ge [sflag:s20], $0x4000  }
0x47e: {  	[sflag:s20] =	ssyncset.done $0x0  }
0x47f: {  	[sflag:s20] =	ssyncadd.s32 $0xFFFFC000  }
0x480: {  	_ =	swait.ge [sflag:s22], $0x4000  }
0x481: {  	[sflag:s22] =	ssyncset.done $0x0  }
0x482: {  	s25 =	sadd.s32 $0x1, s25;
	[sflag:s22] =	ssyncadd.s32 $0xFFFFC000  }
0x483: {  	p0 =	sne.s32 s25, s13;
	_ =	swait.ge [sflag:s23], $0x4000  }
.Ltmp4:
0x484: {  	[sflag:s23] =	ssyncset.done $0x0;
	(pc) =	sbr.rel @p0 .LBB2_1-.Ltmp4, $4  }
0x485: {  	[sflag:s23] =	ssyncadd.s32 $0xFFFFC000  }
0x486: {  	_ =	swait.ge [sflag:s24], $0x4000  }
0x487: {  	[sflag:s24] =	ssyncset.done $0x0  }
0x488: {  	[sflag:s24] =	ssyncadd.s32 $0xFFFFC000  }
0x489: {  	_ =	sfence.sel $0x180000  }
0x48a: {  	[bflag:$0x0] =	sbarrier.arrive $0xFFFF  }
0x48b: {  	_ =	strace $0x90000047  }
0x48c: {  	s0 =	stileid.u32;
	[bflag:$0x2] =	sbarrier.arrive $0xFFFF  }
0x48d: {  	p0 =	sne.s32 s0, $0x0;
	s0 =	rddreg [dreg:$0x4]  }
0x48e: {  	s0 =	sadd.s32 @!p0 $0x100000, s0  }
0x48f: {  	[sflag:s0] =	ssyncadd.tile.s32 @!p0 $0x1;
	_ =	shalt  }
.Lfunc_end2:
_tile_overlayer_lowered:
.L_overlay_start_2:
0x490: {  	(tag) =	ssettag $0x2  }
0x491: {  	s0 =	rddreg [dreg:$0x0];
	s2 =	stileid.u32  }
0x492: {  	s1 =	rddreg [dreg:$0x1];
	p0 =	sne.s32 s2, $0x0  }
0x493: {  	s3 =	rddreg [dreg:$0x2];
	[bflag:$0x3] =	sbarrier.arrive $0xFFFF;
	s2 =	simm.s32 @!p0 $0x1C0D  }
0x494: {  	[timem:s3], [sflag:s2] =	dma.local @!p0 [hbm:s0], s1  }
0x495: {  	s0 =	simm.s32 @!p0 $0xD  }
0x496: {  	_ =	swait.ge @!p0 [sflag:s0], s1  }
0x497: {  	s1 =	ssub.s32 @!p0 $0x0, s1;
	[sflag:s0] =	ssyncset.done @!p0 $0x0  }
0x498: {  	[sflag:s0] =	ssyncadd.s32 @!p0 s1  }
0x499: {  	[bflag:$0x3] =	sbarrier.arrive $0xFFFF  }
0x49a: {  	_ =	shalt  }

</sc_bundles>
